<compile_context>
chip_gen: v7x
topology: tpu7x:2x2x1
jax: 0.10.2.dev20260603
libtpu: 0.0.44.dev20260713+nightly
codegen_flags: <defaults>
</compile_context>

<pallas_src>
import functools

import jax
import jax.numpy as jnp
from jax import lax
from jax.experimental import pallas as pl
from jax.experimental.pallas import tpu as pltpu
from jax.experimental.pallas import tpu_sc as plsc

_NC = 2
_NS = 16
_EPS = 1e-5


def _pad_n(N):
    unit = 128 * _NS
    return ((N + unit - 1) // unit) * unit


@functools.lru_cache(maxsize=None)
def _make_agg(N, E, Dh, B):
    e_per = E // _NS
    assert e_per * _NS == E and e_per % B == 0 and B % 8 == 0
    C = e_per // B
    Np = _pad_n(N)
    rows_per_tile = Np // _NS

    mesh = plsc.VectorSubcoreMesh(core_axis_name="c", subcore_axis_name="s")

    @functools.partial(
        pl.kernel,
        mesh=mesh,
        out_type=pltpu.HBM((Np, 2 * Dh), jnp.float32),
        scratch_types=[
            pltpu.VMEM((3, 2, B), jnp.int32),
            pltpu.VMEM((2, B, Dh), jnp.float32),
            pltpu.VMEM_SHARED((Np, Dh), jnp.float32),
            pltpu.SemaphoreType.DMA,
            pltpu.SemaphoreType.DMA,
            pltpu.SemaphoreType.DMA,
        ],
        compiler_params=pltpu.CompilerParams(use_tc_tiling_on_sc=False),
    )
    def k(hs2, sd3, zrows, out, sd2, rows2, acc, semg, sems, semi):
        c = lax.axis_index("c")
        s = lax.axis_index("s")
        row0 = s * rows_per_tile
        pltpu.sync_copy(zrows, acc.at[pl.ds(row0, rows_per_tile)])

        def bias_src(t):
            @pl.when(c == 1)
            def _():
                def add1(j, carry):
                    v = sd2[t, 0, pl.ds(j * 16, 16)]
                    sd2[t, 0, pl.ds(j * 16, 16)] = v + 1
                    return carry

                lax.fori_loop(0, B // 16, add1, 0)

        pltpu.sync_copy(sd3.at[s, 0], sd2.at[0])
        bias_src(0)
        pltpu.async_copy(hs2.at[sd2.at[0, 0]], rows2.at[0], semg)
        if C > 1:
            pltpu.async_copy(sd3.at[s, 1], sd2.at[1], semi)
        plsc.subcore_barrier()

        def drain_gather():
            pltpu.make_async_copy(hs2.at[sd2.at[0, 0]], rows2.at[0],
                                  semg).wait()

        def drain_scatter():
            pltpu.make_async_copy(rows2.at[0], acc.at[sd2.at[0, 1]],
                                  sems).wait()

        def drain_idx():
            pltpu.make_async_copy(sd3.at[s, 0], sd2.at[0], semi).wait()

        def step(i, b, t):
            @pl.when(i >= 1)
            def _():
                drain_scatter()

            @pl.when(i + 2 < C)
            def _():
                pltpu.async_copy(sd3.at[s, i + 2], sd2.at[(t + 2) % 3], semi)

            @pl.when(i + 1 < C)
            def _():
                drain_idx()
                bias_src((t + 1) % 3)
                pltpu.async_copy(hs2.at[sd2.at[(t + 1) % 3, 0]],
                                 rows2.at[1 - b], semg)

            drain_gather()
            pltpu.async_copy(rows2.at[b], acc.at[sd2.at[t, 1]], sems,
                             add=True)

        def body(i, carry):
            for r in range(6):
                @pl.when(lax.rem(i, 6) == r)
                def _(r=r):
                    step(i, r % 2, r % 3)

            return carry

        lax.fori_loop(0, C, body, 0)
        drain_scatter()

        plsc.subcore_barrier()
        pltpu.sync_copy(acc.at[pl.ds(row0, rows_per_tile)],
                        out.at[pl.ds(row0, rows_per_tile), pl.ds(c * Dh, Dh)])

    return k


@functools.lru_cache(maxsize=None)
def _make_deg(N, E, B):
    D = 16
    NW = _NC * _NS
    e_per = E // NW
    assert e_per * NW == E and e_per % B == 0 and B % 8 == 0
    C = e_per // B
    Np = _pad_n(N)
    rows_per_tile = Np // _NS

    mesh = plsc.VectorSubcoreMesh(core_axis_name="c", subcore_axis_name="s")

    @functools.partial(
        pl.kernel,
        mesh=mesh,
        out_type=pltpu.HBM((Np, 2 * D), jnp.float32),
        scratch_types=[
            pltpu.VMEM((2, B), jnp.int32),
            pltpu.VMEM((B, D), jnp.float32),
            pltpu.VMEM_SHARED((Np, D), jnp.float32),
            pltpu.SemaphoreType.DMA,
        ],
        compiler_params=pltpu.CompilerParams(use_tc_tiling_on_sc=False),
    )
    def k(dstW, ones_rows, zrows, out, dst2, ones_v, acc, sems):
        c = lax.axis_index("c")
        s = lax.axis_index("s")
        wid = c * _NS + s
        row0 = s * rows_per_tile
        pltpu.sync_copy(zrows, acc.at[pl.ds(row0, rows_per_tile)])
        pltpu.sync_copy(ones_rows, ones_v)
        pltpu.sync_copy(dstW.at[wid, 0], dst2.at[0])
        plsc.subcore_barrier()

        def drain_scatter():
            pltpu.make_async_copy(ones_v, acc.at[dst2.at[0]], sems).wait()

        def step(i, b):
            @pl.when(i >= 1)
            def _():
                drain_scatter()

            @pl.when(i + 1 < C)
            def _():
                pltpu.sync_copy(dstW.at[wid, i + 1], dst2.at[1 - b])

            pltpu.async_copy(ones_v, acc.at[dst2.at[b]], sems, add=True)

        def body(i, carry):
            @pl.when(lax.rem(i, 2) == 0)
            def _():
                step(i, 0)

            @pl.when(lax.rem(i, 2) == 1)
            def _():
                step(i, 1)

            return carry

        lax.fori_loop(0, C, body, 0)
        drain_scatter()

        plsc.subcore_barrier()
        pltpu.sync_copy(acc.at[pl.ds(row0, rows_per_tile)],
                        out.at[pl.ds(row0, rows_per_tile), pl.ds(c * D, D)])

    return k


def _dinv_from_deg(deg_ref, N):
    d16 = deg_ref[:N, :16] + deg_ref[:N, 16:]
    deg = jnp.sum(d16, axis=1, keepdims=True) * (1.0 / 16.0) + 1.0
    return lax.rsqrt(deg)


def _tc_first(x, W, deg16):
    N = x.shape[0]

    def body(x_ref, w_ref, deg_ref, hs_ref):
        dinv = _dinv_from_deg(deg_ref, N)
        h = jnp.dot(x_ref[...], w_ref[...], preferred_element_type=jnp.float32)
        hs_ref[...] = h * dinv

    return pl.pallas_call(
        body,
        out_shape=jax.ShapeDtypeStruct((N, W.shape[1]), jnp.float32),
    )(x, W, deg16)


def _tc_mid(agg, hs, deg16, b, g, be, Wn):
    N = hs.shape[0]

    def body(agg_ref, hs_ref, deg_ref, b_ref, g_ref, be_ref, w_ref, out_ref):
        dinv = _dinv_from_deg(deg_ref, N)
        y = (agg_ref[:N] + hs_ref[...]) * dinv + b_ref[...]
        mean = jnp.mean(y, axis=0, keepdims=True)
        var = jnp.mean((y - mean) ** 2, axis=0, keepdims=True)
        z = g_ref[...] * (y - mean) * lax.rsqrt(var + _EPS) + be_ref[...]
        r = jnp.maximum(z, 0.0)
        h = jnp.dot(r, w_ref[...], preferred_element_type=jnp.float32)
        out_ref[...] = h * dinv

    return pl.pallas_call(
        body,
        out_shape=jax.ShapeDtypeStruct((N, Wn.shape[1]), jnp.float32),
    )(agg, hs, deg16, b.reshape(1, -1), g.reshape(1, -1),
      be.reshape(1, -1), Wn)


def _tc_last(agg, hs, deg16, b):
    N = hs.shape[0]

    def body(agg_ref, hs_ref, deg_ref, b_ref, out_ref):
        dinv = _dinv_from_deg(deg_ref, N)
        out_ref[...] = (agg_ref[:N] + hs_ref[...]) * dinv + b_ref[...]

    return pl.pallas_call(
        body,
        out_shape=jax.ShapeDtypeStruct(hs.shape, jnp.float32),
    )(agg, hs, deg16, b.reshape(1, -1))


def kernel(x, edge_index, W1, b1, g1, be1, W2, b2, g2, be2, W3, b3):
    N = x.shape[0]
    E = edge_index.shape[1]
    D_hid = W1.shape[1]
    D_out = W3.shape[1]
    B = 400
    B_out = 800
    B_deg = 1000

    src = edge_index[0].astype(jnp.int32)
    dst = edge_index[1].astype(jnp.int32)
    src2x = src * 2
    e_per = E // _NS

    def _sd(Bc):
        return jnp.stack([src2x.reshape(_NS, e_per // Bc, Bc),
                          dst.reshape(_NS, e_per // Bc, Bc)], axis=2)

    sd3 = _sd(B)
    sd3_out = _sd(B_out)
    NW = _NC * _NS
    dstW = dst.reshape(NW, (E // NW) // B_deg, B_deg)

    rows_per_tile = _pad_n(N) // _NS
    z16 = jnp.zeros((rows_per_tile, 16), jnp.float32)
    ones16 = jnp.ones((B_deg, 16), jnp.float32)
    z_hid = jnp.zeros((rows_per_tile, D_hid // 2), jnp.float32)
    z_out = jnp.zeros((rows_per_tile, D_out // 2), jnp.float32)

    deg16 = _make_deg(N, E, B_deg)(dstW, ones16, z16)

    agg_hid = _make_agg(N, E, D_hid // 2, B)
    agg_out = _make_agg(N, E, D_out // 2, B_out)

    hs1 = _tc_first(x, W1, deg16)
    a1 = agg_hid(hs1.reshape(2 * N, D_hid // 2), sd3, z_hid)
    hs2 = _tc_mid(a1, hs1, deg16, b1, g1, be1, W2)
    a2 = agg_hid(hs2.reshape(2 * N, D_hid // 2), sd3, z_hid)
    hs3 = _tc_mid(a2, hs2, deg16, b2, g2, be2, W3)
    a3 = agg_out(hs3.reshape(2 * N, D_out // 2), sd3_out, z_out)
    return _tc_last(a3, hs3, deg16, b3)

# --- scband reference (transcript-rebuilt; emitter-appended) ---
"""Pipeline reference for scband-gcnmodel-38397007626710 (READ-ONLY COPY).

The authoritative reference and input builder live on the scoring server;
editing this copy changes nothing except your own understanding.
"""

import jax, jax.numpy as jnp
import numpy as np

N = 10000
E = 320000
D_IN = 128
D_HID = 128
D_OUT = 64
EPS = 1e-5


def gcn_conv(x, src, dst, W, b):
    # PyG GCNConv: x' = D^{-1/2} (A + I) D^{-1/2} X W + b
    n = x.shape[0]
    h = x @ W
    loop = jnp.arange(n)
    s = jnp.concatenate([src, loop])
    d = jnp.concatenate([dst, loop])
    deg = jnp.zeros((n,), h.dtype).at[d].add(1.0)
    dinv = jnp.where(deg > 0, jax.lax.rsqrt(deg), 0.0)
    norm = dinv[s] * dinv[d]
    msg = jnp.take(h, s, axis=0) * norm[:, None]
    out = jnp.zeros((n, h.shape[1]), h.dtype).at[d].add(msg)
    return out + b


def batch_norm(x, gamma, beta):
    # BatchNorm1d in training mode (batch statistics over nodes)
    mean = jnp.mean(x, axis=0)
    var = jnp.var(x, axis=0)
    return gamma * (x - mean) * jax.lax.rsqrt(var + EPS) + beta


def setup_inputs(seed: int = 0):
    key = jax.random.key(seed)
    ks = jax.random.split(key, 6)
    x = jax.random.normal(ks[0], (N, D_IN), dtype=jnp.float32)
    edge_index = jax.random.randint(ks[1], (2, E), 0, N).astype(jnp.int64)
    W1 = jax.random.normal(ks[2], (D_IN, D_HID), dtype=jnp.float32) * 0.05
    b1 = jnp.zeros((D_HID,), dtype=jnp.float32)
    g1 = jnp.ones((D_HID,), dtype=jnp.float32)
    be1 = jnp.zeros((D_HID,), dtype=jnp.float32)
    W2 = jax.random.normal(ks[3], (D_HID, D_HID), dtype=jnp.float32) * 0.05
    b2 = jnp.zeros((D_HID,), dtype=jnp.float32)
    g2 = jnp.ones((D_HID,), dtype=jnp.float32)
    be2 = jnp.zeros((D_HID,), dtype=jnp.float32)
    W3 = jax.random.normal(ks[4], (D_HID, D_OUT), dtype=jnp.float32) * 0.05
    b3 = jnp.zeros((D_OUT,), dtype=jnp.float32)
    return {"x": x, "edge_index": edge_index, "W1": W1, "b1": b1, "g1": g1, "be1": be1,
            "W2": W2, "b2": b2, "g2": g2, "be2": be2, "W3": W3, "b3": b3}


def reference(x, edge_index, W1, b1, g1, be1, W2, b2, g2, be2, W3, b3):
    src = edge_index[0]
    dst = edge_index[1]
    h = jax.nn.relu(batch_norm(gcn_conv(x, src, dst, W1, b1), g1, be1))
    # dropout is identity in deterministic/eval reference
    h = jax.nn.relu(batch_norm(gcn_conv(h, src, dst, W2, b2), g2, be2))
    out = gcn_conv(h, src, dst, W3, b3)
    return out

if __name__ == "__main__":
    import jax
    _d = setup_inputs()
    print(jax.jit(kernel)(*tuple(_d.values())))

</pallas_src>

<mosaic_0001>
#map = affine_map<(d0, d1) -> (0, 0)>
#map1 = affine_map<(d0, d1) -> (0, 0, 0, 0)>
module attributes {stable_mosaic.version = 14 : i64} {
  func.func @k(%arg0: i32, %arg1: i32, %arg2: memref<20000x64xf32, #tpu.memory_space<hbm>>, %arg3: memref<16x50x2x400xi32, #tpu.memory_space<hbm>>, %arg4: memref<640x64xf32, #tpu.memory_space<hbm>>, %arg5: memref<10240x128xf32, #tpu.memory_space<hbm>>, %arg6: memref<3x2x400xi32, #tpu.memory_space<vmem>>, %arg7: memref<2x400x64xf32, #tpu.memory_space<vmem>>, %arg8: memref<10240x64xf32, #tpu.memory_space<vmem_shared>>, %arg9: memref<!tpu.dma_semaphore, #tpu.memory_space<semaphore_mem>>, %arg10: memref<!tpu.dma_semaphore, #tpu.memory_space<semaphore_mem>>, %arg11: memref<!tpu.dma_semaphore, #tpu.memory_space<semaphore_mem>>) attributes {dimension_semantics = [#tpu.dimension_semantics<core_parallel>, #tpu.dimension_semantics<subcore_parallel>], iteration_bounds = array<i64: 2, 16>, scalar_prefetch = 0 : i64, scratch_operands = 6 : i64, tpu.core_type = #tpu.core_type<sc_vector_subcore>, window_params = [{transform_indices = #map}, {transform_indices = #map1}, {transform_indices = #map}, {transform_indices = #map}]} {
    %mul3A = arith.constant 640 : i32
    %mul3A_0 = arith.muli %arg1, %mul3A : i32
    "tpu.region"() ({
      %run_scoped3A_54 = tpu.sem_alloc : memref<!tpu.dma_semaphore, #tpu.memory_space<semaphore_mem>>
      %dma_start3A_55 = arith.constant 0 : i32
      %dma_start3A_56 = tpu.memref_slice %arg8[%mul3A_0, %dma_start3A_55] : memref<10240x64xf32, #tpu.memory_space<vmem_shared>> -> memref<640x64xf32, #tpu.memory_space<vmem_shared>>
      tpu.enqueue_dma source(%arg4 : memref<640x64xf32, #tpu.memory_space<hbm>>) target(%dma_start3A_56 : memref<640x64xf32, #tpu.memory_space<vmem_shared>>) target_semaphore(%run_scoped3A_54 : memref<!tpu.dma_semaphore, #tpu.memory_space<semaphore_mem>>)
      %dma_wait3A_57 = arith.constant 0 : i32
      %dma_wait3A_58 = tpu.memref_slice %arg8[%mul3A_0, %dma_wait3A_57] : memref<10240x64xf32, #tpu.memory_space<vmem_shared>> -> memref<640x64xf32, #tpu.memory_space<vmem_shared>>
      tpu.wait_dma2 semaphore(%run_scoped3A_54 : memref<!tpu.dma_semaphore, #tpu.memory_space<semaphore_mem>>) src(%arg4 : memref<640x64xf32, #tpu.memory_space<hbm>>) dst(%dma_wait3A_58 : memref<640x64xf32, #tpu.memory_space<vmem_shared>>)
      tpu.yield
    }) : () -> ()
    %run_scoped3A = arith.constant 0 : i32
    %run_scoped3A_1 = arith.constant 0 : i32
    "tpu.region"() ({
      %run_scoped3A_54 = tpu.sem_alloc : memref<!tpu.dma_semaphore, #tpu.memory_space<semaphore_mem>>
      %dma_start3A_55 = arith.constant 0 : i32
      %dma_start3A_56 = arith.constant 0 : i32
      %dma_start3A_57 = tpu.memref_slice %arg6[%run_scoped3A_1, %dma_start3A_55, %dma_start3A_56] : memref<3x2x400xi32, #tpu.memory_space<vmem>> -> memref<1x2x400xi32, #tpu.memory_space<vmem>>
      %dma_start3A_58 = tpu.memref_squeeze %dma_start3A_57 : memref<1x2x400xi32, #tpu.memory_space<vmem>> -> memref<2x400xi32, #tpu.memory_space<vmem>>
      %dma_start3A_59 = arith.constant 0 : i32
      %dma_start3A_60 = arith.constant 0 : i32
      %dma_start3A_61 = tpu.memref_slice %arg3[%arg1, %run_scoped3A, %dma_start3A_59, %dma_start3A_60] : memref<16x50x2x400xi32, #tpu.memory_space<hbm>> -> memref<1x1x2x400xi32, #tpu.memory_space<hbm>>
      %dma_start3A_62 = tpu.memref_squeeze %dma_start3A_61 : memref<1x1x2x400xi32, #tpu.memory_space<hbm>> -> memref<2x400xi32, #tpu.memory_space<hbm>>
      %dma_start3A_63 = arith.constant 0 : i32
      %dma_start3A_64 = arith.constant 0 : i32
      %dma_start3A_65 = tpu.memref_slice %arg6[%run_scoped3A_1, %dma_start3A_63, %dma_start3A_64] : memref<3x2x400xi32, #tpu.memory_space<vmem>> -> memref<1x2x400xi32, #tpu.memory_space<vmem>>
      %dma_start3A_66 = tpu.memref_squeeze %dma_start3A_65 : memref<1x2x400xi32, #tpu.memory_space<vmem>> -> memref<2x400xi32, #tpu.memory_space<vmem>>
      %dma_start3A_67 = arith.constant 0 : i32
      %dma_start3A_68 = arith.constant 0 : i32
      %dma_start3A_69 = tpu.memref_slice %arg3[%arg1, %run_scoped3A, %dma_start3A_67, %dma_start3A_68] : memref<16x50x2x400xi32, #tpu.memory_space<hbm>> -> memref<1x1x2x400xi32, #tpu.memory_space<hbm>>
      %dma_start3A_70 = tpu.memref_squeeze %dma_start3A_69 : memref<1x1x2x400xi32, #tpu.memory_space<hbm>> -> memref<2x400xi32, #tpu.memory_space<hbm>>
      tpu.enqueue_dma source(%dma_start3A_70 : memref<2x400xi32, #tpu.memory_space<hbm>>) target(%dma_start3A_66 : memref<2x400xi32, #tpu.memory_space<vmem>>) target_semaphore(%run_scoped3A_54 : memref<!tpu.dma_semaphore, #tpu.memory_space<semaphore_mem>>)
      %dma_wait3A_71 = arith.constant 0 : i32
      %dma_wait3A_72 = arith.constant 0 : i32
      %dma_wait3A_73 = tpu.memref_slice %arg6[%run_scoped3A_1, %dma_wait3A_71, %dma_wait3A_72] : memref<3x2x400xi32, #tpu.memory_space<vmem>> -> memref<1x2x400xi32, #tpu.memory_space<vmem>>
      %dma_wait3A_74 = tpu.memref_squeeze %dma_wait3A_73 : memref<1x2x400xi32, #tpu.memory_space<vmem>> -> memref<2x400xi32, #tpu.memory_space<vmem>>
      %dma_wait3A_75 = arith.constant 0 : i32
      %dma_wait3A_76 = arith.constant 0 : i32
      %dma_wait3A_77 = tpu.memref_slice %arg3[%arg1, %run_scoped3A, %dma_wait3A_75, %dma_wait3A_76] : memref<16x50x2x400xi32, #tpu.memory_space<hbm>> -> memref<1x1x2x400xi32, #tpu.memory_space<hbm>>
      %dma_wait3A_78 = tpu.memref_squeeze %dma_wait3A_77 : memref<1x1x2x400xi32, #tpu.memory_space<hbm>> -> memref<2x400xi32, #tpu.memory_space<hbm>>
      %dma_wait3A_79 = arith.constant 0 : i32
      %dma_wait3A_80 = arith.constant 0 : i32
      %dma_wait3A_81 = tpu.memref_slice %arg6[%run_scoped3A_1, %dma_wait3A_79, %dma_wait3A_80] : memref<3x2x400xi32, #tpu.memory_space<vmem>> -> memref<1x2x400xi32, #tpu.memory_space<vmem>>
      %dma_wait3A_82 = tpu.memref_squeeze %dma_wait3A_81 : memref<1x2x400xi32, #tpu.memory_space<vmem>> -> memref<2x400xi32, #tpu.memory_space<vmem>>
      %dma_wait3A_83 = arith.constant 0 : i32
      %dma_wait3A_84 = arith.constant 0 : i32
      %dma_wait3A_85 = tpu.memref_slice %arg3[%arg1, %run_scoped3A, %dma_wait3A_83, %dma_wait3A_84] : memref<16x50x2x400xi32, #tpu.memory_space<hbm>> -> memref<1x1x2x400xi32, #tpu.memory_space<hbm>>
      %dma_wait3A_86 = tpu.memref_squeeze %dma_wait3A_85 : memref<1x1x2x400xi32, #tpu.memory_space<hbm>> -> memref<2x400xi32, #tpu.memory_space<hbm>>
      tpu.wait_dma2 semaphore(%run_scoped3A_54 : memref<!tpu.dma_semaphore, #tpu.memory_space<semaphore_mem>>) src(%dma_wait3A_86 : memref<2x400xi32, #tpu.memory_space<hbm>>) dst(%dma_wait3A_82 : memref<2x400xi32, #tpu.memory_space<vmem>>)
      tpu.yield
    }) : () -> ()
    %eq3A = arith.constant 1 : i32
    %eq3A_2 = arith.cmpi eq, %arg0, %eq3A : i32
    %convert_element_type3A = arith.extui %eq3A_2 : i1 to i32
    %cond3A = arith.constant 0 : i32
    %cond3A_3 = arith.cmpi ne, %convert_element_type3A, %cond3A : i32
    scf.if %cond3A_3 {
      %scan3A_54 = arith.constant 0 : i32
      %scan3A_55 = arith.constant 0 : i32
      %scan3A_56 = arith.constant 25 : i32
      %scan3A_57 = arith.addi %scan3A_55, %scan3A_56 : i32
      %scan3A_58 = arith.constant 1 : i32
      scf.for %scan3A_60 = %scan3A_55 to %scan3A_57 step %scan3A_58  : i32 {
        %mul3A_61 = arith.constant 16 : i32
        %mul3A_62 = arith.muli %scan3A_60, %mul3A_61 : i32
        %get3A = arith.constant 0 : i32
        %get3A_63 = arith.constant 0 : i32
        %get3A_64 = arith.index_cast %get3A : i32 to index
        %get3A_65 = arith.index_cast %get3A_63 : i32 to index
        %get3A_66 = arith.index_cast %mul3A_62 : i32 to index
        %get3A_67 = tpu.vector_load %arg6[%get3A_64, %get3A_65, %get3A_66] {strides = array<i32>} : memref<3x2x400xi32, #tpu.memory_space<vmem>>, vector<1x1x16xi32>,
        %get3A_68 = vector.shape_cast %get3A_67 : vector<1x1x16xi32> to vector<16xi32>
        %add3A = arith.constant 1 : i32
        %add3A_69 = vector.broadcast %add3A : i32 to vector<16xi32>
        %add3A_70 = arith.addi %get3A_68, %add3A_69 : vector<16xi32>
        %mul3A_71 = arith.constant 16 : i32
        %mul3A_72 = arith.muli %scan3A_60, %mul3A_71 : i32
        %swap3A = arith.constant 0 : i32
        %swap3A_73 = arith.constant 0 : i32
        %swap3A_74 = arith.index_cast %swap3A : i32 to index
        %swap3A_75 = arith.index_cast %swap3A_73 : i32 to index
        %swap3A_76 = arith.index_cast %mul3A_72 : i32 to index
        %swap3A_77 = tpu.vector_load %arg6[%swap3A_74, %swap3A_75, %swap3A_76] {strides = array<i32>} : memref<3x2x400xi32, #tpu.memory_space<vmem>>, vector<1x1x16xi32>,
        %swap3A_78 = vector.shape_cast %swap3A_77 : vector<1x1x16xi32> to vector<16xi32>
        %swap3A_79 = vector.shape_cast %add3A_70 : vector<16xi32> to vector<1x1x16xi32>
        tpu.vector_store %arg6[%swap3A_74, %swap3A_75, %swap3A_76], %swap3A_79 {strides = array<i32>} : memref<3x2x400xi32, #tpu.memory_space<vmem>>, vector<1x1x16xi32>,
      }
      %scan3A_59 = arith.constant 25 : i32
    } else {
    }
    %dma_start3A = arith.constant 0 : i32
    %dma_start3A_4 = arith.constant 0 : i32
    %dma_start3A_5 = arith.constant 0 : i32
    %dma_start3A_6 = arith.constant 0 : i32
    %dma_start3A_7 = arith.constant 0 : i32
    %dma_start3A_8 = tpu.memref_slice %arg7[%dma_start3A_5, %dma_start3A_6, %dma_start3A_7] : memref<2x400x64xf32, #tpu.memory_space<vmem>> -> memref<1x400x64xf32, #tpu.memory_space<vmem>>
    %dma_start3A_9 = tpu.memref_squeeze %dma_start3A_8 : memref<1x400x64xf32, #tpu.memory_space<vmem>> -> memref<400x64xf32, #tpu.memory_space<vmem>>
    %dma_start3A_10 = arith.constant 0 : i32
    %dma_start3A_11 = tpu.memref_slice %arg6[%dma_start3A, %dma_start3A_4, %dma_start3A_10] : memref<3x2x400xi32, #tpu.memory_space<vmem>> -> memref<1x1x400xi32, #tpu.memory_space<vmem>>
    %dma_start3A_12 = tpu.memref_squeeze %dma_start3A_11 : memref<1x1x400xi32, #tpu.memory_space<vmem>> -> memref<400xi32, #tpu.memory_space<vmem>>
    %dma_start3A_13 = arith.constant 0 : i32
    %dma_start3A_14 = arith.constant 0 : i32
    %dma_start3A_15 = tpu.memref_slice %arg2[%dma_start3A_13, %dma_start3A_14] : memref<20000x64xf32, #tpu.memory_space<hbm>> -> memref<20000x64xf32, #tpu.memory_space<hbm>>
    tpu.enqueue_indirect_dma source(%dma_start3A_15 : memref<20000x64xf32, #tpu.memory_space<hbm>>) target(%dma_start3A_9 : memref<400x64xf32, #tpu.memory_space<vmem>>) offsets(%dma_start3A_12 : memref<400xi32, #tpu.memory_space<vmem>>) semaphore(%arg9 : memref<!tpu.dma_semaphore, #tpu.memory_space<semaphore_mem>>)
    %dma_start3A_16 = arith.constant 1 : i32
    %dma_start3A_17 = arith.constant 1 : i32
    %dma_start3A_18 = arith.constant 0 : i32
    %dma_start3A_19 = arith.constant 0 : i32
    %dma_start3A_20 = tpu.memref_slice %arg6[%dma_start3A_17, %dma_start3A_18, %dma_start3A_19] : memref<3x2x400xi32, #tpu.memory_space<vmem>> -> memref<1x2x400xi32, #tpu.memory_space<vmem>>
    %dma_start3A_21 = tpu.memref_squeeze %dma_start3A_20 : memref<1x2x400xi32, #tpu.memory_space<vmem>> -> memref<2x400xi32, #tpu.memory_space<vmem>>
    %dma_start3A_22 = arith.constant 0 : i32
    %dma_start3A_23 = arith.constant 0 : i32
    %dma_start3A_24 = tpu.memref_slice %arg3[%arg1, %dma_start3A_16, %dma_start3A_22, %dma_start3A_23] : memref<16x50x2x400xi32, #tpu.memory_space<hbm>> -> memref<1x1x2x400xi32, #tpu.memory_space<hbm>>
    %dma_start3A_25 = tpu.memref_squeeze %dma_start3A_24 : memref<1x1x2x400xi32, #tpu.memory_space<hbm>> -> memref<2x400xi32, #tpu.memory_space<hbm>>
    %dma_start3A_26 = arith.constant 0 : i32
    %dma_start3A_27 = arith.constant 0 : i32
    %dma_start3A_28 = tpu.memref_slice %arg6[%dma_start3A_17, %dma_start3A_26, %dma_start3A_27] : memref<3x2x400xi32, #tpu.memory_space<vmem>> -> memref<1x2x400xi32, #tpu.memory_space<vmem>>
    %dma_start3A_29 = tpu.memref_squeeze %dma_start3A_28 : memref<1x2x400xi32, #tpu.memory_space<vmem>> -> memref<2x400xi32, #tpu.memory_space<vmem>>
    %dma_start3A_30 = arith.constant 0 : i32
    %dma_start3A_31 = arith.constant 0 : i32
    %dma_start3A_32 = tpu.memref_slice %arg3[%arg1, %dma_start3A_16, %dma_start3A_30, %dma_start3A_31] : memref<16x50x2x400xi32, #tpu.memory_space<hbm>> -> memref<1x1x2x400xi32, #tpu.memory_space<hbm>>
    %dma_start3A_33 = tpu.memref_squeeze %dma_start3A_32 : memref<1x1x2x400xi32, #tpu.memory_space<hbm>> -> memref<2x400xi32, #tpu.memory_space<hbm>>
    tpu.enqueue_dma source(%dma_start3A_33 : memref<2x400xi32, #tpu.memory_space<hbm>>) target(%dma_start3A_29 : memref<2x400xi32, #tpu.memory_space<vmem>>) target_semaphore(%arg11 : memref<!tpu.dma_semaphore, #tpu.memory_space<semaphore_mem>>)
    %barrier3A = arith.constant 0 : index
    tpu.barrier barrier_id(%barrier3A)
    %scan3A = arith.constant 0 : i32
    %scan3A_34 = arith.constant 0 : i32
    %scan3A_35 = arith.constant 50 : i32
    %scan3A_36 = arith.addi %scan3A_34, %scan3A_35 : i32
    %scan3A_37 = arith.constant 1 : i32
    scf.for %scan3A_54 = %scan3A_34 to %scan3A_36 step %scan3A_37  : i32 {
      %rem3A = arith.constant 6 : i32
      %rem3A_55 = arith.remsi %scan3A_54, %rem3A : i32
      %eq3A_56 = arith.constant 0 : i32
      %eq3A_57 = arith.cmpi eq, %rem3A_55, %eq3A_56 : i32
      %convert_element_type3A_58 = arith.extui %eq3A_57 : i1 to i32
      %cond3A_59 = arith.constant 0 : i32
      %cond3A_60 = arith.cmpi ne, %convert_element_type3A_58, %cond3A_59 : i32
      scf.if %cond3A_60 {
        %ge3A = arith.constant 1 : i32
        %ge3A_96 = arith.cmpi sge, %scan3A_54, %ge3A : i32
        %convert_element_type3A_97 = arith.extui %ge3A_96 : i1 to i32
        %cond3A_98 = arith.constant 0 : i32
        %cond3A_99 = arith.cmpi ne, %convert_element_type3A_97, %cond3A_98 : i32
        scf.if %cond3A_99 {
          %dma_wait3A_138 = arith.constant 0 : i32
          %dma_wait3A_139 = arith.constant 0 : i32
          %dma_wait3A_140 = arith.constant 1 : i32
          %dma_wait3A_141 = arith.constant 0 : i32
          %dma_wait3A_142 = arith.constant 0 : i32
          %dma_wait3A_143 = tpu.memref_slice %arg7[%dma_wait3A_138, %dma_wait3A_141, %dma_wait3A_142] : memref<2x400x64xf32, #tpu.memory_space<vmem>> -> memref<1x400x64xf32, #tpu.memory_space<vmem>>
          %dma_wait3A_144 = tpu.memref_squeeze %dma_wait3A_143 : memref<1x400x64xf32, #tpu.memory_space<vmem>> -> memref<400x64xf32, #tpu.memory_space<vmem>>
          %dma_wait3A_145 = arith.constant 0 : i32
          %dma_wait3A_146 = tpu.memref_slice %arg6[%dma_wait3A_139, %dma_wait3A_140, %dma_wait3A_145] : memref<3x2x400xi32, #tpu.memory_space<vmem>> -> memref<1x1x400xi32, #tpu.memory_space<vmem>>
          %dma_wait3A_147 = tpu.memref_squeeze %dma_wait3A_146 : memref<1x1x400xi32, #tpu.memory_space<vmem>> -> memref<400xi32, #tpu.memory_space<vmem>>
          %dma_wait3A_148 = arith.constant 0 : i32
          %dma_wait3A_149 = arith.constant 0 : i32
          %dma_wait3A_150 = tpu.memref_slice %arg8[%dma_wait3A_148, %dma_wait3A_149] : memref<10240x64xf32, #tpu.memory_space<vmem_shared>> -> memref<10240x64xf32, #tpu.memory_space<vmem_shared>>
          tpu.wait_indirect_dma semaphore(%arg10 : memref<!tpu.dma_semaphore, #tpu.memory_space<semaphore_mem>>) src(%dma_wait3A_144 : memref<400x64xf32, #tpu.memory_space<vmem>>) dst(%dma_wait3A_150 : memref<10240x64xf32, #tpu.memory_space<vmem_shared>>)
        } else {
        }
        %add3A = arith.constant 2 : i32
        %add3A_100 = arith.addi %scan3A_54, %add3A : i32
        %lt3A = arith.constant 50 : i32
        %lt3A_101 = arith.cmpi slt, %add3A_100, %lt3A : i32
        %convert_element_type3A_102 = arith.extui %lt3A_101 : i1 to i32
        %cond3A_103 = arith.constant 0 : i32
        %cond3A_104 = arith.cmpi ne, %convert_element_type3A_102, %cond3A_103 : i32
        scf.if %cond3A_104 {
          %add3A_138 = arith.constant 2 : i32
          %add3A_139 = arith.addi %scan3A_54, %add3A_138 : i32
          %dma_start3A_140 = arith.constant 2 : i32
          %dma_start3A_141 = arith.constant 0 : i32
          %dma_start3A_142 = arith.constant 0 : i32
          %dma_start3A_143 = tpu.memref_slice %arg6[%dma_start3A_140, %dma_start3A_141, %dma_start3A_142] : memref<3x2x400xi32, #tpu.memory_space<vmem>> -> memref<1x2x400xi32, #tpu.memory_space<vmem>>
          %dma_start3A_144 = tpu.memref_squeeze %dma_start3A_143 : memref<1x2x400xi32, #tpu.memory_space<vmem>> -> memref<2x400xi32, #tpu.memory_space<vmem>>
          %dma_start3A_145 = arith.constant 0 : i32
          %dma_start3A_146 = arith.constant 0 : i32
          %dma_start3A_147 = tpu.memref_slice %arg3[%arg1, %add3A_139, %dma_start3A_145, %dma_start3A_146] : memref<16x50x2x400xi32, #tpu.memory_space<hbm>> -> memref<1x1x2x400xi32, #tpu.memory_space<hbm>>
          %dma_start3A_148 = tpu.memref_squeeze %dma_start3A_147 : memref<1x1x2x400xi32, #tpu.memory_space<hbm>> -> memref<2x400xi32, #tpu.memory_space<hbm>>
          %dma_start3A_149 = arith.constant 0 : i32
          %dma_start3A_150 = arith.constant 0 : i32
          %dma_start3A_151 = tpu.memref_slice %arg6[%dma_start3A_140, %dma_start3A_149, %dma_start3A_150] : memref<3x2x400xi32, #tpu.memory_space<vmem>> -> memref<1x2x400xi32, #tpu.memory_space<vmem>>
          %dma_start3A_152 = tpu.memref_squeeze %dma_start3A_151 : memref<1x2x400xi32, #tpu.memory_space<vmem>> -> memref<2x400xi32, #tpu.memory_space<vmem>>
          %dma_start3A_153 = arith.constant 0 : i32
          %dma_start3A_154 = arith.constant 0 : i32
          %dma_start3A_155 = tpu.memref_slice %arg3[%arg1, %add3A_139, %dma_start3A_153, %dma_start3A_154] : memref<16x50x2x400xi32, #tpu.memory_space<hbm>> -> memref<1x1x2x400xi32, #tpu.memory_space<hbm>>
          %dma_start3A_156 = tpu.memref_squeeze %dma_start3A_155 : memref<1x1x2x400xi32, #tpu.memory_space<hbm>> -> memref<2x400xi32, #tpu.memory_space<hbm>>
          tpu.enqueue_dma source(%dma_start3A_156 : memref<2x400xi32, #tpu.memory_space<hbm>>) target(%dma_start3A_152 : memref<2x400xi32, #tpu.memory_space<vmem>>) target_semaphore(%arg11 : memref<!tpu.dma_semaphore, #tpu.memory_space<semaphore_mem>>)
        } else {
        }
        %add3A_105 = arith.constant 1 : i32
        %add3A_106 = arith.addi %scan3A_54, %add3A_105 : i32
        %lt3A_107 = arith.constant 50 : i32
        %lt3A_108 = arith.cmpi slt, %add3A_106, %lt3A_107 : i32
        %convert_element_type3A_109 = arith.extui %lt3A_108 : i1 to i32
        %cond3A_110 = arith.constant 0 : i32
        %cond3A_111 = arith.cmpi ne, %convert_element_type3A_109, %cond3A_110 : i32
        scf.if %cond3A_111 {
          %dma_wait3A_138 = arith.constant 0 : i32
          %dma_wait3A_139 = arith.constant 0 : i32
          %dma_wait3A_140 = arith.constant 0 : i32
          %dma_wait3A_141 = arith.constant 0 : i32
          %dma_wait3A_142 = tpu.memref_slice %arg6[%dma_wait3A_139, %dma_wait3A_140, %dma_wait3A_141] : memref<3x2x400xi32, #tpu.memory_space<vmem>> -> memref<1x2x400xi32, #tpu.memory_space<vmem>>
          %dma_wait3A_143 = tpu.memref_squeeze %dma_wait3A_142 : memref<1x2x400xi32, #tpu.memory_space<vmem>> -> memref<2x400xi32, #tpu.memory_space<vmem>>
          %dma_wait3A_144 = arith.constant 0 : i32
          %dma_wait3A_145 = arith.constant 0 : i32
          %dma_wait3A_146 = tpu.memref_slice %arg3[%arg1, %dma_wait3A_138, %dma_wait3A_144, %dma_wait3A_145] : memref<16x50x2x400xi32, #tpu.memory_space<hbm>> -> memref<1x1x2x400xi32, #tpu.memory_space<hbm>>
          %dma_wait3A_147 = tpu.memref_squeeze %dma_wait3A_146 : memref<1x1x2x400xi32, #tpu.memory_space<hbm>> -> memref<2x400xi32, #tpu.memory_space<hbm>>
          %dma_wait3A_148 = arith.constant 0 : i32
          %dma_wait3A_149 = arith.constant 0 : i32
          %dma_wait3A_150 = tpu.memref_slice %arg6[%dma_wait3A_139, %dma_wait3A_148, %dma_wait3A_149] : memref<3x2x400xi32, #tpu.memory_space<vmem>> -> memref<1x2x400xi32, #tpu.memory_space<vmem>>
          %dma_wait3A_151 = tpu.memref_squeeze %dma_wait3A_150 : memref<1x2x400xi32, #tpu.memory_space<vmem>> -> memref<2x400xi32, #tpu.memory_space<vmem>>
          %dma_wait3A_152 = arith.constant 0 : i32
          %dma_wait3A_153 = arith.constant 0 : i32
          %dma_wait3A_154 = tpu.memref_slice %arg3[%arg1, %dma_wait3A_138, %dma_wait3A_152, %dma_wait3A_153] : memref<16x50x2x400xi32, #tpu.memory_space<hbm>> -> memref<1x1x2x400xi32, #tpu.memory_space<hbm>>
          %dma_wait3A_155 = tpu.memref_squeeze %dma_wait3A_154 : memref<1x1x2x400xi32, #tpu.memory_space<hbm>> -> memref<2x400xi32, #tpu.memory_space<hbm>>
          tpu.wait_dma2 semaphore(%arg11 : memref<!tpu.dma_semaphore, #tpu.memory_space<semaphore_mem>>) src(%dma_wait3A_155 : memref<2x400xi32, #tpu.memory_space<hbm>>) dst(%dma_wait3A_151 : memref<2x400xi32, #tpu.memory_space<vmem>>)
          %eq3A_156 = arith.constant 1 : i32
          %eq3A_157 = arith.cmpi eq, %arg0, %eq3A_156 : i32
          %convert_element_type3A_158 = arith.extui %eq3A_157 : i1 to i32
          %cond3A_159 = arith.constant 0 : i32
          %cond3A_160 = arith.cmpi ne, %convert_element_type3A_158, %cond3A_159 : i32
          scf.if %cond3A_160 {
            %scan3A_174 = arith.constant 0 : i32
            %scan3A_175 = arith.constant 0 : i32
            %scan3A_176 = arith.constant 25 : i32
            %scan3A_177 = arith.addi %scan3A_175, %scan3A_176 : i32
            %scan3A_178 = arith.constant 1 : i32
            scf.for %scan3A_180 = %scan3A_175 to %scan3A_177 step %scan3A_178  : i32 {
              %mul3A_181 = arith.constant 16 : i32
              %mul3A_182 = arith.muli %scan3A_180, %mul3A_181 : i32
              %get3A = arith.constant 1 : i32
              %get3A_183 = arith.constant 0 : i32
              %get3A_184 = arith.index_cast %get3A : i32 to index
              %get3A_185 = arith.index_cast %get3A_183 : i32 to index
              %get3A_186 = arith.index_cast %mul3A_182 : i32 to index
              %get3A_187 = tpu.vector_load %arg6[%get3A_184, %get3A_185, %get3A_186] {strides = array<i32>} : memref<3x2x400xi32, #tpu.memory_space<vmem>>, vector<1x1x16xi32>,
              %get3A_188 = vector.shape_cast %get3A_187 : vector<1x1x16xi32> to vector<16xi32>
              %add3A_189 = arith.constant 1 : i32
              %add3A_190 = vector.broadcast %add3A_189 : i32 to vector<16xi32>
              %add3A_191 = arith.addi %get3A_188, %add3A_190 : vector<16xi32>
              %mul3A_192 = arith.constant 16 : i32
              %mul3A_193 = arith.muli %scan3A_180, %mul3A_192 : i32
              %swap3A = arith.constant 1 : i32
              %swap3A_194 = arith.constant 0 : i32
              %swap3A_195 = arith.index_cast %swap3A : i32 to index
              %swap3A_196 = arith.index_cast %swap3A_194 : i32 to index
              %swap3A_197 = arith.index_cast %mul3A_193 : i32 to index
              %swap3A_198 = tpu.vector_load %arg6[%swap3A_195, %swap3A_196, %swap3A_197] {strides = array<i32>} : memref<3x2x400xi32, #tpu.memory_space<vmem>>, vector<1x1x16xi32>,
              %swap3A_199 = vector.shape_cast %swap3A_198 : vector<1x1x16xi32> to vector<16xi32>
              %swap3A_200 = vector.shape_cast %add3A_191 : vector<16xi32> to vector<1x1x16xi32>
              tpu.vector_store %arg6[%swap3A_195, %swap3A_196, %swap3A_197], %swap3A_200 {strides = array<i32>} : memref<3x2x400xi32, #tpu.memory_space<vmem>>, vector<1x1x16xi32>,
            }
            %scan3A_179 = arith.constant 25 : i32
          } else {
          }
          %dma_start3A_161 = arith.constant 1 : i32
          %dma_start3A_162 = arith.constant 0 : i32
          %dma_start3A_163 = arith.constant 1 : i32
          %dma_start3A_164 = arith.constant 0 : i32
          %dma_start3A_165 = arith.constant 0 : i32
          %dma_start3A_166 = tpu.memref_slice %arg7[%dma_start3A_163, %dma_start3A_164, %dma_start3A_165] : memref<2x400x64xf32, #tpu.memory_space<vmem>> -> memref<1x400x64xf32, #tpu.memory_space<vmem>>
          %dma_start3A_167 = tpu.memref_squeeze %dma_start3A_166 : memref<1x400x64xf32, #tpu.memory_space<vmem>> -> memref<400x64xf32, #tpu.memory_space<vmem>>
          %dma_start3A_168 = arith.constant 0 : i32
          %dma_start3A_169 = tpu.memref_slice %arg6[%dma_start3A_161, %dma_start3A_162, %dma_start3A_168] : memref<3x2x400xi32, #tpu.memory_space<vmem>> -> memref<1x1x400xi32, #tpu.memory_space<vmem>>
          %dma_start3A_170 = tpu.memref_squeeze %dma_start3A_169 : memref<1x1x400xi32, #tpu.memory_space<vmem>> -> memref<400xi32, #tpu.memory_space<vmem>>
          %dma_start3A_171 = arith.constant 0 : i32
          %dma_start3A_172 = arith.constant 0 : i32
          %dma_start3A_173 = tpu.memref_slice %arg2[%dma_start3A_171, %dma_start3A_172] : memref<20000x64xf32, #tpu.memory_space<hbm>> -> memref<20000x64xf32, #tpu.memory_space<hbm>>
          tpu.enqueue_indirect_dma source(%dma_start3A_173 : memref<20000x64xf32, #tpu.memory_space<hbm>>) target(%dma_start3A_167 : memref<400x64xf32, #tpu.memory_space<vmem>>) offsets(%dma_start3A_170 : memref<400xi32, #tpu.memory_space<vmem>>) semaphore(%arg9 : memref<!tpu.dma_semaphore, #tpu.memory_space<semaphore_mem>>)
        } else {
        }
        %dma_wait3A_112 = arith.constant 0 : i32
        %dma_wait3A_113 = arith.constant 0 : i32
        %dma_wait3A_114 = arith.constant 0 : i32
        %dma_wait3A_115 = arith.constant 0 : i32
        %dma_wait3A_116 = arith.constant 0 : i32
        %dma_wait3A_117 = tpu.memref_slice %arg7[%dma_wait3A_114, %dma_wait3A_115, %dma_wait3A_116] : memref<2x400x64xf32, #tpu.memory_space<vmem>> -> memref<1x400x64xf32, #tpu.memory_space<vmem>>
        %dma_wait3A_118 = tpu.memref_squeeze %dma_wait3A_117 : memref<1x400x64xf32, #tpu.memory_space<vmem>> -> memref<400x64xf32, #tpu.memory_space<vmem>>
        %dma_wait3A_119 = arith.constant 0 : i32
        %dma_wait3A_120 = tpu.memref_slice %arg6[%dma_wait3A_112, %dma_wait3A_113, %dma_wait3A_119] : memref<3x2x400xi32, #tpu.memory_space<vmem>> -> memref<1x1x400xi32, #tpu.memory_space<vmem>>
        %dma_wait3A_121 = tpu.memref_squeeze %dma_wait3A_120 : memref<1x1x400xi32, #tpu.memory_space<vmem>> -> memref<400xi32, #tpu.memory_space<vmem>>
        %dma_wait3A_122 = arith.constant 0 : i32
        %dma_wait3A_123 = arith.constant 0 : i32
        %dma_wait3A_124 = tpu.memref_slice %arg2[%dma_wait3A_122, %dma_wait3A_123] : memref<20000x64xf32, #tpu.memory_space<hbm>> -> memref<20000x64xf32, #tpu.memory_space<hbm>>
        tpu.wait_indirect_dma semaphore(%arg9 : memref<!tpu.dma_semaphore, #tpu.memory_space<semaphore_mem>>) src(%dma_wait3A_124 : memref<20000x64xf32, #tpu.memory_space<hbm>>) dst(%dma_wait3A_118 : memref<400x64xf32, #tpu.memory_space<vmem>>)
        %dma_start3A_125 = arith.constant 0 : i32
        %dma_start3A_126 = arith.constant 0 : i32
        %dma_start3A_127 = arith.constant 1 : i32
        %dma_start3A_128 = arith.constant 0 : i32
        %dma_start3A_129 = arith.constant 0 : i32
        %dma_start3A_130 = tpu.memref_slice %arg7[%dma_start3A_125, %dma_start3A_128, %dma_start3A_129] : memref<2x400x64xf32, #tpu.memory_space<vmem>> -> memref<1x400x64xf32, #tpu.memory_space<vmem>>
        %dma_start3A_131 = tpu.memref_squeeze %dma_start3A_130 : memref<1x400x64xf32, #tpu.memory_space<vmem>> -> memref<400x64xf32, #tpu.memory_space<vmem>>
        %dma_start3A_132 = arith.constant 0 : i32
        %dma_start3A_133 = tpu.memref_slice %arg6[%dma_start3A_126, %dma_start3A_127, %dma_start3A_132] : memref<3x2x400xi32, #tpu.memory_space<vmem>> -> memref<1x1x400xi32, #tpu.memory_space<vmem>>
        %dma_start3A_134 = tpu.memref_squeeze %dma_start3A_133 : memref<1x1x400xi32, #tpu.memory_space<vmem>> -> memref<400xi32, #tpu.memory_space<vmem>>
        %dma_start3A_135 = arith.constant 0 : i32
        %dma_start3A_136 = arith.constant 0 : i32
        %dma_start3A_137 = tpu.memref_slice %arg8[%dma_start3A_135, %dma_start3A_136] : memref<10240x64xf32, #tpu.memory_space<vmem_shared>> -> memref<10240x64xf32, #tpu.memory_space<vmem_shared>>
        tpu.enqueue_indirect_dma source(%dma_start3A_131 : memref<400x64xf32, #tpu.memory_space<vmem>>) target(%dma_start3A_137 : memref<10240x64xf32, #tpu.memory_space<vmem_shared>>) offsets(%dma_start3A_134 : memref<400xi32, #tpu.memory_space<vmem>>) semaphore(%arg10 : memref<!tpu.dma_semaphore, #tpu.memory_space<semaphore_mem>>) {add = true}
      } else {
      }
      %rem3A_61 = arith.constant 6 : i32
      %rem3A_62 = arith.remsi %scan3A_54, %rem3A_61 : i32
      %eq3A_63 = arith.constant 1 : i32
      %eq3A_64 = arith.cmpi eq, %rem3A_62, %eq3A_63 : i32
      %convert_element_type3A_65 = arith.extui %eq3A_64 : i1 to i32
      %cond3A_66 = arith.constant 0 : i32
      %cond3A_67 = arith.cmpi ne, %convert_element_type3A_65, %cond3A_66 : i32
      scf.if %cond3A_67 {
        %ge3A = arith.constant 1 : i32
        %ge3A_96 = arith.cmpi sge, %scan3A_54, %ge3A : i32
        %convert_element_type3A_97 = arith.extui %ge3A_96 : i1 to i32
        %cond3A_98 = arith.constant 0 : i32
        %cond3A_99 = arith.cmpi ne, %convert_element_type3A_97, %cond3A_98 : i32
        scf.if %cond3A_99 {
          %dma_wait3A_138 = arith.constant 0 : i32
          %dma_wait3A_139 = arith.constant 0 : i32
          %dma_wait3A_140 = arith.constant 1 : i32
          %dma_wait3A_141 = arith.constant 0 : i32
          %dma_wait3A_142 = arith.constant 0 : i32
          %dma_wait3A_143 = tpu.memref_slice %arg7[%dma_wait3A_138, %dma_wait3A_141, %dma_wait3A_142] : memref<2x400x64xf32, #tpu.memory_space<vmem>> -> memref<1x400x64xf32, #tpu.memory_space<vmem>>
          %dma_wait3A_144 = tpu.memref_squeeze %dma_wait3A_143 : memref<1x400x64xf32, #tpu.memory_space<vmem>> -> memref<400x64xf32, #tpu.memory_space<vmem>>
          %dma_wait3A_145 = arith.constant 0 : i32
          %dma_wait3A_146 = tpu.memref_slice %arg6[%dma_wait3A_139, %dma_wait3A_140, %dma_wait3A_145] : memref<3x2x400xi32, #tpu.memory_space<vmem>> -> memref<1x1x400xi32, #tpu.memory_space<vmem>>
          %dma_wait3A_147 = tpu.memref_squeeze %dma_wait3A_146 : memref<1x1x400xi32, #tpu.memory_space<vmem>> -> memref<400xi32, #tpu.memory_space<vmem>>
          %dma_wait3A_148 = arith.constant 0 : i32
          %dma_wait3A_149 = arith.constant 0 : i32
          %dma_wait3A_150 = tpu.memref_slice %arg8[%dma_wait3A_148, %dma_wait3A_149] : memref<10240x64xf32, #tpu.memory_space<vmem_shared>> -> memref<10240x64xf32, #tpu.memory_space<vmem_shared>>
          tpu.wait_indirect_dma semaphore(%arg10 : memref<!tpu.dma_semaphore, #tpu.memory_space<semaphore_mem>>) src(%dma_wait3A_144 : memref<400x64xf32, #tpu.memory_space<vmem>>) dst(%dma_wait3A_150 : memref<10240x64xf32, #tpu.memory_space<vmem_shared>>)
        } else {
        }
        %add3A = arith.constant 2 : i32
        %add3A_100 = arith.addi %scan3A_54, %add3A : i32
        %lt3A = arith.constant 50 : i32
        %lt3A_101 = arith.cmpi slt, %add3A_100, %lt3A : i32
        %convert_element_type3A_102 = arith.extui %lt3A_101 : i1 to i32
        %cond3A_103 = arith.constant 0 : i32
        %cond3A_104 = arith.cmpi ne, %convert_element_type3A_102, %cond3A_103 : i32
        scf.if %cond3A_104 {
          %add3A_138 = arith.constant 2 : i32
          %add3A_139 = arith.addi %scan3A_54, %add3A_138 : i32
          %dma_start3A_140 = arith.constant 0 : i32
          %dma_start3A_141 = arith.constant 0 : i32
          %dma_start3A_142 = arith.constant 0 : i32
          %dma_start3A_143 = tpu.memref_slice %arg6[%dma_start3A_140, %dma_start3A_141, %dma_start3A_142] : memref<3x2x400xi32, #tpu.memory_space<vmem>> -> memref<1x2x400xi32, #tpu.memory_space<vmem>>
          %dma_start3A_144 = tpu.memref_squeeze %dma_start3A_143 : memref<1x2x400xi32, #tpu.memory_space<vmem>> -> memref<2x400xi32, #tpu.memory_space<vmem>>
          %dma_start3A_145 = arith.constant 0 : i32
          %dma_start3A_146 = arith.constant 0 : i32
          %dma_start3A_147 = tpu.memref_slice %arg3[%arg1, %add3A_139, %dma_start3A_145, %dma_start3A_146] : memref<16x50x2x400xi32, #tpu.memory_space<hbm>> -> memref<1x1x2x400xi32, #tpu.memory_space<hbm>>
          %dma_start3A_148 = tpu.memref_squeeze %dma_start3A_147 : memref<1x1x2x400xi32, #tpu.memory_space<hbm>> -> memref<2x400xi32, #tpu.memory_space<hbm>>
          %dma_start3A_149 = arith.constant 0 : i32
          %dma_start3A_150 = arith.constant 0 : i32
          %dma_start3A_151 = tpu.memref_slice %arg6[%dma_start3A_140, %dma_start3A_149, %dma_start3A_150] : memref<3x2x400xi32, #tpu.memory_space<vmem>> -> memref<1x2x400xi32, #tpu.memory_space<vmem>>
          %dma_start3A_152 = tpu.memref_squeeze %dma_start3A_151 : memref<1x2x400xi32, #tpu.memory_space<vmem>> -> memref<2x400xi32, #tpu.memory_space<vmem>>
          %dma_start3A_153 = arith.constant 0 : i32
          %dma_start3A_154 = arith.constant 0 : i32
          %dma_start3A_155 = tpu.memref_slice %arg3[%arg1, %add3A_139, %dma_start3A_153, %dma_start3A_154] : memref<16x50x2x400xi32, #tpu.memory_space<hbm>> -> memref<1x1x2x400xi32, #tpu.memory_space<hbm>>
          %dma_start3A_156 = tpu.memref_squeeze %dma_start3A_155 : memref<1x1x2x400xi32, #tpu.memory_space<hbm>> -> memref<2x400xi32, #tpu.memory_space<hbm>>
          tpu.enqueue_dma source(%dma_start3A_156 : memref<2x400xi32, #tpu.memory_space<hbm>>) target(%dma_start3A_152 : memref<2x400xi32, #tpu.memory_space<vmem>>) target_semaphore(%arg11 : memref<!tpu.dma_semaphore, #tpu.memory_space<semaphore_mem>>)
        } else {
        }
        %add3A_105 = arith.constant 1 : i32
        %add3A_106 = arith.addi %scan3A_54, %add3A_105 : i32
        %lt3A_107 = arith.constant 50 : i32
        %lt3A_108 = arith.cmpi slt, %add3A_106, %lt3A_107 : i32
        %convert_element_type3A_109 = arith.extui %lt3A_108 : i1 to i32
        %cond3A_110 = arith.constant 0 : i32
        %cond3A_111 = arith.cmpi ne, %convert_element_type3A_109, %cond3A_110 : i32
        scf.if %cond3A_111 {
          %dma_wait3A_138 = arith.constant 0 : i32
          %dma_wait3A_139 = arith.constant 0 : i32
          %dma_wait3A_140 = arith.constant 0 : i32
          %dma_wait3A_141 = arith.constant 0 : i32
          %dma_wait3A_142 = tpu.memref_slice %arg6[%dma_wait3A_139, %dma_wait3A_140, %dma_wait3A_141] : memref<3x2x400xi32, #tpu.memory_space<vmem>> -> memref<1x2x400xi32, #tpu.memory_space<vmem>>
          %dma_wait3A_143 = tpu.memref_squeeze %dma_wait3A_142 : memref<1x2x400xi32, #tpu.memory_space<vmem>> -> memref<2x400xi32, #tpu.memory_space<vmem>>
          %dma_wait3A_144 = arith.constant 0 : i32
          %dma_wait3A_145 = arith.constant 0 : i32
          %dma_wait3A_146 = tpu.memref_slice %arg3[%arg1, %dma_wait3A_138, %dma_wait3A_144, %dma_wait3A_145] : memref<16x50x2x400xi32, #tpu.memory_space<hbm>> -> memref<1x1x2x400xi32, #tpu.memory_space<hbm>>
          %dma_wait3A_147 = tpu.memref_squeeze %dma_wait3A_146 : memref<1x1x2x400xi32, #tpu.memory_space<hbm>> -> memref<2x400xi32, #tpu.memory_space<hbm>>
          %dma_wait3A_148 = arith.constant 0 : i32
          %dma_wait3A_149 = arith.constant 0 : i32
          %dma_wait3A_150 = tpu.memref_slice %arg6[%dma_wait3A_139, %dma_wait3A_148, %dma_wait3A_149] : memref<3x2x400xi32, #tpu.memory_space<vmem>> -> memref<1x2x400xi32, #tpu.memory_space<vmem>>
          %dma_wait3A_151 = tpu.memref_squeeze %dma_wait3A_150 : memref<1x2x400xi32, #tpu.memory_space<vmem>> -> memref<2x400xi32, #tpu.memory_space<vmem>>
          %dma_wait3A_152 = arith.constant 0 : i32
          %dma_wait3A_153 = arith.constant 0 : i32
          %dma_wait3A_154 = tpu.memref_slice %arg3[%arg1, %dma_wait3A_138, %dma_wait3A_152, %dma_wait3A_153] : memref<16x50x2x400xi32, #tpu.memory_space<hbm>> -> memref<1x1x2x400xi32, #tpu.memory_space<hbm>>
          %dma_wait3A_155 = tpu.memref_squeeze %dma_wait3A_154 : memref<1x1x2x400xi32, #tpu.memory_space<hbm>> -> memref<2x400xi32, #tpu.memory_space<hbm>>
          tpu.wait_dma2 semaphore(%arg11 : memref<!tpu.dma_semaphore, #tpu.memory_space<semaphore_mem>>) src(%dma_wait3A_155 : memref<2x400xi32, #tpu.memory_space<hbm>>) dst(%dma_wait3A_151 : memref<2x400xi32, #tpu.memory_space<vmem>>)
          %eq3A_156 = arith.constant 1 : i32
          %eq3A_157 = arith.cmpi eq, %arg0, %eq3A_156 : i32
          %convert_element_type3A_158 = arith.extui %eq3A_157 : i1 to i32
          %cond3A_159 = arith.constant 0 : i32
          %cond3A_160 = arith.cmpi ne, %convert_element_type3A_158, %cond3A_159 : i32
          scf.if %cond3A_160 {
            %scan3A_174 = arith.constant 0 : i32
            %scan3A_175 = arith.constant 0 : i32
            %scan3A_176 = arith.constant 25 : i32
            %scan3A_177 = arith.addi %scan3A_175, %scan3A_176 : i32
            %scan3A_178 = arith.constant 1 : i32
            scf.for %scan3A_180 = %scan3A_175 to %scan3A_177 step %scan3A_178  : i32 {
              %mul3A_181 = arith.constant 16 : i32
              %mul3A_182 = arith.muli %scan3A_180, %mul3A_181 : i32
              %get3A = arith.constant 2 : i32
              %get3A_183 = arith.constant 0 : i32
              %get3A_184 = arith.index_cast %get3A : i32 to index
              %get3A_185 = arith.index_cast %get3A_183 : i32 to index
              %get3A_186 = arith.index_cast %mul3A_182 : i32 to index
              %get3A_187 = tpu.vector_load %arg6[%get3A_184, %get3A_185, %get3A_186] {strides = array<i32>} : memref<3x2x400xi32, #tpu.memory_space<vmem>>, vector<1x1x16xi32>,
              %get3A_188 = vector.shape_cast %get3A_187 : vector<1x1x16xi32> to vector<16xi32>
              %add3A_189 = arith.constant 1 : i32
              %add3A_190 = vector.broadcast %add3A_189 : i32 to vector<16xi32>
              %add3A_191 = arith.addi %get3A_188, %add3A_190 : vector<16xi32>
              %mul3A_192 = arith.constant 16 : i32
              %mul3A_193 = arith.muli %scan3A_180, %mul3A_192 : i32
              %swap3A = arith.constant 2 : i32
              %swap3A_194 = arith.constant 0 : i32
              %swap3A_195 = arith.index_cast %swap3A : i32 to index
              %swap3A_196 = arith.index_cast %swap3A_194 : i32 to index
              %swap3A_197 = arith.index_cast %mul3A_193 : i32 to index
              %swap3A_198 = tpu.vector_load %arg6[%swap3A_195, %swap3A_196, %swap3A_197] {strides = array<i32>} : memref<3x2x400xi32, #tpu.memory_space<vmem>>, vector<1x1x16xi32>,
              %swap3A_199 = vector.shape_cast %swap3A_198 : vector<1x1x16xi32> to vector<16xi32>
              %swap3A_200 = vector.shape_cast %add3A_191 : vector<16xi32> to vector<1x1x16xi32>
              tpu.vector_store %arg6[%swap3A_195, %swap3A_196, %swap3A_197], %swap3A_200 {strides = array<i32>} : memref<3x2x400xi32, #tpu.memory_space<vmem>>, vector<1x1x16xi32>,
            }
            %scan3A_179 = arith.constant 25 : i32
          } else {
          }
          %dma_start3A_161 = arith.constant 2 : i32
          %dma_start3A_162 = arith.constant 0 : i32
          %dma_start3A_163 = arith.constant 0 : i32
          %dma_start3A_164 = arith.constant 0 : i32
          %dma_start3A_165 = arith.constant 0 : i32
          %dma_start3A_166 = tpu.memref_slice %arg7[%dma_start3A_163, %dma_start3A_164, %dma_start3A_165] : memref<2x400x64xf32, #tpu.memory_space<vmem>> -> memref<1x400x64xf32, #tpu.memory_space<vmem>>
          %dma_start3A_167 = tpu.memref_squeeze %dma_start3A_166 : memref<1x400x64xf32, #tpu.memory_space<vmem>> -> memref<400x64xf32, #tpu.memory_space<vmem>>
          %dma_start3A_168 = arith.constant 0 : i32
          %dma_start3A_169 = tpu.memref_slice %arg6[%dma_start3A_161, %dma_start3A_162, %dma_start3A_168] : memref<3x2x400xi32, #tpu.memory_space<vmem>> -> memref<1x1x400xi32, #tpu.memory_space<vmem>>
          %dma_start3A_170 = tpu.memref_squeeze %dma_start3A_169 : memref<1x1x400xi32, #tpu.memory_space<vmem>> -> memref<400xi32, #tpu.memory_space<vmem>>
          %dma_start3A_171 = arith.constant 0 : i32
          %dma_start3A_172 = arith.constant 0 : i32
          %dma_start3A_173 = tpu.memref_slice %arg2[%dma_start3A_171, %dma_start3A_172] : memref<20000x64xf32, #tpu.memory_space<hbm>> -> memref<20000x64xf32, #tpu.memory_space<hbm>>
          tpu.enqueue_indirect_dma source(%dma_start3A_173 : memref<20000x64xf32, #tpu.memory_space<hbm>>) target(%dma_start3A_167 : memref<400x64xf32, #tpu.memory_space<vmem>>) offsets(%dma_start3A_170 : memref<400xi32, #tpu.memory_space<vmem>>) semaphore(%arg9 : memref<!tpu.dma_semaphore, #tpu.memory_space<semaphore_mem>>)
        } else {
        }
        %dma_wait3A_112 = arith.constant 0 : i32
        %dma_wait3A_113 = arith.constant 0 : i32
        %dma_wait3A_114 = arith.constant 0 : i32
        %dma_wait3A_115 = arith.constant 0 : i32
        %dma_wait3A_116 = arith.constant 0 : i32
        %dma_wait3A_117 = tpu.memref_slice %arg7[%dma_wait3A_114, %dma_wait3A_115, %dma_wait3A_116] : memref<2x400x64xf32, #tpu.memory_space<vmem>> -> memref<1x400x64xf32, #tpu.memory_space<vmem>>
        %dma_wait3A_118 = tpu.memref_squeeze %dma_wait3A_117 : memref<1x400x64xf32, #tpu.memory_space<vmem>> -> memref<400x64xf32, #tpu.memory_space<vmem>>
        %dma_wait3A_119 = arith.constant 0 : i32
        %dma_wait3A_120 = tpu.memref_slice %arg6[%dma_wait3A_112, %dma_wait3A_113, %dma_wait3A_119] : memref<3x2x400xi32, #tpu.memory_space<vmem>> -> memref<1x1x400xi32, #tpu.memory_space<vmem>>
        %dma_wait3A_121 = tpu.memref_squeeze %dma_wait3A_120 : memref<1x1x400xi32, #tpu.memory_space<vmem>> -> memref<400xi32, #tpu.memory_space<vmem>>
        %dma_wait3A_122 = arith.constant 0 : i32
        %dma_wait3A_123 = arith.constant 0 : i32
        %dma_wait3A_124 = tpu.memref_slice %arg2[%dma_wait3A_122, %dma_wait3A_123] : memref<20000x64xf32, #tpu.memory_space<hbm>> -> memref<20000x64xf32, #tpu.memory_space<hbm>>
        tpu.wait_indirect_dma semaphore(%arg9 : memref<!tpu.dma_semaphore, #tpu.memory_space<semaphore_mem>>) src(%dma_wait3A_124 : memref<20000x64xf32, #tpu.memory_space<hbm>>) dst(%dma_wait3A_118 : memref<400x64xf32, #tpu.memory_space<vmem>>)
        %dma_start3A_125 = arith.constant 1 : i32
        %dma_start3A_126 = arith.constant 1 : i32
        %dma_start3A_127 = arith.constant 1 : i32
        %dma_start3A_128 = arith.constant 0 : i32
        %dma_start3A_129 = arith.constant 0 : i32
        %dma_start3A_130 = tpu.memref_slice %arg7[%dma_start3A_125, %dma_start3A_128, %dma_start3A_129] : memref<2x400x64xf32, #tpu.memory_space<vmem>> -> memref<1x400x64xf32, #tpu.memory_space<vmem>>
        %dma_start3A_131 = tpu.memref_squeeze %dma_start3A_130 : memref<1x400x64xf32, #tpu.memory_space<vmem>> -> memref<400x64xf32, #tpu.memory_space<vmem>>
        %dma_start3A_132 = arith.constant 0 : i32
        %dma_start3A_133 = tpu.memref_slice %arg6[%dma_start3A_126, %dma_start3A_127, %dma_start3A_132] : memref<3x2x400xi32, #tpu.memory_space<vmem>> -> memref<1x1x400xi32, #tpu.memory_space<vmem>>
        %dma_start3A_134 = tpu.memref_squeeze %dma_start3A_133 : memref<1x1x400xi32, #tpu.memory_space<vmem>> -> memref<400xi32, #tpu.memory_space<vmem>>
        %dma_start3A_135 = arith.constant 0 : i32
        %dma_start3A_136 = arith.constant 0 : i32
        %dma_start3A_137 = tpu.memref_slice %arg8[%dma_start3A_135, %dma_start3A_136] : memref<10240x64xf32, #tpu.memory_space<vmem_shared>> -> memref<10240x64xf32, #tpu.memory_space<vmem_shared>>
        tpu.enqueue_indirect_dma source(%dma_start3A_131 : memref<400x64xf32, #tpu.memory_space<vmem>>) target(%dma_start3A_137 : memref<10240x64xf32, #tpu.memory_space<vmem_shared>>) offsets(%dma_start3A_134 : memref<400xi32, #tpu.memory_space<vmem>>) semaphore(%arg10 : memref<!tpu.dma_semaphore, #tpu.memory_space<semaphore_mem>>) {add = true}
      } else {
      }
      %rem3A_68 = arith.constant 6 : i32
      %rem3A_69 = arith.remsi %scan3A_54, %rem3A_68 : i32
      %eq3A_70 = arith.constant 2 : i32
      %eq3A_71 = arith.cmpi eq, %rem3A_69, %eq3A_70 : i32
      %convert_element_type3A_72 = arith.extui %eq3A_71 : i1 to i32
      %cond3A_73 = arith.constant 0 : i32
      %cond3A_74 = arith.cmpi ne, %convert_element_type3A_72, %cond3A_73 : i32
      scf.if %cond3A_74 {
        %ge3A = arith.constant 1 : i32
        %ge3A_96 = arith.cmpi sge, %scan3A_54, %ge3A : i32
        %convert_element_type3A_97 = arith.extui %ge3A_96 : i1 to i32
        %cond3A_98 = arith.constant 0 : i32
        %cond3A_99 = arith.cmpi ne, %convert_element_type3A_97, %cond3A_98 : i32
        scf.if %cond3A_99 {
          %dma_wait3A_138 = arith.constant 0 : i32
          %dma_wait3A_139 = arith.constant 0 : i32
          %dma_wait3A_140 = arith.constant 1 : i32
          %dma_wait3A_141 = arith.constant 0 : i32
          %dma_wait3A_142 = arith.constant 0 : i32
          %dma_wait3A_143 = tpu.memref_slice %arg7[%dma_wait3A_138, %dma_wait3A_141, %dma_wait3A_142] : memref<2x400x64xf32, #tpu.memory_space<vmem>> -> memref<1x400x64xf32, #tpu.memory_space<vmem>>
          %dma_wait3A_144 = tpu.memref_squeeze %dma_wait3A_143 : memref<1x400x64xf32, #tpu.memory_space<vmem>> -> memref<400x64xf32, #tpu.memory_space<vmem>>
          %dma_wait3A_145 = arith.constant 0 : i32
          %dma_wait3A_146 = tpu.memref_slice %arg6[%dma_wait3A_139, %dma_wait3A_140, %dma_wait3A_145] : memref<3x2x400xi32, #tpu.memory_space<vmem>> -> memref<1x1x400xi32, #tpu.memory_space<vmem>>
          %dma_wait3A_147 = tpu.memref_squeeze %dma_wait3A_146 : memref<1x1x400xi32, #tpu.memory_space<vmem>> -> memref<400xi32, #tpu.memory_space<vmem>>
          %dma_wait3A_148 = arith.constant 0 : i32
          %dma_wait3A_149 = arith.constant 0 : i32
          %dma_wait3A_150 = tpu.memref_slice %arg8[%dma_wait3A_148, %dma_wait3A_149] : memref<10240x64xf32, #tpu.memory_space<vmem_shared>> -> memref<10240x64xf32, #tpu.memory_space<vmem_shared>>
          tpu.wait_indirect_dma semaphore(%arg10 : memref<!tpu.dma_semaphore, #tpu.memory_space<semaphore_mem>>) src(%dma_wait3A_144 : memref<400x64xf32, #tpu.memory_space<vmem>>) dst(%dma_wait3A_150 : memref<10240x64xf32, #tpu.memory_space<vmem_shared>>)
        } else {
        }
        %add3A = arith.constant 2 : i32
        %add3A_100 = arith.addi %scan3A_54, %add3A : i32
        %lt3A = arith.constant 50 : i32
        %lt3A_101 = arith.cmpi slt, %add3A_100, %lt3A : i32
        %convert_element_type3A_102 = arith.extui %lt3A_101 : i1 to i32
        %cond3A_103 = arith.constant 0 : i32
        %cond3A_104 = arith.cmpi ne, %convert_element_type3A_102, %cond3A_103 : i32
        scf.if %cond3A_104 {
          %add3A_138 = arith.constant 2 : i32
          %add3A_139 = arith.addi %scan3A_54, %add3A_138 : i32
          %dma_start3A_140 = arith.constant 1 : i32
          %dma_start3A_141 = arith.constant 0 : i32
          %dma_start3A_142 = arith.constant 0 : i32
          %dma_start3A_143 = tpu.memref_slice %arg6[%dma_start3A_140, %dma_start3A_141, %dma_start3A_142] : memref<3x2x400xi32, #tpu.memory_space<vmem>> -> memref<1x2x400xi32, #tpu.memory_space<vmem>>
          %dma_start3A_144 = tpu.memref_squeeze %dma_start3A_143 : memref<1x2x400xi32, #tpu.memory_space<vmem>> -> memref<2x400xi32, #tpu.memory_space<vmem>>
          %dma_start3A_145 = arith.constant 0 : i32
          %dma_start3A_146 = arith.constant 0 : i32
          %dma_start3A_147 = tpu.memref_slice %arg3[%arg1, %add3A_139, %dma_start3A_145, %dma_start3A_146] : memref<16x50x2x400xi32, #tpu.memory_space<hbm>> -> memref<1x1x2x400xi32, #tpu.memory_space<hbm>>
          %dma_start3A_148 = tpu.memref_squeeze %dma_start3A_147 : memref<1x1x2x400xi32, #tpu.memory_space<hbm>> -> memref<2x400xi32, #tpu.memory_space<hbm>>
          %dma_start3A_149 = arith.constant 0 : i32
          %dma_start3A_150 = arith.constant 0 : i32
          %dma_start3A_151 = tpu.memref_slice %arg6[%dma_start3A_140, %dma_start3A_149, %dma_start3A_150] : memref<3x2x400xi32, #tpu.memory_space<vmem>> -> memref<1x2x400xi32, #tpu.memory_space<vmem>>
          %dma_start3A_152 = tpu.memref_squeeze %dma_start3A_151 : memref<1x2x400xi32, #tpu.memory_space<vmem>> -> memref<2x400xi32, #tpu.memory_space<vmem>>
          %dma_start3A_153 = arith.constant 0 : i32
          %dma_start3A_154 = arith.constant 0 : i32
          %dma_start3A_155 = tpu.memref_slice %arg3[%arg1, %add3A_139, %dma_start3A_153, %dma_start3A_154] : memref<16x50x2x400xi32, #tpu.memory_space<hbm>> -> memref<1x1x2x400xi32, #tpu.memory_space<hbm>>
          %dma_start3A_156 = tpu.memref_squeeze %dma_start3A_155 : memref<1x1x2x400xi32, #tpu.memory_space<hbm>> -> memref<2x400xi32, #tpu.memory_space<hbm>>
          tpu.enqueue_dma source(%dma_start3A_156 : memref<2x400xi32, #tpu.memory_space<hbm>>) target(%dma_start3A_152 : memref<2x400xi32, #tpu.memory_space<vmem>>) target_semaphore(%arg11 : memref<!tpu.dma_semaphore, #tpu.memory_space<semaphore_mem>>)
        } else {
        }
        %add3A_105 = arith.constant 1 : i32
        %add3A_106 = arith.addi %scan3A_54, %add3A_105 : i32
        %lt3A_107 = arith.constant 50 : i32
        %lt3A_108 = arith.cmpi slt, %add3A_106, %lt3A_107 : i32
        %convert_element_type3A_109 = arith.extui %lt3A_108 : i1 to i32
        %cond3A_110 = arith.constant 0 : i32
        %cond3A_111 = arith.cmpi ne, %convert_element_type3A_109, %cond3A_110 : i32
        scf.if %cond3A_111 {
          %dma_wait3A_138 = arith.constant 0 : i32
          %dma_wait3A_139 = arith.constant 0 : i32
          %dma_wait3A_140 = arith.constant 0 : i32
          %dma_wait3A_141 = arith.constant 0 : i32
          %dma_wait3A_142 = tpu.memref_slice %arg6[%dma_wait3A_139, %dma_wait3A_140, %dma_wait3A_141] : memref<3x2x400xi32, #tpu.memory_space<vmem>> -> memref<1x2x400xi32, #tpu.memory_space<vmem>>
          %dma_wait3A_143 = tpu.memref_squeeze %dma_wait3A_142 : memref<1x2x400xi32, #tpu.memory_space<vmem>> -> memref<2x400xi32, #tpu.memory_space<vmem>>
          %dma_wait3A_144 = arith.constant 0 : i32
          %dma_wait3A_145 = arith.constant 0 : i32
          %dma_wait3A_146 = tpu.memref_slice %arg3[%arg1, %dma_wait3A_138, %dma_wait3A_144, %dma_wait3A_145] : memref<16x50x2x400xi32, #tpu.memory_space<hbm>> -> memref<1x1x2x400xi32, #tpu.memory_space<hbm>>
          %dma_wait3A_147 = tpu.memref_squeeze %dma_wait3A_146 : memref<1x1x2x400xi32, #tpu.memory_space<hbm>> -> memref<2x400xi32, #tpu.memory_space<hbm>>
          %dma_wait3A_148 = arith.constant 0 : i32
          %dma_wait3A_149 = arith.constant 0 : i32
          %dma_wait3A_150 = tpu.memref_slice %arg6[%dma_wait3A_139, %dma_wait3A_148, %dma_wait3A_149] : memref<3x2x400xi32, #tpu.memory_space<vmem>> -> memref<1x2x400xi32, #tpu.memory_space<vmem>>
          %dma_wait3A_151 = tpu.memref_squeeze %dma_wait3A_150 : memref<1x2x400xi32, #tpu.memory_space<vmem>> -> memref<2x400xi32, #tpu.memory_space<vmem>>
          %dma_wait3A_152 = arith.constant 0 : i32
          %dma_wait3A_153 = arith.constant 0 : i32
          %dma_wait3A_154 = tpu.memref_slice %arg3[%arg1, %dma_wait3A_138, %dma_wait3A_152, %dma_wait3A_153] : memref<16x50x2x400xi32, #tpu.memory_space<hbm>> -> memref<1x1x2x400xi32, #tpu.memory_space<hbm>>
          %dma_wait3A_155 = tpu.memref_squeeze %dma_wait3A_154 : memref<1x1x2x400xi32, #tpu.memory_space<hbm>> -> memref<2x400xi32, #tpu.memory_space<hbm>>
          tpu.wait_dma2 semaphore(%arg11 : memref<!tpu.dma_semaphore, #tpu.memory_space<semaphore_mem>>) src(%dma_wait3A_155 : memref<2x400xi32, #tpu.memory_space<hbm>>) dst(%dma_wait3A_151 : memref<2x400xi32, #tpu.memory_space<vmem>>)
          %eq3A_156 = arith.constant 1 : i32
          %eq3A_157 = arith.cmpi eq, %arg0, %eq3A_156 : i32
          %convert_element_type3A_158 = arith.extui %eq3A_157 : i1 to i32
          %cond3A_159 = arith.constant 0 : i32
          %cond3A_160 = arith.cmpi ne, %convert_element_type3A_158, %cond3A_159 : i32
          scf.if %cond3A_160 {
            %scan3A_174 = arith.constant 0 : i32
            %scan3A_175 = arith.constant 0 : i32
            %scan3A_176 = arith.constant 25 : i32
            %scan3A_177 = arith.addi %scan3A_175, %scan3A_176 : i32
            %scan3A_178 = arith.constant 1 : i32
            scf.for %scan3A_180 = %scan3A_175 to %scan3A_177 step %scan3A_178  : i32 {
              %mul3A_181 = arith.constant 16 : i32
              %mul3A_182 = arith.muli %scan3A_180, %mul3A_181 : i32
              %get3A = arith.constant 0 : i32
              %get3A_183 = arith.constant 0 : i32
              %get3A_184 = arith.index_cast %get3A : i32 to index
              %get3A_185 = arith.index_cast %get3A_183 : i32 to index
              %get3A_186 = arith.index_cast %mul3A_182 : i32 to index
              %get3A_187 = tpu.vector_load %arg6[%get3A_184, %get3A_185, %get3A_186] {strides = array<i32>} : memref<3x2x400xi32, #tpu.memory_space<vmem>>, vector<1x1x16xi32>,
              %get3A_188 = vector.shape_cast %get3A_187 : vector<1x1x16xi32> to vector<16xi32>
              %add3A_189 = arith.constant 1 : i32
              %add3A_190 = vector.broadcast %add3A_189 : i32 to vector<16xi32>
              %add3A_191 = arith.addi %get3A_188, %add3A_190 : vector<16xi32>
              %mul3A_192 = arith.constant 16 : i32
              %mul3A_193 = arith.muli %scan3A_180, %mul3A_192 : i32
              %swap3A = arith.constant 0 : i32
              %swap3A_194 = arith.constant 0 : i32
              %swap3A_195 = arith.index_cast %swap3A : i32 to index
              %swap3A_196 = arith.index_cast %swap3A_194 : i32 to index
              %swap3A_197 = arith.index_cast %mul3A_193 : i32 to index
              %swap3A_198 = tpu.vector_load %arg6[%swap3A_195, %swap3A_196, %swap3A_197] {strides = array<i32>} : memref<3x2x400xi32, #tpu.memory_space<vmem>>, vector<1x1x16xi32>,
              %swap3A_199 = vector.shape_cast %swap3A_198 : vector<1x1x16xi32> to vector<16xi32>
              %swap3A_200 = vector.shape_cast %add3A_191 : vector<16xi32> to vector<1x1x16xi32>
              tpu.vector_store %arg6[%swap3A_195, %swap3A_196, %swap3A_197], %swap3A_200 {strides = array<i32>} : memref<3x2x400xi32, #tpu.memory_space<vmem>>, vector<1x1x16xi32>,
            }
            %scan3A_179 = arith.constant 25 : i32
          } else {
          }
          %dma_start3A_161 = arith.constant 0 : i32
          %dma_start3A_162 = arith.constant 0 : i32
          %dma_start3A_163 = arith.constant 1 : i32
          %dma_start3A_164 = arith.constant 0 : i32
          %dma_start3A_165 = arith.constant 0 : i32
          %dma_start3A_166 = tpu.memref_slice %arg7[%dma_start3A_163, %dma_start3A_164, %dma_start3A_165] : memref<2x400x64xf32, #tpu.memory_space<vmem>> -> memref<1x400x64xf32, #tpu.memory_space<vmem>>
          %dma_start3A_167 = tpu.memref_squeeze %dma_start3A_166 : memref<1x400x64xf32, #tpu.memory_space<vmem>> -> memref<400x64xf32, #tpu.memory_space<vmem>>
          %dma_start3A_168 = arith.constant 0 : i32
          %dma_start3A_169 = tpu.memref_slice %arg6[%dma_start3A_161, %dma_start3A_162, %dma_start3A_168] : memref<3x2x400xi32, #tpu.memory_space<vmem>> -> memref<1x1x400xi32, #tpu.memory_space<vmem>>
          %dma_start3A_170 = tpu.memref_squeeze %dma_start3A_169 : memref<1x1x400xi32, #tpu.memory_space<vmem>> -> memref<400xi32, #tpu.memory_space<vmem>>
          %dma_start3A_171 = arith.constant 0 : i32
          %dma_start3A_172 = arith.constant 0 : i32
          %dma_start3A_173 = tpu.memref_slice %arg2[%dma_start3A_171, %dma_start3A_172] : memref<20000x64xf32, #tpu.memory_space<hbm>> -> memref<20000x64xf32, #tpu.memory_space<hbm>>
          tpu.enqueue_indirect_dma source(%dma_start3A_173 : memref<20000x64xf32, #tpu.memory_space<hbm>>) target(%dma_start3A_167 : memref<400x64xf32, #tpu.memory_space<vmem>>) offsets(%dma_start3A_170 : memref<400xi32, #tpu.memory_space<vmem>>) semaphore(%arg9 : memref<!tpu.dma_semaphore, #tpu.memory_space<semaphore_mem>>)
        } else {
        }
        %dma_wait3A_112 = arith.constant 0 : i32
        %dma_wait3A_113 = arith.constant 0 : i32
        %dma_wait3A_114 = arith.constant 0 : i32
        %dma_wait3A_115 = arith.constant 0 : i32
        %dma_wait3A_116 = arith.constant 0 : i32
        %dma_wait3A_117 = tpu.memref_slice %arg7[%dma_wait3A_114, %dma_wait3A_115, %dma_wait3A_116] : memref<2x400x64xf32, #tpu.memory_space<vmem>> -> memref<1x400x64xf32, #tpu.memory_space<vmem>>
        %dma_wait3A_118 = tpu.memref_squeeze %dma_wait3A_117 : memref<1x400x64xf32, #tpu.memory_space<vmem>> -> memref<400x64xf32, #tpu.memory_space<vmem>>
        %dma_wait3A_119 = arith.constant 0 : i32
        %dma_wait3A_120 = tpu.memref_slice %arg6[%dma_wait3A_112, %dma_wait3A_113, %dma_wait3A_119] : memref<3x2x400xi32, #tpu.memory_space<vmem>> -> memref<1x1x400xi32, #tpu.memory_space<vmem>>
        %dma_wait3A_121 = tpu.memref_squeeze %dma_wait3A_120 : memref<1x1x400xi32, #tpu.memory_space<vmem>> -> memref<400xi32, #tpu.memory_space<vmem>>
        %dma_wait3A_122 = arith.constant 0 : i32
        %dma_wait3A_123 = arith.constant 0 : i32
        %dma_wait3A_124 = tpu.memref_slice %arg2[%dma_wait3A_122, %dma_wait3A_123] : memref<20000x64xf32, #tpu.memory_space<hbm>> -> memref<20000x64xf32, #tpu.memory_space<hbm>>
        tpu.wait_indirect_dma semaphore(%arg9 : memref<!tpu.dma_semaphore, #tpu.memory_space<semaphore_mem>>) src(%dma_wait3A_124 : memref<20000x64xf32, #tpu.memory_space<hbm>>) dst(%dma_wait3A_118 : memref<400x64xf32, #tpu.memory_space<vmem>>)
        %dma_start3A_125 = arith.constant 0 : i32
        %dma_start3A_126 = arith.constant 2 : i32
        %dma_start3A_127 = arith.constant 1 : i32
        %dma_start3A_128 = arith.constant 0 : i32
        %dma_start3A_129 = arith.constant 0 : i32
        %dma_start3A_130 = tpu.memref_slice %arg7[%dma_start3A_125, %dma_start3A_128, %dma_start3A_129] : memref<2x400x64xf32, #tpu.memory_space<vmem>> -> memref<1x400x64xf32, #tpu.memory_space<vmem>>
        %dma_start3A_131 = tpu.memref_squeeze %dma_start3A_130 : memref<1x400x64xf32, #tpu.memory_space<vmem>> -> memref<400x64xf32, #tpu.memory_space<vmem>>
        %dma_start3A_132 = arith.constant 0 : i32
        %dma_start3A_133 = tpu.memref_slice %arg6[%dma_start3A_126, %dma_start3A_127, %dma_start3A_132] : memref<3x2x400xi32, #tpu.memory_space<vmem>> -> memref<1x1x400xi32, #tpu.memory_space<vmem>>
        %dma_start3A_134 = tpu.memref_squeeze %dma_start3A_133 : memref<1x1x400xi32, #tpu.memory_space<vmem>> -> memref<400xi32, #tpu.memory_space<vmem>>
        %dma_start3A_135 = arith.constant 0 : i32
        %dma_start3A_136 = arith.constant 0 : i32
        %dma_start3A_137 = tpu.memref_slice %arg8[%dma_start3A_135, %dma_start3A_136] : memref<10240x64xf32, #tpu.memory_space<vmem_shared>> -> memref<10240x64xf32, #tpu.memory_space<vmem_shared>>
        tpu.enqueue_indirect_dma source(%dma_start3A_131 : memref<400x64xf32, #tpu.memory_space<vmem>>) target(%dma_start3A_137 : memref<10240x64xf32, #tpu.memory_space<vmem_shared>>) offsets(%dma_start3A_134 : memref<400xi32, #tpu.memory_space<vmem>>) semaphore(%arg10 : memref<!tpu.dma_semaphore, #tpu.memory_space<semaphore_mem>>) {add = true}
      } else {
      }
      %rem3A_75 = arith.constant 6 : i32
      %rem3A_76 = arith.remsi %scan3A_54, %rem3A_75 : i32
      %eq3A_77 = arith.constant 3 : i32
      %eq3A_78 = arith.cmpi eq, %rem3A_76, %eq3A_77 : i32
      %convert_element_type3A_79 = arith.extui %eq3A_78 : i1 to i32
      %cond3A_80 = arith.constant 0 : i32
      %cond3A_81 = arith.cmpi ne, %convert_element_type3A_79, %cond3A_80 : i32
      scf.if %cond3A_81 {
        %ge3A = arith.constant 1 : i32
        %ge3A_96 = arith.cmpi sge, %scan3A_54, %ge3A : i32
        %convert_element_type3A_97 = arith.extui %ge3A_96 : i1 to i32
        %cond3A_98 = arith.constant 0 : i32
        %cond3A_99 = arith.cmpi ne, %convert_element_type3A_97, %cond3A_98 : i32
        scf.if %cond3A_99 {
          %dma_wait3A_138 = arith.constant 0 : i32
          %dma_wait3A_139 = arith.constant 0 : i32
          %dma_wait3A_140 = arith.constant 1 : i32
          %dma_wait3A_141 = arith.constant 0 : i32
          %dma_wait3A_142 = arith.constant 0 : i32
          %dma_wait3A_143 = tpu.memref_slice %arg7[%dma_wait3A_138, %dma_wait3A_141, %dma_wait3A_142] : memref<2x400x64xf32, #tpu.memory_space<vmem>> -> memref<1x400x64xf32, #tpu.memory_space<vmem>>
          %dma_wait3A_144 = tpu.memref_squeeze %dma_wait3A_143 : memref<1x400x64xf32, #tpu.memory_space<vmem>> -> memref<400x64xf32, #tpu.memory_space<vmem>>
          %dma_wait3A_145 = arith.constant 0 : i32
          %dma_wait3A_146 = tpu.memref_slice %arg6[%dma_wait3A_139, %dma_wait3A_140, %dma_wait3A_145] : memref<3x2x400xi32, #tpu.memory_space<vmem>> -> memref<1x1x400xi32, #tpu.memory_space<vmem>>
          %dma_wait3A_147 = tpu.memref_squeeze %dma_wait3A_146 : memref<1x1x400xi32, #tpu.memory_space<vmem>> -> memref<400xi32, #tpu.memory_space<vmem>>
          %dma_wait3A_148 = arith.constant 0 : i32
          %dma_wait3A_149 = arith.constant 0 : i32
          %dma_wait3A_150 = tpu.memref_slice %arg8[%dma_wait3A_148, %dma_wait3A_149] : memref<10240x64xf32, #tpu.memory_space<vmem_shared>> -> memref<10240x64xf32, #tpu.memory_space<vmem_shared>>
          tpu.wait_indirect_dma semaphore(%arg10 : memref<!tpu.dma_semaphore, #tpu.memory_space<semaphore_mem>>) src(%dma_wait3A_144 : memref<400x64xf32, #tpu.memory_space<vmem>>) dst(%dma_wait3A_150 : memref<10240x64xf32, #tpu.memory_space<vmem_shared>>)
        } else {
        }
        %add3A = arith.constant 2 : i32
        %add3A_100 = arith.addi %scan3A_54, %add3A : i32
        %lt3A = arith.constant 50 : i32
        %lt3A_101 = arith.cmpi slt, %add3A_100, %lt3A : i32
        %convert_element_type3A_102 = arith.extui %lt3A_101 : i1 to i32
        %cond3A_103 = arith.constant 0 : i32
        %cond3A_104 = arith.cmpi ne, %convert_element_type3A_102, %cond3A_103 : i32
        scf.if %cond3A_104 {
          %add3A_138 = arith.constant 2 : i32
          %add3A_139 = arith.addi %scan3A_54, %add3A_138 : i32
          %dma_start3A_140 = arith.constant 2 : i32
          %dma_start3A_141 = arith.constant 0 : i32
          %dma_start3A_142 = arith.constant 0 : i32
          %dma_start3A_143 = tpu.memref_slice %arg6[%dma_start3A_140, %dma_start3A_141, %dma_start3A_142] : memref<3x2x400xi32, #tpu.memory_space<vmem>> -> memref<1x2x400xi32, #tpu.memory_space<vmem>>
          %dma_start3A_144 = tpu.memref_squeeze %dma_start3A_143 : memref<1x2x400xi32, #tpu.memory_space<vmem>> -> memref<2x400xi32, #tpu.memory_space<vmem>>
          %dma_start3A_145 = arith.constant 0 : i32
          %dma_start3A_146 = arith.constant 0 : i32
          %dma_start3A_147 = tpu.memref_slice %arg3[%arg1, %add3A_139, %dma_start3A_145, %dma_start3A_146] : memref<16x50x2x400xi32, #tpu.memory_space<hbm>> -> memref<1x1x2x400xi32, #tpu.memory_space<hbm>>
          %dma_start3A_148 = tpu.memref_squeeze %dma_start3A_147 : memref<1x1x2x400xi32, #tpu.memory_space<hbm>> -> memref<2x400xi32, #tpu.memory_space<hbm>>
          %dma_start3A_149 = arith.constant 0 : i32
          %dma_start3A_150 = arith.constant 0 : i32
          %dma_start3A_151 = tpu.memref_slice %arg6[%dma_start3A_140, %dma_start3A_149, %dma_start3A_150] : memref<3x2x400xi32, #tpu.memory_space<vmem>> -> memref<1x2x400xi32, #tpu.memory_space<vmem>>
          %dma_start3A_152 = tpu.memref_squeeze %dma_start3A_151 : memref<1x2x400xi32, #tpu.memory_space<vmem>> -> memref<2x400xi32, #tpu.memory_space<vmem>>
          %dma_start3A_153 = arith.constant 0 : i32
          %dma_start3A_154 = arith.constant 0 : i32
          %dma_start3A_155 = tpu.memref_slice %arg3[%arg1, %add3A_139, %dma_start3A_153, %dma_start3A_154] : memref<16x50x2x400xi32, #tpu.memory_space<hbm>> -> memref<1x1x2x400xi32, #tpu.memory_space<hbm>>
          %dma_start3A_156 = tpu.memref_squeeze %dma_start3A_155 : memref<1x1x2x400xi32, #tpu.memory_space<hbm>> -> memref<2x400xi32, #tpu.memory_space<hbm>>
          tpu.enqueue_dma source(%dma_start3A_156 : memref<2x400xi32, #tpu.memory_space<hbm>>) target(%dma_start3A_152 : memref<2x400xi32, #tpu.memory_space<vmem>>) target_semaphore(%arg11 : memref<!tpu.dma_semaphore, #tpu.memory_space<semaphore_mem>>)
        } else {
        }
        %add3A_105 = arith.constant 1 : i32
        %add3A_106 = arith.addi %scan3A_54, %add3A_105 : i32
        %lt3A_107 = arith.constant 50 : i32
        %lt3A_108 = arith.cmpi slt, %add3A_106, %lt3A_107 : i32
        %convert_element_type3A_109 = arith.extui %lt3A_108 : i1 to i32
        %cond3A_110 = arith.constant 0 : i32
        %cond3A_111 = arith.cmpi ne, %convert_element_type3A_109, %cond3A_110 : i32
        scf.if %cond3A_111 {
          %dma_wait3A_138 = arith.constant 0 : i32
          %dma_wait3A_139 = arith.constant 0 : i32
          %dma_wait3A_140 = arith.constant 0 : i32
          %dma_wait3A_141 = arith.constant 0 : i32
          %dma_wait3A_142 = tpu.memref_slice %arg6[%dma_wait3A_139, %dma_wait3A_140, %dma_wait3A_141] : memref<3x2x400xi32, #tpu.memory_space<vmem>> -> memref<1x2x400xi32, #tpu.memory_space<vmem>>
          %dma_wait3A_143 = tpu.memref_squeeze %dma_wait3A_142 : memref<1x2x400xi32, #tpu.memory_space<vmem>> -> memref<2x400xi32, #tpu.memory_space<vmem>>
          %dma_wait3A_144 = arith.constant 0 : i32
          %dma_wait3A_145 = arith.constant 0 : i32
          %dma_wait3A_146 = tpu.memref_slice %arg3[%arg1, %dma_wait3A_138, %dma_wait3A_144, %dma_wait3A_145] : memref<16x50x2x400xi32, #tpu.memory_space<hbm>> -> memref<1x1x2x400xi32, #tpu.memory_space<hbm>>
          %dma_wait3A_147 = tpu.memref_squeeze %dma_wait3A_146 : memref<1x1x2x400xi32, #tpu.memory_space<hbm>> -> memref<2x400xi32, #tpu.memory_space<hbm>>
          %dma_wait3A_148 = arith.constant 0 : i32
          %dma_wait3A_149 = arith.constant 0 : i32
          %dma_wait3A_150 = tpu.memref_slice %arg6[%dma_wait3A_139, %dma_wait3A_148, %dma_wait3A_149] : memref<3x2x400xi32, #tpu.memory_space<vmem>> -> memref<1x2x400xi32, #tpu.memory_space<vmem>>
          %dma_wait3A_151 = tpu.memref_squeeze %dma_wait3A_150 : memref<1x2x400xi32, #tpu.memory_space<vmem>> -> memref<2x400xi32, #tpu.memory_space<vmem>>
          %dma_wait3A_152 = arith.constant 0 : i32
          %dma_wait3A_153 = arith.constant 0 : i32
          %dma_wait3A_154 = tpu.memref_slice %arg3[%arg1, %dma_wait3A_138, %dma_wait3A_152, %dma_wait3A_153] : memref<16x50x2x400xi32, #tpu.memory_space<hbm>> -> memref<1x1x2x400xi32, #tpu.memory_space<hbm>>
          %dma_wait3A_155 = tpu.memref_squeeze %dma_wait3A_154 : memref<1x1x2x400xi32, #tpu.memory_space<hbm>> -> memref<2x400xi32, #tpu.memory_space<hbm>>
          tpu.wait_dma2 semaphore(%arg11 : memref<!tpu.dma_semaphore, #tpu.memory_space<semaphore_mem>>) src(%dma_wait3A_155 : memref<2x400xi32, #tpu.memory_space<hbm>>) dst(%dma_wait3A_151 : memref<2x400xi32, #tpu.memory_space<vmem>>)
          %eq3A_156 = arith.constant 1 : i32
          %eq3A_157 = arith.cmpi eq, %arg0, %eq3A_156 : i32
          %convert_element_type3A_158 = arith.extui %eq3A_157 : i1 to i32
          %cond3A_159 = arith.constant 0 : i32
          %cond3A_160 = arith.cmpi ne, %convert_element_type3A_158, %cond3A_159 : i32
          scf.if %cond3A_160 {
            %scan3A_174 = arith.constant 0 : i32
            %scan3A_175 = arith.constant 0 : i32
            %scan3A_176 = arith.constant 25 : i32
            %scan3A_177 = arith.addi %scan3A_175, %scan3A_176 : i32
            %scan3A_178 = arith.constant 1 : i32
            scf.for %scan3A_180 = %scan3A_175 to %scan3A_177 step %scan3A_178  : i32 {
              %mul3A_181 = arith.constant 16 : i32
              %mul3A_182 = arith.muli %scan3A_180, %mul3A_181 : i32
              %get3A = arith.constant 1 : i32
              %get3A_183 = arith.constant 0 : i32
              %get3A_184 = arith.index_cast %get3A : i32 to index
              %get3A_185 = arith.index_cast %get3A_183 : i32 to index
              %get3A_186 = arith.index_cast %mul3A_182 : i32 to index
              %get3A_187 = tpu.vector_load %arg6[%get3A_184, %get3A_185, %get3A_186] {strides = array<i32>} : memref<3x2x400xi32, #tpu.memory_space<vmem>>, vector<1x1x16xi32>,
              %get3A_188 = vector.shape_cast %get3A_187 : vector<1x1x16xi32> to vector<16xi32>
              %add3A_189 = arith.constant 1 : i32
              %add3A_190 = vector.broadcast %add3A_189 : i32 to vector<16xi32>
              %add3A_191 = arith.addi %get3A_188, %add3A_190 : vector<16xi32>
              %mul3A_192 = arith.constant 16 : i32
              %mul3A_193 = arith.muli %scan3A_180, %mul3A_192 : i32
              %swap3A = arith.constant 1 : i32
              %swap3A_194 = arith.constant 0 : i32
              %swap3A_195 = arith.index_cast %swap3A : i32 to index
              %swap3A_196 = arith.index_cast %swap3A_194 : i32 to index
              %swap3A_197 = arith.index_cast %mul3A_193 : i32 to index
              %swap3A_198 = tpu.vector_load %arg6[%swap3A_195, %swap3A_196, %swap3A_197] {strides = array<i32>} : memref<3x2x400xi32, #tpu.memory_space<vmem>>, vector<1x1x16xi32>,
              %swap3A_199 = vector.shape_cast %swap3A_198 : vector<1x1x16xi32> to vector<16xi32>
              %swap3A_200 = vector.shape_cast %add3A_191 : vector<16xi32> to vector<1x1x16xi32>
              tpu.vector_store %arg6[%swap3A_195, %swap3A_196, %swap3A_197], %swap3A_200 {strides = array<i32>} : memref<3x2x400xi32, #tpu.memory_space<vmem>>, vector<1x1x16xi32>,
            }
            %scan3A_179 = arith.constant 25 : i32
          } else {
          }
          %dma_start3A_161 = arith.constant 1 : i32
          %dma_start3A_162 = arith.constant 0 : i32
          %dma_start3A_163 = arith.constant 0 : i32
          %dma_start3A_164 = arith.constant 0 : i32
          %dma_start3A_165 = arith.constant 0 : i32
          %dma_start3A_166 = tpu.memref_slice %arg7[%dma_start3A_163, %dma_start3A_164, %dma_start3A_165] : memref<2x400x64xf32, #tpu.memory_space<vmem>> -> memref<1x400x64xf32, #tpu.memory_space<vmem>>
          %dma_start3A_167 = tpu.memref_squeeze %dma_start3A_166 : memref<1x400x64xf32, #tpu.memory_space<vmem>> -> memref<400x64xf32, #tpu.memory_space<vmem>>
          %dma_start3A_168 = arith.constant 0 : i32
          %dma_start3A_169 = tpu.memref_slice %arg6[%dma_start3A_161, %dma_start3A_162, %dma_start3A_168] : memref<3x2x400xi32, #tpu.memory_space<vmem>> -> memref<1x1x400xi32, #tpu.memory_space<vmem>>
          %dma_start3A_170 = tpu.memref_squeeze %dma_start3A_169 : memref<1x1x400xi32, #tpu.memory_space<vmem>> -> memref<400xi32, #tpu.memory_space<vmem>>
          %dma_start3A_171 = arith.constant 0 : i32
          %dma_start3A_172 = arith.constant 0 : i32
          %dma_start3A_173 = tpu.memref_slice %arg2[%dma_start3A_171, %dma_start3A_172] : memref<20000x64xf32, #tpu.memory_space<hbm>> -> memref<20000x64xf32, #tpu.memory_space<hbm>>
          tpu.enqueue_indirect_dma source(%dma_start3A_173 : memref<20000x64xf32, #tpu.memory_space<hbm>>) target(%dma_start3A_167 : memref<400x64xf32, #tpu.memory_space<vmem>>) offsets(%dma_start3A_170 : memref<400xi32, #tpu.memory_space<vmem>>) semaphore(%arg9 : memref<!tpu.dma_semaphore, #tpu.memory_space<semaphore_mem>>)
        } else {
        }
        %dma_wait3A_112 = arith.constant 0 : i32
        %dma_wait3A_113 = arith.constant 0 : i32
        %dma_wait3A_114 = arith.constant 0 : i32
        %dma_wait3A_115 = arith.constant 0 : i32
        %dma_wait3A_116 = arith.constant 0 : i32
        %dma_wait3A_117 = tpu.memref_slice %arg7[%dma_wait3A_114, %dma_wait3A_115, %dma_wait3A_116] : memref<2x400x64xf32, #tpu.memory_space<vmem>> -> memref<1x400x64xf32, #tpu.memory_space<vmem>>
        %dma_wait3A_118 = tpu.memref_squeeze %dma_wait3A_117 : memref<1x400x64xf32, #tpu.memory_space<vmem>> -> memref<400x64xf32, #tpu.memory_space<vmem>>
        %dma_wait3A_119 = arith.constant 0 : i32
        %dma_wait3A_120 = tpu.memref_slice %arg6[%dma_wait3A_112, %dma_wait3A_113, %dma_wait3A_119] : memref<3x2x400xi32, #tpu.memory_space<vmem>> -> memref<1x1x400xi32, #tpu.memory_space<vmem>>
        %dma_wait3A_121 = tpu.memref_squeeze %dma_wait3A_120 : memref<1x1x400xi32, #tpu.memory_space<vmem>> -> memref<400xi32, #tpu.memory_space<vmem>>
        %dma_wait3A_122 = arith.constant 0 : i32
        %dma_wait3A_123 = arith.constant 0 : i32
        %dma_wait3A_124 = tpu.memref_slice %arg2[%dma_wait3A_122, %dma_wait3A_123] : memref<20000x64xf32, #tpu.memory_space<hbm>> -> memref<20000x64xf32, #tpu.memory_space<hbm>>
        tpu.wait_indirect_dma semaphore(%arg9 : memref<!tpu.dma_semaphore, #tpu.memory_space<semaphore_mem>>) src(%dma_wait3A_124 : memref<20000x64xf32, #tpu.memory_space<hbm>>) dst(%dma_wait3A_118 : memref<400x64xf32, #tpu.memory_space<vmem>>)
        %dma_start3A_125 = arith.constant 1 : i32
        %dma_start3A_126 = arith.constant 0 : i32
        %dma_start3A_127 = arith.constant 1 : i32
        %dma_start3A_128 = arith.constant 0 : i32
        %dma_start3A_129 = arith.constant 0 : i32
        %dma_start3A_130 = tpu.memref_slice %arg7[%dma_start3A_125, %dma_start3A_128, %dma_start3A_129] : memref<2x400x64xf32, #tpu.memory_space<vmem>> -> memref<1x400x64xf32, #tpu.memory_space<vmem>>
        %dma_start3A_131 = tpu.memref_squeeze %dma_start3A_130 : memref<1x400x64xf32, #tpu.memory_space<vmem>> -> memref<400x64xf32, #tpu.memory_space<vmem>>
        %dma_start3A_132 = arith.constant 0 : i32
        %dma_start3A_133 = tpu.memref_slice %arg6[%dma_start3A_126, %dma_start3A_127, %dma_start3A_132] : memref<3x2x400xi32, #tpu.memory_space<vmem>> -> memref<1x1x400xi32, #tpu.memory_space<vmem>>
        %dma_start3A_134 = tpu.memref_squeeze %dma_start3A_133 : memref<1x1x400xi32, #tpu.memory_space<vmem>> -> memref<400xi32, #tpu.memory_space<vmem>>
        %dma_start3A_135 = arith.constant 0 : i32
        %dma_start3A_136 = arith.constant 0 : i32
        %dma_start3A_137 = tpu.memref_slice %arg8[%dma_start3A_135, %dma_start3A_136] : memref<10240x64xf32, #tpu.memory_space<vmem_shared>> -> memref<10240x64xf32, #tpu.memory_space<vmem_shared>>
        tpu.enqueue_indirect_dma source(%dma_start3A_131 : memref<400x64xf32, #tpu.memory_space<vmem>>) target(%dma_start3A_137 : memref<10240x64xf32, #tpu.memory_space<vmem_shared>>) offsets(%dma_start3A_134 : memref<400xi32, #tpu.memory_space<vmem>>) semaphore(%arg10 : memref<!tpu.dma_semaphore, #tpu.memory_space<semaphore_mem>>) {add = true}
      } else {
      }
      %rem3A_82 = arith.constant 6 : i32
      %rem3A_83 = arith.remsi %scan3A_54, %rem3A_82 : i32
      %eq3A_84 = arith.constant 4 : i32
      %eq3A_85 = arith.cmpi eq, %rem3A_83, %eq3A_84 : i32
      %convert_element_type3A_86 = arith.extui %eq3A_85 : i1 to i32
      %cond3A_87 = arith.constant 0 : i32
      %cond3A_88 = arith.cmpi ne, %convert_element_type3A_86, %cond3A_87 : i32
      scf.if %cond3A_88 {
        %ge3A = arith.constant 1 : i32
        %ge3A_96 = arith.cmpi sge, %scan3A_54, %ge3A : i32
        %convert_element_type3A_97 = arith.extui %ge3A_96 : i1 to i32
        %cond3A_98 = arith.constant 0 : i32
        %cond3A_99 = arith.cmpi ne, %convert_element_type3A_97, %cond3A_98 : i32
        scf.if %cond3A_99 {
          %dma_wait3A_138 = arith.constant 0 : i32
          %dma_wait3A_139 = arith.constant 0 : i32
          %dma_wait3A_140 = arith.constant 1 : i32
          %dma_wait3A_141 = arith.constant 0 : i32
          %dma_wait3A_142 = arith.constant 0 : i32
          %dma_wait3A_143 = tpu.memref_slice %arg7[%dma_wait3A_138, %dma_wait3A_141, %dma_wait3A_142] : memref<2x400x64xf32, #tpu.memory_space<vmem>> -> memref<1x400x64xf32, #tpu.memory_space<vmem>>
          %dma_wait3A_144 = tpu.memref_squeeze %dma_wait3A_143 : memref<1x400x64xf32, #tpu.memory_space<vmem>> -> memref<400x64xf32, #tpu.memory_space<vmem>>
          %dma_wait3A_145 = arith.constant 0 : i32
          %dma_wait3A_146 = tpu.memref_slice %arg6[%dma_wait3A_139, %dma_wait3A_140, %dma_wait3A_145] : memref<3x2x400xi32, #tpu.memory_space<vmem>> -> memref<1x1x400xi32, #tpu.memory_space<vmem>>
          %dma_wait3A_147 = tpu.memref_squeeze %dma_wait3A_146 : memref<1x1x400xi32, #tpu.memory_space<vmem>> -> memref<400xi32, #tpu.memory_space<vmem>>
          %dma_wait3A_148 = arith.constant 0 : i32
          %dma_wait3A_149 = arith.constant 0 : i32
          %dma_wait3A_150 = tpu.memref_slice %arg8[%dma_wait3A_148, %dma_wait3A_149] : memref<10240x64xf32, #tpu.memory_space<vmem_shared>> -> memref<10240x64xf32, #tpu.memory_space<vmem_shared>>
          tpu.wait_indirect_dma semaphore(%arg10 : memref<!tpu.dma_semaphore, #tpu.memory_space<semaphore_mem>>) src(%dma_wait3A_144 : memref<400x64xf32, #tpu.memory_space<vmem>>) dst(%dma_wait3A_150 : memref<10240x64xf32, #tpu.memory_space<vmem_shared>>)
        } else {
        }
        %add3A = arith.constant 2 : i32
        %add3A_100 = arith.addi %scan3A_54, %add3A : i32
        %lt3A = arith.constant 50 : i32
        %lt3A_101 = arith.cmpi slt, %add3A_100, %lt3A : i32
        %convert_element_type3A_102 = arith.extui %lt3A_101 : i1 to i32
        %cond3A_103 = arith.constant 0 : i32
        %cond3A_104 = arith.cmpi ne, %convert_element_type3A_102, %cond3A_103 : i32
        scf.if %cond3A_104 {
          %add3A_138 = arith.constant 2 : i32
          %add3A_139 = arith.addi %scan3A_54, %add3A_138 : i32
          %dma_start3A_140 = arith.constant 0 : i32
          %dma_start3A_141 = arith.constant 0 : i32
          %dma_start3A_142 = arith.constant 0 : i32
          %dma_start3A_143 = tpu.memref_slice %arg6[%dma_start3A_140, %dma_start3A_141, %dma_start3A_142] : memref<3x2x400xi32, #tpu.memory_space<vmem>> -> memref<1x2x400xi32, #tpu.memory_space<vmem>>
          %dma_start3A_144 = tpu.memref_squeeze %dma_start3A_143 : memref<1x2x400xi32, #tpu.memory_space<vmem>> -> memref<2x400xi32, #tpu.memory_space<vmem>>
          %dma_start3A_145 = arith.constant 0 : i32
          %dma_start3A_146 = arith.constant 0 : i32
          %dma_start3A_147 = tpu.memref_slice %arg3[%arg1, %add3A_139, %dma_start3A_145, %dma_start3A_146] : memref<16x50x2x400xi32, #tpu.memory_space<hbm>> -> memref<1x1x2x400xi32, #tpu.memory_space<hbm>>
          %dma_start3A_148 = tpu.memref_squeeze %dma_start3A_147 : memref<1x1x2x400xi32, #tpu.memory_space<hbm>> -> memref<2x400xi32, #tpu.memory_space<hbm>>
          %dma_start3A_149 = arith.constant 0 : i32
          %dma_start3A_150 = arith.constant 0 : i32
          %dma_start3A_151 = tpu.memref_slice %arg6[%dma_start3A_140, %dma_start3A_149, %dma_start3A_150] : memref<3x2x400xi32, #tpu.memory_space<vmem>> -> memref<1x2x400xi32, #tpu.memory_space<vmem>>
          %dma_start3A_152 = tpu.memref_squeeze %dma_start3A_151 : memref<1x2x400xi32, #tpu.memory_space<vmem>> -> memref<2x400xi32, #tpu.memory_space<vmem>>
          %dma_start3A_153 = arith.constant 0 : i32
          %dma_start3A_154 = arith.constant 0 : i32
          %dma_start3A_155 = tpu.memref_slice %arg3[%arg1, %add3A_139, %dma_start3A_153, %dma_start3A_154] : memref<16x50x2x400xi32, #tpu.memory_space<hbm>> -> memref<1x1x2x400xi32, #tpu.memory_space<hbm>>
          %dma_start3A_156 = tpu.memref_squeeze %dma_start3A_155 : memref<1x1x2x400xi32, #tpu.memory_space<hbm>> -> memref<2x400xi32, #tpu.memory_space<hbm>>
          tpu.enqueue_dma source(%dma_start3A_156 : memref<2x400xi32, #tpu.memory_space<hbm>>) target(%dma_start3A_152 : memref<2x400xi32, #tpu.memory_space<vmem>>) target_semaphore(%arg11 : memref<!tpu.dma_semaphore, #tpu.memory_space<semaphore_mem>>)
        } else {
        }
        %add3A_105 = arith.constant 1 : i32
        %add3A_106 = arith.addi %scan3A_54, %add3A_105 : i32
        %lt3A_107 = arith.constant 50 : i32
        %lt3A_108 = arith.cmpi slt, %add3A_106, %lt3A_107 : i32
        %convert_element_type3A_109 = arith.extui %lt3A_108 : i1 to i32
        %cond3A_110 = arith.constant 0 : i32
        %cond3A_111 = arith.cmpi ne, %convert_element_type3A_109, %cond3A_110 : i32
        scf.if %cond3A_111 {
          %dma_wait3A_138 = arith.constant 0 : i32
          %dma_wait3A_139 = arith.constant 0 : i32
          %dma_wait3A_140 = arith.constant 0 : i32
          %dma_wait3A_141 = arith.constant 0 : i32
          %dma_wait3A_142 = tpu.memref_slice %arg6[%dma_wait3A_139, %dma_wait3A_140, %dma_wait3A_141] : memref<3x2x400xi32, #tpu.memory_space<vmem>> -> memref<1x2x400xi32, #tpu.memory_space<vmem>>
          %dma_wait3A_143 = tpu.memref_squeeze %dma_wait3A_142 : memref<1x2x400xi32, #tpu.memory_space<vmem>> -> memref<2x400xi32, #tpu.memory_space<vmem>>
          %dma_wait3A_144 = arith.constant 0 : i32
          %dma_wait3A_145 = arith.constant 0 : i32
          %dma_wait3A_146 = tpu.memref_slice %arg3[%arg1, %dma_wait3A_138, %dma_wait3A_144, %dma_wait3A_145] : memref<16x50x2x400xi32, #tpu.memory_space<hbm>> -> memref<1x1x2x400xi32, #tpu.memory_space<hbm>>
          %dma_wait3A_147 = tpu.memref_squeeze %dma_wait3A_146 : memref<1x1x2x400xi32, #tpu.memory_space<hbm>> -> memref<2x400xi32, #tpu.memory_space<hbm>>
          %dma_wait3A_148 = arith.constant 0 : i32
          %dma_wait3A_149 = arith.constant 0 : i32
          %dma_wait3A_150 = tpu.memref_slice %arg6[%dma_wait3A_139, %dma_wait3A_148, %dma_wait3A_149] : memref<3x2x400xi32, #tpu.memory_space<vmem>> -> memref<1x2x400xi32, #tpu.memory_space<vmem>>
          %dma_wait3A_151 = tpu.memref_squeeze %dma_wait3A_150 : memref<1x2x400xi32, #tpu.memory_space<vmem>> -> memref<2x400xi32, #tpu.memory_space<vmem>>
          %dma_wait3A_152 = arith.constant 0 : i32
          %dma_wait3A_153 = arith.constant 0 : i32
          %dma_wait3A_154 = tpu.memref_slice %arg3[%arg1, %dma_wait3A_138, %dma_wait3A_152, %dma_wait3A_153] : memref<16x50x2x400xi32, #tpu.memory_space<hbm>> -> memref<1x1x2x400xi32, #tpu.memory_space<hbm>>
          %dma_wait3A_155 = tpu.memref_squeeze %dma_wait3A_154 : memref<1x1x2x400xi32, #tpu.memory_space<hbm>> -> memref<2x400xi32, #tpu.memory_space<hbm>>
          tpu.wait_dma2 semaphore(%arg11 : memref<!tpu.dma_semaphore, #tpu.memory_space<semaphore_mem>>) src(%dma_wait3A_155 : memref<2x400xi32, #tpu.memory_space<hbm>>) dst(%dma_wait3A_151 : memref<2x400xi32, #tpu.memory_space<vmem>>)
          %eq3A_156 = arith.constant 1 : i32
          %eq3A_157 = arith.cmpi eq, %arg0, %eq3A_156 : i32
          %convert_element_type3A_158 = arith.extui %eq3A_157 : i1 to i32
          %cond3A_159 = arith.constant 0 : i32
          %cond3A_160 = arith.cmpi ne, %convert_element_type3A_158, %cond3A_159 : i32
          scf.if %cond3A_160 {
            %scan3A_174 = arith.constant 0 : i32
            %scan3A_175 = arith.constant 0 : i32
            %scan3A_176 = arith.constant 25 : i32
            %scan3A_177 = arith.addi %scan3A_175, %scan3A_176 : i32
            %scan3A_178 = arith.constant 1 : i32
            scf.for %scan3A_180 = %scan3A_175 to %scan3A_177 step %scan3A_178  : i32 {
              %mul3A_181 = arith.constant 16 : i32
              %mul3A_182 = arith.muli %scan3A_180, %mul3A_181 : i32
              %get3A = arith.constant 2 : i32
              %get3A_183 = arith.constant 0 : i32
              %get3A_184 = arith.index_cast %get3A : i32 to index
              %get3A_185 = arith.index_cast %get3A_183 : i32 to index
              %get3A_186 = arith.index_cast %mul3A_182 : i32 to index
              %get3A_187 = tpu.vector_load %arg6[%get3A_184, %get3A_185, %get3A_186] {strides = array<i32>} : memref<3x2x400xi32, #tpu.memory_space<vmem>>, vector<1x1x16xi32>,
              %get3A_188 = vector.shape_cast %get3A_187 : vector<1x1x16xi32> to vector<16xi32>
              %add3A_189 = arith.constant 1 : i32
              %add3A_190 = vector.broadcast %add3A_189 : i32 to vector<16xi32>
              %add3A_191 = arith.addi %get3A_188, %add3A_190 : vector<16xi32>
              %mul3A_192 = arith.constant 16 : i32
              %mul3A_193 = arith.muli %scan3A_180, %mul3A_192 : i32
              %swap3A = arith.constant 2 : i32
              %swap3A_194 = arith.constant 0 : i32
              %swap3A_195 = arith.index_cast %swap3A : i32 to index
              %swap3A_196 = arith.index_cast %swap3A_194 : i32 to index
              %swap3A_197 = arith.index_cast %mul3A_193 : i32 to index
              %swap3A_198 = tpu.vector_load %arg6[%swap3A_195, %swap3A_196, %swap3A_197] {strides = array<i32>} : memref<3x2x400xi32, #tpu.memory_space<vmem>>, vector<1x1x16xi32>,
              %swap3A_199 = vector.shape_cast %swap3A_198 : vector<1x1x16xi32> to vector<16xi32>
              %swap3A_200 = vector.shape_cast %add3A_191 : vector<16xi32> to vector<1x1x16xi32>
              tpu.vector_store %arg6[%swap3A_195, %swap3A_196, %swap3A_197], %swap3A_200 {strides = array<i32>} : memref<3x2x400xi32, #tpu.memory_space<vmem>>, vector<1x1x16xi32>,
            }
            %scan3A_179 = arith.constant 25 : i32
          } else {
          }
          %dma_start3A_161 = arith.constant 2 : i32
          %dma_start3A_162 = arith.constant 0 : i32
          %dma_start3A_163 = arith.constant 1 : i32
          %dma_start3A_164 = arith.constant 0 : i32
          %dma_start3A_165 = arith.constant 0 : i32
          %dma_start3A_166 = tpu.memref_slice %arg7[%dma_start3A_163, %dma_start3A_164, %dma_start3A_165] : memref<2x400x64xf32, #tpu.memory_space<vmem>> -> memref<1x400x64xf32, #tpu.memory_space<vmem>>
          %dma_start3A_167 = tpu.memref_squeeze %dma_start3A_166 : memref<1x400x64xf32, #tpu.memory_space<vmem>> -> memref<400x64xf32, #tpu.memory_space<vmem>>
          %dma_start3A_168 = arith.constant 0 : i32
          %dma_start3A_169 = tpu.memref_slice %arg6[%dma_start3A_161, %dma_start3A_162, %dma_start3A_168] : memref<3x2x400xi32, #tpu.memory_space<vmem>> -> memref<1x1x400xi32, #tpu.memory_space<vmem>>
          %dma_start3A_170 = tpu.memref_squeeze %dma_start3A_169 : memref<1x1x400xi32, #tpu.memory_space<vmem>> -> memref<400xi32, #tpu.memory_space<vmem>>
          %dma_start3A_171 = arith.constant 0 : i32
          %dma_start3A_172 = arith.constant 0 : i32
          %dma_start3A_173 = tpu.memref_slice %arg2[%dma_start3A_171, %dma_start3A_172] : memref<20000x64xf32, #tpu.memory_space<hbm>> -> memref<20000x64xf32, #tpu.memory_space<hbm>>
          tpu.enqueue_indirect_dma source(%dma_start3A_173 : memref<20000x64xf32, #tpu.memory_space<hbm>>) target(%dma_start3A_167 : memref<400x64xf32, #tpu.memory_space<vmem>>) offsets(%dma_start3A_170 : memref<400xi32, #tpu.memory_space<vmem>>) semaphore(%arg9 : memref<!tpu.dma_semaphore, #tpu.memory_space<semaphore_mem>>)
        } else {
        }
        %dma_wait3A_112 = arith.constant 0 : i32
        %dma_wait3A_113 = arith.constant 0 : i32
        %dma_wait3A_114 = arith.constant 0 : i32
        %dma_wait3A_115 = arith.constant 0 : i32
        %dma_wait3A_116 = arith.constant 0 : i32
        %dma_wait3A_117 = tpu.memref_slice %arg7[%dma_wait3A_114, %dma_wait3A_115, %dma_wait3A_116] : memref<2x400x64xf32, #tpu.memory_space<vmem>> -> memref<1x400x64xf32, #tpu.memory_space<vmem>>
        %dma_wait3A_118 = tpu.memref_squeeze %dma_wait3A_117 : memref<1x400x64xf32, #tpu.memory_space<vmem>> -> memref<400x64xf32, #tpu.memory_space<vmem>>
        %dma_wait3A_119 = arith.constant 0 : i32
        %dma_wait3A_120 = tpu.memref_slice %arg6[%dma_wait3A_112, %dma_wait3A_113, %dma_wait3A_119] : memref<3x2x400xi32, #tpu.memory_space<vmem>> -> memref<1x1x400xi32, #tpu.memory_space<vmem>>
        %dma_wait3A_121 = tpu.memref_squeeze %dma_wait3A_120 : memref<1x1x400xi32, #tpu.memory_space<vmem>> -> memref<400xi32, #tpu.memory_space<vmem>>
        %dma_wait3A_122 = arith.constant 0 : i32
        %dma_wait3A_123 = arith.constant 0 : i32
        %dma_wait3A_124 = tpu.memref_slice %arg2[%dma_wait3A_122, %dma_wait3A_123] : memref<20000x64xf32, #tpu.memory_space<hbm>> -> memref<20000x64xf32, #tpu.memory_space<hbm>>
        tpu.wait_indirect_dma semaphore(%arg9 : memref<!tpu.dma_semaphore, #tpu.memory_space<semaphore_mem>>) src(%dma_wait3A_124 : memref<20000x64xf32, #tpu.memory_space<hbm>>) dst(%dma_wait3A_118 : memref<400x64xf32, #tpu.memory_space<vmem>>)
        %dma_start3A_125 = arith.constant 0 : i32
        %dma_start3A_126 = arith.constant 1 : i32
        %dma_start3A_127 = arith.constant 1 : i32
        %dma_start3A_128 = arith.constant 0 : i32
        %dma_start3A_129 = arith.constant 0 : i32
        %dma_start3A_130 = tpu.memref_slice %arg7[%dma_start3A_125, %dma_start3A_128, %dma_start3A_129] : memref<2x400x64xf32, #tpu.memory_space<vmem>> -> memref<1x400x64xf32, #tpu.memory_space<vmem>>
        %dma_start3A_131 = tpu.memref_squeeze %dma_start3A_130 : memref<1x400x64xf32, #tpu.memory_space<vmem>> -> memref<400x64xf32, #tpu.memory_space<vmem>>
        %dma_start3A_132 = arith.constant 0 : i32
        %dma_start3A_133 = tpu.memref_slice %arg6[%dma_start3A_126, %dma_start3A_127, %dma_start3A_132] : memref<3x2x400xi32, #tpu.memory_space<vmem>> -> memref<1x1x400xi32, #tpu.memory_space<vmem>>
        %dma_start3A_134 = tpu.memref_squeeze %dma_start3A_133 : memref<1x1x400xi32, #tpu.memory_space<vmem>> -> memref<400xi32, #tpu.memory_space<vmem>>
        %dma_start3A_135 = arith.constant 0 : i32
        %dma_start3A_136 = arith.constant 0 : i32
        %dma_start3A_137 = tpu.memref_slice %arg8[%dma_start3A_135, %dma_start3A_136] : memref<10240x64xf32, #tpu.memory_space<vmem_shared>> -> memref<10240x64xf32, #tpu.memory_space<vmem_shared>>
        tpu.enqueue_indirect_dma source(%dma_start3A_131 : memref<400x64xf32, #tpu.memory_space<vmem>>) target(%dma_start3A_137 : memref<10240x64xf32, #tpu.memory_space<vmem_shared>>) offsets(%dma_start3A_134 : memref<400xi32, #tpu.memory_space<vmem>>) semaphore(%arg10 : memref<!tpu.dma_semaphore, #tpu.memory_space<semaphore_mem>>) {add = true}
      } else {
      }
      %rem3A_89 = arith.constant 6 : i32
      %rem3A_90 = arith.remsi %scan3A_54, %rem3A_89 : i32
      %eq3A_91 = arith.constant 5 : i32
      %eq3A_92 = arith.cmpi eq, %rem3A_90, %eq3A_91 : i32
      %convert_element_type3A_93 = arith.extui %eq3A_92 : i1 to i32
      %cond3A_94 = arith.constant 0 : i32
      %cond3A_95 = arith.cmpi ne, %convert_element_type3A_93, %cond3A_94 : i32
      scf.if %cond3A_95 {
        %ge3A = arith.constant 1 : i32
        %ge3A_96 = arith.cmpi sge, %scan3A_54, %ge3A : i32
        %convert_element_type3A_97 = arith.extui %ge3A_96 : i1 to i32
        %cond3A_98 = arith.constant 0 : i32
        %cond3A_99 = arith.cmpi ne, %convert_element_type3A_97, %cond3A_98 : i32
        scf.if %cond3A_99 {
          %dma_wait3A_138 = arith.constant 0 : i32
          %dma_wait3A_139 = arith.constant 0 : i32
          %dma_wait3A_140 = arith.constant 1 : i32
          %dma_wait3A_141 = arith.constant 0 : i32
          %dma_wait3A_142 = arith.constant 0 : i32
          %dma_wait3A_143 = tpu.memref_slice %arg7[%dma_wait3A_138, %dma_wait3A_141, %dma_wait3A_142] : memref<2x400x64xf32, #tpu.memory_space<vmem>> -> memref<1x400x64xf32, #tpu.memory_space<vmem>>
          %dma_wait3A_144 = tpu.memref_squeeze %dma_wait3A_143 : memref<1x400x64xf32, #tpu.memory_space<vmem>> -> memref<400x64xf32, #tpu.memory_space<vmem>>
          %dma_wait3A_145 = arith.constant 0 : i32
          %dma_wait3A_146 = tpu.memref_slice %arg6[%dma_wait3A_139, %dma_wait3A_140, %dma_wait3A_145] : memref<3x2x400xi32, #tpu.memory_space<vmem>> -> memref<1x1x400xi32, #tpu.memory_space<vmem>>
          %dma_wait3A_147 = tpu.memref_squeeze %dma_wait3A_146 : memref<1x1x400xi32, #tpu.memory_space<vmem>> -> memref<400xi32, #tpu.memory_space<vmem>>
          %dma_wait3A_148 = arith.constant 0 : i32
          %dma_wait3A_149 = arith.constant 0 : i32
          %dma_wait3A_150 = tpu.memref_slice %arg8[%dma_wait3A_148, %dma_wait3A_149] : memref<10240x64xf32, #tpu.memory_space<vmem_shared>> -> memref<10240x64xf32, #tpu.memory_space<vmem_shared>>
          tpu.wait_indirect_dma semaphore(%arg10 : memref<!tpu.dma_semaphore, #tpu.memory_space<semaphore_mem>>) src(%dma_wait3A_144 : memref<400x64xf32, #tpu.memory_space<vmem>>) dst(%dma_wait3A_150 : memref<10240x64xf32, #tpu.memory_space<vmem_shared>>)
        } else {
        }
        %add3A = arith.constant 2 : i32
        %add3A_100 = arith.addi %scan3A_54, %add3A : i32
        %lt3A = arith.constant 50 : i32
        %lt3A_101 = arith.cmpi slt, %add3A_100, %lt3A : i32
        %convert_element_type3A_102 = arith.extui %lt3A_101 : i1 to i32
        %cond3A_103 = arith.constant 0 : i32
        %cond3A_104 = arith.cmpi ne, %convert_element_type3A_102, %cond3A_103 : i32
        scf.if %cond3A_104 {
          %add3A_138 = arith.constant 2 : i32
          %add3A_139 = arith.addi %scan3A_54, %add3A_138 : i32
          %dma_start3A_140 = arith.constant 1 : i32
          %dma_start3A_141 = arith.constant 0 : i32
          %dma_start3A_142 = arith.constant 0 : i32
          %dma_start3A_143 = tpu.memref_slice %arg6[%dma_start3A_140, %dma_start3A_141, %dma_start3A_142] : memref<3x2x400xi32, #tpu.memory_space<vmem>> -> memref<1x2x400xi32, #tpu.memory_space<vmem>>
          %dma_start3A_144 = tpu.memref_squeeze %dma_start3A_143 : memref<1x2x400xi32, #tpu.memory_space<vmem>> -> memref<2x400xi32, #tpu.memory_space<vmem>>
          %dma_start3A_145 = arith.constant 0 : i32
          %dma_start3A_146 = arith.constant 0 : i32
          %dma_start3A_147 = tpu.memref_slice %arg3[%arg1, %add3A_139, %dma_start3A_145, %dma_start3A_146] : memref<16x50x2x400xi32, #tpu.memory_space<hbm>> -> memref<1x1x2x400xi32, #tpu.memory_space<hbm>>
          %dma_start3A_148 = tpu.memref_squeeze %dma_start3A_147 : memref<1x1x2x400xi32, #tpu.memory_space<hbm>> -> memref<2x400xi32, #tpu.memory_space<hbm>>
          %dma_start3A_149 = arith.constant 0 : i32
          %dma_start3A_150 = arith.constant 0 : i32
          %dma_start3A_151 = tpu.memref_slice %arg6[%dma_start3A_140, %dma_start3A_149, %dma_start3A_150] : memref<3x2x400xi32, #tpu.memory_space<vmem>> -> memref<1x2x400xi32, #tpu.memory_space<vmem>>
          %dma_start3A_152 = tpu.memref_squeeze %dma_start3A_151 : memref<1x2x400xi32, #tpu.memory_space<vmem>> -> memref<2x400xi32, #tpu.memory_space<vmem>>
          %dma_start3A_153 = arith.constant 0 : i32
          %dma_start3A_154 = arith.constant 0 : i32
          %dma_start3A_155 = tpu.memref_slice %arg3[%arg1, %add3A_139, %dma_start3A_153, %dma_start3A_154] : memref<16x50x2x400xi32, #tpu.memory_space<hbm>> -> memref<1x1x2x400xi32, #tpu.memory_space<hbm>>
          %dma_start3A_156 = tpu.memref_squeeze %dma_start3A_155 : memref<1x1x2x400xi32, #tpu.memory_space<hbm>> -> memref<2x400xi32, #tpu.memory_space<hbm>>
          tpu.enqueue_dma source(%dma_start3A_156 : memref<2x400xi32, #tpu.memory_space<hbm>>) target(%dma_start3A_152 : memref<2x400xi32, #tpu.memory_space<vmem>>) target_semaphore(%arg11 : memref<!tpu.dma_semaphore, #tpu.memory_space<semaphore_mem>>)
        } else {
        }
        %add3A_105 = arith.constant 1 : i32
        %add3A_106 = arith.addi %scan3A_54, %add3A_105 : i32
        %lt3A_107 = arith.constant 50 : i32
        %lt3A_108 = arith.cmpi slt, %add3A_106, %lt3A_107 : i32
        %convert_element_type3A_109 = arith.extui %lt3A_108 : i1 to i32
        %cond3A_110 = arith.constant 0 : i32
        %cond3A_111 = arith.cmpi ne, %convert_element_type3A_109, %cond3A_110 : i32
        scf.if %cond3A_111 {
          %dma_wait3A_138 = arith.constant 0 : i32
          %dma_wait3A_139 = arith.constant 0 : i32
          %dma_wait3A_140 = arith.constant 0 : i32
          %dma_wait3A_141 = arith.constant 0 : i32
          %dma_wait3A_142 = tpu.memref_slice %arg6[%dma_wait3A_139, %dma_wait3A_140, %dma_wait3A_141] : memref<3x2x400xi32, #tpu.memory_space<vmem>> -> memref<1x2x400xi32, #tpu.memory_space<vmem>>
          %dma_wait3A_143 = tpu.memref_squeeze %dma_wait3A_142 : memref<1x2x400xi32, #tpu.memory_space<vmem>> -> memref<2x400xi32, #tpu.memory_space<vmem>>
          %dma_wait3A_144 = arith.constant 0 : i32
          %dma_wait3A_145 = arith.constant 0 : i32
          %dma_wait3A_146 = tpu.memref_slice %arg3[%arg1, %dma_wait3A_138, %dma_wait3A_144, %dma_wait3A_145] : memref<16x50x2x400xi32, #tpu.memory_space<hbm>> -> memref<1x1x2x400xi32, #tpu.memory_space<hbm>>
          %dma_wait3A_147 = tpu.memref_squeeze %dma_wait3A_146 : memref<1x1x2x400xi32, #tpu.memory_space<hbm>> -> memref<2x400xi32, #tpu.memory_space<hbm>>
          %dma_wait3A_148 = arith.constant 0 : i32
          %dma_wait3A_149 = arith.constant 0 : i32
          %dma_wait3A_150 = tpu.memref_slice %arg6[%dma_wait3A_139, %dma_wait3A_148, %dma_wait3A_149] : memref<3x2x400xi32, #tpu.memory_space<vmem>> -> memref<1x2x400xi32, #tpu.memory_space<vmem>>
          %dma_wait3A_151 = tpu.memref_squeeze %dma_wait3A_150 : memref<1x2x400xi32, #tpu.memory_space<vmem>> -> memref<2x400xi32, #tpu.memory_space<vmem>>
          %dma_wait3A_152 = arith.constant 0 : i32
          %dma_wait3A_153 = arith.constant 0 : i32
          %dma_wait3A_154 = tpu.memref_slice %arg3[%arg1, %dma_wait3A_138, %dma_wait3A_152, %dma_wait3A_153] : memref<16x50x2x400xi32, #tpu.memory_space<hbm>> -> memref<1x1x2x400xi32, #tpu.memory_space<hbm>>
          %dma_wait3A_155 = tpu.memref_squeeze %dma_wait3A_154 : memref<1x1x2x400xi32, #tpu.memory_space<hbm>> -> memref<2x400xi32, #tpu.memory_space<hbm>>
          tpu.wait_dma2 semaphore(%arg11 : memref<!tpu.dma_semaphore, #tpu.memory_space<semaphore_mem>>) src(%dma_wait3A_155 : memref<2x400xi32, #tpu.memory_space<hbm>>) dst(%dma_wait3A_151 : memref<2x400xi32, #tpu.memory_space<vmem>>)
          %eq3A_156 = arith.constant 1 : i32
          %eq3A_157 = arith.cmpi eq, %arg0, %eq3A_156 : i32
          %convert_element_type3A_158 = arith.extui %eq3A_157 : i1 to i32
          %cond3A_159 = arith.constant 0 : i32
          %cond3A_160 = arith.cmpi ne, %convert_element_type3A_158, %cond3A_159 : i32
          scf.if %cond3A_160 {
            %scan3A_174 = arith.constant 0 : i32
            %scan3A_175 = arith.constant 0 : i32
            %scan3A_176 = arith.constant 25 : i32
            %scan3A_177 = arith.addi %scan3A_175, %scan3A_176 : i32
            %scan3A_178 = arith.constant 1 : i32
            scf.for %scan3A_180 = %scan3A_175 to %scan3A_177 step %scan3A_178  : i32 {
              %mul3A_181 = arith.constant 16 : i32
              %mul3A_182 = arith.muli %scan3A_180, %mul3A_181 : i32
              %get3A = arith.constant 0 : i32
              %get3A_183 = arith.constant 0 : i32
              %get3A_184 = arith.index_cast %get3A : i32 to index
              %get3A_185 = arith.index_cast %get3A_183 : i32 to index
              %get3A_186 = arith.index_cast %mul3A_182 : i32 to index
              %get3A_187 = tpu.vector_load %arg6[%get3A_184, %get3A_185, %get3A_186] {strides = array<i32>} : memref<3x2x400xi32, #tpu.memory_space<vmem>>, vector<1x1x16xi32>,
              %get3A_188 = vector.shape_cast %get3A_187 : vector<1x1x16xi32> to vector<16xi32>
              %add3A_189 = arith.constant 1 : i32
              %add3A_190 = vector.broadcast %add3A_189 : i32 to vector<16xi32>
              %add3A_191 = arith.addi %get3A_188, %add3A_190 : vector<16xi32>
              %mul3A_192 = arith.constant 16 : i32
              %mul3A_193 = arith.muli %scan3A_180, %mul3A_192 : i32
              %swap3A = arith.constant 0 : i32
              %swap3A_194 = arith.constant 0 : i32
              %swap3A_195 = arith.index_cast %swap3A : i32 to index
              %swap3A_196 = arith.index_cast %swap3A_194 : i32 to index
              %swap3A_197 = arith.index_cast %mul3A_193 : i32 to index
              %swap3A_198 = tpu.vector_load %arg6[%swap3A_195, %swap3A_196, %swap3A_197] {strides = array<i32>} : memref<3x2x400xi32, #tpu.memory_space<vmem>>, vector<1x1x16xi32>,
              %swap3A_199 = vector.shape_cast %swap3A_198 : vector<1x1x16xi32> to vector<16xi32>
              %swap3A_200 = vector.shape_cast %add3A_191 : vector<16xi32> to vector<1x1x16xi32>
              tpu.vector_store %arg6[%swap3A_195, %swap3A_196, %swap3A_197], %swap3A_200 {strides = array<i32>} : memref<3x2x400xi32, #tpu.memory_space<vmem>>, vector<1x1x16xi32>,
            }
            %scan3A_179 = arith.constant 25 : i32
          } else {
          }
          %dma_start3A_161 = arith.constant 0 : i32
          %dma_start3A_162 = arith.constant 0 : i32
          %dma_start3A_163 = arith.constant 0 : i32
          %dma_start3A_164 = arith.constant 0 : i32
          %dma_start3A_165 = arith.constant 0 : i32
          %dma_start3A_166 = tpu.memref_slice %arg7[%dma_start3A_163, %dma_start3A_164, %dma_start3A_165] : memref<2x400x64xf32, #tpu.memory_space<vmem>> -> memref<1x400x64xf32, #tpu.memory_space<vmem>>
          %dma_start3A_167 = tpu.memref_squeeze %dma_start3A_166 : memref<1x400x64xf32, #tpu.memory_space<vmem>> -> memref<400x64xf32, #tpu.memory_space<vmem>>
          %dma_start3A_168 = arith.constant 0 : i32
          %dma_start3A_169 = tpu.memref_slice %arg6[%dma_start3A_161, %dma_start3A_162, %dma_start3A_168] : memref<3x2x400xi32, #tpu.memory_space<vmem>> -> memref<1x1x400xi32, #tpu.memory_space<vmem>>
          %dma_start3A_170 = tpu.memref_squeeze %dma_start3A_169 : memref<1x1x400xi32, #tpu.memory_space<vmem>> -> memref<400xi32, #tpu.memory_space<vmem>>
          %dma_start3A_171 = arith.constant 0 : i32
          %dma_start3A_172 = arith.constant 0 : i32
          %dma_start3A_173 = tpu.memref_slice %arg2[%dma_start3A_171, %dma_start3A_172] : memref<20000x64xf32, #tpu.memory_space<hbm>> -> memref<20000x64xf32, #tpu.memory_space<hbm>>
          tpu.enqueue_indirect_dma source(%dma_start3A_173 : memref<20000x64xf32, #tpu.memory_space<hbm>>) target(%dma_start3A_167 : memref<400x64xf32, #tpu.memory_space<vmem>>) offsets(%dma_start3A_170 : memref<400xi32, #tpu.memory_space<vmem>>) semaphore(%arg9 : memref<!tpu.dma_semaphore, #tpu.memory_space<semaphore_mem>>)
        } else {
        }
        %dma_wait3A_112 = arith.constant 0 : i32
        %dma_wait3A_113 = arith.constant 0 : i32
        %dma_wait3A_114 = arith.constant 0 : i32
        %dma_wait3A_115 = arith.constant 0 : i32
        %dma_wait3A_116 = arith.constant 0 : i32
        %dma_wait3A_117 = tpu.memref_slice %arg7[%dma_wait3A_114, %dma_wait3A_115, %dma_wait3A_116] : memref<2x400x64xf32, #tpu.memory_space<vmem>> -> memref<1x400x64xf32, #tpu.memory_space<vmem>>
        %dma_wait3A_118 = tpu.memref_squeeze %dma_wait3A_117 : memref<1x400x64xf32, #tpu.memory_space<vmem>> -> memref<400x64xf32, #tpu.memory_space<vmem>>
        %dma_wait3A_119 = arith.constant 0 : i32
        %dma_wait3A_120 = tpu.memref_slice %arg6[%dma_wait3A_112, %dma_wait3A_113, %dma_wait3A_119] : memref<3x2x400xi32, #tpu.memory_space<vmem>> -> memref<1x1x400xi32, #tpu.memory_space<vmem>>
        %dma_wait3A_121 = tpu.memref_squeeze %dma_wait3A_120 : memref<1x1x400xi32, #tpu.memory_space<vmem>> -> memref<400xi32, #tpu.memory_space<vmem>>
        %dma_wait3A_122 = arith.constant 0 : i32
        %dma_wait3A_123 = arith.constant 0 : i32
        %dma_wait3A_124 = tpu.memref_slice %arg2[%dma_wait3A_122, %dma_wait3A_123] : memref<20000x64xf32, #tpu.memory_space<hbm>> -> memref<20000x64xf32, #tpu.memory_space<hbm>>
        tpu.wait_indirect_dma semaphore(%arg9 : memref<!tpu.dma_semaphore, #tpu.memory_space<semaphore_mem>>) src(%dma_wait3A_124 : memref<20000x64xf32, #tpu.memory_space<hbm>>) dst(%dma_wait3A_118 : memref<400x64xf32, #tpu.memory_space<vmem>>)
        %dma_start3A_125 = arith.constant 1 : i32
        %dma_start3A_126 = arith.constant 2 : i32
        %dma_start3A_127 = arith.constant 1 : i32
        %dma_start3A_128 = arith.constant 0 : i32
        %dma_start3A_129 = arith.constant 0 : i32
        %dma_start3A_130 = tpu.memref_slice %arg7[%dma_start3A_125, %dma_start3A_128, %dma_start3A_129] : memref<2x400x64xf32, #tpu.memory_space<vmem>> -> memref<1x400x64xf32, #tpu.memory_space<vmem>>
        %dma_start3A_131 = tpu.memref_squeeze %dma_start3A_130 : memref<1x400x64xf32, #tpu.memory_space<vmem>> -> memref<400x64xf32, #tpu.memory_space<vmem>>
        %dma_start3A_132 = arith.constant 0 : i32
        %dma_start3A_133 = tpu.memref_slice %arg6[%dma_start3A_126, %dma_start3A_127, %dma_start3A_132] : memref<3x2x400xi32, #tpu.memory_space<vmem>> -> memref<1x1x400xi32, #tpu.memory_space<vmem>>
        %dma_start3A_134 = tpu.memref_squeeze %dma_start3A_133 : memref<1x1x400xi32, #tpu.memory_space<vmem>> -> memref<400xi32, #tpu.memory_space<vmem>>
        %dma_start3A_135 = arith.constant 0 : i32
        %dma_start3A_136 = arith.constant 0 : i32
        %dma_start3A_137 = tpu.memref_slice %arg8[%dma_start3A_135, %dma_start3A_136] : memref<10240x64xf32, #tpu.memory_space<vmem_shared>> -> memref<10240x64xf32, #tpu.memory_space<vmem_shared>>
        tpu.enqueue_indirect_dma source(%dma_start3A_131 : memref<400x64xf32, #tpu.memory_space<vmem>>) target(%dma_start3A_137 : memref<10240x64xf32, #tpu.memory_space<vmem_shared>>) offsets(%dma_start3A_134 : memref<400xi32, #tpu.memory_space<vmem>>) semaphore(%arg10 : memref<!tpu.dma_semaphore, #tpu.memory_space<semaphore_mem>>) {add = true}
      } else {
      }
    }
    %scan3A_38 = arith.constant 50 : i32
    %dma_wait3A = arith.constant 0 : i32
    %dma_wait3A_39 = arith.constant 0 : i32
    %dma_wait3A_40 = arith.constant 1 : i32
    %dma_wait3A_41 = arith.constant 0 : i32
    %dma_wait3A_42 = arith.constant 0 : i32
    %dma_wait3A_43 = tpu.memref_slice %arg7[%dma_wait3A, %dma_wait3A_41, %dma_wait3A_42] : memref<2x400x64xf32, #tpu.memory_space<vmem>> -> memref<1x400x64xf32, #tpu.memory_space<vmem>>
    %dma_wait3A_44 = tpu.memref_squeeze %dma_wait3A_43 : memref<1x400x64xf32, #tpu.memory_space<vmem>> -> memref<400x64xf32, #tpu.memory_space<vmem>>
    %dma_wait3A_45 = arith.constant 0 : i32
    %dma_wait3A_46 = tpu.memref_slice %arg6[%dma_wait3A_39, %dma_wait3A_40, %dma_wait3A_45] : memref<3x2x400xi32, #tpu.memory_space<vmem>> -> memref<1x1x400xi32, #tpu.memory_space<vmem>>
    %dma_wait3A_47 = tpu.memref_squeeze %dma_wait3A_46 : memref<1x1x400xi32, #tpu.memory_space<vmem>> -> memref<400xi32, #tpu.memory_space<vmem>>
    %dma_wait3A_48 = arith.constant 0 : i32
    %dma_wait3A_49 = arith.constant 0 : i32
    %dma_wait3A_50 = tpu.memref_slice %arg8[%dma_wait3A_48, %dma_wait3A_49] : memref<10240x64xf32, #tpu.memory_space<vmem_shared>> -> memref<10240x64xf32, #tpu.memory_space<vmem_shared>>
    tpu.wait_indirect_dma semaphore(%arg10 : memref<!tpu.dma_semaphore, #tpu.memory_space<semaphore_mem>>) src(%dma_wait3A_44 : memref<400x64xf32, #tpu.memory_space<vmem>>) dst(%dma_wait3A_50 : memref<10240x64xf32, #tpu.memory_space<vmem_shared>>)
    %barrier3A_51 = arith.constant 0 : index
    tpu.barrier barrier_id(%barrier3A_51)
    %mul3A_52 = arith.constant 64 : i32
    %mul3A_53 = arith.muli %arg0, %mul3A_52 : i32
    "tpu.region"() ({
      %run_scoped3A_54 = tpu.sem_alloc : memref<!tpu.dma_semaphore, #tpu.memory_space<semaphore_mem>>
      %dma_start3A_55 = tpu.memref_slice %arg5[%mul3A_0, %mul3A_53] : memref<10240x128xf32, #tpu.memory_space<hbm>> -> memref<640x64xf32, #tpu.memory_space<hbm>>
      %dma_start3A_56 = arith.constant 0 : i32
      %dma_start3A_57 = tpu.memref_slice %arg8[%mul3A_0, %dma_start3A_56] : memref<10240x64xf32, #tpu.memory_space<vmem_shared>> -> memref<640x64xf32, #tpu.memory_space<vmem_shared>>
      tpu.enqueue_dma source(%dma_start3A_57 : memref<640x64xf32, #tpu.memory_space<vmem_shared>>) target(%dma_start3A_55 : memref<640x64xf32, #tpu.memory_space<hbm>>) target_semaphore(%run_scoped3A_54 : memref<!tpu.dma_semaphore, #tpu.memory_space<semaphore_mem>>)
      %dma_wait3A_58 = tpu.memref_slice %arg5[%mul3A_0, %mul3A_53] : memref<10240x128xf32, #tpu.memory_space<hbm>> -> memref<640x64xf32, #tpu.memory_space<hbm>>
      %dma_wait3A_59 = arith.constant 0 : i32
      %dma_wait3A_60 = tpu.memref_slice %arg8[%mul3A_0, %dma_wait3A_59] : memref<10240x64xf32, #tpu.memory_space<vmem_shared>> -> memref<640x64xf32, #tpu.memory_space<vmem_shared>>
      tpu.wait_dma2 semaphore(%run_scoped3A_54 : memref<!tpu.dma_semaphore, #tpu.memory_space<semaphore_mem>>) src(%dma_wait3A_60 : memref<640x64xf32, #tpu.memory_space<vmem_shared>>) dst(%dma_wait3A_58 : memref<640x64xf32, #tpu.memory_space<hbm>>)
      tpu.yield
    }) : () -> ()
    return
  }
}

#map = affine_map<(d0, d1) -> (0, 0, 0)>
#map1 = affine_map<(d0, d1) -> (0, 0)>
module attributes {stable_mosaic.version = 14 : i64} {
  func.func @k(%arg0: i32, %arg1: i32, %arg2: memref<32x10x1000xi32, #tpu.memory_space<hbm>>, %arg3: memref<1000x16xf32, #tpu.memory_space<hbm>>, %arg4: memref<640x16xf32, #tpu.memory_space<hbm>>, %arg5: memref<10240x32xf32, #tpu.memory_space<hbm>>, %arg6: memref<2x1000xi32, #tpu.memory_space<vmem>>, %arg7: memref<1000x16xf32, #tpu.memory_space<vmem>>, %arg8: memref<10240x16xf32, #tpu.memory_space<vmem_shared>>, %arg9: memref<!tpu.dma_semaphore, #tpu.memory_space<semaphore_mem>>) attributes {dimension_semantics = [#tpu.dimension_semantics<core_parallel>, #tpu.dimension_semantics<subcore_parallel>], iteration_bounds = array<i64: 2, 16>, scalar_prefetch = 0 : i64, scratch_operands = 4 : i64, tpu.core_type = #tpu.core_type<sc_vector_subcore>, window_params = [{transform_indices = #map}, {transform_indices = #map1}, {transform_indices = #map1}, {transform_indices = #map1}]} {
    %mul3A = arith.constant 16 : i32
    %mul3A_0 = arith.muli %arg0, %mul3A : i32
    %add3A = arith.addi %mul3A_0, %arg1 : i32
    %mul3A_1 = arith.constant 640 : i32
    %mul3A_2 = arith.muli %arg1, %mul3A_1 : i32
    "tpu.region"() ({
      %run_scoped3A_18 = tpu.sem_alloc : memref<!tpu.dma_semaphore, #tpu.memory_space<semaphore_mem>>
      %dma_start3A = arith.constant 0 : i32
      %dma_start3A_19 = tpu.memref_slice %arg8[%mul3A_2, %dma_start3A] : memref<10240x16xf32, #tpu.memory_space<vmem_shared>> -> memref<640x16xf32, #tpu.memory_space<vmem_shared>>
      tpu.enqueue_dma source(%arg4 : memref<640x16xf32, #tpu.memory_space<hbm>>) target(%dma_start3A_19 : memref<640x16xf32, #tpu.memory_space<vmem_shared>>) target_semaphore(%run_scoped3A_18 : memref<!tpu.dma_semaphore, #tpu.memory_space<semaphore_mem>>)
      %dma_wait3A_20 = arith.constant 0 : i32
      %dma_wait3A_21 = tpu.memref_slice %arg8[%mul3A_2, %dma_wait3A_20] : memref<10240x16xf32, #tpu.memory_space<vmem_shared>> -> memref<640x16xf32, #tpu.memory_space<vmem_shared>>
      tpu.wait_dma2 semaphore(%run_scoped3A_18 : memref<!tpu.dma_semaphore, #tpu.memory_space<semaphore_mem>>) src(%arg4 : memref<640x16xf32, #tpu.memory_space<hbm>>) dst(%dma_wait3A_21 : memref<640x16xf32, #tpu.memory_space<vmem_shared>>)
      tpu.yield
    }) : () -> ()
    "tpu.region"() ({
      %run_scoped3A_18 = tpu.sem_alloc : memref<!tpu.dma_semaphore, #tpu.memory_space<semaphore_mem>>
      tpu.enqueue_dma source(%arg3 : memref<1000x16xf32, #tpu.memory_space<hbm>>) target(%arg7 : memref<1000x16xf32, #tpu.memory_space<vmem>>) target_semaphore(%run_scoped3A_18 : memref<!tpu.dma_semaphore, #tpu.memory_space<semaphore_mem>>)
      tpu.wait_dma2 semaphore(%run_scoped3A_18 : memref<!tpu.dma_semaphore, #tpu.memory_space<semaphore_mem>>) src(%arg3 : memref<1000x16xf32, #tpu.memory_space<hbm>>) dst(%arg7 : memref<1000x16xf32, #tpu.memory_space<vmem>>)
      tpu.yield
    }) : () -> ()
    %run_scoped3A = arith.constant 0 : i32
    %run_scoped3A_3 = arith.constant 0 : i32
    "tpu.region"() ({
      %run_scoped3A_18 = tpu.sem_alloc : memref<!tpu.dma_semaphore, #tpu.memory_space<semaphore_mem>>
      %dma_start3A = arith.constant 0 : i32
      %dma_start3A_19 = tpu.memref_slice %arg6[%run_scoped3A_3, %dma_start3A] : memref<2x1000xi32, #tpu.memory_space<vmem>> -> memref<1x1000xi32, #tpu.memory_space<vmem>>
      %dma_start3A_20 = tpu.memref_squeeze %dma_start3A_19 : memref<1x1000xi32, #tpu.memory_space<vmem>> -> memref<1000xi32, #tpu.memory_space<vmem>>
      %dma_start3A_21 = arith.constant 0 : i32
      %dma_start3A_22 = tpu.memref_slice %arg2[%add3A, %run_scoped3A, %dma_start3A_21] : memref<32x10x1000xi32, #tpu.memory_space<hbm>> -> memref<1x1x1000xi32, #tpu.memory_space<hbm>>
      %dma_start3A_23 = tpu.memref_squeeze %dma_start3A_22 : memref<1x1x1000xi32, #tpu.memory_space<hbm>> -> memref<1000xi32, #tpu.memory_space<hbm>>
      %dma_start3A_24 = arith.constant 0 : i32
      %dma_start3A_25 = tpu.memref_slice %arg6[%run_scoped3A_3, %dma_start3A_24] : memref<2x1000xi32, #tpu.memory_space<vmem>> -> memref<1x1000xi32, #tpu.memory_space<vmem>>
      %dma_start3A_26 = tpu.memref_squeeze %dma_start3A_25 : memref<1x1000xi32, #tpu.memory_space<vmem>> -> memref<1000xi32, #tpu.memory_space<vmem>>
      %dma_start3A_27 = arith.constant 0 : i32
      %dma_start3A_28 = tpu.memref_slice %arg2[%add3A, %run_scoped3A, %dma_start3A_27] : memref<32x10x1000xi32, #tpu.memory_space<hbm>> -> memref<1x1x1000xi32, #tpu.memory_space<hbm>>
      %dma_start3A_29 = tpu.memref_squeeze %dma_start3A_28 : memref<1x1x1000xi32, #tpu.memory_space<hbm>> -> memref<1000xi32, #tpu.memory_space<hbm>>
      tpu.enqueue_dma source(%dma_start3A_29 : memref<1000xi32, #tpu.memory_space<hbm>>) target(%dma_start3A_26 : memref<1000xi32, #tpu.memory_space<vmem>>) target_semaphore(%run_scoped3A_18 : memref<!tpu.dma_semaphore, #tpu.memory_space<semaphore_mem>>)
      %dma_wait3A_30 = arith.constant 0 : i32
      %dma_wait3A_31 = tpu.memref_slice %arg6[%run_scoped3A_3, %dma_wait3A_30] : memref<2x1000xi32, #tpu.memory_space<vmem>> -> memref<1x1000xi32, #tpu.memory_space<vmem>>
      %dma_wait3A_32 = tpu.memref_squeeze %dma_wait3A_31 : memref<1x1000xi32, #tpu.memory_space<vmem>> -> memref<1000xi32, #tpu.memory_space<vmem>>
      %dma_wait3A_33 = arith.constant 0 : i32
      %dma_wait3A_34 = tpu.memref_slice %arg2[%add3A, %run_scoped3A, %dma_wait3A_33] : memref<32x10x1000xi32, #tpu.memory_space<hbm>> -> memref<1x1x1000xi32, #tpu.memory_space<hbm>>
      %dma_wait3A_35 = tpu.memref_squeeze %dma_wait3A_34 : memref<1x1x1000xi32, #tpu.memory_space<hbm>> -> memref<1000xi32, #tpu.memory_space<hbm>>
      %dma_wait3A_36 = arith.constant 0 : i32
      %dma_wait3A_37 = tpu.memref_slice %arg6[%run_scoped3A_3, %dma_wait3A_36] : memref<2x1000xi32, #tpu.memory_space<vmem>> -> memref<1x1000xi32, #tpu.memory_space<vmem>>
      %dma_wait3A_38 = tpu.memref_squeeze %dma_wait3A_37 : memref<1x1000xi32, #tpu.memory_space<vmem>> -> memref<1000xi32, #tpu.memory_space<vmem>>
      %dma_wait3A_39 = arith.constant 0 : i32
      %dma_wait3A_40 = tpu.memref_slice %arg2[%add3A, %run_scoped3A, %dma_wait3A_39] : memref<32x10x1000xi32, #tpu.memory_space<hbm>> -> memref<1x1x1000xi32, #tpu.memory_space<hbm>>
      %dma_wait3A_41 = tpu.memref_squeeze %dma_wait3A_40 : memref<1x1x1000xi32, #tpu.memory_space<hbm>> -> memref<1000xi32, #tpu.memory_space<hbm>>
      tpu.wait_dma2 semaphore(%run_scoped3A_18 : memref<!tpu.dma_semaphore, #tpu.memory_space<semaphore_mem>>) src(%dma_wait3A_41 : memref<1000xi32, #tpu.memory_space<hbm>>) dst(%dma_wait3A_38 : memref<1000xi32, #tpu.memory_space<vmem>>)
      tpu.yield
    }) : () -> ()
    %barrier3A = arith.constant 0 : index
    tpu.barrier barrier_id(%barrier3A)
    %scan3A = arith.constant 0 : i32
    %scan3A_4 = arith.constant 0 : i32
    %scan3A_5 = arith.constant 10 : i32
    %scan3A_6 = arith.addi %scan3A_4, %scan3A_5 : i32
    %scan3A_7 = arith.constant 1 : i32
    scf.for %scan3A_18 = %scan3A_4 to %scan3A_6 step %scan3A_7  : i32 {
      %rem3A = arith.constant 2 : i32
      %rem3A_19 = arith.remsi %scan3A_18, %rem3A : i32
      %eq3A = arith.constant 0 : i32
      %eq3A_20 = arith.cmpi eq, %rem3A_19, %eq3A : i32
      %convert_element_type3A = arith.extui %eq3A_20 : i1 to i32
      %cond3A = arith.constant 0 : i32
      %cond3A_21 = arith.cmpi ne, %convert_element_type3A, %cond3A : i32
      scf.if %cond3A_21 {
        %ge3A = arith.constant 1 : i32
        %ge3A_29 = arith.cmpi sge, %scan3A_18, %ge3A : i32
        %convert_element_type3A_30 = arith.extui %ge3A_29 : i1 to i32
        %cond3A_31 = arith.constant 0 : i32
        %cond3A_32 = arith.cmpi ne, %convert_element_type3A_30, %cond3A_31 : i32
        scf.if %cond3A_32 {
          %dma_wait3A_45 = arith.constant 0 : i32
          %dma_wait3A_46 = arith.constant 0 : i32
          %dma_wait3A_47 = tpu.memref_slice %arg6[%dma_wait3A_45, %dma_wait3A_46] : memref<2x1000xi32, #tpu.memory_space<vmem>> -> memref<1x1000xi32, #tpu.memory_space<vmem>>
          %dma_wait3A_48 = tpu.memref_squeeze %dma_wait3A_47 : memref<1x1000xi32, #tpu.memory_space<vmem>> -> memref<1000xi32, #tpu.memory_space<vmem>>
          %dma_wait3A_49 = arith.constant 0 : i32
          %dma_wait3A_50 = arith.constant 0 : i32
          %dma_wait3A_51 = tpu.memref_slice %arg8[%dma_wait3A_49, %dma_wait3A_50] : memref<10240x16xf32, #tpu.memory_space<vmem_shared>> -> memref<10240x16xf32, #tpu.memory_space<vmem_shared>>
          tpu.wait_indirect_dma semaphore(%arg9 : memref<!tpu.dma_semaphore, #tpu.memory_space<semaphore_mem>>) src(%arg7 : memref<1000x16xf32, #tpu.memory_space<vmem>>) dst(%dma_wait3A_51 : memref<10240x16xf32, #tpu.memory_space<vmem_shared>>)
        } else {
        }
        %add3A_33 = arith.constant 1 : i32
        %add3A_34 = arith.addi %scan3A_18, %add3A_33 : i32
        %lt3A = arith.constant 10 : i32
        %lt3A_35 = arith.cmpi slt, %add3A_34, %lt3A : i32
        %convert_element_type3A_36 = arith.extui %lt3A_35 : i1 to i32
        %cond3A_37 = arith.constant 0 : i32
        %cond3A_38 = arith.cmpi ne, %convert_element_type3A_36, %cond3A_37 : i32
        scf.if %cond3A_38 {
          %add3A_45 = arith.constant 1 : i32
          %add3A_46 = arith.addi %scan3A_18, %add3A_45 : i32
          %run_scoped3A_47 = arith.constant 1 : i32
          "tpu.region"() ({
            %run_scoped3A_48 = tpu.sem_alloc : memref<!tpu.dma_semaphore, #tpu.memory_space<semaphore_mem>>
            %dma_start3A_49 = arith.constant 0 : i32
            %dma_start3A_50 = tpu.memref_slice %arg6[%run_scoped3A_47, %dma_start3A_49] : memref<2x1000xi32, #tpu.memory_space<vmem>> -> memref<1x1000xi32, #tpu.memory_space<vmem>>
            %dma_start3A_51 = tpu.memref_squeeze %dma_start3A_50 : memref<1x1000xi32, #tpu.memory_space<vmem>> -> memref<1000xi32, #tpu.memory_space<vmem>>
            %dma_start3A_52 = arith.constant 0 : i32
            %dma_start3A_53 = tpu.memref_slice %arg2[%add3A, %add3A_46, %dma_start3A_52] : memref<32x10x1000xi32, #tpu.memory_space<hbm>> -> memref<1x1x1000xi32, #tpu.memory_space<hbm>>
            %dma_start3A_54 = tpu.memref_squeeze %dma_start3A_53 : memref<1x1x1000xi32, #tpu.memory_space<hbm>> -> memref<1000xi32, #tpu.memory_space<hbm>>
            %dma_start3A_55 = arith.constant 0 : i32
            %dma_start3A_56 = tpu.memref_slice %arg6[%run_scoped3A_47, %dma_start3A_55] : memref<2x1000xi32, #tpu.memory_space<vmem>> -> memref<1x1000xi32, #tpu.memory_space<vmem>>
            %dma_start3A_57 = tpu.memref_squeeze %dma_start3A_56 : memref<1x1000xi32, #tpu.memory_space<vmem>> -> memref<1000xi32, #tpu.memory_space<vmem>>
            %dma_start3A_58 = arith.constant 0 : i32
            %dma_start3A_59 = tpu.memref_slice %arg2[%add3A, %add3A_46, %dma_start3A_58] : memref<32x10x1000xi32, #tpu.memory_space<hbm>> -> memref<1x1x1000xi32, #tpu.memory_space<hbm>>
            %dma_start3A_60 = tpu.memref_squeeze %dma_start3A_59 : memref<1x1x1000xi32, #tpu.memory_space<hbm>> -> memref<1000xi32, #tpu.memory_space<hbm>>
            tpu.enqueue_dma source(%dma_start3A_60 : memref<1000xi32, #tpu.memory_space<hbm>>) target(%dma_start3A_57 : memref<1000xi32, #tpu.memory_space<vmem>>) target_semaphore(%run_scoped3A_48 : memref<!tpu.dma_semaphore, #tpu.memory_space<semaphore_mem>>)
            %dma_wait3A_61 = arith.constant 0 : i32
            %dma_wait3A_62 = tpu.memref_slice %arg6[%run_scoped3A_47, %dma_wait3A_61] : memref<2x1000xi32, #tpu.memory_space<vmem>> -> memref<1x1000xi32, #tpu.memory_space<vmem>>
            %dma_wait3A_63 = tpu.memref_squeeze %dma_wait3A_62 : memref<1x1000xi32, #tpu.memory_space<vmem>> -> memref<1000xi32, #tpu.memory_space<vmem>>
            %dma_wait3A_64 = arith.constant 0 : i32
            %dma_wait3A_65 = tpu.memref_slice %arg2[%add3A, %add3A_46, %dma_wait3A_64] : memref<32x10x1000xi32, #tpu.memory_space<hbm>> -> memref<1x1x1000xi32, #tpu.memory_space<hbm>>
            %dma_wait3A_66 = tpu.memref_squeeze %dma_wait3A_65 : memref<1x1x1000xi32, #tpu.memory_space<hbm>> -> memref<1000xi32, #tpu.memory_space<hbm>>
            %dma_wait3A_67 = arith.constant 0 : i32
            %dma_wait3A_68 = tpu.memref_slice %arg6[%run_scoped3A_47, %dma_wait3A_67] : memref<2x1000xi32, #tpu.memory_space<vmem>> -> memref<1x1000xi32, #tpu.memory_space<vmem>>
            %dma_wait3A_69 = tpu.memref_squeeze %dma_wait3A_68 : memref<1x1000xi32, #tpu.memory_space<vmem>> -> memref<1000xi32, #tpu.memory_space<vmem>>
            %dma_wait3A_70 = arith.constant 0 : i32
            %dma_wait3A_71 = tpu.memref_slice %arg2[%add3A, %add3A_46, %dma_wait3A_70] : memref<32x10x1000xi32, #tpu.memory_space<hbm>> -> memref<1x1x1000xi32, #tpu.memory_space<hbm>>
            %dma_wait3A_72 = tpu.memref_squeeze %dma_wait3A_71 : memref<1x1x1000xi32, #tpu.memory_space<hbm>> -> memref<1000xi32, #tpu.memory_space<hbm>>
            tpu.wait_dma2 semaphore(%run_scoped3A_48 : memref<!tpu.dma_semaphore, #tpu.memory_space<semaphore_mem>>) src(%dma_wait3A_72 : memref<1000xi32, #tpu.memory_space<hbm>>) dst(%dma_wait3A_69 : memref<1000xi32, #tpu.memory_space<vmem>>)
            tpu.yield
          }) : () -> ()
        } else {
        }
        %dma_start3A = arith.constant 0 : i32
        %dma_start3A_39 = arith.constant 0 : i32
        %dma_start3A_40 = tpu.memref_slice %arg6[%dma_start3A, %dma_start3A_39] : memref<2x1000xi32, #tpu.memory_space<vmem>> -> memref<1x1000xi32, #tpu.memory_space<vmem>>
        %dma_start3A_41 = tpu.memref_squeeze %dma_start3A_40 : memref<1x1000xi32, #tpu.memory_space<vmem>> -> memref<1000xi32, #tpu.memory_space<vmem>>
        %dma_start3A_42 = arith.constant 0 : i32
        %dma_start3A_43 = arith.constant 0 : i32
        %dma_start3A_44 = tpu.memref_slice %arg8[%dma_start3A_42, %dma_start3A_43] : memref<10240x16xf32, #tpu.memory_space<vmem_shared>> -> memref<10240x16xf32, #tpu.memory_space<vmem_shared>>
        tpu.enqueue_indirect_dma source(%arg7 : memref<1000x16xf32, #tpu.memory_space<vmem>>) target(%dma_start3A_44 : memref<10240x16xf32, #tpu.memory_space<vmem_shared>>) offsets(%dma_start3A_41 : memref<1000xi32, #tpu.memory_space<vmem>>) semaphore(%arg9 : memref<!tpu.dma_semaphore, #tpu.memory_space<semaphore_mem>>) {add = true}
      } else {
      }
      %rem3A_22 = arith.constant 2 : i32
      %rem3A_23 = arith.remsi %scan3A_18, %rem3A_22 : i32
      %eq3A_24 = arith.constant 1 : i32
      %eq3A_25 = arith.cmpi eq, %rem3A_23, %eq3A_24 : i32
      %convert_element_type3A_26 = arith.extui %eq3A_25 : i1 to i32
      %cond3A_27 = arith.constant 0 : i32
      %cond3A_28 = arith.cmpi ne, %convert_element_type3A_26, %cond3A_27 : i32
      scf.if %cond3A_28 {
        %ge3A = arith.constant 1 : i32
        %ge3A_29 = arith.cmpi sge, %scan3A_18, %ge3A : i32
        %convert_element_type3A_30 = arith.extui %ge3A_29 : i1 to i32
        %cond3A_31 = arith.constant 0 : i32
        %cond3A_32 = arith.cmpi ne, %convert_element_type3A_30, %cond3A_31 : i32
        scf.if %cond3A_32 {
          %dma_wait3A_45 = arith.constant 0 : i32
          %dma_wait3A_46 = arith.constant 0 : i32
          %dma_wait3A_47 = tpu.memref_slice %arg6[%dma_wait3A_45, %dma_wait3A_46] : memref<2x1000xi32, #tpu.memory_space<vmem>> -> memref<1x1000xi32, #tpu.memory_space<vmem>>
          %dma_wait3A_48 = tpu.memref_squeeze %dma_wait3A_47 : memref<1x1000xi32, #tpu.memory_space<vmem>> -> memref<1000xi32, #tpu.memory_space<vmem>>
          %dma_wait3A_49 = arith.constant 0 : i32
          %dma_wait3A_50 = arith.constant 0 : i32
          %dma_wait3A_51 = tpu.memref_slice %arg8[%dma_wait3A_49, %dma_wait3A_50] : memref<10240x16xf32, #tpu.memory_space<vmem_shared>> -> memref<10240x16xf32, #tpu.memory_space<vmem_shared>>
          tpu.wait_indirect_dma semaphore(%arg9 : memref<!tpu.dma_semaphore, #tpu.memory_space<semaphore_mem>>) src(%arg7 : memref<1000x16xf32, #tpu.memory_space<vmem>>) dst(%dma_wait3A_51 : memref<10240x16xf32, #tpu.memory_space<vmem_shared>>)
        } else {
        }
        %add3A_33 = arith.constant 1 : i32
        %add3A_34 = arith.addi %scan3A_18, %add3A_33 : i32
        %lt3A = arith.constant 10 : i32
        %lt3A_35 = arith.cmpi slt, %add3A_34, %lt3A : i32
        %convert_element_type3A_36 = arith.extui %lt3A_35 : i1 to i32
        %cond3A_37 = arith.constant 0 : i32
        %cond3A_38 = arith.cmpi ne, %convert_element_type3A_36, %cond3A_37 : i32
        scf.if %cond3A_38 {
          %add3A_45 = arith.constant 1 : i32
          %add3A_46 = arith.addi %scan3A_18, %add3A_45 : i32
          %run_scoped3A_47 = arith.constant 0 : i32
          "tpu.region"() ({
            %run_scoped3A_48 = tpu.sem_alloc : memref<!tpu.dma_semaphore, #tpu.memory_space<semaphore_mem>>
            %dma_start3A_49 = arith.constant 0 : i32
            %dma_start3A_50 = tpu.memref_slice %arg6[%run_scoped3A_47, %dma_start3A_49] : memref<2x1000xi32, #tpu.memory_space<vmem>> -> memref<1x1000xi32, #tpu.memory_space<vmem>>
            %dma_start3A_51 = tpu.memref_squeeze %dma_start3A_50 : memref<1x1000xi32, #tpu.memory_space<vmem>> -> memref<1000xi32, #tpu.memory_space<vmem>>
            %dma_start3A_52 = arith.constant 0 : i32
            %dma_start3A_53 = tpu.memref_slice %arg2[%add3A, %add3A_46, %dma_start3A_52] : memref<32x10x1000xi32, #tpu.memory_space<hbm>> -> memref<1x1x1000xi32, #tpu.memory_space<hbm>>
            %dma_start3A_54 = tpu.memref_squeeze %dma_start3A_53 : memref<1x1x1000xi32, #tpu.memory_space<hbm>> -> memref<1000xi32, #tpu.memory_space<hbm>>
            %dma_start3A_55 = arith.constant 0 : i32
            %dma_start3A_56 = tpu.memref_slice %arg6[%run_scoped3A_47, %dma_start3A_55] : memref<2x1000xi32, #tpu.memory_space<vmem>> -> memref<1x1000xi32, #tpu.memory_space<vmem>>
            %dma_start3A_57 = tpu.memref_squeeze %dma_start3A_56 : memref<1x1000xi32, #tpu.memory_space<vmem>> -> memref<1000xi32, #tpu.memory_space<vmem>>
            %dma_start3A_58 = arith.constant 0 : i32
            %dma_start3A_59 = tpu.memref_slice %arg2[%add3A, %add3A_46, %dma_start3A_58] : memref<32x10x1000xi32, #tpu.memory_space<hbm>> -> memref<1x1x1000xi32, #tpu.memory_space<hbm>>
            %dma_start3A_60 = tpu.memref_squeeze %dma_start3A_59 : memref<1x1x1000xi32, #tpu.memory_space<hbm>> -> memref<1000xi32, #tpu.memory_space<hbm>>
            tpu.enqueue_dma source(%dma_start3A_60 : memref<1000xi32, #tpu.memory_space<hbm>>) target(%dma_start3A_57 : memref<1000xi32, #tpu.memory_space<vmem>>) target_semaphore(%run_scoped3A_48 : memref<!tpu.dma_semaphore, #tpu.memory_space<semaphore_mem>>)
            %dma_wait3A_61 = arith.constant 0 : i32
            %dma_wait3A_62 = tpu.memref_slice %arg6[%run_scoped3A_47, %dma_wait3A_61] : memref<2x1000xi32, #tpu.memory_space<vmem>> -> memref<1x1000xi32, #tpu.memory_space<vmem>>
            %dma_wait3A_63 = tpu.memref_squeeze %dma_wait3A_62 : memref<1x1000xi32, #tpu.memory_space<vmem>> -> memref<1000xi32, #tpu.memory_space<vmem>>
            %dma_wait3A_64 = arith.constant 0 : i32
            %dma_wait3A_65 = tpu.memref_slice %arg2[%add3A, %add3A_46, %dma_wait3A_64] : memref<32x10x1000xi32, #tpu.memory_space<hbm>> -> memref<1x1x1000xi32, #tpu.memory_space<hbm>>
            %dma_wait3A_66 = tpu.memref_squeeze %dma_wait3A_65 : memref<1x1x1000xi32, #tpu.memory_space<hbm>> -> memref<1000xi32, #tpu.memory_space<hbm>>
            %dma_wait3A_67 = arith.constant 0 : i32
            %dma_wait3A_68 = tpu.memref_slice %arg6[%run_scoped3A_47, %dma_wait3A_67] : memref<2x1000xi32, #tpu.memory_space<vmem>> -> memref<1x1000xi32, #tpu.memory_space<vmem>>
            %dma_wait3A_69 = tpu.memref_squeeze %dma_wait3A_68 : memref<1x1000xi32, #tpu.memory_space<vmem>> -> memref<1000xi32, #tpu.memory_space<vmem>>
            %dma_wait3A_70 = arith.constant 0 : i32
            %dma_wait3A_71 = tpu.memref_slice %arg2[%add3A, %add3A_46, %dma_wait3A_70] : memref<32x10x1000xi32, #tpu.memory_space<hbm>> -> memref<1x1x1000xi32, #tpu.memory_space<hbm>>
            %dma_wait3A_72 = tpu.memref_squeeze %dma_wait3A_71 : memref<1x1x1000xi32, #tpu.memory_space<hbm>> -> memref<1000xi32, #tpu.memory_space<hbm>>
            tpu.wait_dma2 semaphore(%run_scoped3A_48 : memref<!tpu.dma_semaphore, #tpu.memory_space<semaphore_mem>>) src(%dma_wait3A_72 : memref<1000xi32, #tpu.memory_space<hbm>>) dst(%dma_wait3A_69 : memref<1000xi32, #tpu.memory_space<vmem>>)
            tpu.yield
          }) : () -> ()
        } else {
        }
        %dma_start3A = arith.constant 1 : i32
        %dma_start3A_39 = arith.constant 0 : i32
        %dma_start3A_40 = tpu.memref_slice %arg6[%dma_start3A, %dma_start3A_39] : memref<2x1000xi32, #tpu.memory_space<vmem>> -> memref<1x1000xi32, #tpu.memory_space<vmem>>
        %dma_start3A_41 = tpu.memref_squeeze %dma_start3A_40 : memref<1x1000xi32, #tpu.memory_space<vmem>> -> memref<1000xi32, #tpu.memory_space<vmem>>
        %dma_start3A_42 = arith.constant 0 : i32
        %dma_start3A_43 = arith.constant 0 : i32
        %dma_start3A_44 = tpu.memref_slice %arg8[%dma_start3A_42, %dma_start3A_43] : memref<10240x16xf32, #tpu.memory_space<vmem_shared>> -> memref<10240x16xf32, #tpu.memory_space<vmem_shared>>
        tpu.enqueue_indirect_dma source(%arg7 : memref<1000x16xf32, #tpu.memory_space<vmem>>) target(%dma_start3A_44 : memref<10240x16xf32, #tpu.memory_space<vmem_shared>>) offsets(%dma_start3A_41 : memref<1000xi32, #tpu.memory_space<vmem>>) semaphore(%arg9 : memref<!tpu.dma_semaphore, #tpu.memory_space<semaphore_mem>>) {add = true}
      } else {
      }
    }
    %scan3A_8 = arith.constant 10 : i32
    %dma_wait3A = arith.constant 0 : i32
    %dma_wait3A_9 = arith.constant 0 : i32
    %dma_wait3A_10 = tpu.memref_slice %arg6[%dma_wait3A, %dma_wait3A_9] : memref<2x1000xi32, #tpu.memory_space<vmem>> -> memref<1x1000xi32, #tpu.memory_space<vmem>>
    %dma_wait3A_11 = tpu.memref_squeeze %dma_wait3A_10 : memref<1x1000xi32, #tpu.memory_space<vmem>> -> memref<1000xi32, #tpu.memory_space<vmem>>
    %dma_wait3A_12 = arith.constant 0 : i32
    %dma_wait3A_13 = arith.constant 0 : i32
    %dma_wait3A_14 = tpu.memref_slice %arg8[%dma_wait3A_12, %dma_wait3A_13] : memref<10240x16xf32, #tpu.memory_space<vmem_shared>> -> memref<10240x16xf32, #tpu.memory_space<vmem_shared>>
    tpu.wait_indirect_dma semaphore(%arg9 : memref<!tpu.dma_semaphore, #tpu.memory_space<semaphore_mem>>) src(%arg7 : memref<1000x16xf32, #tpu.memory_space<vmem>>) dst(%dma_wait3A_14 : memref<10240x16xf32, #tpu.memory_space<vmem_shared>>)
    %barrier3A_15 = arith.constant 0 : index
    tpu.barrier barrier_id(%barrier3A_15)
    %mul3A_16 = arith.constant 16 : i32
    %mul3A_17 = arith.muli %arg0, %mul3A_16 : i32
    "tpu.region"() ({
      %run_scoped3A_18 = tpu.sem_alloc : memref<!tpu.dma_semaphore, #tpu.memory_space<semaphore_mem>>
      %dma_start3A = tpu.memref_slice %arg5[%mul3A_2, %mul3A_17] : memref<10240x32xf32, #tpu.memory_space<hbm>> -> memref<640x16xf32, #tpu.memory_space<hbm>>
      %dma_start3A_19 = arith.constant 0 : i32
      %dma_start3A_20 = tpu.memref_slice %arg8[%mul3A_2, %dma_start3A_19] : memref<10240x16xf32, #tpu.memory_space<vmem_shared>> -> memref<640x16xf32, #tpu.memory_space<vmem_shared>>
      tpu.enqueue_dma source(%dma_start3A_20 : memref<640x16xf32, #tpu.memory_space<vmem_shared>>) target(%dma_start3A : memref<640x16xf32, #tpu.memory_space<hbm>>) target_semaphore(%run_scoped3A_18 : memref<!tpu.dma_semaphore, #tpu.memory_space<semaphore_mem>>)
      %dma_wait3A_21 = tpu.memref_slice %arg5[%mul3A_2, %mul3A_17] : memref<10240x32xf32, #tpu.memory_space<hbm>> -> memref<640x16xf32, #tpu.memory_space<hbm>>
      %dma_wait3A_22 = arith.constant 0 : i32
      %dma_wait3A_23 = tpu.memref_slice %arg8[%mul3A_2, %dma_wait3A_22] : memref<10240x16xf32, #tpu.memory_space<vmem_shared>> -> memref<640x16xf32, #tpu.memory_space<vmem_shared>>
      tpu.wait_dma2 semaphore(%run_scoped3A_18 : memref<!tpu.dma_semaphore, #tpu.memory_space<semaphore_mem>>) src(%dma_wait3A_23 : memref<640x16xf32, #tpu.memory_space<vmem_shared>>) dst(%dma_wait3A_21 : memref<640x16xf32, #tpu.memory_space<hbm>>)
      tpu.yield
    }) : () -> ()
    return
  }
}

#map = affine_map<(d0, d1) -> (0, 0)>
#map1 = affine_map<(d0, d1) -> (0, 0, 0, 0)>
module attributes {stable_mosaic.version = 14 : i64} {
  func.func @k(%arg0: i32, %arg1: i32, %arg2: memref<20000x64xf32, #tpu.memory_space<hbm>>, %arg3: memref<16x50x2x400xi32, #tpu.memory_space<hbm>>, %arg4: memref<640x64xf32, #tpu.memory_space<hbm>>, %arg5: memref<10240x128xf32, #tpu.memory_space<hbm>>, %arg6: memref<3x2x400xi32, #tpu.memory_space<vmem>>, %arg7: memref<2x400x64xf32, #tpu.memory_space<vmem>>, %arg8: memref<10240x64xf32, #tpu.memory_space<vmem_shared>>, %arg9: memref<!tpu.dma_semaphore, #tpu.memory_space<semaphore_mem>>, %arg10: memref<!tpu.dma_semaphore, #tpu.memory_space<semaphore_mem>>, %arg11: memref<!tpu.dma_semaphore, #tpu.memory_space<semaphore_mem>>) attributes {dimension_semantics = [#tpu.dimension_semantics<core_parallel>, #tpu.dimension_semantics<subcore_parallel>], iteration_bounds = array<i64: 2, 16>, scalar_prefetch = 0 : i64, scratch_operands = 6 : i64, tpu.core_type = #tpu.core_type<sc_vector_subcore>, window_params = [{transform_indices = #map}, {transform_indices = #map1}, {transform_indices = #map}, {transform_indices = #map}]} {
    %mul3A = arith.constant 640 : i32
    %mul3A_0 = arith.muli %arg1, %mul3A : i32
    "tpu.region"() ({
      %run_scoped3A_54 = tpu.sem_alloc : memref<!tpu.dma_semaphore, #tpu.memory_space<semaphore_mem>>
      %dma_start3A_55 = arith.constant 0 : i32
      %dma_start3A_56 = tpu.memref_slice %arg8[%mul3A_0, %dma_start3A_55] : memref<10240x64xf32, #tpu.memory_space<vmem_shared>> -> memref<640x64xf32, #tpu.memory_space<vmem_shared>>
      tpu.enqueue_dma source(%arg4 : memref<640x64xf32, #tpu.memory_space<hbm>>) target(%dma_start3A_56 : memref<640x64xf32, #tpu.memory_space<vmem_shared>>) target_semaphore(%run_scoped3A_54 : memref<!tpu.dma_semaphore, #tpu.memory_space<semaphore_mem>>)
      %dma_wait3A_57 = arith.constant 0 : i32
      %dma_wait3A_58 = tpu.memref_slice %arg8[%mul3A_0, %dma_wait3A_57] : memref<10240x64xf32, #tpu.memory_space<vmem_shared>> -> memref<640x64xf32, #tpu.memory_space<vmem_shared>>
      tpu.wait_dma2 semaphore(%run_scoped3A_54 : memref<!tpu.dma_semaphore, #tpu.memory_space<semaphore_mem>>) src(%arg4 : memref<640x64xf32, #tpu.memory_space<hbm>>) dst(%dma_wait3A_58 : memref<640x64xf32, #tpu.memory_space<vmem_shared>>)
      tpu.yield
    }) : () -> ()
    %run_scoped3A = arith.constant 0 : i32
    %run_scoped3A_1 = arith.constant 0 : i32
    "tpu.region"() ({
      %run_scoped3A_54 = tpu.sem_alloc : memref<!tpu.dma_semaphore, #tpu.memory_space<semaphore_mem>>
      %dma_start3A_55 = arith.constant 0 : i32
      %dma_start3A_56 = arith.constant 0 : i32
      %dma_start3A_57 = tpu.memref_slice %arg6[%run_scoped3A_1, %dma_start3A_55, %dma_start3A_56] : memref<3x2x400xi32, #tpu.memory_space<vmem>> -> memref<1x2x400xi32, #tpu.memory_space<vmem>>
      %dma_start3A_58 = tpu.memref_squeeze %dma_start3A_57 : memref<1x2x400xi32, #tpu.memory_space<vmem>> -> memref<2x400xi32, #tpu.memory_space<vmem>>
      %dma_start3A_59 = arith.constant 0 : i32
      %dma_start3A_60 = arith.constant 0 : i32
      %dma_start3A_61 = tpu.memref_slice %arg3[%arg1, %run_scoped3A, %dma_start3A_59, %dma_start3A_60] : memref<16x50x2x400xi32, #tpu.memory_space<hbm>> -> memref<1x1x2x400xi32, #tpu.memory_space<hbm>>
      %dma_start3A_62 = tpu.memref_squeeze %dma_start3A_61 : memref<1x1x2x400xi32, #tpu.memory_space<hbm>> -> memref<2x400xi32, #tpu.memory_space<hbm>>
      %dma_start3A_63 = arith.constant 0 : i32
      %dma_start3A_64 = arith.constant 0 : i32
      %dma_start3A_65 = tpu.memref_slice %arg6[%run_scoped3A_1, %dma_start3A_63, %dma_start3A_64] : memref<3x2x400xi32, #tpu.memory_space<vmem>> -> memref<1x2x400xi32, #tpu.memory_space<vmem>>
      %dma_start3A_66 = tpu.memref_squeeze %dma_start3A_65 : memref<1x2x400xi32, #tpu.memory_space<vmem>> -> memref<2x400xi32, #tpu.memory_space<vmem>>
      %dma_start3A_67 = arith.constant 0 : i32
      %dma_start3A_68 = arith.constant 0 : i32
      %dma_start3A_69 = tpu.memref_slice %arg3[%arg1, %run_scoped3A, %dma_start3A_67, %dma_start3A_68] : memref<16x50x2x400xi32, #tpu.memory_space<hbm>> -> memref<1x1x2x400xi32, #tpu.memory_space<hbm>>
      %dma_start3A_70 = tpu.memref_squeeze %dma_start3A_69 : memref<1x1x2x400xi32, #tpu.memory_space<hbm>> -> memref<2x400xi32, #tpu.memory_space<hbm>>
      tpu.enqueue_dma source(%dma_start3A_70 : memref<2x400xi32, #tpu.memory_space<hbm>>) target(%dma_start3A_66 : memref<2x400xi32, #tpu.memory_space<vmem>>) target_semaphore(%run_scoped3A_54 : memref<!tpu.dma_semaphore, #tpu.memory_space<semaphore_mem>>)
      %dma_wait3A_71 = arith.constant 0 : i32
      %dma_wait3A_72 = arith.constant 0 : i32
      %dma_wait3A_73 = tpu.memref_slice %arg6[%run_scoped3A_1, %dma_wait3A_71, %dma_wait3A_72] : memref<3x2x400xi32, #tpu.memory_space<vmem>> -> memref<1x2x400xi32, #tpu.memory_space<vmem>>
      %dma_wait3A_74 = tpu.memref_squeeze %dma_wait3A_73 : memref<1x2x400xi32, #tpu.memory_space<vmem>> -> memref<2x400xi32, #tpu.memory_space<vmem>>
      %dma_wait3A_75 = arith.constant 0 : i32
      %dma_wait3A_76 = arith.constant 0 : i32
      %dma_wait3A_77 = tpu.memref_slice %arg3[%arg1, %run_scoped3A, %dma_wait3A_75, %dma_wait3A_76] : memref<16x50x2x400xi32, #tpu.memory_space<hbm>> -> memref<1x1x2x400xi32, #tpu.memory_space<hbm>>
      %dma_wait3A_78 = tpu.memref_squeeze %dma_wait3A_77 : memref<1x1x2x400xi32, #tpu.memory_space<hbm>> -> memref<2x400xi32, #tpu.memory_space<hbm>>
      %dma_wait3A_79 = arith.constant 0 : i32
      %dma_wait3A_80 = arith.constant 0 : i32
      %dma_wait3A_81 = tpu.memref_slice %arg6[%run_scoped3A_1, %dma_wait3A_79, %dma_wait3A_80] : memref<3x2x400xi32, #tpu.memory_space<vmem>> -> memref<1x2x400xi32, #tpu.memory_space<vmem>>
      %dma_wait3A_82 = tpu.memref_squeeze %dma_wait3A_81 : memref<1x2x400xi32, #tpu.memory_space<vmem>> -> memref<2x400xi32, #tpu.memory_space<vmem>>
      %dma_wait3A_83 = arith.constant 0 : i32
      %dma_wait3A_84 = arith.constant 0 : i32
      %dma_wait3A_85 = tpu.memref_slice %arg3[%arg1, %run_scoped3A, %dma_wait3A_83, %dma_wait3A_84] : memref<16x50x2x400xi32, #tpu.memory_space<hbm>> -> memref<1x1x2x400xi32, #tpu.memory_space<hbm>>
      %dma_wait3A_86 = tpu.memref_squeeze %dma_wait3A_85 : memref<1x1x2x400xi32, #tpu.memory_space<hbm>> -> memref<2x400xi32, #tpu.memory_space<hbm>>
      tpu.wait_dma2 semaphore(%run_scoped3A_54 : memref<!tpu.dma_semaphore, #tpu.memory_space<semaphore_mem>>) src(%dma_wait3A_86 : memref<2x400xi32, #tpu.memory_space<hbm>>) dst(%dma_wait3A_82 : memref<2x400xi32, #tpu.memory_space<vmem>>)
      tpu.yield
    }) : () -> ()
    %eq3A = arith.constant 1 : i32
    %eq3A_2 = arith.cmpi eq, %arg0, %eq3A : i32
    %convert_element_type3A = arith.extui %eq3A_2 : i1 to i32
    %cond3A = arith.constant 0 : i32
    %cond3A_3 = arith.cmpi ne, %convert_element_type3A, %cond3A : i32
    scf.if %cond3A_3 {
      %scan3A_54 = arith.constant 0 : i32
      %scan3A_55 = arith.constant 0 : i32
      %scan3A_56 = arith.constant 25 : i32
      %scan3A_57 = arith.addi %scan3A_55, %scan3A_56 : i32
      %scan3A_58 = arith.constant 1 : i32
      scf.for %scan3A_60 = %scan3A_55 to %scan3A_57 step %scan3A_58  : i32 {
        %mul3A_61 = arith.constant 16 : i32
        %mul3A_62 = arith.muli %scan3A_60, %mul3A_61 : i32
        %get3A = arith.constant 0 : i32
        %get3A_63 = arith.constant 0 : i32
        %get3A_64 = arith.index_cast %get3A : i32 to index
        %get3A_65 = arith.index_cast %get3A_63 : i32 to index
        %get3A_66 = arith.index_cast %mul3A_62 : i32 to index
        %get3A_67 = tpu.vector_load %arg6[%get3A_64, %get3A_65, %get3A_66] {strides = array<i32>} : memref<3x2x400xi32, #tpu.memory_space<vmem>>, vector<1x1x16xi32>,
        %get3A_68 = vector.shape_cast %get3A_67 : vector<1x1x16xi32> to vector<16xi32>
        %add3A = arith.constant 1 : i32
        %add3A_69 = vector.broadcast %add3A : i32 to vector<16xi32>
        %add3A_70 = arith.addi %get3A_68, %add3A_69 : vector<16xi32>
        %mul3A_71 = arith.constant 16 : i32
        %mul3A_72 = arith.muli %scan3A_60, %mul3A_71 : i32
        %swap3A = arith.constant 0 : i32
        %swap3A_73 = arith.constant 0 : i32
        %swap3A_74 = arith.index_cast %swap3A : i32 to index
        %swap3A_75 = arith.index_cast %swap3A_73 : i32 to index
        %swap3A_76 = arith.index_cast %mul3A_72 : i32 to index
        %swap3A_77 = tpu.vector_load %arg6[%swap3A_74, %swap3A_75, %swap3A_76] {strides = array<i32>} : memref<3x2x400xi32, #tpu.memory_space<vmem>>, vector<1x1x16xi32>,
        %swap3A_78 = vector.shape_cast %swap3A_77 : vector<1x1x16xi32> to vector<16xi32>
        %swap3A_79 = vector.shape_cast %add3A_70 : vector<16xi32> to vector<1x1x16xi32>
        tpu.vector_store %arg6[%swap3A_74, %swap3A_75, %swap3A_76], %swap3A_79 {strides = array<i32>} : memref<3x2x400xi32, #tpu.memory_space<vmem>>, vector<1x1x16xi32>,
      }
      %scan3A_59 = arith.constant 25 : i32
    } else {
    }
    %dma_start3A = arith.constant 0 : i32
    %dma_start3A_4 = arith.constant 0 : i32
    %dma_start3A_5 = arith.constant 0 : i32
    %dma_start3A_6 = arith.constant 0 : i32
    %dma_start3A_7 = arith.constant 0 : i32
    %dma_start3A_8 = tpu.memref_slice %arg7[%dma_start3A_5, %dma_start3A_6, %dma_start3A_7] : memref<2x400x64xf32, #tpu.memory_space<vmem>> -> memref<1x400x64xf32, #tpu.memory_space<vmem>>
    %dma_start3A_9 = tpu.memref_squeeze %dma_start3A_8 : memref<1x400x64xf32, #tpu.memory_space<vmem>> -> memref<400x64xf32, #tpu.memory_space<vmem>>
    %dma_start3A_10 = arith.constant 0 : i32
    %dma_start3A_11 = tpu.memref_slice %arg6[%dma_start3A, %dma_start3A_4, %dma_start3A_10] : memref<3x2x400xi32, #tpu.memory_space<vmem>> -> memref<1x1x400xi32, #tpu.memory_space<vmem>>
    %dma_start3A_12 = tpu.memref_squeeze %dma_start3A_11 : memref<1x1x400xi32, #tpu.memory_space<vmem>> -> memref<400xi32, #tpu.memory_space<vmem>>
    %dma_start3A_13 = arith.constant 0 : i32
    %dma_start3A_14 = arith.constant 0 : i32
    %dma_start3A_15 = tpu.memref_slice %arg2[%dma_start3A_13, %dma_start3A_14] : memref<20000x64xf32, #tpu.memory_space<hbm>> -> memref<20000x64xf32, #tpu.memory_space<hbm>>
    tpu.enqueue_indirect_dma source(%dma_start3A_15 : memref<20000x64xf32, #tpu.memory_space<hbm>>) target(%dma_start3A_9 : memref<400x64xf32, #tpu.memory_space<vmem>>) offsets(%dma_start3A_12 : memref<400xi32, #tpu.memory_space<vmem>>) semaphore(%arg9 : memref<!tpu.dma_semaphore, #tpu.memory_space<semaphore_mem>>)
    %dma_start3A_16 = arith.constant 1 : i32
    %dma_start3A_17 = arith.constant 1 : i32
    %dma_start3A_18 = arith.constant 0 : i32
    %dma_start3A_19 = arith.constant 0 : i32
    %dma_start3A_20 = tpu.memref_slice %arg6[%dma_start3A_17, %dma_start3A_18, %dma_start3A_19] : memref<3x2x400xi32, #tpu.memory_space<vmem>> -> memref<1x2x400xi32, #tpu.memory_space<vmem>>
    %dma_start3A_21 = tpu.memref_squeeze %dma_start3A_20 : memref<1x2x400xi32, #tpu.memory_space<vmem>> -> memref<2x400xi32, #tpu.memory_space<vmem>>
    %dma_start3A_22 = arith.constant 0 : i32
    %dma_start3A_23 = arith.constant 0 : i32
    %dma_start3A_24 = tpu.memref_slice %arg3[%arg1, %dma_start3A_16, %dma_start3A_22, %dma_start3A_23] : memref<16x50x2x400xi32, #tpu.memory_space<hbm>> -> memref<1x1x2x400xi32, #tpu.memory_space<hbm>>
    %dma_start3A_25 = tpu.memref_squeeze %dma_start3A_24 : memref<1x1x2x400xi32, #tpu.memory_space<hbm>> -> memref<2x400xi32, #tpu.memory_space<hbm>>
    %dma_start3A_26 = arith.constant 0 : i32
    %dma_start3A_27 = arith.constant 0 : i32
    %dma_start3A_28 = tpu.memref_slice %arg6[%dma_start3A_17, %dma_start3A_26, %dma_start3A_27] : memref<3x2x400xi32, #tpu.memory_space<vmem>> -> memref<1x2x400xi32, #tpu.memory_space<vmem>>
    %dma_start3A_29 = tpu.memref_squeeze %dma_start3A_28 : memref<1x2x400xi32, #tpu.memory_space<vmem>> -> memref<2x400xi32, #tpu.memory_space<vmem>>
    %dma_start3A_30 = arith.constant 0 : i32
    %dma_start3A_31 = arith.constant 0 : i32
    %dma_start3A_32 = tpu.memref_slice %arg3[%arg1, %dma_start3A_16, %dma_start3A_30, %dma_start3A_31] : memref<16x50x2x400xi32, #tpu.memory_space<hbm>> -> memref<1x1x2x400xi32, #tpu.memory_space<hbm>>
    %dma_start3A_33 = tpu.memref_squeeze %dma_start3A_32 : memref<1x1x2x400xi32, #tpu.memory_space<hbm>> -> memref<2x400xi32, #tpu.memory_space<hbm>>
    tpu.enqueue_dma source(%dma_start3A_33 : memref<2x400xi32, #tpu.memory_space<hbm>>) target(%dma_start3A_29 : memref<2x400xi32, #tpu.memory_space<vmem>>) target_semaphore(%arg11 : memref<!tpu.dma_semaphore, #tpu.memory_space<semaphore_mem>>)
    %barrier3A = arith.constant 0 : index
    tpu.barrier barrier_id(%barrier3A)
    %scan3A = arith.constant 0 : i32
    %scan3A_34 = arith.constant 0 : i32
    %scan3A_35 = arith.constant 50 : i32
    %scan3A_36 = arith.addi %scan3A_34, %scan3A_35 : i32
    %scan3A_37 = arith.constant 1 : i32
    scf.for %scan3A_54 = %scan3A_34 to %scan3A_36 step %scan3A_37  : i32 {
      %rem3A = arith.constant 6 : i32
      %rem3A_55 = arith.remsi %scan3A_54, %rem3A : i32
      %eq3A_56 = arith.constant 0 : i32
      %eq3A_57 = arith.cmpi eq, %rem3A_55, %eq3A_56 : i32
      %convert_element_type3A_58 = arith.extui %eq3A_57 : i1 to i32
      %cond3A_59 = arith.constant 0 : i32
      %cond3A_60 = arith.cmpi ne, %convert_element_type3A_58, %cond3A_59 : i32
      scf.if %cond3A_60 {
        %ge3A = arith.constant 1 : i32
        %ge3A_96 = arith.cmpi sge, %scan3A_54, %ge3A : i32
        %convert_element_type3A_97 = arith.extui %ge3A_96 : i1 to i32
        %cond3A_98 = arith.constant 0 : i32
        %cond3A_99 = arith.cmpi ne, %convert_element_type3A_97, %cond3A_98 : i32
        scf.if %cond3A_99 {
          %dma_wait3A_138 = arith.constant 0 : i32
          %dma_wait3A_139 = arith.constant 0 : i32
          %dma_wait3A_140 = arith.constant 1 : i32
          %dma_wait3A_141 = arith.constant 0 : i32
          %dma_wait3A_142 = arith.constant 0 : i32
          %dma_wait3A_143 = tpu.memref_slice %arg7[%dma_wait3A_138, %dma_wait3A_141, %dma_wait3A_142] : memref<2x400x64xf32, #tpu.memory_space<vmem>> -> memref<1x400x64xf32, #tpu.memory_space<vmem>>
          %dma_wait3A_144 = tpu.memref_squeeze %dma_wait3A_143 : memref<1x400x64xf32, #tpu.memory_space<vmem>> -> memref<400x64xf32, #tpu.memory_space<vmem>>
          %dma_wait3A_145 = arith.constant 0 : i32
          %dma_wait3A_146 = tpu.memref_slice %arg6[%dma_wait3A_139, %dma_wait3A_140, %dma_wait3A_145] : memref<3x2x400xi32, #tpu.memory_space<vmem>> -> memref<1x1x400xi32, #tpu.memory_space<vmem>>
          %dma_wait3A_147 = tpu.memref_squeeze %dma_wait3A_146 : memref<1x1x400xi32, #tpu.memory_space<vmem>> -> memref<400xi32, #tpu.memory_space<vmem>>
          %dma_wait3A_148 = arith.constant 0 : i32
          %dma_wait3A_149 = arith.constant 0 : i32
          %dma_wait3A_150 = tpu.memref_slice %arg8[%dma_wait3A_148, %dma_wait3A_149] : memref<10240x64xf32, #tpu.memory_space<vmem_shared>> -> memref<10240x64xf32, #tpu.memory_space<vmem_shared>>
          tpu.wait_indirect_dma semaphore(%arg10 : memref<!tpu.dma_semaphore, #tpu.memory_space<semaphore_mem>>) src(%dma_wait3A_144 : memref<400x64xf32, #tpu.memory_space<vmem>>) dst(%dma_wait3A_150 : memref<10240x64xf32, #tpu.memory_space<vmem_shared>>)
        } else {
        }
        %add3A = arith.constant 2 : i32
        %add3A_100 = arith.addi %scan3A_54, %add3A : i32
        %lt3A = arith.constant 50 : i32
        %lt3A_101 = arith.cmpi slt, %add3A_100, %lt3A : i32
        %convert_element_type3A_102 = arith.extui %lt3A_101 : i1 to i32
        %cond3A_103 = arith.constant 0 : i32
        %cond3A_104 = arith.cmpi ne, %convert_element_type3A_102, %cond3A_103 : i32
        scf.if %cond3A_104 {
          %add3A_138 = arith.constant 2 : i32
          %add3A_139 = arith.addi %scan3A_54, %add3A_138 : i32
          %dma_start3A_140 = arith.constant 2 : i32
          %dma_start3A_141 = arith.constant 0 : i32
          %dma_start3A_142 = arith.constant 0 : i32
          %dma_start3A_143 = tpu.memref_slice %arg6[%dma_start3A_140, %dma_start3A_141, %dma_start3A_142] : memref<3x2x400xi32, #tpu.memory_space<vmem>> -> memref<1x2x400xi32, #tpu.memory_space<vmem>>
          %dma_start3A_144 = tpu.memref_squeeze %dma_start3A_143 : memref<1x2x400xi32, #tpu.memory_space<vmem>> -> memref<2x400xi32, #tpu.memory_space<vmem>>
          %dma_start3A_145 = arith.constant 0 : i32
          %dma_start3A_146 = arith.constant 0 : i32
          %dma_start3A_147 = tpu.memref_slice %arg3[%arg1, %add3A_139, %dma_start3A_145, %dma_start3A_146] : memref<16x50x2x400xi32, #tpu.memory_space<hbm>> -> memref<1x1x2x400xi32, #tpu.memory_space<hbm>>
          %dma_start3A_148 = tpu.memref_squeeze %dma_start3A_147 : memref<1x1x2x400xi32, #tpu.memory_space<hbm>> -> memref<2x400xi32, #tpu.memory_space<hbm>>
          %dma_start3A_149 = arith.constant 0 : i32
          %dma_start3A_150 = arith.constant 0 : i32
          %dma_start3A_151 = tpu.memref_slice %arg6[%dma_start3A_140, %dma_start3A_149, %dma_start3A_150] : memref<3x2x400xi32, #tpu.memory_space<vmem>> -> memref<1x2x400xi32, #tpu.memory_space<vmem>>
          %dma_start3A_152 = tpu.memref_squeeze %dma_start3A_151 : memref<1x2x400xi32, #tpu.memory_space<vmem>> -> memref<2x400xi32, #tpu.memory_space<vmem>>
          %dma_start3A_153 = arith.constant 0 : i32
          %dma_start3A_154 = arith.constant 0 : i32
          %dma_start3A_155 = tpu.memref_slice %arg3[%arg1, %add3A_139, %dma_start3A_153, %dma_start3A_154] : memref<16x50x2x400xi32, #tpu.memory_space<hbm>> -> memref<1x1x2x400xi32, #tpu.memory_space<hbm>>
          %dma_start3A_156 = tpu.memref_squeeze %dma_start3A_155 : memref<1x1x2x400xi32, #tpu.memory_space<hbm>> -> memref<2x400xi32, #tpu.memory_space<hbm>>
          tpu.enqueue_dma source(%dma_start3A_156 : memref<2x400xi32, #tpu.memory_space<hbm>>) target(%dma_start3A_152 : memref<2x400xi32, #tpu.memory_space<vmem>>) target_semaphore(%arg11 : memref<!tpu.dma_semaphore, #tpu.memory_space<semaphore_mem>>)
        } else {
        }
        %add3A_105 = arith.constant 1 : i32
        %add3A_106 = arith.addi %scan3A_54, %add3A_105 : i32
        %lt3A_107 = arith.constant 50 : i32
        %lt3A_108 = arith.cmpi slt, %add3A_106, %lt3A_107 : i32
        %convert_element_type3A_109 = arith.extui %lt3A_108 : i1 to i32
        %cond3A_110 = arith.constant 0 : i32
        %cond3A_111 = arith.cmpi ne, %convert_element_type3A_109, %cond3A_110 : i32
        scf.if %cond3A_111 {
          %dma_wait3A_138 = arith.constant 0 : i32
          %dma_wait3A_139 = arith.constant 0 : i32
          %dma_wait3A_140 = arith.constant 0 : i32
          %dma_wait3A_141 = arith.constant 0 : i32
          %dma_wait3A_142 = tpu.memref_slice %arg6[%dma_wait3A_139, %dma_wait3A_140, %dma_wait3A_141] : memref<3x2x400xi32, #tpu.memory_space<vmem>> -> memref<1x2x400xi32, #tpu.memory_space<vmem>>
          %dma_wait3A_143 = tpu.memref_squeeze %dma_wait3A_142 : memref<1x2x400xi32, #tpu.memory_space<vmem>> -> memref<2x400xi32, #tpu.memory_space<vmem>>
          %dma_wait3A_144 = arith.constant 0 : i32
          %dma_wait3A_145 = arith.constant 0 : i32
          %dma_wait3A_146 = tpu.memref_slice %arg3[%arg1, %dma_wait3A_138, %dma_wait3A_144, %dma_wait3A_145] : memref<16x50x2x400xi32, #tpu.memory_space<hbm>> -> memref<1x1x2x400xi32, #tpu.memory_space<hbm>>
          %dma_wait3A_147 = tpu.memref_squeeze %dma_wait3A_146 : memref<1x1x2x400xi32, #tpu.memory_space<hbm>> -> memref<2x400xi32, #tpu.memory_space<hbm>>
          %dma_wait3A_148 = arith.constant 0 : i32
          %dma_wait3A_149 = arith.constant 0 : i32
          %dma_wait3A_150 = tpu.memref_slice %arg6[%dma_wait3A_139, %dma_wait3A_148, %dma_wait3A_149] : memref<3x2x400xi32, #tpu.memory_space<vmem>> -> memref<1x2x400xi32, #tpu.memory_space<vmem>>
          %dma_wait3A_151 = tpu.memref_squeeze %dma_wait3A_150 : memref<1x2x400xi32, #tpu.memory_space<vmem>> -> memref<2x400xi32, #tpu.memory_space<vmem>>
          %dma_wait3A_152 = arith.constant 0 : i32
          %dma_wait3A_153 = arith.constant 0 : i32
          %dma_wait3A_154 = tpu.memref_slice %arg3[%arg1, %dma_wait3A_138, %dma_wait3A_152, %dma_wait3A_153] : memref<16x50x2x400xi32, #tpu.memory_space<hbm>> -> memref<1x1x2x400xi32, #tpu.memory_space<hbm>>
          %dma_wait3A_155 = tpu.memref_squeeze %dma_wait3A_154 : memref<1x1x2x400xi32, #tpu.memory_space<hbm>> -> memref<2x400xi32, #tpu.memory_space<hbm>>
          tpu.wait_dma2 semaphore(%arg11 : memref<!tpu.dma_semaphore, #tpu.memory_space<semaphore_mem>>) src(%dma_wait3A_155 : memref<2x400xi32, #tpu.memory_space<hbm>>) dst(%dma_wait3A_151 : memref<2x400xi32, #tpu.memory_space<vmem>>)
          %eq3A_156 = arith.constant 1 : i32
          %eq3A_157 = arith.cmpi eq, %arg0, %eq3A_156 : i32
          %convert_element_type3A_158 = arith.extui %eq3A_157 : i1 to i32
          %cond3A_159 = arith.constant 0 : i32
          %cond3A_160 = arith.cmpi ne, %convert_element_type3A_158, %cond3A_159 : i32
          scf.if %cond3A_160 {
            %scan3A_174 = arith.constant 0 : i32
            %scan3A_175 = arith.constant 0 : i32
            %scan3A_176 = arith.constant 25 : i32
            %scan3A_177 = arith.addi %scan3A_175, %scan3A_176 : i32
            %scan3A_178 = arith.constant 1 : i32
            scf.for %scan3A_180 = %scan3A_175 to %scan3A_177 step %scan3A_178  : i32 {
              %mul3A_181 = arith.constant 16 : i32
              %mul3A_182 = arith.muli %scan3A_180, %mul3A_181 : i32
              %get3A = arith.constant 1 : i32
              %get3A_183 = arith.constant 0 : i32
              %get3A_184 = arith.index_cast %get3A : i32 to index
              %get3A_185 = arith.index_cast %get3A_183 : i32 to index
              %get3A_186 = arith.index_cast %mul3A_182 : i32 to index
              %get3A_187 = tpu.vector_load %arg6[%get3A_184, %get3A_185, %get3A_186] {strides = array<i32>} : memref<3x2x400xi32, #tpu.memory_space<vmem>>, vector<1x1x16xi32>,
              %get3A_188 = vector.shape_cast %get3A_187 : vector<1x1x16xi32> to vector<16xi32>
              %add3A_189 = arith.constant 1 : i32
              %add3A_190 = vector.broadcast %add3A_189 : i32 to vector<16xi32>
              %add3A_191 = arith.addi %get3A_188, %add3A_190 : vector<16xi32>
              %mul3A_192 = arith.constant 16 : i32
              %mul3A_193 = arith.muli %scan3A_180, %mul3A_192 : i32
              %swap3A = arith.constant 1 : i32
              %swap3A_194 = arith.constant 0 : i32
              %swap3A_195 = arith.index_cast %swap3A : i32 to index
              %swap3A_196 = arith.index_cast %swap3A_194 : i32 to index
              %swap3A_197 = arith.index_cast %mul3A_193 : i32 to index
              %swap3A_198 = tpu.vector_load %arg6[%swap3A_195, %swap3A_196, %swap3A_197] {strides = array<i32>} : memref<3x2x400xi32, #tpu.memory_space<vmem>>, vector<1x1x16xi32>,
              %swap3A_199 = vector.shape_cast %swap3A_198 : vector<1x1x16xi32> to vector<16xi32>
              %swap3A_200 = vector.shape_cast %add3A_191 : vector<16xi32> to vector<1x1x16xi32>
              tpu.vector_store %arg6[%swap3A_195, %swap3A_196, %swap3A_197], %swap3A_200 {strides = array<i32>} : memref<3x2x400xi32, #tpu.memory_space<vmem>>, vector<1x1x16xi32>,
            }
            %scan3A_179 = arith.constant 25 : i32
          } else {
          }
          %dma_start3A_161 = arith.constant 1 : i32
          %dma_start3A_162 = arith.constant 0 : i32
          %dma_start3A_163 = arith.constant 1 : i32
          %dma_start3A_164 = arith.constant 0 : i32
          %dma_start3A_165 = arith.constant 0 : i32
          %dma_start3A_166 = tpu.memref_slice %arg7[%dma_start3A_163, %dma_start3A_164, %dma_start3A_165] : memref<2x400x64xf32, #tpu.memory_space<vmem>> -> memref<1x400x64xf32, #tpu.memory_space<vmem>>
          %dma_start3A_167 = tpu.memref_squeeze %dma_start3A_166 : memref<1x400x64xf32, #tpu.memory_space<vmem>> -> memref<400x64xf32, #tpu.memory_space<vmem>>
          %dma_start3A_168 = arith.constant 0 : i32
          %dma_start3A_169 = tpu.memref_slice %arg6[%dma_start3A_161, %dma_start3A_162, %dma_start3A_168] : memref<3x2x400xi32, #tpu.memory_space<vmem>> -> memref<1x1x400xi32, #tpu.memory_space<vmem>>
          %dma_start3A_170 = tpu.memref_squeeze %dma_start3A_169 : memref<1x1x400xi32, #tpu.memory_space<vmem>> -> memref<400xi32, #tpu.memory_space<vmem>>
          %dma_start3A_171 = arith.constant 0 : i32
          %dma_start3A_172 = arith.constant 0 : i32
          %dma_start3A_173 = tpu.memref_slice %arg2[%dma_start3A_171, %dma_start3A_172] : memref<20000x64xf32, #tpu.memory_space<hbm>> -> memref<20000x64xf32, #tpu.memory_space<hbm>>
          tpu.enqueue_indirect_dma source(%dma_start3A_173 : memref<20000x64xf32, #tpu.memory_space<hbm>>) target(%dma_start3A_167 : memref<400x64xf32, #tpu.memory_space<vmem>>) offsets(%dma_start3A_170 : memref<400xi32, #tpu.memory_space<vmem>>) semaphore(%arg9 : memref<!tpu.dma_semaphore, #tpu.memory_space<semaphore_mem>>)
        } else {
        }
        %dma_wait3A_112 = arith.constant 0 : i32
        %dma_wait3A_113 = arith.constant 0 : i32
        %dma_wait3A_114 = arith.constant 0 : i32
        %dma_wait3A_115 = arith.constant 0 : i32
        %dma_wait3A_116 = arith.constant 0 : i32
        %dma_wait3A_117 = tpu.memref_slice %arg7[%dma_wait3A_114, %dma_wait3A_115, %dma_wait3A_116] : memref<2x400x64xf32, #tpu.memory_space<vmem>> -> memref<1x400x64xf32, #tpu.memory_space<vmem>>
        %dma_wait3A_118 = tpu.memref_squeeze %dma_wait3A_117 : memref<1x400x64xf32, #tpu.memory_space<vmem>> -> memref<400x64xf32, #tpu.memory_space<vmem>>
        %dma_wait3A_119 = arith.constant 0 : i32
        %dma_wait3A_120 = tpu.memref_slice %arg6[%dma_wait3A_112, %dma_wait3A_113, %dma_wait3A_119] : memref<3x2x400xi32, #tpu.memory_space<vmem>> -> memref<1x1x400xi32, #tpu.memory_space<vmem>>
        %dma_wait3A_121 = tpu.memref_squeeze %dma_wait3A_120 : memref<1x1x400xi32, #tpu.memory_space<vmem>> -> memref<400xi32, #tpu.memory_space<vmem>>
        %dma_wait3A_122 = arith.constant 0 : i32
        %dma_wait3A_123 = arith.constant 0 : i32
        %dma_wait3A_124 = tpu.memref_slice %arg2[%dma_wait3A_122, %dma_wait3A_123] : memref<20000x64xf32, #tpu.memory_space<hbm>> -> memref<20000x64xf32, #tpu.memory_space<hbm>>
        tpu.wait_indirect_dma semaphore(%arg9 : memref<!tpu.dma_semaphore, #tpu.memory_space<semaphore_mem>>) src(%dma_wait3A_124 : memref<20000x64xf32, #tpu.memory_space<hbm>>) dst(%dma_wait3A_118 : memref<400x64xf32, #tpu.memory_space<vmem>>)
        %dma_start3A_125 = arith.constant 0 : i32
        %dma_start3A_126 = arith.constant 0 : i32
        %dma_start3A_127 = arith.constant 1 : i32
        %dma_start3A_128 = arith.constant 0 : i32
        %dma_start3A_129 = arith.constant 0 : i32
        %dma_start3A_130 = tpu.memref_slice %arg7[%dma_start3A_125, %dma_start3A_128, %dma_start3A_129] : memref<2x400x64xf32, #tpu.memory_space<vmem>> -> memref<1x400x64xf32, #tpu.memory_space<vmem>>
        %dma_start3A_131 = tpu.memref_squeeze %dma_start3A_130 : memref<1x400x64xf32, #tpu.memory_space<vmem>> -> memref<400x64xf32, #tpu.memory_space<vmem>>
        %dma_start3A_132 = arith.constant 0 : i32
        %dma_start3A_133 = tpu.memref_slice %arg6[%dma_start3A_126, %dma_start3A_127, %dma_start3A_132] : memref<3x2x400xi32, #tpu.memory_space<vmem>> -> memref<1x1x400xi32, #tpu.memory_space<vmem>>
        %dma_start3A_134 = tpu.memref_squeeze %dma_start3A_133 : memref<1x1x400xi32, #tpu.memory_space<vmem>> -> memref<400xi32, #tpu.memory_space<vmem>>
        %dma_start3A_135 = arith.constant 0 : i32
        %dma_start3A_136 = arith.constant 0 : i32
        %dma_start3A_137 = tpu.memref_slice %arg8[%dma_start3A_135, %dma_start3A_136] : memref<10240x64xf32, #tpu.memory_space<vmem_shared>> -> memref<10240x64xf32, #tpu.memory_space<vmem_shared>>
        tpu.enqueue_indirect_dma source(%dma_start3A_131 : memref<400x64xf32, #tpu.memory_space<vmem>>) target(%dma_start3A_137 : memref<10240x64xf32, #tpu.memory_space<vmem_shared>>) offsets(%dma_start3A_134 : memref<400xi32, #tpu.memory_space<vmem>>) semaphore(%arg10 : memref<!tpu.dma_semaphore, #tpu.memory_space<semaphore_mem>>) {add = true}
      } else {
      }
      %rem3A_61 = arith.constant 6 : i32
      %rem3A_62 = arith.remsi %scan3A_54, %rem3A_61 : i32
      %eq3A_63 = arith.constant 1 : i32
      %eq3A_64 = arith.cmpi eq, %rem3A_62, %eq3A_63 : i32
      %convert_element_type3A_65 = arith.extui %eq3A_64 : i1 to i32
      %cond3A_66 = arith.constant 0 : i32
      %cond3A_67 = arith.cmpi ne, %convert_element_type3A_65, %cond3A_66 : i32
      scf.if %cond3A_67 {
        %ge3A = arith.constant 1 : i32
        %ge3A_96 = arith.cmpi sge, %scan3A_54, %ge3A : i32
        %convert_element_type3A_97 = arith.extui %ge3A_96 : i1 to i32
        %cond3A_98 = arith.constant 0 : i32
        %cond3A_99 = arith.cmpi ne, %convert_element_type3A_97, %cond3A_98 : i32
        scf.if %cond3A_99 {
          %dma_wait3A_138 = arith.constant 0 : i32
          %dma_wait3A_139 = arith.constant 0 : i32
          %dma_wait3A_140 = arith.constant 1 : i32
          %dma_wait3A_141 = arith.constant 0 : i32
          %dma_wait3A_142 = arith.constant 0 : i32
          %dma_wait3A_143 = tpu.memref_slice %arg7[%dma_wait3A_138, %dma_wait3A_141, %dma_wait3A_142] : memref<2x400x64xf32, #tpu.memory_space<vmem>> -> memref<1x400x64xf32, #tpu.memory_space<vmem>>
          %dma_wait3A_144 = tpu.memref_squeeze %dma_wait3A_143 : memref<1x400x64xf32, #tpu.memory_space<vmem>> -> memref<400x64xf32, #tpu.memory_space<vmem>>
          %dma_wait3A_145 = arith.constant 0 : i32
          %dma_wait3A_146 = tpu.memref_slice %arg6[%dma_wait3A_139, %dma_wait3A_140, %dma_wait3A_145] : memref<3x2x400xi32, #tpu.memory_space<vmem>> -> memref<1x1x400xi32, #tpu.memory_space<vmem>>
          %dma_wait3A_147 = tpu.memref_squeeze %dma_wait3A_146 : memref<1x1x400xi32, #tpu.memory_space<vmem>> -> memref<400xi32, #tpu.memory_space<vmem>>
          %dma_wait3A_148 = arith.constant 0 : i32
          %dma_wait3A_149 = arith.constant 0 : i32
          %dma_wait3A_150 = tpu.memref_slice %arg8[%dma_wait3A_148, %dma_wait3A_149] : memref<10240x64xf32, #tpu.memory_space<vmem_shared>> -> memref<10240x64xf32, #tpu.memory_space<vmem_shared>>
          tpu.wait_indirect_dma semaphore(%arg10 : memref<!tpu.dma_semaphore, #tpu.memory_space<semaphore_mem>>) src(%dma_wait3A_144 : memref<400x64xf32, #tpu.memory_space<vmem>>) dst(%dma_wait3A_150 : memref<10240x64xf32, #tpu.memory_space<vmem_shared>>)
        } else {
        }
        %add3A = arith.constant 2 : i32
        %add3A_100 = arith.addi %scan3A_54, %add3A : i32
        %lt3A = arith.constant 50 : i32
        %lt3A_101 = arith.cmpi slt, %add3A_100, %lt3A : i32
        %convert_element_type3A_102 = arith.extui %lt3A_101 : i1 to i32
        %cond3A_103 = arith.constant 0 : i32
        %cond3A_104 = arith.cmpi ne, %convert_element_type3A_102, %cond3A_103 : i32
        scf.if %cond3A_104 {
          %add3A_138 = arith.constant 2 : i32
          %add3A_139 = arith.addi %scan3A_54, %add3A_138 : i32
          %dma_start3A_140 = arith.constant 0 : i32
          %dma_start3A_141 = arith.constant 0 : i32
          %dma_start3A_142 = arith.constant 0 : i32
          %dma_start3A_143 = tpu.memref_slice %arg6[%dma_start3A_140, %dma_start3A_141, %dma_start3A_142] : memref<3x2x400xi32, #tpu.memory_space<vmem>> -> memref<1x2x400xi32, #tpu.memory_space<vmem>>
          %dma_start3A_144 = tpu.memref_squeeze %dma_start3A_143 : memref<1x2x400xi32, #tpu.memory_space<vmem>> -> memref<2x400xi32, #tpu.memory_space<vmem>>
          %dma_start3A_145 = arith.constant 0 : i32
          %dma_start3A_146 = arith.constant 0 : i32
          %dma_start3A_147 = tpu.memref_slice %arg3[%arg1, %add3A_139, %dma_start3A_145, %dma_start3A_146] : memref<16x50x2x400xi32, #tpu.memory_space<hbm>> -> memref<1x1x2x400xi32, #tpu.memory_space<hbm>>
          %dma_start3A_148 = tpu.memref_squeeze %dma_start3A_147 : memref<1x1x2x400xi32, #tpu.memory_space<hbm>> -> memref<2x400xi32, #tpu.memory_space<hbm>>
          %dma_start3A_149 = arith.constant 0 : i32
          %dma_start3A_150 = arith.constant 0 : i32
          %dma_start3A_151 = tpu.memref_slice %arg6[%dma_start3A_140, %dma_start3A_149, %dma_start3A_150] : memref<3x2x400xi32, #tpu.memory_space<vmem>> -> memref<1x2x400xi32, #tpu.memory_space<vmem>>
          %dma_start3A_152 = tpu.memref_squeeze %dma_start3A_151 : memref<1x2x400xi32, #tpu.memory_space<vmem>> -> memref<2x400xi32, #tpu.memory_space<vmem>>
          %dma_start3A_153 = arith.constant 0 : i32
          %dma_start3A_154 = arith.constant 0 : i32
          %dma_start3A_155 = tpu.memref_slice %arg3[%arg1, %add3A_139, %dma_start3A_153, %dma_start3A_154] : memref<16x50x2x400xi32, #tpu.memory_space<hbm>> -> memref<1x1x2x400xi32, #tpu.memory_space<hbm>>
          %dma_start3A_156 = tpu.memref_squeeze %dma_start3A_155 : memref<1x1x2x400xi32, #tpu.memory_space<hbm>> -> memref<2x400xi32, #tpu.memory_space<hbm>>
          tpu.enqueue_dma source(%dma_start3A_156 : memref<2x400xi32, #tpu.memory_space<hbm>>) target(%dma_start3A_152 : memref<2x400xi32, #tpu.memory_space<vmem>>) target_semaphore(%arg11 : memref<!tpu.dma_semaphore, #tpu.memory_space<semaphore_mem>>)
        } else {
        }
        %add3A_105 = arith.constant 1 : i32
        %add3A_106 = arith.addi %scan3A_54, %add3A_105 : i32
        %lt3A_107 = arith.constant 50 : i32
        %lt3A_108 = arith.cmpi slt, %add3A_106, %lt3A_107 : i32
        %convert_element_type3A_109 = arith.extui %lt3A_108 : i1 to i32
        %cond3A_110 = arith.constant 0 : i32
        %cond3A_111 = arith.cmpi ne, %convert_element_type3A_109, %cond3A_110 : i32
        scf.if %cond3A_111 {
          %dma_wait3A_138 = arith.constant 0 : i32
          %dma_wait3A_139 = arith.constant 0 : i32
          %dma_wait3A_140 = arith.constant 0 : i32
          %dma_wait3A_141 = arith.constant 0 : i32
          %dma_wait3A_142 = tpu.memref_slice %arg6[%dma_wait3A_139, %dma_wait3A_140, %dma_wait3A_141] : memref<3x2x400xi32, #tpu.memory_space<vmem>> -> memref<1x2x400xi32, #tpu.memory_space<vmem>>
          %dma_wait3A_143 = tpu.memref_squeeze %dma_wait3A_142 : memref<1x2x400xi32, #tpu.memory_space<vmem>> -> memref<2x400xi32, #tpu.memory_space<vmem>>
          %dma_wait3A_144 = arith.constant 0 : i32
          %dma_wait3A_145 = arith.constant 0 : i32
          %dma_wait3A_146 = tpu.memref_slice %arg3[%arg1, %dma_wait3A_138, %dma_wait3A_144, %dma_wait3A_145] : memref<16x50x2x400xi32, #tpu.memory_space<hbm>> -> memref<1x1x2x400xi32, #tpu.memory_space<hbm>>
          %dma_wait3A_147 = tpu.memref_squeeze %dma_wait3A_146 : memref<1x1x2x400xi32, #tpu.memory_space<hbm>> -> memref<2x400xi32, #tpu.memory_space<hbm>>
          %dma_wait3A_148 = arith.constant 0 : i32
          %dma_wait3A_149 = arith.constant 0 : i32
          %dma_wait3A_150 = tpu.memref_slice %arg6[%dma_wait3A_139, %dma_wait3A_148, %dma_wait3A_149] : memref<3x2x400xi32, #tpu.memory_space<vmem>> -> memref<1x2x400xi32, #tpu.memory_space<vmem>>
          %dma_wait3A_151 = tpu.memref_squeeze %dma_wait3A_150 : memref<1x2x400xi32, #tpu.memory_space<vmem>> -> memref<2x400xi32, #tpu.memory_space<vmem>>
          %dma_wait3A_152 = arith.constant 0 : i32
          %dma_wait3A_153 = arith.constant 0 : i32
          %dma_wait3A_154 = tpu.memref_slice %arg3[%arg1, %dma_wait3A_138, %dma_wait3A_152, %dma_wait3A_153] : memref<16x50x2x400xi32, #tpu.memory_space<hbm>> -> memref<1x1x2x400xi32, #tpu.memory_space<hbm>>
          %dma_wait3A_155 = tpu.memref_squeeze %dma_wait3A_154 : memref<1x1x2x400xi32, #tpu.memory_space<hbm>> -> memref<2x400xi32, #tpu.memory_space<hbm>>
          tpu.wait_dma2 semaphore(%arg11 : memref<!tpu.dma_semaphore, #tpu.memory_space<semaphore_mem>>) src(%dma_wait3A_155 : memref<2x400xi32, #tpu.memory_space<hbm>>) dst(%dma_wait3A_151 : memref<2x400xi32, #tpu.memory_space<vmem>>)
          %eq3A_156 = arith.constant 1 : i32
          %eq3A_157 = arith.cmpi eq, %arg0, %eq3A_156 : i32
          %convert_element_type3A_158 = arith.extui %eq3A_157 : i1 to i32
          %cond3A_159 = arith.constant 0 : i32
          %cond3A_160 = arith.cmpi ne, %convert_element_type3A_158, %cond3A_159 : i32
          scf.if %cond3A_160 {
            %scan3A_174 = arith.constant 0 : i32
            %scan3A_175 = arith.constant 0 : i32
            %scan3A_176 = arith.constant 25 : i32
            %scan3A_177 = arith.addi %scan3A_175, %scan3A_176 : i32
            %scan3A_178 = arith.constant 1 : i32
            scf.for %scan3A_180 = %scan3A_175 to %scan3A_177 step %scan3A_178  : i32 {
              %mul3A_181 = arith.constant 16 : i32
              %mul3A_182 = arith.muli %scan3A_180, %mul3A_181 : i32
              %get3A = arith.constant 2 : i32
              %get3A_183 = arith.constant 0 : i32
              %get3A_184 = arith.index_cast %get3A : i32 to index
              %get3A_185 = arith.index_cast %get3A_183 : i32 to index
              %get3A_186 = arith.index_cast %mul3A_182 : i32 to index
              %get3A_187 = tpu.vector_load %arg6[%get3A_184, %get3A_185, %get3A_186] {strides = array<i32>} : memref<3x2x400xi32, #tpu.memory_space<vmem>>, vector<1x1x16xi32>,
              %get3A_188 = vector.shape_cast %get3A_187 : vector<1x1x16xi32> to vector<16xi32>
              %add3A_189 = arith.constant 1 : i32
              %add3A_190 = vector.broadcast %add3A_189 : i32 to vector<16xi32>
              %add3A_191 = arith.addi %get3A_188, %add3A_190 : vector<16xi32>
              %mul3A_192 = arith.constant 16 : i32
              %mul3A_193 = arith.muli %scan3A_180, %mul3A_192 : i32
              %swap3A = arith.constant 2 : i32
              %swap3A_194 = arith.constant 0 : i32
              %swap3A_195 = arith.index_cast %swap3A : i32 to index
              %swap3A_196 = arith.index_cast %swap3A_194 : i32 to index
              %swap3A_197 = arith.index_cast %mul3A_193 : i32 to index
              %swap3A_198 = tpu.vector_load %arg6[%swap3A_195, %swap3A_196, %swap3A_197] {strides = array<i32>} : memref<3x2x400xi32, #tpu.memory_space<vmem>>, vector<1x1x16xi32>,
              %swap3A_199 = vector.shape_cast %swap3A_198 : vector<1x1x16xi32> to vector<16xi32>
              %swap3A_200 = vector.shape_cast %add3A_191 : vector<16xi32> to vector<1x1x16xi32>
              tpu.vector_store %arg6[%swap3A_195, %swap3A_196, %swap3A_197], %swap3A_200 {strides = array<i32>} : memref<3x2x400xi32, #tpu.memory_space<vmem>>, vector<1x1x16xi32>,
            }
            %scan3A_179 = arith.constant 25 : i32
          } else {
          }
          %dma_start3A_161 = arith.constant 2 : i32
          %dma_start3A_162 = arith.constant 0 : i32
          %dma_start3A_163 = arith.constant 0 : i32
          %dma_start3A_164 = arith.constant 0 : i32
          %dma_start3A_165 = arith.constant 0 : i32
          %dma_start3A_166 = tpu.memref_slice %arg7[%dma_start3A_163, %dma_start3A_164, %dma_start3A_165] : memref<2x400x64xf32, #tpu.memory_space<vmem>> -> memref<1x400x64xf32, #tpu.memory_space<vmem>>
          %dma_start3A_167 = tpu.memref_squeeze %dma_start3A_166 : memref<1x400x64xf32, #tpu.memory_space<vmem>> -> memref<400x64xf32, #tpu.memory_space<vmem>>
          %dma_start3A_168 = arith.constant 0 : i32
          %dma_start3A_169 = tpu.memref_slice %arg6[%dma_start3A_161, %dma_start3A_162, %dma_start3A_168] : memref<3x2x400xi32, #tpu.memory_space<vmem>> -> memref<1x1x400xi32, #tpu.memory_space<vmem>>
          %dma_start3A_170 = tpu.memref_squeeze %dma_start3A_169 : memref<1x1x400xi32, #tpu.memory_space<vmem>> -> memref<400xi32, #tpu.memory_space<vmem>>
          %dma_start3A_171 = arith.constant 0 : i32
          %dma_start3A_172 = arith.constant 0 : i32
          %dma_start3A_173 = tpu.memref_slice %arg2[%dma_start3A_171, %dma_start3A_172] : memref<20000x64xf32, #tpu.memory_space<hbm>> -> memref<20000x64xf32, #tpu.memory_space<hbm>>
          tpu.enqueue_indirect_dma source(%dma_start3A_173 : memref<20000x64xf32, #tpu.memory_space<hbm>>) target(%dma_start3A_167 : memref<400x64xf32, #tpu.memory_space<vmem>>) offsets(%dma_start3A_170 : memref<400xi32, #tpu.memory_space<vmem>>) semaphore(%arg9 : memref<!tpu.dma_semaphore, #tpu.memory_space<semaphore_mem>>)
        } else {
        }
        %dma_wait3A_112 = arith.constant 0 : i32
        %dma_wait3A_113 = arith.constant 0 : i32
        %dma_wait3A_114 = arith.constant 0 : i32
        %dma_wait3A_115 = arith.constant 0 : i32
        %dma_wait3A_116 = arith.constant 0 : i32
        %dma_wait3A_117 = tpu.memref_slice %arg7[%dma_wait3A_114, %dma_wait3A_115, %dma_wait3A_116] : memref<2x400x64xf32, #tpu.memory_space<vmem>> -> memref<1x400x64xf32, #tpu.memory_space<vmem>>
        %dma_wait3A_118 = tpu.memref_squeeze %dma_wait3A_117 : memref<1x400x64xf32, #tpu.memory_space<vmem>> -> memref<400x64xf32, #tpu.memory_space<vmem>>
        %dma_wait3A_119 = arith.constant 0 : i32
        %dma_wait3A_120 = tpu.memref_slice %arg6[%dma_wait3A_112, %dma_wait3A_113, %dma_wait3A_119] : memref<3x2x400xi32, #tpu.memory_space<vmem>> -> memref<1x1x400xi32, #tpu.memory_space<vmem>>
        %dma_wait3A_121 = tpu.memref_squeeze %dma_wait3A_120 : memref<1x1x400xi32, #tpu.memory_space<vmem>> -> memref<400xi32, #tpu.memory_space<vmem>>
        %dma_wait3A_122 = arith.constant 0 : i32
        %dma_wait3A_123 = arith.constant 0 : i32
        %dma_wait3A_124 = tpu.memref_slice %arg2[%dma_wait3A_122, %dma_wait3A_123] : memref<20000x64xf32, #tpu.memory_space<hbm>> -> memref<20000x64xf32, #tpu.memory_space<hbm>>
        tpu.wait_indirect_dma semaphore(%arg9 : memref<!tpu.dma_semaphore, #tpu.memory_space<semaphore_mem>>) src(%dma_wait3A_124 : memref<20000x64xf32, #tpu.memory_space<hbm>>) dst(%dma_wait3A_118 : memref<400x64xf32, #tpu.memory_space<vmem>>)
        %dma_start3A_125 = arith.constant 1 : i32
        %dma_start3A_126 = arith.constant 1 : i32
        %dma_start3A_127 = arith.constant 1 : i32
        %dma_start3A_128 = arith.constant 0 : i32
        %dma_start3A_129 = arith.constant 0 : i32
        %dma_start3A_130 = tpu.memref_slice %arg7[%dma_start3A_125, %dma_start3A_128, %dma_start3A_129] : memref<2x400x64xf32, #tpu.memory_space<vmem>> -> memref<1x400x64xf32, #tpu.memory_space<vmem>>
        %dma_start3A_131 = tpu.memref_squeeze %dma_start3A_130 : memref<1x400x64xf32, #tpu.memory_space<vmem>> -> memref<400x64xf32, #tpu.memory_space<vmem>>
        %dma_start3A_132 = arith.constant 0 : i32
        %dma_start3A_133 = tpu.memref_slice %arg6[%dma_start3A_126, %dma_start3A_127, %dma_start3A_132] : memref<3x2x400xi32, #tpu.memory_space<vmem>> -> memref<1x1x400xi32, #tpu.memory_space<vmem>>
        %dma_start3A_134 = tpu.memref_squeeze %dma_start3A_133 : memref<1x1x400xi32, #tpu.memory_space<vmem>> -> memref<400xi32, #tpu.memory_space<vmem>>
        %dma_start3A_135 = arith.constant 0 : i32
        %dma_start3A_136 = arith.constant 0 : i32
        %dma_start3A_137 = tpu.memref_slice %arg8[%dma_start3A_135, %dma_start3A_136] : memref<10240x64xf32, #tpu.memory_space<vmem_shared>> -> memref<10240x64xf32, #tpu.memory_space<vmem_shared>>
        tpu.enqueue_indirect_dma source(%dma_start3A_131 : memref<400x64xf32, #tpu.memory_space<vmem>>) target(%dma_start3A_137 : memref<10240x64xf32, #tpu.memory_space<vmem_shared>>) offsets(%dma_start3A_134 : memref<400xi32, #tpu.memory_space<vmem>>) semaphore(%arg10 : memref<!tpu.dma_semaphore, #tpu.memory_space<semaphore_mem>>) {add = true}
      } else {
      }
      %rem3A_68 = arith.constant 6 : i32
      %rem3A_69 = arith.remsi %scan3A_54, %rem3A_68 : i32
      %eq3A_70 = arith.constant 2 : i32
      %eq3A_71 = arith.cmpi eq, %rem3A_69, %eq3A_70 : i32
      %convert_element_type3A_72 = arith.extui %eq3A_71 : i1 to i32
      %cond3A_73 = arith.constant 0 : i32
      %cond3A_74 = arith.cmpi ne, %convert_element_type3A_72, %cond3A_73 : i32
      scf.if %cond3A_74 {
        %ge3A = arith.constant 1 : i32
        %ge3A_96 = arith.cmpi sge, %scan3A_54, %ge3A : i32
        %convert_element_type3A_97 = arith.extui %ge3A_96 : i1 to i32
        %cond3A_98 = arith.constant 0 : i32
        %cond3A_99 = arith.cmpi ne, %convert_element_type3A_97, %cond3A_98 : i32
        scf.if %cond3A_99 {
          %dma_wait3A_138 = arith.constant 0 : i32
          %dma_wait3A_139 = arith.constant 0 : i32
          %dma_wait3A_140 = arith.constant 1 : i32
          %dma_wait3A_141 = arith.constant 0 : i32
          %dma_wait3A_142 = arith.constant 0 : i32
          %dma_wait3A_143 = tpu.memref_slice %arg7[%dma_wait3A_138, %dma_wait3A_141, %dma_wait3A_142] : memref<2x400x64xf32, #tpu.memory_space<vmem>> -> memref<1x400x64xf32, #tpu.memory_space<vmem>>
          %dma_wait3A_144 = tpu.memref_squeeze %dma_wait3A_143 : memref<1x400x64xf32, #tpu.memory_space<vmem>> -> memref<400x64xf32, #tpu.memory_space<vmem>>
          %dma_wait3A_145 = arith.constant 0 : i32
          %dma_wait3A_146 = tpu.memref_slice %arg6[%dma_wait3A_139, %dma_wait3A_140, %dma_wait3A_145] : memref<3x2x400xi32, #tpu.memory_space<vmem>> -> memref<1x1x400xi32, #tpu.memory_space<vmem>>
          %dma_wait3A_147 = tpu.memref_squeeze %dma_wait3A_146 : memref<1x1x400xi32, #tpu.memory_space<vmem>> -> memref<400xi32, #tpu.memory_space<vmem>>
          %dma_wait3A_148 = arith.constant 0 : i32
          %dma_wait3A_149 = arith.constant 0 : i32
          %dma_wait3A_150 = tpu.memref_slice %arg8[%dma_wait3A_148, %dma_wait3A_149] : memref<10240x64xf32, #tpu.memory_space<vmem_shared>> -> memref<10240x64xf32, #tpu.memory_space<vmem_shared>>
          tpu.wait_indirect_dma semaphore(%arg10 : memref<!tpu.dma_semaphore, #tpu.memory_space<semaphore_mem>>) src(%dma_wait3A_144 : memref<400x64xf32, #tpu.memory_space<vmem>>) dst(%dma_wait3A_150 : memref<10240x64xf32, #tpu.memory_space<vmem_shared>>)
        } else {
        }
        %add3A = arith.constant 2 : i32
        %add3A_100 = arith.addi %scan3A_54, %add3A : i32
        %lt3A = arith.constant 50 : i32
        %lt3A_101 = arith.cmpi slt, %add3A_100, %lt3A : i32
        %convert_element_type3A_102 = arith.extui %lt3A_101 : i1 to i32
        %cond3A_103 = arith.constant 0 : i32
        %cond3A_104 = arith.cmpi ne, %convert_element_type3A_102, %cond3A_103 : i32
        scf.if %cond3A_104 {
          %add3A_138 = arith.constant 2 : i32
          %add3A_139 = arith.addi %scan3A_54, %add3A_138 : i32
          %dma_start3A_140 = arith.constant 1 : i32
          %dma_start3A_141 = arith.constant 0 : i32
          %dma_start3A_142 = arith.constant 0 : i32
          %dma_start3A_143 = tpu.memref_slice %arg6[%dma_start3A_140, %dma_start3A_141, %dma_start3A_142] : memref<3x2x400xi32, #tpu.memory_space<vmem>> -> memref<1x2x400xi32, #tpu.memory_space<vmem>>
          %dma_start3A_144 = tpu.memref_squeeze %dma_start3A_143 : memref<1x2x400xi32, #tpu.memory_space<vmem>> -> memref<2x400xi32, #tpu.memory_space<vmem>>
          %dma_start3A_145 = arith.constant 0 : i32
          %dma_start3A_146 = arith.constant 0 : i32
          %dma_start3A_147 = tpu.memref_slice %arg3[%arg1, %add3A_139, %dma_start3A_145, %dma_start3A_146] : memref<16x50x2x400xi32, #tpu.memory_space<hbm>> -> memref<1x1x2x400xi32, #tpu.memory_space<hbm>>
          %dma_start3A_148 = tpu.memref_squeeze %dma_start3A_147 : memref<1x1x2x400xi32, #tpu.memory_space<hbm>> -> memref<2x400xi32, #tpu.memory_space<hbm>>
          %dma_start3A_149 = arith.constant 0 : i32
          %dma_start3A_150 = arith.constant 0 : i32
          %dma_start3A_151 = tpu.memref_slice %arg6[%dma_start3A_140, %dma_start3A_149, %dma_start3A_150] : memref<3x2x400xi32, #tpu.memory_space<vmem>> -> memref<1x2x400xi32, #tpu.memory_space<vmem>>
          %dma_start3A_152 = tpu.memref_squeeze %dma_start3A_151 : memref<1x2x400xi32, #tpu.memory_space<vmem>> -> memref<2x400xi32, #tpu.memory_space<vmem>>
          %dma_start3A_153 = arith.constant 0 : i32
          %dma_start3A_154 = arith.constant 0 : i32
          %dma_start3A_155 = tpu.memref_slice %arg3[%arg1, %add3A_139, %dma_start3A_153, %dma_start3A_154] : memref<16x50x2x400xi32, #tpu.memory_space<hbm>> -> memref<1x1x2x400xi32, #tpu.memory_space<hbm>>
          %dma_start3A_156 = tpu.memref_squeeze %dma_start3A_155 : memref<1x1x2x400xi32, #tpu.memory_space<hbm>> -> memref<2x400xi32, #tpu.memory_space<hbm>>
          tpu.enqueue_dma source(%dma_start3A_156 : memref<2x400xi32, #tpu.memory_space<hbm>>) target(%dma_start3A_152 : memref<2x400xi32, #tpu.memory_space<vmem>>) target_semaphore(%arg11 : memref<!tpu.dma_semaphore, #tpu.memory_space<semaphore_mem>>)
        } else {
        }
        %add3A_105 = arith.constant 1 : i32
        %add3A_106 = arith.addi %scan3A_54, %add3A_105 : i32
        %lt3A_107 = arith.constant 50 : i32
        %lt3A_108 = arith.cmpi slt, %add3A_106, %lt3A_107 : i32
        %convert_element_type3A_109 = arith.extui %lt3A_108 : i1 to i32
        %cond3A_110 = arith.constant 0 : i32
        %cond3A_111 = arith.cmpi ne, %convert_element_type3A_109, %cond3A_110 : i32
        scf.if %cond3A_111 {
          %dma_wait3A_138 = arith.constant 0 : i32
          %dma_wait3A_139 = arith.constant 0 : i32
          %dma_wait3A_140 = arith.constant 0 : i32
          %dma_wait3A_141 = arith.constant 0 : i32
          %dma_wait3A_142 = tpu.memref_slice %arg6[%dma_wait3A_139, %dma_wait3A_140, %dma_wait3A_141] : memref<3x2x400xi32, #tpu.memory_space<vmem>> -> memref<1x2x400xi32, #tpu.memory_space<vmem>>
          %dma_wait3A_143 = tpu.memref_squeeze %dma_wait3A_142 : memref<1x2x400xi32, #tpu.memory_space<vmem>> -> memref<2x400xi32, #tpu.memory_space<vmem>>
          %dma_wait3A_144 = arith.constant 0 : i32
          %dma_wait3A_145 = arith.constant 0 : i32
          %dma_wait3A_146 = tpu.memref_slice %arg3[%arg1, %dma_wait3A_138, %dma_wait3A_144, %dma_wait3A_145] : memref<16x50x2x400xi32, #tpu.memory_space<hbm>> -> memref<1x1x2x400xi32, #tpu.memory_space<hbm>>
          %dma_wait3A_147 = tpu.memref_squeeze %dma_wait3A_146 : memref<1x1x2x400xi32, #tpu.memory_space<hbm>> -> memref<2x400xi32, #tpu.memory_space<hbm>>
          %dma_wait3A_148 = arith.constant 0 : i32
          %dma_wait3A_149 = arith.constant 0 : i32
          %dma_wait3A_150 = tpu.memref_slice %arg6[%dma_wait3A_139, %dma_wait3A_148, %dma_wait3A_149] : memref<3x2x400xi32, #tpu.memory_space<vmem>> -> memref<1x2x400xi32, #tpu.memory_space<vmem>>
          %dma_wait3A_151 = tpu.memref_squeeze %dma_wait3A_150 : memref<1x2x400xi32, #tpu.memory_space<vmem>> -> memref<2x400xi32, #tpu.memory_space<vmem>>
          %dma_wait3A_152 = arith.constant 0 : i32
          %dma_wait3A_153 = arith.constant 0 : i32
          %dma_wait3A_154 = tpu.memref_slice %arg3[%arg1, %dma_wait3A_138, %dma_wait3A_152, %dma_wait3A_153] : memref<16x50x2x400xi32, #tpu.memory_space<hbm>> -> memref<1x1x2x400xi32, #tpu.memory_space<hbm>>
          %dma_wait3A_155 = tpu.memref_squeeze %dma_wait3A_154 : memref<1x1x2x400xi32, #tpu.memory_space<hbm>> -> memref<2x400xi32, #tpu.memory_space<hbm>>
          tpu.wait_dma2 semaphore(%arg11 : memref<!tpu.dma_semaphore, #tpu.memory_space<semaphore_mem>>) src(%dma_wait3A_155 : memref<2x400xi32, #tpu.memory_space<hbm>>) dst(%dma_wait3A_151 : memref<2x400xi32, #tpu.memory_space<vmem>>)
          %eq3A_156 = arith.constant 1 : i32
          %eq3A_157 = arith.cmpi eq, %arg0, %eq3A_156 : i32
          %convert_element_type3A_158 = arith.extui %eq3A_157 : i1 to i32
          %cond3A_159 = arith.constant 0 : i32
          %cond3A_160 = arith.cmpi ne, %convert_element_type3A_158, %cond3A_159 : i32
          scf.if %cond3A_160 {
            %scan3A_174 = arith.constant 0 : i32
            %scan3A_175 = arith.constant 0 : i32
            %scan3A_176 = arith.constant 25 : i32
            %scan3A_177 = arith.addi %scan3A_175, %scan3A_176 : i32
            %scan3A_178 = arith.constant 1 : i32
            scf.for %scan3A_180 = %scan3A_175 to %scan3A_177 step %scan3A_178  : i32 {
              %mul3A_181 = arith.constant 16 : i32
              %mul3A_182 = arith.muli %scan3A_180, %mul3A_181 : i32
              %get3A = arith.constant 0 : i32
              %get3A_183 = arith.constant 0 : i32
              %get3A_184 = arith.index_cast %get3A : i32 to index
              %get3A_185 = arith.index_cast %get3A_183 : i32 to index
              %get3A_186 = arith.index_cast %mul3A_182 : i32 to index
              %get3A_187 = tpu.vector_load %arg6[%get3A_184, %get3A_185, %get3A_186] {strides = array<i32>} : memref<3x2x400xi32, #tpu.memory_space<vmem>>, vector<1x1x16xi32>,
              %get3A_188 = vector.shape_cast %get3A_187 : vector<1x1x16xi32> to vector<16xi32>
              %add3A_189 = arith.constant 1 : i32
              %add3A_190 = vector.broadcast %add3A_189 : i32 to vector<16xi32>
              %add3A_191 = arith.addi %get3A_188, %add3A_190 : vector<16xi32>
              %mul3A_192 = arith.constant 16 : i32
              %mul3A_193 = arith.muli %scan3A_180, %mul3A_192 : i32
              %swap3A = arith.constant 0 : i32
              %swap3A_194 = arith.constant 0 : i32
              %swap3A_195 = arith.index_cast %swap3A : i32 to index
              %swap3A_196 = arith.index_cast %swap3A_194 : i32 to index
              %swap3A_197 = arith.index_cast %mul3A_193 : i32 to index
              %swap3A_198 = tpu.vector_load %arg6[%swap3A_195, %swap3A_196, %swap3A_197] {strides = array<i32>} : memref<3x2x400xi32, #tpu.memory_space<vmem>>, vector<1x1x16xi32>,
              %swap3A_199 = vector.shape_cast %swap3A_198 : vector<1x1x16xi32> to vector<16xi32>
              %swap3A_200 = vector.shape_cast %add3A_191 : vector<16xi32> to vector<1x1x16xi32>
              tpu.vector_store %arg6[%swap3A_195, %swap3A_196, %swap3A_197], %swap3A_200 {strides = array<i32>} : memref<3x2x400xi32, #tpu.memory_space<vmem>>, vector<1x1x16xi32>,
            }
            %scan3A_179 = arith.constant 25 : i32
          } else {
          }
          %dma_start3A_161 = arith.constant 0 : i32
          %dma_start3A_162 = arith.constant 0 : i32
          %dma_start3A_163 = arith.constant 1 : i32
          %dma_start3A_164 = arith.constant 0 : i32
          %dma_start3A_165 = arith.constant 0 : i32
          %dma_start3A_166 = tpu.memref_slice %arg7[%dma_start3A_163, %dma_start3A_164, %dma_start3A_165] : memref<2x400x64xf32, #tpu.memory_space<vmem>> -> memref<1x400x64xf32, #tpu.memory_space<vmem>>
          %dma_start3A_167 = tpu.memref_squeeze %dma_start3A_166 : memref<1x400x64xf32, #tpu.memory_space<vmem>> -> memref<400x64xf32, #tpu.memory_space<vmem>>
          %dma_start3A_168 = arith.constant 0 : i32
          %dma_start3A_169 = tpu.memref_slice %arg6[%dma_start3A_161, %dma_start3A_162, %dma_start3A_168] : memref<3x2x400xi32, #tpu.memory_space<vmem>> -> memref<1x1x400xi32, #tpu.memory_space<vmem>>
          %dma_start3A_170 = tpu.memref_squeeze %dma_start3A_169 : memref<1x1x400xi32, #tpu.memory_space<vmem>> -> memref<400xi32, #tpu.memory_space<vmem>>
          %dma_start3A_171 = arith.constant 0 : i32
          %dma_start3A_172 = arith.constant 0 : i32
          %dma_start3A_173 = tpu.memref_slice %arg2[%dma_start3A_171, %dma_start3A_172] : memref<20000x64xf32, #tpu.memory_space<hbm>> -> memref<20000x64xf32, #tpu.memory_space<hbm>>
          tpu.enqueue_indirect_dma source(%dma_start3A_173 : memref<20000x64xf32, #tpu.memory_space<hbm>>) target(%dma_start3A_167 : memref<400x64xf32, #tpu.memory_space<vmem>>) offsets(%dma_start3A_170 : memref<400xi32, #tpu.memory_space<vmem>>) semaphore(%arg9 : memref<!tpu.dma_semaphore, #tpu.memory_space<semaphore_mem>>)
        } else {
        }
        %dma_wait3A_112 = arith.constant 0 : i32
        %dma_wait3A_113 = arith.constant 0 : i32
        %dma_wait3A_114 = arith.constant 0 : i32
        %dma_wait3A_115 = arith.constant 0 : i32
        %dma_wait3A_116 = arith.constant 0 : i32
        %dma_wait3A_117 = tpu.memref_slice %arg7[%dma_wait3A_114, %dma_wait3A_115, %dma_wait3A_116] : memref<2x400x64xf32, #tpu.memory_space<vmem>> -> memref<1x400x64xf32, #tpu.memory_space<vmem>>
        %dma_wait3A_118 = tpu.memref_squeeze %dma_wait3A_117 : memref<1x400x64xf32, #tpu.memory_space<vmem>> -> memref<400x64xf32, #tpu.memory_space<vmem>>
        %dma_wait3A_119 = arith.constant 0 : i32
        %dma_wait3A_120 = tpu.memref_slice %arg6[%dma_wait3A_112, %dma_wait3A_113, %dma_wait3A_119] : memref<3x2x400xi32, #tpu.memory_space<vmem>> -> memref<1x1x400xi32, #tpu.memory_space<vmem>>
        %dma_wait3A_121 = tpu.memref_squeeze %dma_wait3A_120 : memref<1x1x400xi32, #tpu.memory_space<vmem>> -> memref<400xi32, #tpu.memory_space<vmem>>
        %dma_wait3A_122 = arith.constant 0 : i32
        %dma_wait3A_123 = arith.constant 0 : i32
        %dma_wait3A_124 = tpu.memref_slice %arg2[%dma_wait3A_122, %dma_wait3A_123] : memref<20000x64xf32, #tpu.memory_space<hbm>> -> memref<20000x64xf32, #tpu.memory_space<hbm>>
        tpu.wait_indirect_dma semaphore(%arg9 : memref<!tpu.dma_semaphore, #tpu.memory_space<semaphore_mem>>) src(%dma_wait3A_124 : memref<20000x64xf32, #tpu.memory_space<hbm>>) dst(%dma_wait3A_118 : memref<400x64xf32, #tpu.memory_space<vmem>>)
        %dma_start3A_125 = arith.constant 0 : i32
        %dma_start3A_126 = arith.constant 2 : i32
        %dma_start3A_127 = arith.constant 1 : i32
        %dma_start3A_128 = arith.constant 0 : i32
        %dma_start3A_129 = arith.constant 0 : i32
        %dma_start3A_130 = tpu.memref_slice %arg7[%dma_start3A_125, %dma_start3A_128, %dma_start3A_129] : memref<2x400x64xf32, #tpu.memory_space<vmem>> -> memref<1x400x64xf32, #tpu.memory_space<vmem>>
        %dma_start3A_131 = tpu.memref_squeeze %dma_start3A_130 : memref<1x400x64xf32, #tpu.memory_space<vmem>> -> memref<400x64xf32, #tpu.memory_space<vmem>>
        %dma_start3A_132 = arith.constant 0 : i32
        %dma_start3A_133 = tpu.memref_slice %arg6[%dma_start3A_126, %dma_start3A_127, %dma_start3A_132] : memref<3x2x400xi32, #tpu.memory_space<vmem>> -> memref<1x1x400xi32, #tpu.memory_space<vmem>>
        %dma_start3A_134 = tpu.memref_squeeze %dma_start3A_133 : memref<1x1x400xi32, #tpu.memory_space<vmem>> -> memref<400xi32, #tpu.memory_space<vmem>>
        %dma_start3A_135 = arith.constant 0 : i32
        %dma_start3A_136 = arith.constant 0 : i32
        %dma_start3A_137 = tpu.memref_slice %arg8[%dma_start3A_135, %dma_start3A_136] : memref<10240x64xf32, #tpu.memory_space<vmem_shared>> -> memref<10240x64xf32, #tpu.memory_space<vmem_shared>>
        tpu.enqueue_indirect_dma source(%dma_start3A_131 : memref<400x64xf32, #tpu.memory_space<vmem>>) target(%dma_start3A_137 : memref<10240x64xf32, #tpu.memory_space<vmem_shared>>) offsets(%dma_start3A_134 : memref<400xi32, #tpu.memory_space<vmem>>) semaphore(%arg10 : memref<!tpu.dma_semaphore, #tpu.memory_space<semaphore_mem>>) {add = true}
      } else {
      }
      %rem3A_75 = arith.constant 6 : i32
      %rem3A_76 = arith.remsi %scan3A_54, %rem3A_75 : i32
      %eq3A_77 = arith.constant 3 : i32
      %eq3A_78 = arith.cmpi eq, %rem3A_76, %eq3A_77 : i32
      %convert_element_type3A_79 = arith.extui %eq3A_78 : i1 to i32
      %cond3A_80 = arith.constant 0 : i32
      %cond3A_81 = arith.cmpi ne, %convert_element_type3A_79, %cond3A_80 : i32
      scf.if %cond3A_81 {
        %ge3A = arith.constant 1 : i32
        %ge3A_96 = arith.cmpi sge, %scan3A_54, %ge3A : i32
        %convert_element_type3A_97 = arith.extui %ge3A_96 : i1 to i32
        %cond3A_98 = arith.constant 0 : i32
        %cond3A_99 = arith.cmpi ne, %convert_element_type3A_97, %cond3A_98 : i32
        scf.if %cond3A_99 {
          %dma_wait3A_138 = arith.constant 0 : i32
          %dma_wait3A_139 = arith.constant 0 : i32
          %dma_wait3A_140 = arith.constant 1 : i32
          %dma_wait3A_141 = arith.constant 0 : i32
          %dma_wait3A_142 = arith.constant 0 : i32
          %dma_wait3A_143 = tpu.memref_slice %arg7[%dma_wait3A_138, %dma_wait3A_141, %dma_wait3A_142] : memref<2x400x64xf32, #tpu.memory_space<vmem>> -> memref<1x400x64xf32, #tpu.memory_space<vmem>>
          %dma_wait3A_144 = tpu.memref_squeeze %dma_wait3A_143 : memref<1x400x64xf32, #tpu.memory_space<vmem>> -> memref<400x64xf32, #tpu.memory_space<vmem>>
          %dma_wait3A_145 = arith.constant 0 : i32
          %dma_wait3A_146 = tpu.memref_slice %arg6[%dma_wait3A_139, %dma_wait3A_140, %dma_wait3A_145] : memref<3x2x400xi32, #tpu.memory_space<vmem>> -> memref<1x1x400xi32, #tpu.memory_space<vmem>>
          %dma_wait3A_147 = tpu.memref_squeeze %dma_wait3A_146 : memref<1x1x400xi32, #tpu.memory_space<vmem>> -> memref<400xi32, #tpu.memory_space<vmem>>
          %dma_wait3A_148 = arith.constant 0 : i32
          %dma_wait3A_149 = arith.constant 0 : i32
          %dma_wait3A_150 = tpu.memref_slice %arg8[%dma_wait3A_148, %dma_wait3A_149] : memref<10240x64xf32, #tpu.memory_space<vmem_shared>> -> memref<10240x64xf32, #tpu.memory_space<vmem_shared>>
          tpu.wait_indirect_dma semaphore(%arg10 : memref<!tpu.dma_semaphore, #tpu.memory_space<semaphore_mem>>) src(%dma_wait3A_144 : memref<400x64xf32, #tpu.memory_space<vmem>>) dst(%dma_wait3A_150 : memref<10240x64xf32, #tpu.memory_space<vmem_shared>>)
        } else {
        }
        %add3A = arith.constant 2 : i32
        %add3A_100 = arith.addi %scan3A_54, %add3A : i32
        %lt3A = arith.constant 50 : i32
        %lt3A_101 = arith.cmpi slt, %add3A_100, %lt3A : i32
        %convert_element_type3A_102 = arith.extui %lt3A_101 : i1 to i32
        %cond3A_103 = arith.constant 0 : i32
        %cond3A_104 = arith.cmpi ne, %convert_element_type3A_102, %cond3A_103 : i32
        scf.if %cond3A_104 {
          %add3A_138 = arith.constant 2 : i32
          %add3A_139 = arith.addi %scan3A_54, %add3A_138 : i32
          %dma_start3A_140 = arith.constant 2 : i32
          %dma_start3A_141 = arith.constant 0 : i32
          %dma_start3A_142 = arith.constant 0 : i32
          %dma_start3A_143 = tpu.memref_slice %arg6[%dma_start3A_140, %dma_start3A_141, %dma_start3A_142] : memref<3x2x400xi32, #tpu.memory_space<vmem>> -> memref<1x2x400xi32, #tpu.memory_space<vmem>>
          %dma_start3A_144 = tpu.memref_squeeze %dma_start3A_143 : memref<1x2x400xi32, #tpu.memory_space<vmem>> -> memref<2x400xi32, #tpu.memory_space<vmem>>
          %dma_start3A_145 = arith.constant 0 : i32
          %dma_start3A_146 = arith.constant 0 : i32
          %dma_start3A_147 = tpu.memref_slice %arg3[%arg1, %add3A_139, %dma_start3A_145, %dma_start3A_146] : memref<16x50x2x400xi32, #tpu.memory_space<hbm>> -> memref<1x1x2x400xi32, #tpu.memory_space<hbm>>
          %dma_start3A_148 = tpu.memref_squeeze %dma_start3A_147 : memref<1x1x2x400xi32, #tpu.memory_space<hbm>> -> memref<2x400xi32, #tpu.memory_space<hbm>>
          %dma_start3A_149 = arith.constant 0 : i32
          %dma_start3A_150 = arith.constant 0 : i32
          %dma_start3A_151 = tpu.memref_slice %arg6[%dma_start3A_140, %dma_start3A_149, %dma_start3A_150] : memref<3x2x400xi32, #tpu.memory_space<vmem>> -> memref<1x2x400xi32, #tpu.memory_space<vmem>>
          %dma_start3A_152 = tpu.memref_squeeze %dma_start3A_151 : memref<1x2x400xi32, #tpu.memory_space<vmem>> -> memref<2x400xi32, #tpu.memory_space<vmem>>
          %dma_start3A_153 = arith.constant 0 : i32
          %dma_start3A_154 = arith.constant 0 : i32
          %dma_start3A_155 = tpu.memref_slice %arg3[%arg1, %add3A_139, %dma_start3A_153, %dma_start3A_154] : memref<16x50x2x400xi32, #tpu.memory_space<hbm>> -> memref<1x1x2x400xi32, #tpu.memory_space<hbm>>
          %dma_start3A_156 = tpu.memref_squeeze %dma_start3A_155 : memref<1x1x2x400xi32, #tpu.memory_space<hbm>> -> memref<2x400xi32, #tpu.memory_space<hbm>>
          tpu.enqueue_dma source(%dma_start3A_156 : memref<2x400xi32, #tpu.memory_space<hbm>>) target(%dma_start3A_152 : memref<2x400xi32, #tpu.memory_space<vmem>>) target_semaphore(%arg11 : memref<!tpu.dma_semaphore, #tpu.memory_space<semaphore_mem>>)
        } else {
        }
        %add3A_105 = arith.constant 1 : i32
        %add3A_106 = arith.addi %scan3A_54, %add3A_105 : i32
        %lt3A_107 = arith.constant 50 : i32
        %lt3A_108 = arith.cmpi slt, %add3A_106, %lt3A_107 : i32
        %convert_element_type3A_109 = arith.extui %lt3A_108 : i1 to i32
        %cond3A_110 = arith.constant 0 : i32
        %cond3A_111 = arith.cmpi ne, %convert_element_type3A_109, %cond3A_110 : i32
        scf.if %cond3A_111 {
          %dma_wait3A_138 = arith.constant 0 : i32
          %dma_wait3A_139 = arith.constant 0 : i32
          %dma_wait3A_140 = arith.constant 0 : i32
          %dma_wait3A_141 = arith.constant 0 : i32
          %dma_wait3A_142 = tpu.memref_slice %arg6[%dma_wait3A_139, %dma_wait3A_140, %dma_wait3A_141] : memref<3x2x400xi32, #tpu.memory_space<vmem>> -> memref<1x2x400xi32, #tpu.memory_space<vmem>>
          %dma_wait3A_143 = tpu.memref_squeeze %dma_wait3A_142 : memref<1x2x400xi32, #tpu.memory_space<vmem>> -> memref<2x400xi32, #tpu.memory_space<vmem>>
          %dma_wait3A_144 = arith.constant 0 : i32
          %dma_wait3A_145 = arith.constant 0 : i32
          %dma_wait3A_146 = tpu.memref_slice %arg3[%arg1, %dma_wait3A_138, %dma_wait3A_144, %dma_wait3A_145] : memref<16x50x2x400xi32, #tpu.memory_space<hbm>> -> memref<1x1x2x400xi32, #tpu.memory_space<hbm>>
          %dma_wait3A_147 = tpu.memref_squeeze %dma_wait3A_146 : memref<1x1x2x400xi32, #tpu.memory_space<hbm>> -> memref<2x400xi32, #tpu.memory_space<hbm>>
          %dma_wait3A_148 = arith.constant 0 : i32
          %dma_wait3A_149 = arith.constant 0 : i32
          %dma_wait3A_150 = tpu.memref_slice %arg6[%dma_wait3A_139, %dma_wait3A_148, %dma_wait3A_149] : memref<3x2x400xi32, #tpu.memory_space<vmem>> -> memref<1x2x400xi32, #tpu.memory_space<vmem>>
          %dma_wait3A_151 = tpu.memref_squeeze %dma_wait3A_150 : memref<1x2x400xi32, #tpu.memory_space<vmem>> -> memref<2x400xi32, #tpu.memory_space<vmem>>
          %dma_wait3A_152 = arith.constant 0 : i32
          %dma_wait3A_153 = arith.constant 0 : i32
          %dma_wait3A_154 = tpu.memref_slice %arg3[%arg1, %dma_wait3A_138, %dma_wait3A_152, %dma_wait3A_153] : memref<16x50x2x400xi32, #tpu.memory_space<hbm>> -> memref<1x1x2x400xi32, #tpu.memory_space<hbm>>
          %dma_wait3A_155 = tpu.memref_squeeze %dma_wait3A_154 : memref<1x1x2x400xi32, #tpu.memory_space<hbm>> -> memref<2x400xi32, #tpu.memory_space<hbm>>
          tpu.wait_dma2 semaphore(%arg11 : memref<!tpu.dma_semaphore, #tpu.memory_space<semaphore_mem>>) src(%dma_wait3A_155 : memref<2x400xi32, #tpu.memory_space<hbm>>) dst(%dma_wait3A_151 : memref<2x400xi32, #tpu.memory_space<vmem>>)
          %eq3A_156 = arith.constant 1 : i32
          %eq3A_157 = arith.cmpi eq, %arg0, %eq3A_156 : i32
          %convert_element_type3A_158 = arith.extui %eq3A_157 : i1 to i32
          %cond3A_159 = arith.constant 0 : i32
          %cond3A_160 = arith.cmpi ne, %convert_element_type3A_158, %cond3A_159 : i32
          scf.if %cond3A_160 {
            %scan3A_174 = arith.constant 0 : i32
            %scan3A_175 = arith.constant 0 : i32
            %scan3A_176 = arith.constant 25 : i32
            %scan3A_177 = arith.addi %scan3A_175, %scan3A_176 : i32
            %scan3A_178 = arith.constant 1 : i32
            scf.for %scan3A_180 = %scan3A_175 to %scan3A_177 step %scan3A_178  : i32 {
              %mul3A_181 = arith.constant 16 : i32
              %mul3A_182 = arith.muli %scan3A_180, %mul3A_181 : i32
              %get3A = arith.constant 1 : i32
              %get3A_183 = arith.constant 0 : i32
              %get3A_184 = arith.index_cast %get3A : i32 to index
              %get3A_185 = arith.index_cast %get3A_183 : i32 to index
              %get3A_186 = arith.index_cast %mul3A_182 : i32 to index
              %get3A_187 = tpu.vector_load %arg6[%get3A_184, %get3A_185, %get3A_186] {strides = array<i32>} : memref<3x2x400xi32, #tpu.memory_space<vmem>>, vector<1x1x16xi32>,
              %get3A_188 = vector.shape_cast %get3A_187 : vector<1x1x16xi32> to vector<16xi32>
              %add3A_189 = arith.constant 1 : i32
              %add3A_190 = vector.broadcast %add3A_189 : i32 to vector<16xi32>
              %add3A_191 = arith.addi %get3A_188, %add3A_190 : vector<16xi32>
              %mul3A_192 = arith.constant 16 : i32
              %mul3A_193 = arith.muli %scan3A_180, %mul3A_192 : i32
              %swap3A = arith.constant 1 : i32
              %swap3A_194 = arith.constant 0 : i32
              %swap3A_195 = arith.index_cast %swap3A : i32 to index
              %swap3A_196 = arith.index_cast %swap3A_194 : i32 to index
              %swap3A_197 = arith.index_cast %mul3A_193 : i32 to index
              %swap3A_198 = tpu.vector_load %arg6[%swap3A_195, %swap3A_196, %swap3A_197] {strides = array<i32>} : memref<3x2x400xi32, #tpu.memory_space<vmem>>, vector<1x1x16xi32>,
              %swap3A_199 = vector.shape_cast %swap3A_198 : vector<1x1x16xi32> to vector<16xi32>
              %swap3A_200 = vector.shape_cast %add3A_191 : vector<16xi32> to vector<1x1x16xi32>
              tpu.vector_store %arg6[%swap3A_195, %swap3A_196, %swap3A_197], %swap3A_200 {strides = array<i32>} : memref<3x2x400xi32, #tpu.memory_space<vmem>>, vector<1x1x16xi32>,
            }
            %scan3A_179 = arith.constant 25 : i32
          } else {
          }
          %dma_start3A_161 = arith.constant 1 : i32
          %dma_start3A_162 = arith.constant 0 : i32
          %dma_start3A_163 = arith.constant 0 : i32
          %dma_start3A_164 = arith.constant 0 : i32
          %dma_start3A_165 = arith.constant 0 : i32
          %dma_start3A_166 = tpu.memref_slice %arg7[%dma_start3A_163, %dma_start3A_164, %dma_start3A_165] : memref<2x400x64xf32, #tpu.memory_space<vmem>> -> memref<1x400x64xf32, #tpu.memory_space<vmem>>
          %dma_start3A_167 = tpu.memref_squeeze %dma_start3A_166 : memref<1x400x64xf32, #tpu.memory_space<vmem>> -> memref<400x64xf32, #tpu.memory_space<vmem>>
          %dma_start3A_168 = arith.constant 0 : i32
          %dma_start3A_169 = tpu.memref_slice %arg6[%dma_start3A_161, %dma_start3A_162, %dma_start3A_168] : memref<3x2x400xi32, #tpu.memory_space<vmem>> -> memref<1x1x400xi32, #tpu.memory_space<vmem>>
          %dma_start3A_170 = tpu.memref_squeeze %dma_start3A_169 : memref<1x1x400xi32, #tpu.memory_space<vmem>> -> memref<400xi32, #tpu.memory_space<vmem>>
          %dma_start3A_171 = arith.constant 0 : i32
          %dma_start3A_172 = arith.constant 0 : i32
          %dma_start3A_173 = tpu.memref_slice %arg2[%dma_start3A_171, %dma_start3A_172] : memref<20000x64xf32, #tpu.memory_space<hbm>> -> memref<20000x64xf32, #tpu.memory_space<hbm>>
          tpu.enqueue_indirect_dma source(%dma_start3A_173 : memref<20000x64xf32, #tpu.memory_space<hbm>>) target(%dma_start3A_167 : memref<400x64xf32, #tpu.memory_space<vmem>>) offsets(%dma_start3A_170 : memref<400xi32, #tpu.memory_space<vmem>>) semaphore(%arg9 : memref<!tpu.dma_semaphore, #tpu.memory_space<semaphore_mem>>)
        } else {
        }
        %dma_wait3A_112 = arith.constant 0 : i32
        %dma_wait3A_113 = arith.constant 0 : i32
        %dma_wait3A_114 = arith.constant 0 : i32
        %dma_wait3A_115 = arith.constant 0 : i32
        %dma_wait3A_116 = arith.constant 0 : i32
        %dma_wait3A_117 = tpu.memref_slice %arg7[%dma_wait3A_114, %dma_wait3A_115, %dma_wait3A_116] : memref<2x400x64xf32, #tpu.memory_space<vmem>> -> memref<1x400x64xf32, #tpu.memory_space<vmem>>
        %dma_wait3A_118 = tpu.memref_squeeze %dma_wait3A_117 : memref<1x400x64xf32, #tpu.memory_space<vmem>> -> memref<400x64xf32, #tpu.memory_space<vmem>>
        %dma_wait3A_119 = arith.constant 0 : i32
        %dma_wait3A_120 = tpu.memref_slice %arg6[%dma_wait3A_112, %dma_wait3A_113, %dma_wait3A_119] : memref<3x2x400xi32, #tpu.memory_space<vmem>> -> memref<1x1x400xi32, #tpu.memory_space<vmem>>
        %dma_wait3A_121 = tpu.memref_squeeze %dma_wait3A_120 : memref<1x1x400xi32, #tpu.memory_space<vmem>> -> memref<400xi32, #tpu.memory_space<vmem>>
        %dma_wait3A_122 = arith.constant 0 : i32
        %dma_wait3A_123 = arith.constant 0 : i32
        %dma_wait3A_124 = tpu.memref_slice %arg2[%dma_wait3A_122, %dma_wait3A_123] : memref<20000x64xf32, #tpu.memory_space<hbm>> -> memref<20000x64xf32, #tpu.memory_space<hbm>>
        tpu.wait_indirect_dma semaphore(%arg9 : memref<!tpu.dma_semaphore, #tpu.memory_space<semaphore_mem>>) src(%dma_wait3A_124 : memref<20000x64xf32, #tpu.memory_space<hbm>>) dst(%dma_wait3A_118 : memref<400x64xf32, #tpu.memory_space<vmem>>)
        %dma_start3A_125 = arith.constant 1 : i32
        %dma_start3A_126 = arith.constant 0 : i32
        %dma_start3A_127 = arith.constant 1 : i32
        %dma_start3A_128 = arith.constant 0 : i32
        %dma_start3A_129 = arith.constant 0 : i32
        %dma_start3A_130 = tpu.memref_slice %arg7[%dma_start3A_125, %dma_start3A_128, %dma_start3A_129] : memref<2x400x64xf32, #tpu.memory_space<vmem>> -> memref<1x400x64xf32, #tpu.memory_space<vmem>>
        %dma_start3A_131 = tpu.memref_squeeze %dma_start3A_130 : memref<1x400x64xf32, #tpu.memory_space<vmem>> -> memref<400x64xf32, #tpu.memory_space<vmem>>
        %dma_start3A_132 = arith.constant 0 : i32
        %dma_start3A_133 = tpu.memref_slice %arg6[%dma_start3A_126, %dma_start3A_127, %dma_start3A_132] : memref<3x2x400xi32, #tpu.memory_space<vmem>> -> memref<1x1x400xi32, #tpu.memory_space<vmem>>
        %dma_start3A_134 = tpu.memref_squeeze %dma_start3A_133 : memref<1x1x400xi32, #tpu.memory_space<vmem>> -> memref<400xi32, #tpu.memory_space<vmem>>
        %dma_start3A_135 = arith.constant 0 : i32
        %dma_start3A_136 = arith.constant 0 : i32
        %dma_start3A_137 = tpu.memref_slice %arg8[%dma_start3A_135, %dma_start3A_136] : memref<10240x64xf32, #tpu.memory_space<vmem_shared>> -> memref<10240x64xf32, #tpu.memory_space<vmem_shared>>
        tpu.enqueue_indirect_dma source(%dma_start3A_131 : memref<400x64xf32, #tpu.memory_space<vmem>>) target(%dma_start3A_137 : memref<10240x64xf32, #tpu.memory_space<vmem_shared>>) offsets(%dma_start3A_134 : memref<400xi32, #tpu.memory_space<vmem>>) semaphore(%arg10 : memref<!tpu.dma_semaphore, #tpu.memory_space<semaphore_mem>>) {add = true}
      } else {
      }
      %rem3A_82 = arith.constant 6 : i32
      %rem3A_83 = arith.remsi %scan3A_54, %rem3A_82 : i32
      %eq3A_84 = arith.constant 4 : i32
      %eq3A_85 = arith.cmpi eq, %rem3A_83, %eq3A_84 : i32
      %convert_element_type3A_86 = arith.extui %eq3A_85 : i1 to i32
      %cond3A_87 = arith.constant 0 : i32
      %cond3A_88 = arith.cmpi ne, %convert_element_type3A_86, %cond3A_87 : i32
      scf.if %cond3A_88 {
        %ge3A = arith.constant 1 : i32
        %ge3A_96 = arith.cmpi sge, %scan3A_54, %ge3A : i32
        %convert_element_type3A_97 = arith.extui %ge3A_96 : i1 to i32
        %cond3A_98 = arith.constant 0 : i32
        %cond3A_99 = arith.cmpi ne, %convert_element_type3A_97, %cond3A_98 : i32
        scf.if %cond3A_99 {
          %dma_wait3A_138 = arith.constant 0 : i32
          %dma_wait3A_139 = arith.constant 0 : i32
          %dma_wait3A_140 = arith.constant 1 : i32
          %dma_wait3A_141 = arith.constant 0 : i32
          %dma_wait3A_142 = arith.constant 0 : i32
          %dma_wait3A_143 = tpu.memref_slice %arg7[%dma_wait3A_138, %dma_wait3A_141, %dma_wait3A_142] : memref<2x400x64xf32, #tpu.memory_space<vmem>> -> memref<1x400x64xf32, #tpu.memory_space<vmem>>
          %dma_wait3A_144 = tpu.memref_squeeze %dma_wait3A_143 : memref<1x400x64xf32, #tpu.memory_space<vmem>> -> memref<400x64xf32, #tpu.memory_space<vmem>>
          %dma_wait3A_145 = arith.constant 0 : i32
          %dma_wait3A_146 = tpu.memref_slice %arg6[%dma_wait3A_139, %dma_wait3A_140, %dma_wait3A_145] : memref<3x2x400xi32, #tpu.memory_space<vmem>> -> memref<1x1x400xi32, #tpu.memory_space<vmem>>
          %dma_wait3A_147 = tpu.memref_squeeze %dma_wait3A_146 : memref<1x1x400xi32, #tpu.memory_space<vmem>> -> memref<400xi32, #tpu.memory_space<vmem>>
          %dma_wait3A_148 = arith.constant 0 : i32
          %dma_wait3A_149 = arith.constant 0 : i32
          %dma_wait3A_150 = tpu.memref_slice %arg8[%dma_wait3A_148, %dma_wait3A_149] : memref<10240x64xf32, #tpu.memory_space<vmem_shared>> -> memref<10240x64xf32, #tpu.memory_space<vmem_shared>>
          tpu.wait_indirect_dma semaphore(%arg10 : memref<!tpu.dma_semaphore, #tpu.memory_space<semaphore_mem>>) src(%dma_wait3A_144 : memref<400x64xf32, #tpu.memory_space<vmem>>) dst(%dma_wait3A_150 : memref<10240x64xf32, #tpu.memory_space<vmem_shared>>)
        } else {
        }
        %add3A = arith.constant 2 : i32
        %add3A_100 = arith.addi %scan3A_54, %add3A : i32
        %lt3A = arith.constant 50 : i32
        %lt3A_101 = arith.cmpi slt, %add3A_100, %lt3A : i32
        %convert_element_type3A_102 = arith.extui %lt3A_101 : i1 to i32
        %cond3A_103 = arith.constant 0 : i32
        %cond3A_104 = arith.cmpi ne, %convert_element_type3A_102, %cond3A_103 : i32
        scf.if %cond3A_104 {
          %add3A_138 = arith.constant 2 : i32
          %add3A_139 = arith.addi %scan3A_54, %add3A_138 : i32
          %dma_start3A_140 = arith.constant 0 : i32
          %dma_start3A_141 = arith.constant 0 : i32
          %dma_start3A_142 = arith.constant 0 : i32
          %dma_start3A_143 = tpu.memref_slice %arg6[%dma_start3A_140, %dma_start3A_141, %dma_start3A_142] : memref<3x2x400xi32, #tpu.memory_space<vmem>> -> memref<1x2x400xi32, #tpu.memory_space<vmem>>
          %dma_start3A_144 = tpu.memref_squeeze %dma_start3A_143 : memref<1x2x400xi32, #tpu.memory_space<vmem>> -> memref<2x400xi32, #tpu.memory_space<vmem>>
          %dma_start3A_145 = arith.constant 0 : i32
          %dma_start3A_146 = arith.constant 0 : i32
          %dma_start3A_147 = tpu.memref_slice %arg3[%arg1, %add3A_139, %dma_start3A_145, %dma_start3A_146] : memref<16x50x2x400xi32, #tpu.memory_space<hbm>> -> memref<1x1x2x400xi32, #tpu.memory_space<hbm>>
          %dma_start3A_148 = tpu.memref_squeeze %dma_start3A_147 : memref<1x1x2x400xi32, #tpu.memory_space<hbm>> -> memref<2x400xi32, #tpu.memory_space<hbm>>
          %dma_start3A_149 = arith.constant 0 : i32
          %dma_start3A_150 = arith.constant 0 : i32
          %dma_start3A_151 = tpu.memref_slice %arg6[%dma_start3A_140, %dma_start3A_149, %dma_start3A_150] : memref<3x2x400xi32, #tpu.memory_space<vmem>> -> memref<1x2x400xi32, #tpu.memory_space<vmem>>
          %dma_start3A_152 = tpu.memref_squeeze %dma_start3A_151 : memref<1x2x400xi32, #tpu.memory_space<vmem>> -> memref<2x400xi32, #tpu.memory_space<vmem>>
          %dma_start3A_153 = arith.constant 0 : i32
          %dma_start3A_154 = arith.constant 0 : i32
          %dma_start3A_155 = tpu.memref_slice %arg3[%arg1, %add3A_139, %dma_start3A_153, %dma_start3A_154] : memref<16x50x2x400xi32, #tpu.memory_space<hbm>> -> memref<1x1x2x400xi32, #tpu.memory_space<hbm>>
          %dma_start3A_156 = tpu.memref_squeeze %dma_start3A_155 : memref<1x1x2x400xi32, #tpu.memory_space<hbm>> -> memref<2x400xi32, #tpu.memory_space<hbm>>
          tpu.enqueue_dma source(%dma_start3A_156 : memref<2x400xi32, #tpu.memory_space<hbm>>) target(%dma_start3A_152 : memref<2x400xi32, #tpu.memory_space<vmem>>) target_semaphore(%arg11 : memref<!tpu.dma_semaphore, #tpu.memory_space<semaphore_mem>>)
        } else {
        }
        %add3A_105 = arith.constant 1 : i32
        %add3A_106 = arith.addi %scan3A_54, %add3A_105 : i32
        %lt3A_107 = arith.constant 50 : i32
        %lt3A_108 = arith.cmpi slt, %add3A_106, %lt3A_107 : i32
        %convert_element_type3A_109 = arith.extui %lt3A_108 : i1 to i32
        %cond3A_110 = arith.constant 0 : i32
        %cond3A_111 = arith.cmpi ne, %convert_element_type3A_109, %cond3A_110 : i32
        scf.if %cond3A_111 {
          %dma_wait3A_138 = arith.constant 0 : i32
          %dma_wait3A_139 = arith.constant 0 : i32
          %dma_wait3A_140 = arith.constant 0 : i32
          %dma_wait3A_141 = arith.constant 0 : i32
          %dma_wait3A_142 = tpu.memref_slice %arg6[%dma_wait3A_139, %dma_wait3A_140, %dma_wait3A_141] : memref<3x2x400xi32, #tpu.memory_space<vmem>> -> memref<1x2x400xi32, #tpu.memory_space<vmem>>
          %dma_wait3A_143 = tpu.memref_squeeze %dma_wait3A_142 : memref<1x2x400xi32, #tpu.memory_space<vmem>> -> memref<2x400xi32, #tpu.memory_space<vmem>>
          %dma_wait3A_144 = arith.constant 0 : i32
          %dma_wait3A_145 = arith.constant 0 : i32
          %dma_wait3A_146 = tpu.memref_slice %arg3[%arg1, %dma_wait3A_138, %dma_wait3A_144, %dma_wait3A_145] : memref<16x50x2x400xi32, #tpu.memory_space<hbm>> -> memref<1x1x2x400xi32, #tpu.memory_space<hbm>>
          %dma_wait3A_147 = tpu.memref_squeeze %dma_wait3A_146 : memref<1x1x2x400xi32, #tpu.memory_space<hbm>> -> memref<2x400xi32, #tpu.memory_space<hbm>>
          %dma_wait3A_148 = arith.constant 0 : i32
          %dma_wait3A_149 = arith.constant 0 : i32
          %dma_wait3A_150 = tpu.memref_slice %arg6[%dma_wait3A_139, %dma_wait3A_148, %dma_wait3A_149] : memref<3x2x400xi32, #tpu.memory_space<vmem>> -> memref<1x2x400xi32, #tpu.memory_space<vmem>>
          %dma_wait3A_151 = tpu.memref_squeeze %dma_wait3A_150 : memref<1x2x400xi32, #tpu.memory_space<vmem>> -> memref<2x400xi32, #tpu.memory_space<vmem>>
          %dma_wait3A_152 = arith.constant 0 : i32
          %dma_wait3A_153 = arith.constant 0 : i32
          %dma_wait3A_154 = tpu.memref_slice %arg3[%arg1, %dma_wait3A_138, %dma_wait3A_152, %dma_wait3A_153] : memref<16x50x2x400xi32, #tpu.memory_space<hbm>> -> memref<1x1x2x400xi32, #tpu.memory_space<hbm>>
          %dma_wait3A_155 = tpu.memref_squeeze %dma_wait3A_154 : memref<1x1x2x400xi32, #tpu.memory_space<hbm>> -> memref<2x400xi32, #tpu.memory_space<hbm>>
          tpu.wait_dma2 semaphore(%arg11 : memref<!tpu.dma_semaphore, #tpu.memory_space<semaphore_mem>>) src(%dma_wait3A_155 : memref<2x400xi32, #tpu.memory_space<hbm>>) dst(%dma_wait3A_151 : memref<2x400xi32, #tpu.memory_space<vmem>>)
          %eq3A_156 = arith.constant 1 : i32
          %eq3A_157 = arith.cmpi eq, %arg0, %eq3A_156 : i32
          %convert_element_type3A_158 = arith.extui %eq3A_157 : i1 to i32
          %cond3A_159 = arith.constant 0 : i32
          %cond3A_160 = arith.cmpi ne, %convert_element_type3A_158, %cond3A_159 : i32
          scf.if %cond3A_160 {
            %scan3A_174 = arith.constant 0 : i32
            %scan3A_175 = arith.constant 0 : i32
            %scan3A_176 = arith.constant 25 : i32
            %scan3A_177 = arith.addi %scan3A_175, %scan3A_176 : i32
            %scan3A_178 = arith.constant 1 : i32
            scf.for %scan3A_180 = %scan3A_175 to %scan3A_177 step %scan3A_178  : i32 {
              %mul3A_181 = arith.constant 16 : i32
              %mul3A_182 = arith.muli %scan3A_180, %mul3A_181 : i32
              %get3A = arith.constant 2 : i32
              %get3A_183 = arith.constant 0 : i32
              %get3A_184 = arith.index_cast %get3A : i32 to index
              %get3A_185 = arith.index_cast %get3A_183 : i32 to index
              %get3A_186 = arith.index_cast %mul3A_182 : i32 to index
              %get3A_187 = tpu.vector_load %arg6[%get3A_184, %get3A_185, %get3A_186] {strides = array<i32>} : memref<3x2x400xi32, #tpu.memory_space<vmem>>, vector<1x1x16xi32>,
              %get3A_188 = vector.shape_cast %get3A_187 : vector<1x1x16xi32> to vector<16xi32>
              %add3A_189 = arith.constant 1 : i32
              %add3A_190 = vector.broadcast %add3A_189 : i32 to vector<16xi32>
              %add3A_191 = arith.addi %get3A_188, %add3A_190 : vector<16xi32>
              %mul3A_192 = arith.constant 16 : i32
              %mul3A_193 = arith.muli %scan3A_180, %mul3A_192 : i32
              %swap3A = arith.constant 2 : i32
              %swap3A_194 = arith.constant 0 : i32
              %swap3A_195 = arith.index_cast %swap3A : i32 to index
              %swap3A_196 = arith.index_cast %swap3A_194 : i32 to index
              %swap3A_197 = arith.index_cast %mul3A_193 : i32 to index
              %swap3A_198 = tpu.vector_load %arg6[%swap3A_195, %swap3A_196, %swap3A_197] {strides = array<i32>} : memref<3x2x400xi32, #tpu.memory_space<vmem>>, vector<1x1x16xi32>,
              %swap3A_199 = vector.shape_cast %swap3A_198 : vector<1x1x16xi32> to vector<16xi32>
              %swap3A_200 = vector.shape_cast %add3A_191 : vector<16xi32> to vector<1x1x16xi32>
              tpu.vector_store %arg6[%swap3A_195, %swap3A_196, %swap3A_197], %swap3A_200 {strides = array<i32>} : memref<3x2x400xi32, #tpu.memory_space<vmem>>, vector<1x1x16xi32>,
            }
            %scan3A_179 = arith.constant 25 : i32
          } else {
          }
          %dma_start3A_161 = arith.constant 2 : i32
          %dma_start3A_162 = arith.constant 0 : i32
          %dma_start3A_163 = arith.constant 1 : i32
          %dma_start3A_164 = arith.constant 0 : i32
          %dma_start3A_165 = arith.constant 0 : i32
          %dma_start3A_166 = tpu.memref_slice %arg7[%dma_start3A_163, %dma_start3A_164, %dma_start3A_165] : memref<2x400x64xf32, #tpu.memory_space<vmem>> -> memref<1x400x64xf32, #tpu.memory_space<vmem>>
          %dma_start3A_167 = tpu.memref_squeeze %dma_start3A_166 : memref<1x400x64xf32, #tpu.memory_space<vmem>> -> memref<400x64xf32, #tpu.memory_space<vmem>>
          %dma_start3A_168 = arith.constant 0 : i32
          %dma_start3A_169 = tpu.memref_slice %arg6[%dma_start3A_161, %dma_start3A_162, %dma_start3A_168] : memref<3x2x400xi32, #tpu.memory_space<vmem>> -> memref<1x1x400xi32, #tpu.memory_space<vmem>>
          %dma_start3A_170 = tpu.memref_squeeze %dma_start3A_169 : memref<1x1x400xi32, #tpu.memory_space<vmem>> -> memref<400xi32, #tpu.memory_space<vmem>>
          %dma_start3A_171 = arith.constant 0 : i32
          %dma_start3A_172 = arith.constant 0 : i32
          %dma_start3A_173 = tpu.memref_slice %arg2[%dma_start3A_171, %dma_start3A_172] : memref<20000x64xf32, #tpu.memory_space<hbm>> -> memref<20000x64xf32, #tpu.memory_space<hbm>>
          tpu.enqueue_indirect_dma source(%dma_start3A_173 : memref<20000x64xf32, #tpu.memory_space<hbm>>) target(%dma_start3A_167 : memref<400x64xf32, #tpu.memory_space<vmem>>) offsets(%dma_start3A_170 : memref<400xi32, #tpu.memory_space<vmem>>) semaphore(%arg9 : memref<!tpu.dma_semaphore, #tpu.memory_space<semaphore_mem>>)
        } else {
        }
        %dma_wait3A_112 = arith.constant 0 : i32
        %dma_wait3A_113 = arith.constant 0 : i32
        %dma_wait3A_114 = arith.constant 0 : i32
        %dma_wait3A_115 = arith.constant 0 : i32
        %dma_wait3A_116 = arith.constant 0 : i32
        %dma_wait3A_117 = tpu.memref_slice %arg7[%dma_wait3A_114, %dma_wait3A_115, %dma_wait3A_116] : memref<2x400x64xf32, #tpu.memory_space<vmem>> -> memref<1x400x64xf32, #tpu.memory_space<vmem>>
        %dma_wait3A_118 = tpu.memref_squeeze %dma_wait3A_117 : memref<1x400x64xf32, #tpu.memory_space<vmem>> -> memref<400x64xf32, #tpu.memory_space<vmem>>
        %dma_wait3A_119 = arith.constant 0 : i32
        %dma_wait3A_120 = tpu.memref_slice %arg6[%dma_wait3A_112, %dma_wait3A_113, %dma_wait3A_119] : memref<3x2x400xi32, #tpu.memory_space<vmem>> -> memref<1x1x400xi32, #tpu.memory_space<vmem>>
        %dma_wait3A_121 = tpu.memref_squeeze %dma_wait3A_120 : memref<1x1x400xi32, #tpu.memory_space<vmem>> -> memref<400xi32, #tpu.memory_space<vmem>>
        %dma_wait3A_122 = arith.constant 0 : i32
        %dma_wait3A_123 = arith.constant 0 : i32
        %dma_wait3A_124 = tpu.memref_slice %arg2[%dma_wait3A_122, %dma_wait3A_123] : memref<20000x64xf32, #tpu.memory_space<hbm>> -> memref<20000x64xf32, #tpu.memory_space<hbm>>
        tpu.wait_indirect_dma semaphore(%arg9 : memref<!tpu.dma_semaphore, #tpu.memory_space<semaphore_mem>>) src(%dma_wait3A_124 : memref<20000x64xf32, #tpu.memory_space<hbm>>) dst(%dma_wait3A_118 : memref<400x64xf32, #tpu.memory_space<vmem>>)
        %dma_start3A_125 = arith.constant 0 : i32
        %dma_start3A_126 = arith.constant 1 : i32
        %dma_start3A_127 = arith.constant 1 : i32
        %dma_start3A_128 = arith.constant 0 : i32
        %dma_start3A_129 = arith.constant 0 : i32
        %dma_start3A_130 = tpu.memref_slice %arg7[%dma_start3A_125, %dma_start3A_128, %dma_start3A_129] : memref<2x400x64xf32, #tpu.memory_space<vmem>> -> memref<1x400x64xf32, #tpu.memory_space<vmem>>
        %dma_start3A_131 = tpu.memref_squeeze %dma_start3A_130 : memref<1x400x64xf32, #tpu.memory_space<vmem>> -> memref<400x64xf32, #tpu.memory_space<vmem>>
        %dma_start3A_132 = arith.constant 0 : i32
        %dma_start3A_133 = tpu.memref_slice %arg6[%dma_start3A_126, %dma_start3A_127, %dma_start3A_132] : memref<3x2x400xi32, #tpu.memory_space<vmem>> -> memref<1x1x400xi32, #tpu.memory_space<vmem>>
        %dma_start3A_134 = tpu.memref_squeeze %dma_start3A_133 : memref<1x1x400xi32, #tpu.memory_space<vmem>> -> memref<400xi32, #tpu.memory_space<vmem>>
        %dma_start3A_135 = arith.constant 0 : i32
        %dma_start3A_136 = arith.constant 0 : i32
        %dma_start3A_137 = tpu.memref_slice %arg8[%dma_start3A_135, %dma_start3A_136] : memref<10240x64xf32, #tpu.memory_space<vmem_shared>> -> memref<10240x64xf32, #tpu.memory_space<vmem_shared>>
        tpu.enqueue_indirect_dma source(%dma_start3A_131 : memref<400x64xf32, #tpu.memory_space<vmem>>) target(%dma_start3A_137 : memref<10240x64xf32, #tpu.memory_space<vmem_shared>>) offsets(%dma_start3A_134 : memref<400xi32, #tpu.memory_space<vmem>>) semaphore(%arg10 : memref<!tpu.dma_semaphore, #tpu.memory_space<semaphore_mem>>) {add = true}
      } else {
      }
      %rem3A_89 = arith.constant 6 : i32
      %rem3A_90 = arith.remsi %scan3A_54, %rem3A_89 : i32
      %eq3A_91 = arith.constant 5 : i32
      %eq3A_92 = arith.cmpi eq, %rem3A_90, %eq3A_91 : i32
      %convert_element_type3A_93 = arith.extui %eq3A_92 : i1 to i32
      %cond3A_94 = arith.constant 0 : i32
      %cond3A_95 = arith.cmpi ne, %convert_element_type3A_93, %cond3A_94 : i32
      scf.if %cond3A_95 {
        %ge3A = arith.constant 1 : i32
        %ge3A_96 = arith.cmpi sge, %scan3A_54, %ge3A : i32
        %convert_element_type3A_97 = arith.extui %ge3A_96 : i1 to i32
        %cond3A_98 = arith.constant 0 : i32
        %cond3A_99 = arith.cmpi ne, %convert_element_type3A_97, %cond3A_98 : i32
        scf.if %cond3A_99 {
          %dma_wait3A_138 = arith.constant 0 : i32
          %dma_wait3A_139 = arith.constant 0 : i32
          %dma_wait3A_140 = arith.constant 1 : i32
          %dma_wait3A_141 = arith.constant 0 : i32
          %dma_wait3A_142 = arith.constant 0 : i32
          %dma_wait3A_143 = tpu.memref_slice %arg7[%dma_wait3A_138, %dma_wait3A_141, %dma_wait3A_142] : memref<2x400x64xf32, #tpu.memory_space<vmem>> -> memref<1x400x64xf32, #tpu.memory_space<vmem>>
          %dma_wait3A_144 = tpu.memref_squeeze %dma_wait3A_143 : memref<1x400x64xf32, #tpu.memory_space<vmem>> -> memref<400x64xf32, #tpu.memory_space<vmem>>
          %dma_wait3A_145 = arith.constant 0 : i32
          %dma_wait3A_146 = tpu.memref_slice %arg6[%dma_wait3A_139, %dma_wait3A_140, %dma_wait3A_145] : memref<3x2x400xi32, #tpu.memory_space<vmem>> -> memref<1x1x400xi32, #tpu.memory_space<vmem>>
          %dma_wait3A_147 = tpu.memref_squeeze %dma_wait3A_146 : memref<1x1x400xi32, #tpu.memory_space<vmem>> -> memref<400xi32, #tpu.memory_space<vmem>>
          %dma_wait3A_148 = arith.constant 0 : i32
          %dma_wait3A_149 = arith.constant 0 : i32
          %dma_wait3A_150 = tpu.memref_slice %arg8[%dma_wait3A_148, %dma_wait3A_149] : memref<10240x64xf32, #tpu.memory_space<vmem_shared>> -> memref<10240x64xf32, #tpu.memory_space<vmem_shared>>
          tpu.wait_indirect_dma semaphore(%arg10 : memref<!tpu.dma_semaphore, #tpu.memory_space<semaphore_mem>>) src(%dma_wait3A_144 : memref<400x64xf32, #tpu.memory_space<vmem>>) dst(%dma_wait3A_150 : memref<10240x64xf32, #tpu.memory_space<vmem_shared>>)
        } else {
        }
        %add3A = arith.constant 2 : i32
        %add3A_100 = arith.addi %scan3A_54, %add3A : i32
        %lt3A = arith.constant 50 : i32
        %lt3A_101 = arith.cmpi slt, %add3A_100, %lt3A : i32
        %convert_element_type3A_102 = arith.extui %lt3A_101 : i1 to i32
        %cond3A_103 = arith.constant 0 : i32
        %cond3A_104 = arith.cmpi ne, %convert_element_type3A_102, %cond3A_103 : i32
        scf.if %cond3A_104 {
          %add3A_138 = arith.constant 2 : i32
          %add3A_139 = arith.addi %scan3A_54, %add3A_138 : i32
          %dma_start3A_140 = arith.constant 1 : i32
          %dma_start3A_141 = arith.constant 0 : i32
          %dma_start3A_142 = arith.constant 0 : i32
          %dma_start3A_143 = tpu.memref_slice %arg6[%dma_start3A_140, %dma_start3A_141, %dma_start3A_142] : memref<3x2x400xi32, #tpu.memory_space<vmem>> -> memref<1x2x400xi32, #tpu.memory_space<vmem>>
          %dma_start3A_144 = tpu.memref_squeeze %dma_start3A_143 : memref<1x2x400xi32, #tpu.memory_space<vmem>> -> memref<2x400xi32, #tpu.memory_space<vmem>>
          %dma_start3A_145 = arith.constant 0 : i32
          %dma_start3A_146 = arith.constant 0 : i32
          %dma_start3A_147 = tpu.memref_slice %arg3[%arg1, %add3A_139, %dma_start3A_145, %dma_start3A_146] : memref<16x50x2x400xi32, #tpu.memory_space<hbm>> -> memref<1x1x2x400xi32, #tpu.memory_space<hbm>>
          %dma_start3A_148 = tpu.memref_squeeze %dma_start3A_147 : memref<1x1x2x400xi32, #tpu.memory_space<hbm>> -> memref<2x400xi32, #tpu.memory_space<hbm>>
          %dma_start3A_149 = arith.constant 0 : i32
          %dma_start3A_150 = arith.constant 0 : i32
          %dma_start3A_151 = tpu.memref_slice %arg6[%dma_start3A_140, %dma_start3A_149, %dma_start3A_150] : memref<3x2x400xi32, #tpu.memory_space<vmem>> -> memref<1x2x400xi32, #tpu.memory_space<vmem>>
          %dma_start3A_152 = tpu.memref_squeeze %dma_start3A_151 : memref<1x2x400xi32, #tpu.memory_space<vmem>> -> memref<2x400xi32, #tpu.memory_space<vmem>>
          %dma_start3A_153 = arith.constant 0 : i32
          %dma_start3A_154 = arith.constant 0 : i32
          %dma_start3A_155 = tpu.memref_slice %arg3[%arg1, %add3A_139, %dma_start3A_153, %dma_start3A_154] : memref<16x50x2x400xi32, #tpu.memory_space<hbm>> -> memref<1x1x2x400xi32, #tpu.memory_space<hbm>>
          %dma_start3A_156 = tpu.memref_squeeze %dma_start3A_155 : memref<1x1x2x400xi32, #tpu.memory_space<hbm>> -> memref<2x400xi32, #tpu.memory_space<hbm>>
          tpu.enqueue_dma source(%dma_start3A_156 : memref<2x400xi32, #tpu.memory_space<hbm>>) target(%dma_start3A_152 : memref<2x400xi32, #tpu.memory_space<vmem>>) target_semaphore(%arg11 : memref<!tpu.dma_semaphore, #tpu.memory_space<semaphore_mem>>)
        } else {
        }
        %add3A_105 = arith.constant 1 : i32
        %add3A_106 = arith.addi %scan3A_54, %add3A_105 : i32
        %lt3A_107 = arith.constant 50 : i32
        %lt3A_108 = arith.cmpi slt, %add3A_106, %lt3A_107 : i32
        %convert_element_type3A_109 = arith.extui %lt3A_108 : i1 to i32
        %cond3A_110 = arith.constant 0 : i32
        %cond3A_111 = arith.cmpi ne, %convert_element_type3A_109, %cond3A_110 : i32
        scf.if %cond3A_111 {
          %dma_wait3A_138 = arith.constant 0 : i32
          %dma_wait3A_139 = arith.constant 0 : i32
          %dma_wait3A_140 = arith.constant 0 : i32
          %dma_wait3A_141 = arith.constant 0 : i32
          %dma_wait3A_142 = tpu.memref_slice %arg6[%dma_wait3A_139, %dma_wait3A_140, %dma_wait3A_141] : memref<3x2x400xi32, #tpu.memory_space<vmem>> -> memref<1x2x400xi32, #tpu.memory_space<vmem>>
          %dma_wait3A_143 = tpu.memref_squeeze %dma_wait3A_142 : memref<1x2x400xi32, #tpu.memory_space<vmem>> -> memref<2x400xi32, #tpu.memory_space<vmem>>
          %dma_wait3A_144 = arith.constant 0 : i32
          %dma_wait3A_145 = arith.constant 0 : i32
          %dma_wait3A_146 = tpu.memref_slice %arg3[%arg1, %dma_wait3A_138, %dma_wait3A_144, %dma_wait3A_145] : memref<16x50x2x400xi32, #tpu.memory_space<hbm>> -> memref<1x1x2x400xi32, #tpu.memory_space<hbm>>
          %dma_wait3A_147 = tpu.memref_squeeze %dma_wait3A_146 : memref<1x1x2x400xi32, #tpu.memory_space<hbm>> -> memref<2x400xi32, #tpu.memory_space<hbm>>
          %dma_wait3A_148 = arith.constant 0 : i32
          %dma_wait3A_149 = arith.constant 0 : i32
          %dma_wait3A_150 = tpu.memref_slice %arg6[%dma_wait3A_139, %dma_wait3A_148, %dma_wait3A_149] : memref<3x2x400xi32, #tpu.memory_space<vmem>> -> memref<1x2x400xi32, #tpu.memory_space<vmem>>
          %dma_wait3A_151 = tpu.memref_squeeze %dma_wait3A_150 : memref<1x2x400xi32, #tpu.memory_space<vmem>> -> memref<2x400xi32, #tpu.memory_space<vmem>>
          %dma_wait3A_152 = arith.constant 0 : i32
          %dma_wait3A_153 = arith.constant 0 : i32
          %dma_wait3A_154 = tpu.memref_slice %arg3[%arg1, %dma_wait3A_138, %dma_wait3A_152, %dma_wait3A_153] : memref<16x50x2x400xi32, #tpu.memory_space<hbm>> -> memref<1x1x2x400xi32, #tpu.memory_space<hbm>>
          %dma_wait3A_155 = tpu.memref_squeeze %dma_wait3A_154 : memref<1x1x2x400xi32, #tpu.memory_space<hbm>> -> memref<2x400xi32, #tpu.memory_space<hbm>>
          tpu.wait_dma2 semaphore(%arg11 : memref<!tpu.dma_semaphore, #tpu.memory_space<semaphore_mem>>) src(%dma_wait3A_155 : memref<2x400xi32, #tpu.memory_space<hbm>>) dst(%dma_wait3A_151 : memref<2x400xi32, #tpu.memory_space<vmem>>)
          %eq3A_156 = arith.constant 1 : i32
          %eq3A_157 = arith.cmpi eq, %arg0, %eq3A_156 : i32
          %convert_element_type3A_158 = arith.extui %eq3A_157 : i1 to i32
          %cond3A_159 = arith.constant 0 : i32
          %cond3A_160 = arith.cmpi ne, %convert_element_type3A_158, %cond3A_159 : i32
          scf.if %cond3A_160 {
            %scan3A_174 = arith.constant 0 : i32
            %scan3A_175 = arith.constant 0 : i32
            %scan3A_176 = arith.constant 25 : i32
            %scan3A_177 = arith.addi %scan3A_175, %scan3A_176 : i32
            %scan3A_178 = arith.constant 1 : i32
            scf.for %scan3A_180 = %scan3A_175 to %scan3A_177 step %scan3A_178  : i32 {
              %mul3A_181 = arith.constant 16 : i32
              %mul3A_182 = arith.muli %scan3A_180, %mul3A_181 : i32
              %get3A = arith.constant 0 : i32
              %get3A_183 = arith.constant 0 : i32
              %get3A_184 = arith.index_cast %get3A : i32 to index
              %get3A_185 = arith.index_cast %get3A_183 : i32 to index
              %get3A_186 = arith.index_cast %mul3A_182 : i32 to index
              %get3A_187 = tpu.vector_load %arg6[%get3A_184, %get3A_185, %get3A_186] {strides = array<i32>} : memref<3x2x400xi32, #tpu.memory_space<vmem>>, vector<1x1x16xi32>,
              %get3A_188 = vector.shape_cast %get3A_187 : vector<1x1x16xi32> to vector<16xi32>
              %add3A_189 = arith.constant 1 : i32
              %add3A_190 = vector.broadcast %add3A_189 : i32 to vector<16xi32>
              %add3A_191 = arith.addi %get3A_188, %add3A_190 : vector<16xi32>
              %mul3A_192 = arith.constant 16 : i32
              %mul3A_193 = arith.muli %scan3A_180, %mul3A_192 : i32
              %swap3A = arith.constant 0 : i32
              %swap3A_194 = arith.constant 0 : i32
              %swap3A_195 = arith.index_cast %swap3A : i32 to index
              %swap3A_196 = arith.index_cast %swap3A_194 : i32 to index
              %swap3A_197 = arith.index_cast %mul3A_193 : i32 to index
              %swap3A_198 = tpu.vector_load %arg6[%swap3A_195, %swap3A_196, %swap3A_197] {strides = array<i32>} : memref<3x2x400xi32, #tpu.memory_space<vmem>>, vector<1x1x16xi32>,
              %swap3A_199 = vector.shape_cast %swap3A_198 : vector<1x1x16xi32> to vector<16xi32>
              %swap3A_200 = vector.shape_cast %add3A_191 : vector<16xi32> to vector<1x1x16xi32>
              tpu.vector_store %arg6[%swap3A_195, %swap3A_196, %swap3A_197], %swap3A_200 {strides = array<i32>} : memref<3x2x400xi32, #tpu.memory_space<vmem>>, vector<1x1x16xi32>,
            }
            %scan3A_179 = arith.constant 25 : i32
          } else {
          }
          %dma_start3A_161 = arith.constant 0 : i32
          %dma_start3A_162 = arith.constant 0 : i32
          %dma_start3A_163 = arith.constant 0 : i32
          %dma_start3A_164 = arith.constant 0 : i32
          %dma_start3A_165 = arith.constant 0 : i32
          %dma_start3A_166 = tpu.memref_slice %arg7[%dma_start3A_163, %dma_start3A_164, %dma_start3A_165] : memref<2x400x64xf32, #tpu.memory_space<vmem>> -> memref<1x400x64xf32, #tpu.memory_space<vmem>>
          %dma_start3A_167 = tpu.memref_squeeze %dma_start3A_166 : memref<1x400x64xf32, #tpu.memory_space<vmem>> -> memref<400x64xf32, #tpu.memory_space<vmem>>
          %dma_start3A_168 = arith.constant 0 : i32
          %dma_start3A_169 = tpu.memref_slice %arg6[%dma_start3A_161, %dma_start3A_162, %dma_start3A_168] : memref<3x2x400xi32, #tpu.memory_space<vmem>> -> memref<1x1x400xi32, #tpu.memory_space<vmem>>
          %dma_start3A_170 = tpu.memref_squeeze %dma_start3A_169 : memref<1x1x400xi32, #tpu.memory_space<vmem>> -> memref<400xi32, #tpu.memory_space<vmem>>
          %dma_start3A_171 = arith.constant 0 : i32
          %dma_start3A_172 = arith.constant 0 : i32
          %dma_start3A_173 = tpu.memref_slice %arg2[%dma_start3A_171, %dma_start3A_172] : memref<20000x64xf32, #tpu.memory_space<hbm>> -> memref<20000x64xf32, #tpu.memory_space<hbm>>
          tpu.enqueue_indirect_dma source(%dma_start3A_173 : memref<20000x64xf32, #tpu.memory_space<hbm>>) target(%dma_start3A_167 : memref<400x64xf32, #tpu.memory_space<vmem>>) offsets(%dma_start3A_170 : memref<400xi32, #tpu.memory_space<vmem>>) semaphore(%arg9 : memref<!tpu.dma_semaphore, #tpu.memory_space<semaphore_mem>>)
        } else {
        }
        %dma_wait3A_112 = arith.constant 0 : i32
        %dma_wait3A_113 = arith.constant 0 : i32
        %dma_wait3A_114 = arith.constant 0 : i32
        %dma_wait3A_115 = arith.constant 0 : i32
        %dma_wait3A_116 = arith.constant 0 : i32
        %dma_wait3A_117 = tpu.memref_slice %arg7[%dma_wait3A_114, %dma_wait3A_115, %dma_wait3A_116] : memref<2x400x64xf32, #tpu.memory_space<vmem>> -> memref<1x400x64xf32, #tpu.memory_space<vmem>>
        %dma_wait3A_118 = tpu.memref_squeeze %dma_wait3A_117 : memref<1x400x64xf32, #tpu.memory_space<vmem>> -> memref<400x64xf32, #tpu.memory_space<vmem>>
        %dma_wait3A_119 = arith.constant 0 : i32
        %dma_wait3A_120 = tpu.memref_slice %arg6[%dma_wait3A_112, %dma_wait3A_113, %dma_wait3A_119] : memref<3x2x400xi32, #tpu.memory_space<vmem>> -> memref<1x1x400xi32, #tpu.memory_space<vmem>>
        %dma_wait3A_121 = tpu.memref_squeeze %dma_wait3A_120 : memref<1x1x400xi32, #tpu.memory_space<vmem>> -> memref<400xi32, #tpu.memory_space<vmem>>
        %dma_wait3A_122 = arith.constant 0 : i32
        %dma_wait3A_123 = arith.constant 0 : i32
        %dma_wait3A_124 = tpu.memref_slice %arg2[%dma_wait3A_122, %dma_wait3A_123] : memref<20000x64xf32, #tpu.memory_space<hbm>> -> memref<20000x64xf32, #tpu.memory_space<hbm>>
        tpu.wait_indirect_dma semaphore(%arg9 : memref<!tpu.dma_semaphore, #tpu.memory_space<semaphore_mem>>) src(%dma_wait3A_124 : memref<20000x64xf32, #tpu.memory_space<hbm>>) dst(%dma_wait3A_118 : memref<400x64xf32, #tpu.memory_space<vmem>>)
        %dma_start3A_125 = arith.constant 1 : i32
        %dma_start3A_126 = arith.constant 2 : i32
        %dma_start3A_127 = arith.constant 1 : i32
        %dma_start3A_128 = arith.constant 0 : i32
        %dma_start3A_129 = arith.constant 0 : i32
        %dma_start3A_130 = tpu.memref_slice %arg7[%dma_start3A_125, %dma_start3A_128, %dma_start3A_129] : memref<2x400x64xf32, #tpu.memory_space<vmem>> -> memref<1x400x64xf32, #tpu.memory_space<vmem>>
        %dma_start3A_131 = tpu.memref_squeeze %dma_start3A_130 : memref<1x400x64xf32, #tpu.memory_space<vmem>> -> memref<400x64xf32, #tpu.memory_space<vmem>>
        %dma_start3A_132 = arith.constant 0 : i32
        %dma_start3A_133 = tpu.memref_slice %arg6[%dma_start3A_126, %dma_start3A_127, %dma_start3A_132] : memref<3x2x400xi32, #tpu.memory_space<vmem>> -> memref<1x1x400xi32, #tpu.memory_space<vmem>>
        %dma_start3A_134 = tpu.memref_squeeze %dma_start3A_133 : memref<1x1x400xi32, #tpu.memory_space<vmem>> -> memref<400xi32, #tpu.memory_space<vmem>>
        %dma_start3A_135 = arith.constant 0 : i32
        %dma_start3A_136 = arith.constant 0 : i32
        %dma_start3A_137 = tpu.memref_slice %arg8[%dma_start3A_135, %dma_start3A_136] : memref<10240x64xf32, #tpu.memory_space<vmem_shared>> -> memref<10240x64xf32, #tpu.memory_space<vmem_shared>>
        tpu.enqueue_indirect_dma source(%dma_start3A_131 : memref<400x64xf32, #tpu.memory_space<vmem>>) target(%dma_start3A_137 : memref<10240x64xf32, #tpu.memory_space<vmem_shared>>) offsets(%dma_start3A_134 : memref<400xi32, #tpu.memory_space<vmem>>) semaphore(%arg10 : memref<!tpu.dma_semaphore, #tpu.memory_space<semaphore_mem>>) {add = true}
      } else {
      }
    }
    %scan3A_38 = arith.constant 50 : i32
    %dma_wait3A = arith.constant 0 : i32
    %dma_wait3A_39 = arith.constant 0 : i32
    %dma_wait3A_40 = arith.constant 1 : i32
    %dma_wait3A_41 = arith.constant 0 : i32
    %dma_wait3A_42 = arith.constant 0 : i32
    %dma_wait3A_43 = tpu.memref_slice %arg7[%dma_wait3A, %dma_wait3A_41, %dma_wait3A_42] : memref<2x400x64xf32, #tpu.memory_space<vmem>> -> memref<1x400x64xf32, #tpu.memory_space<vmem>>
    %dma_wait3A_44 = tpu.memref_squeeze %dma_wait3A_43 : memref<1x400x64xf32, #tpu.memory_space<vmem>> -> memref<400x64xf32, #tpu.memory_space<vmem>>
    %dma_wait3A_45 = arith.constant 0 : i32
    %dma_wait3A_46 = tpu.memref_slice %arg6[%dma_wait3A_39, %dma_wait3A_40, %dma_wait3A_45] : memref<3x2x400xi32, #tpu.memory_space<vmem>> -> memref<1x1x400xi32, #tpu.memory_space<vmem>>
    %dma_wait3A_47 = tpu.memref_squeeze %dma_wait3A_46 : memref<1x1x400xi32, #tpu.memory_space<vmem>> -> memref<400xi32, #tpu.memory_space<vmem>>
    %dma_wait3A_48 = arith.constant 0 : i32
    %dma_wait3A_49 = arith.constant 0 : i32
    %dma_wait3A_50 = tpu.memref_slice %arg8[%dma_wait3A_48, %dma_wait3A_49] : memref<10240x64xf32, #tpu.memory_space<vmem_shared>> -> memref<10240x64xf32, #tpu.memory_space<vmem_shared>>
    tpu.wait_indirect_dma semaphore(%arg10 : memref<!tpu.dma_semaphore, #tpu.memory_space<semaphore_mem>>) src(%dma_wait3A_44 : memref<400x64xf32, #tpu.memory_space<vmem>>) dst(%dma_wait3A_50 : memref<10240x64xf32, #tpu.memory_space<vmem_shared>>)
    %barrier3A_51 = arith.constant 0 : index
    tpu.barrier barrier_id(%barrier3A_51)
    %mul3A_52 = arith.constant 64 : i32
    %mul3A_53 = arith.muli %arg0, %mul3A_52 : i32
    "tpu.region"() ({
      %run_scoped3A_54 = tpu.sem_alloc : memref<!tpu.dma_semaphore, #tpu.memory_space<semaphore_mem>>
      %dma_start3A_55 = tpu.memref_slice %arg5[%mul3A_0, %mul3A_53] : memref<10240x128xf32, #tpu.memory_space<hbm>> -> memref<640x64xf32, #tpu.memory_space<hbm>>
      %dma_start3A_56 = arith.constant 0 : i32
      %dma_start3A_57 = tpu.memref_slice %arg8[%mul3A_0, %dma_start3A_56] : memref<10240x64xf32, #tpu.memory_space<vmem_shared>> -> memref<640x64xf32, #tpu.memory_space<vmem_shared>>
      tpu.enqueue_dma source(%dma_start3A_57 : memref<640x64xf32, #tpu.memory_space<vmem_shared>>) target(%dma_start3A_55 : memref<640x64xf32, #tpu.memory_space<hbm>>) target_semaphore(%run_scoped3A_54 : memref<!tpu.dma_semaphore, #tpu.memory_space<semaphore_mem>>)
      %dma_wait3A_58 = tpu.memref_slice %arg5[%mul3A_0, %mul3A_53] : memref<10240x128xf32, #tpu.memory_space<hbm>> -> memref<640x64xf32, #tpu.memory_space<hbm>>
      %dma_wait3A_59 = arith.constant 0 : i32
      %dma_wait3A_60 = tpu.memref_slice %arg8[%mul3A_0, %dma_wait3A_59] : memref<10240x64xf32, #tpu.memory_space<vmem_shared>> -> memref<640x64xf32, #tpu.memory_space<vmem_shared>>
      tpu.wait_dma2 semaphore(%run_scoped3A_54 : memref<!tpu.dma_semaphore, #tpu.memory_space<semaphore_mem>>) src(%dma_wait3A_60 : memref<640x64xf32, #tpu.memory_space<vmem_shared>>) dst(%dma_wait3A_58 : memref<640x64xf32, #tpu.memory_space<hbm>>)
      tpu.yield
    }) : () -> ()
    return
  }
}

#map = affine_map<(d0, d1) -> (0, 0)>
#map1 = affine_map<(d0, d1) -> (0, 0, 0, 0)>
module attributes {stable_mosaic.version = 14 : i64} {
  func.func @k(%arg0: i32, %arg1: i32, %arg2: memref<20000x32xf32, #tpu.memory_space<hbm>>, %arg3: memref<16x25x2x800xi32, #tpu.memory_space<hbm>>, %arg4: memref<640x32xf32, #tpu.memory_space<hbm>>, %arg5: memref<10240x64xf32, #tpu.memory_space<hbm>>, %arg6: memref<3x2x800xi32, #tpu.memory_space<vmem>>, %arg7: memref<2x800x32xf32, #tpu.memory_space<vmem>>, %arg8: memref<10240x32xf32, #tpu.memory_space<vmem_shared>>, %arg9: memref<!tpu.dma_semaphore, #tpu.memory_space<semaphore_mem>>, %arg10: memref<!tpu.dma_semaphore, #tpu.memory_space<semaphore_mem>>, %arg11: memref<!tpu.dma_semaphore, #tpu.memory_space<semaphore_mem>>) attributes {dimension_semantics = [#tpu.dimension_semantics<core_parallel>, #tpu.dimension_semantics<subcore_parallel>], iteration_bounds = array<i64: 2, 16>, scalar_prefetch = 0 : i64, scratch_operands = 6 : i64, tpu.core_type = #tpu.core_type<sc_vector_subcore>, window_params = [{transform_indices = #map}, {transform_indices = #map1}, {transform_indices = #map}, {transform_indices = #map}]} {
    %mul3A = arith.constant 640 : i32
    %mul3A_0 = arith.muli %arg1, %mul3A : i32
    "tpu.region"() ({
      %run_scoped3A_54 = tpu.sem_alloc : memref<!tpu.dma_semaphore, #tpu.memory_space<semaphore_mem>>
      %dma_start3A_55 = arith.constant 0 : i32
      %dma_start3A_56 = tpu.memref_slice %arg8[%mul3A_0, %dma_start3A_55] : memref<10240x32xf32, #tpu.memory_space<vmem_shared>> -> memref<640x32xf32, #tpu.memory_space<vmem_shared>>
      tpu.enqueue_dma source(%arg4 : memref<640x32xf32, #tpu.memory_space<hbm>>) target(%dma_start3A_56 : memref<640x32xf32, #tpu.memory_space<vmem_shared>>) target_semaphore(%run_scoped3A_54 : memref<!tpu.dma_semaphore, #tpu.memory_space<semaphore_mem>>)
      %dma_wait3A_57 = arith.constant 0 : i32
      %dma_wait3A_58 = tpu.memref_slice %arg8[%mul3A_0, %dma_wait3A_57] : memref<10240x32xf32, #tpu.memory_space<vmem_shared>> -> memref<640x32xf32, #tpu.memory_space<vmem_shared>>
      tpu.wait_dma2 semaphore(%run_scoped3A_54 : memref<!tpu.dma_semaphore, #tpu.memory_space<semaphore_mem>>) src(%arg4 : memref<640x32xf32, #tpu.memory_space<hbm>>) dst(%dma_wait3A_58 : memref<640x32xf32, #tpu.memory_space<vmem_shared>>)
      tpu.yield
    }) : () -> ()
    %run_scoped3A = arith.constant 0 : i32
    %run_scoped3A_1 = arith.constant 0 : i32
    "tpu.region"() ({
      %run_scoped3A_54 = tpu.sem_alloc : memref<!tpu.dma_semaphore, #tpu.memory_space<semaphore_mem>>
      %dma_start3A_55 = arith.constant 0 : i32
      %dma_start3A_56 = arith.constant 0 : i32
      %dma_start3A_57 = tpu.memref_slice %arg6[%run_scoped3A_1, %dma_start3A_55, %dma_start3A_56] : memref<3x2x800xi32, #tpu.memory_space<vmem>> -> memref<1x2x800xi32, #tpu.memory_space<vmem>>
      %dma_start3A_58 = tpu.memref_squeeze %dma_start3A_57 : memref<1x2x800xi32, #tpu.memory_space<vmem>> -> memref<2x800xi32, #tpu.memory_space<vmem>>
      %dma_start3A_59 = arith.constant 0 : i32
      %dma_start3A_60 = arith.constant 0 : i32
      %dma_start3A_61 = tpu.memref_slice %arg3[%arg1, %run_scoped3A, %dma_start3A_59, %dma_start3A_60] : memref<16x25x2x800xi32, #tpu.memory_space<hbm>> -> memref<1x1x2x800xi32, #tpu.memory_space<hbm>>
      %dma_start3A_62 = tpu.memref_squeeze %dma_start3A_61 : memref<1x1x2x800xi32, #tpu.memory_space<hbm>> -> memref<2x800xi32, #tpu.memory_space<hbm>>
      %dma_start3A_63 = arith.constant 0 : i32
      %dma_start3A_64 = arith.constant 0 : i32
      %dma_start3A_65 = tpu.memref_slice %arg6[%run_scoped3A_1, %dma_start3A_63, %dma_start3A_64] : memref<3x2x800xi32, #tpu.memory_space<vmem>> -> memref<1x2x800xi32, #tpu.memory_space<vmem>>
      %dma_start3A_66 = tpu.memref_squeeze %dma_start3A_65 : memref<1x2x800xi32, #tpu.memory_space<vmem>> -> memref<2x800xi32, #tpu.memory_space<vmem>>
      %dma_start3A_67 = arith.constant 0 : i32
      %dma_start3A_68 = arith.constant 0 : i32
      %dma_start3A_69 = tpu.memref_slice %arg3[%arg1, %run_scoped3A, %dma_start3A_67, %dma_start3A_68] : memref<16x25x2x800xi32, #tpu.memory_space<hbm>> -> memref<1x1x2x800xi32, #tpu.memory_space<hbm>>
      %dma_start3A_70 = tpu.memref_squeeze %dma_start3A_69 : memref<1x1x2x800xi32, #tpu.memory_space<hbm>> -> memref<2x800xi32, #tpu.memory_space<hbm>>
      tpu.enqueue_dma source(%dma_start3A_70 : memref<2x800xi32, #tpu.memory_space<hbm>>) target(%dma_start3A_66 : memref<2x800xi32, #tpu.memory_space<vmem>>) target_semaphore(%run_scoped3A_54 : memref<!tpu.dma_semaphore, #tpu.memory_space<semaphore_mem>>)
      %dma_wait3A_71 = arith.constant 0 : i32
      %dma_wait3A_72 = arith.constant 0 : i32
      %dma_wait3A_73 = tpu.memref_slice %arg6[%run_scoped3A_1, %dma_wait3A_71, %dma_wait3A_72] : memref<3x2x800xi32, #tpu.memory_space<vmem>> -> memref<1x2x800xi32, #tpu.memory_space<vmem>>
      %dma_wait3A_74 = tpu.memref_squeeze %dma_wait3A_73 : memref<1x2x800xi32, #tpu.memory_space<vmem>> -> memref<2x800xi32, #tpu.memory_space<vmem>>
      %dma_wait3A_75 = arith.constant 0 : i32
      %dma_wait3A_76 = arith.constant 0 : i32
      %dma_wait3A_77 = tpu.memref_slice %arg3[%arg1, %run_scoped3A, %dma_wait3A_75, %dma_wait3A_76] : memref<16x25x2x800xi32, #tpu.memory_space<hbm>> -> memref<1x1x2x800xi32, #tpu.memory_space<hbm>>
      %dma_wait3A_78 = tpu.memref_squeeze %dma_wait3A_77 : memref<1x1x2x800xi32, #tpu.memory_space<hbm>> -> memref<2x800xi32, #tpu.memory_space<hbm>>
      %dma_wait3A_79 = arith.constant 0 : i32
      %dma_wait3A_80 = arith.constant 0 : i32
      %dma_wait3A_81 = tpu.memref_slice %arg6[%run_scoped3A_1, %dma_wait3A_79, %dma_wait3A_80] : memref<3x2x800xi32, #tpu.memory_space<vmem>> -> memref<1x2x800xi32, #tpu.memory_space<vmem>>
      %dma_wait3A_82 = tpu.memref_squeeze %dma_wait3A_81 : memref<1x2x800xi32, #tpu.memory_space<vmem>> -> memref<2x800xi32, #tpu.memory_space<vmem>>
      %dma_wait3A_83 = arith.constant 0 : i32
      %dma_wait3A_84 = arith.constant 0 : i32
      %dma_wait3A_85 = tpu.memref_slice %arg3[%arg1, %run_scoped3A, %dma_wait3A_83, %dma_wait3A_84] : memref<16x25x2x800xi32, #tpu.memory_space<hbm>> -> memref<1x1x2x800xi32, #tpu.memory_space<hbm>>
      %dma_wait3A_86 = tpu.memref_squeeze %dma_wait3A_85 : memref<1x1x2x800xi32, #tpu.memory_space<hbm>> -> memref<2x800xi32, #tpu.memory_space<hbm>>
      tpu.wait_dma2 semaphore(%run_scoped3A_54 : memref<!tpu.dma_semaphore, #tpu.memory_space<semaphore_mem>>) src(%dma_wait3A_86 : memref<2x800xi32, #tpu.memory_space<hbm>>) dst(%dma_wait3A_82 : memref<2x800xi32, #tpu.memory_space<vmem>>)
      tpu.yield
    }) : () -> ()
    %eq3A = arith.constant 1 : i32
    %eq3A_2 = arith.cmpi eq, %arg0, %eq3A : i32
    %convert_element_type3A = arith.extui %eq3A_2 : i1 to i32
    %cond3A = arith.constant 0 : i32
    %cond3A_3 = arith.cmpi ne, %convert_element_type3A, %cond3A : i32
    scf.if %cond3A_3 {
      %scan3A_54 = arith.constant 0 : i32
      %scan3A_55 = arith.constant 0 : i32
      %scan3A_56 = arith.constant 50 : i32
      %scan3A_57 = arith.addi %scan3A_55, %scan3A_56 : i32
      %scan3A_58 = arith.constant 1 : i32
      scf.for %scan3A_60 = %scan3A_55 to %scan3A_57 step %scan3A_58  : i32 {
        %mul3A_61 = arith.constant 16 : i32
        %mul3A_62 = arith.muli %scan3A_60, %mul3A_61 : i32
        %get3A = arith.constant 0 : i32
        %get3A_63 = arith.constant 0 : i32
        %get3A_64 = arith.index_cast %get3A : i32 to index
        %get3A_65 = arith.index_cast %get3A_63 : i32 to index
        %get3A_66 = arith.index_cast %mul3A_62 : i32 to index
        %get3A_67 = tpu.vector_load %arg6[%get3A_64, %get3A_65, %get3A_66] {strides = array<i32>} : memref<3x2x800xi32, #tpu.memory_space<vmem>>, vector<1x1x16xi32>,
        %get3A_68 = vector.shape_cast %get3A_67 : vector<1x1x16xi32> to vector<16xi32>
        %add3A = arith.constant 1 : i32
        %add3A_69 = vector.broadcast %add3A : i32 to vector<16xi32>
        %add3A_70 = arith.addi %get3A_68, %add3A_69 : vector<16xi32>
        %mul3A_71 = arith.constant 16 : i32
        %mul3A_72 = arith.muli %scan3A_60, %mul3A_71 : i32
        %swap3A = arith.constant 0 : i32
        %swap3A_73 = arith.constant 0 : i32
        %swap3A_74 = arith.index_cast %swap3A : i32 to index
        %swap3A_75 = arith.index_cast %swap3A_73 : i32 to index
        %swap3A_76 = arith.index_cast %mul3A_72 : i32 to index
        %swap3A_77 = tpu.vector_load %arg6[%swap3A_74, %swap3A_75, %swap3A_76] {strides = array<i32>} : memref<3x2x800xi32, #tpu.memory_space<vmem>>, vector<1x1x16xi32>,
        %swap3A_78 = vector.shape_cast %swap3A_77 : vector<1x1x16xi32> to vector<16xi32>
        %swap3A_79 = vector.shape_cast %add3A_70 : vector<16xi32> to vector<1x1x16xi32>
        tpu.vector_store %arg6[%swap3A_74, %swap3A_75, %swap3A_76], %swap3A_79 {strides = array<i32>} : memref<3x2x800xi32, #tpu.memory_space<vmem>>, vector<1x1x16xi32>,
      }
      %scan3A_59 = arith.constant 50 : i32
    } else {
    }
    %dma_start3A = arith.constant 0 : i32
    %dma_start3A_4 = arith.constant 0 : i32
    %dma_start3A_5 = arith.constant 0 : i32
    %dma_start3A_6 = arith.constant 0 : i32
    %dma_start3A_7 = arith.constant 0 : i32
    %dma_start3A_8 = tpu.memref_slice %arg7[%dma_start3A_5, %dma_start3A_6, %dma_start3A_7] : memref<2x800x32xf32, #tpu.memory_space<vmem>> -> memref<1x800x32xf32, #tpu.memory_space<vmem>>
    %dma_start3A_9 = tpu.memref_squeeze %dma_start3A_8 : memref<1x800x32xf32, #tpu.memory_space<vmem>> -> memref<800x32xf32, #tpu.memory_space<vmem>>
    %dma_start3A_10 = arith.constant 0 : i32
    %dma_start3A_11 = tpu.memref_slice %arg6[%dma_start3A, %dma_start3A_4, %dma_start3A_10] : memref<3x2x800xi32, #tpu.memory_space<vmem>> -> memref<1x1x800xi32, #tpu.memory_space<vmem>>
    %dma_start3A_12 = tpu.memref_squeeze %dma_start3A_11 : memref<1x1x800xi32, #tpu.memory_space<vmem>> -> memref<800xi32, #tpu.memory_space<vmem>>
    %dma_start3A_13 = arith.constant 0 : i32
    %dma_start3A_14 = arith.constant 0 : i32
    %dma_start3A_15 = tpu.memref_slice %arg2[%dma_start3A_13, %dma_start3A_14] : memref<20000x32xf32, #tpu.memory_space<hbm>> -> memref<20000x32xf32, #tpu.memory_space<hbm>>
    tpu.enqueue_indirect_dma source(%dma_start3A_15 : memref<20000x32xf32, #tpu.memory_space<hbm>>) target(%dma_start3A_9 : memref<800x32xf32, #tpu.memory_space<vmem>>) offsets(%dma_start3A_12 : memref<800xi32, #tpu.memory_space<vmem>>) semaphore(%arg9 : memref<!tpu.dma_semaphore, #tpu.memory_space<semaphore_mem>>)
    %dma_start3A_16 = arith.constant 1 : i32
    %dma_start3A_17 = arith.constant 1 : i32
    %dma_start3A_18 = arith.constant 0 : i32
    %dma_start3A_19 = arith.constant 0 : i32
    %dma_start3A_20 = tpu.memref_slice %arg6[%dma_start3A_17, %dma_start3A_18, %dma_start3A_19] : memref<3x2x800xi32, #tpu.memory_space<vmem>> -> memref<1x2x800xi32, #tpu.memory_space<vmem>>
    %dma_start3A_21 = tpu.memref_squeeze %dma_start3A_20 : memref<1x2x800xi32, #tpu.memory_space<vmem>> -> memref<2x800xi32, #tpu.memory_space<vmem>>
    %dma_start3A_22 = arith.constant 0 : i32
    %dma_start3A_23 = arith.constant 0 : i32
    %dma_start3A_24 = tpu.memref_slice %arg3[%arg1, %dma_start3A_16, %dma_start3A_22, %dma_start3A_23] : memref<16x25x2x800xi32, #tpu.memory_space<hbm>> -> memref<1x1x2x800xi32, #tpu.memory_space<hbm>>
    %dma_start3A_25 = tpu.memref_squeeze %dma_start3A_24 : memref<1x1x2x800xi32, #tpu.memory_space<hbm>> -> memref<2x800xi32, #tpu.memory_space<hbm>>
    %dma_start3A_26 = arith.constant 0 : i32
    %dma_start3A_27 = arith.constant 0 : i32
    %dma_start3A_28 = tpu.memref_slice %arg6[%dma_start3A_17, %dma_start3A_26, %dma_start3A_27] : memref<3x2x800xi32, #tpu.memory_space<vmem>> -> memref<1x2x800xi32, #tpu.memory_space<vmem>>
    %dma_start3A_29 = tpu.memref_squeeze %dma_start3A_28 : memref<1x2x800xi32, #tpu.memory_space<vmem>> -> memref<2x800xi32, #tpu.memory_space<vmem>>
    %dma_start3A_30 = arith.constant 0 : i32
    %dma_start3A_31 = arith.constant 0 : i32
    %dma_start3A_32 = tpu.memref_slice %arg3[%arg1, %dma_start3A_16, %dma_start3A_30, %dma_start3A_31] : memref<16x25x2x800xi32, #tpu.memory_space<hbm>> -> memref<1x1x2x800xi32, #tpu.memory_space<hbm>>
    %dma_start3A_33 = tpu.memref_squeeze %dma_start3A_32 : memref<1x1x2x800xi32, #tpu.memory_space<hbm>> -> memref<2x800xi32, #tpu.memory_space<hbm>>
    tpu.enqueue_dma source(%dma_start3A_33 : memref<2x800xi32, #tpu.memory_space<hbm>>) target(%dma_start3A_29 : memref<2x800xi32, #tpu.memory_space<vmem>>) target_semaphore(%arg11 : memref<!tpu.dma_semaphore, #tpu.memory_space<semaphore_mem>>)
    %barrier3A = arith.constant 0 : index
    tpu.barrier barrier_id(%barrier3A)
    %scan3A = arith.constant 0 : i32
    %scan3A_34 = arith.constant 0 : i32
    %scan3A_35 = arith.constant 25 : i32
    %scan3A_36 = arith.addi %scan3A_34, %scan3A_35 : i32
    %scan3A_37 = arith.constant 1 : i32
    scf.for %scan3A_54 = %scan3A_34 to %scan3A_36 step %scan3A_37  : i32 {
      %rem3A = arith.constant 6 : i32
      %rem3A_55 = arith.remsi %scan3A_54, %rem3A : i32
      %eq3A_56 = arith.constant 0 : i32
      %eq3A_57 = arith.cmpi eq, %rem3A_55, %eq3A_56 : i32
      %convert_element_type3A_58 = arith.extui %eq3A_57 : i1 to i32
      %cond3A_59 = arith.constant 0 : i32
      %cond3A_60 = arith.cmpi ne, %convert_element_type3A_58, %cond3A_59 : i32
      scf.if %cond3A_60 {
        %ge3A = arith.constant 1 : i32
        %ge3A_96 = arith.cmpi sge, %scan3A_54, %ge3A : i32
        %convert_element_type3A_97 = arith.extui %ge3A_96 : i1 to i32
        %cond3A_98 = arith.constant 0 : i32
        %cond3A_99 = arith.cmpi ne, %convert_element_type3A_97, %cond3A_98 : i32
        scf.if %cond3A_99 {
          %dma_wait3A_138 = arith.constant 0 : i32
          %dma_wait3A_139 = arith.constant 0 : i32
          %dma_wait3A_140 = arith.constant 1 : i32
          %dma_wait3A_141 = arith.constant 0 : i32
          %dma_wait3A_142 = arith.constant 0 : i32
          %dma_wait3A_143 = tpu.memref_slice %arg7[%dma_wait3A_138, %dma_wait3A_141, %dma_wait3A_142] : memref<2x800x32xf32, #tpu.memory_space<vmem>> -> memref<1x800x32xf32, #tpu.memory_space<vmem>>
          %dma_wait3A_144 = tpu.memref_squeeze %dma_wait3A_143 : memref<1x800x32xf32, #tpu.memory_space<vmem>> -> memref<800x32xf32, #tpu.memory_space<vmem>>
          %dma_wait3A_145 = arith.constant 0 : i32
          %dma_wait3A_146 = tpu.memref_slice %arg6[%dma_wait3A_139, %dma_wait3A_140, %dma_wait3A_145] : memref<3x2x800xi32, #tpu.memory_space<vmem>> -> memref<1x1x800xi32, #tpu.memory_space<vmem>>
          %dma_wait3A_147 = tpu.memref_squeeze %dma_wait3A_146 : memref<1x1x800xi32, #tpu.memory_space<vmem>> -> memref<800xi32, #tpu.memory_space<vmem>>
          %dma_wait3A_148 = arith.constant 0 : i32
          %dma_wait3A_149 = arith.constant 0 : i32
          %dma_wait3A_150 = tpu.memref_slice %arg8[%dma_wait3A_148, %dma_wait3A_149] : memref<10240x32xf32, #tpu.memory_space<vmem_shared>> -> memref<10240x32xf32, #tpu.memory_space<vmem_shared>>
          tpu.wait_indirect_dma semaphore(%arg10 : memref<!tpu.dma_semaphore, #tpu.memory_space<semaphore_mem>>) src(%dma_wait3A_144 : memref<800x32xf32, #tpu.memory_space<vmem>>) dst(%dma_wait3A_150 : memref<10240x32xf32, #tpu.memory_space<vmem_shared>>)
        } else {
        }
        %add3A = arith.constant 2 : i32
        %add3A_100 = arith.addi %scan3A_54, %add3A : i32
        %lt3A = arith.constant 25 : i32
        %lt3A_101 = arith.cmpi slt, %add3A_100, %lt3A : i32
        %convert_element_type3A_102 = arith.extui %lt3A_101 : i1 to i32
        %cond3A_103 = arith.constant 0 : i32
        %cond3A_104 = arith.cmpi ne, %convert_element_type3A_102, %cond3A_103 : i32
        scf.if %cond3A_104 {
          %add3A_138 = arith.constant 2 : i32
          %add3A_139 = arith.addi %scan3A_54, %add3A_138 : i32
          %dma_start3A_140 = arith.constant 2 : i32
          %dma_start3A_141 = arith.constant 0 : i32
          %dma_start3A_142 = arith.constant 0 : i32
          %dma_start3A_143 = tpu.memref_slice %arg6[%dma_start3A_140, %dma_start3A_141, %dma_start3A_142] : memref<3x2x800xi32, #tpu.memory_space<vmem>> -> memref<1x2x800xi32, #tpu.memory_space<vmem>>
          %dma_start3A_144 = tpu.memref_squeeze %dma_start3A_143 : memref<1x2x800xi32, #tpu.memory_space<vmem>> -> memref<2x800xi32, #tpu.memory_space<vmem>>
          %dma_start3A_145 = arith.constant 0 : i32
          %dma_start3A_146 = arith.constant 0 : i32
          %dma_start3A_147 = tpu.memref_slice %arg3[%arg1, %add3A_139, %dma_start3A_145, %dma_start3A_146] : memref<16x25x2x800xi32, #tpu.memory_space<hbm>> -> memref<1x1x2x800xi32, #tpu.memory_space<hbm>>
          %dma_start3A_148 = tpu.memref_squeeze %dma_start3A_147 : memref<1x1x2x800xi32, #tpu.memory_space<hbm>> -> memref<2x800xi32, #tpu.memory_space<hbm>>
          %dma_start3A_149 = arith.constant 0 : i32
          %dma_start3A_150 = arith.constant 0 : i32
          %dma_start3A_151 = tpu.memref_slice %arg6[%dma_start3A_140, %dma_start3A_149, %dma_start3A_150] : memref<3x2x800xi32, #tpu.memory_space<vmem>> -> memref<1x2x800xi32, #tpu.memory_space<vmem>>
          %dma_start3A_152 = tpu.memref_squeeze %dma_start3A_151 : memref<1x2x800xi32, #tpu.memory_space<vmem>> -> memref<2x800xi32, #tpu.memory_space<vmem>>
          %dma_start3A_153 = arith.constant 0 : i32
          %dma_start3A_154 = arith.constant 0 : i32
          %dma_start3A_155 = tpu.memref_slice %arg3[%arg1, %add3A_139, %dma_start3A_153, %dma_start3A_154] : memref<16x25x2x800xi32, #tpu.memory_space<hbm>> -> memref<1x1x2x800xi32, #tpu.memory_space<hbm>>
          %dma_start3A_156 = tpu.memref_squeeze %dma_start3A_155 : memref<1x1x2x800xi32, #tpu.memory_space<hbm>> -> memref<2x800xi32, #tpu.memory_space<hbm>>
          tpu.enqueue_dma source(%dma_start3A_156 : memref<2x800xi32, #tpu.memory_space<hbm>>) target(%dma_start3A_152 : memref<2x800xi32, #tpu.memory_space<vmem>>) target_semaphore(%arg11 : memref<!tpu.dma_semaphore, #tpu.memory_space<semaphore_mem>>)
        } else {
        }
        %add3A_105 = arith.constant 1 : i32
        %add3A_106 = arith.addi %scan3A_54, %add3A_105 : i32
        %lt3A_107 = arith.constant 25 : i32
        %lt3A_108 = arith.cmpi slt, %add3A_106, %lt3A_107 : i32
        %convert_element_type3A_109 = arith.extui %lt3A_108 : i1 to i32
        %cond3A_110 = arith.constant 0 : i32
        %cond3A_111 = arith.cmpi ne, %convert_element_type3A_109, %cond3A_110 : i32
        scf.if %cond3A_111 {
          %dma_wait3A_138 = arith.constant 0 : i32
          %dma_wait3A_139 = arith.constant 0 : i32
          %dma_wait3A_140 = arith.constant 0 : i32
          %dma_wait3A_141 = arith.constant 0 : i32
          %dma_wait3A_142 = tpu.memref_slice %arg6[%dma_wait3A_139, %dma_wait3A_140, %dma_wait3A_141] : memref<3x2x800xi32, #tpu.memory_space<vmem>> -> memref<1x2x800xi32, #tpu.memory_space<vmem>>
          %dma_wait3A_143 = tpu.memref_squeeze %dma_wait3A_142 : memref<1x2x800xi32, #tpu.memory_space<vmem>> -> memref<2x800xi32, #tpu.memory_space<vmem>>
          %dma_wait3A_144 = arith.constant 0 : i32
          %dma_wait3A_145 = arith.constant 0 : i32
          %dma_wait3A_146 = tpu.memref_slice %arg3[%arg1, %dma_wait3A_138, %dma_wait3A_144, %dma_wait3A_145] : memref<16x25x2x800xi32, #tpu.memory_space<hbm>> -> memref<1x1x2x800xi32, #tpu.memory_space<hbm>>
          %dma_wait3A_147 = tpu.memref_squeeze %dma_wait3A_146 : memref<1x1x2x800xi32, #tpu.memory_space<hbm>> -> memref<2x800xi32, #tpu.memory_space<hbm>>
          %dma_wait3A_148 = arith.constant 0 : i32
          %dma_wait3A_149 = arith.constant 0 : i32
          %dma_wait3A_150 = tpu.memref_slice %arg6[%dma_wait3A_139, %dma_wait3A_148, %dma_wait3A_149] : memref<3x2x800xi32, #tpu.memory_space<vmem>> -> memref<1x2x800xi32, #tpu.memory_space<vmem>>
          %dma_wait3A_151 = tpu.memref_squeeze %dma_wait3A_150 : memref<1x2x800xi32, #tpu.memory_space<vmem>> -> memref<2x800xi32, #tpu.memory_space<vmem>>
          %dma_wait3A_152 = arith.constant 0 : i32
          %dma_wait3A_153 = arith.constant 0 : i32
          %dma_wait3A_154 = tpu.memref_slice %arg3[%arg1, %dma_wait3A_138, %dma_wait3A_152, %dma_wait3A_153] : memref<16x25x2x800xi32, #tpu.memory_space<hbm>> -> memref<1x1x2x800xi32, #tpu.memory_space<hbm>>
          %dma_wait3A_155 = tpu.memref_squeeze %dma_wait3A_154 : memref<1x1x2x800xi32, #tpu.memory_space<hbm>> -> memref<2x800xi32, #tpu.memory_space<hbm>>
          tpu.wait_dma2 semaphore(%arg11 : memref<!tpu.dma_semaphore, #tpu.memory_space<semaphore_mem>>) src(%dma_wait3A_155 : memref<2x800xi32, #tpu.memory_space<hbm>>) dst(%dma_wait3A_151 : memref<2x800xi32, #tpu.memory_space<vmem>>)
          %eq3A_156 = arith.constant 1 : i32
          %eq3A_157 = arith.cmpi eq, %arg0, %eq3A_156 : i32
          %convert_element_type3A_158 = arith.extui %eq3A_157 : i1 to i32
          %cond3A_159 = arith.constant 0 : i32
          %cond3A_160 = arith.cmpi ne, %convert_element_type3A_158, %cond3A_159 : i32
          scf.if %cond3A_160 {
            %scan3A_174 = arith.constant 0 : i32
            %scan3A_175 = arith.constant 0 : i32
            %scan3A_176 = arith.constant 50 : i32
            %scan3A_177 = arith.addi %scan3A_175, %scan3A_176 : i32
            %scan3A_178 = arith.constant 1 : i32
            scf.for %scan3A_180 = %scan3A_175 to %scan3A_177 step %scan3A_178  : i32 {
              %mul3A_181 = arith.constant 16 : i32
              %mul3A_182 = arith.muli %scan3A_180, %mul3A_181 : i32
              %get3A = arith.constant 1 : i32
              %get3A_183 = arith.constant 0 : i32
              %get3A_184 = arith.index_cast %get3A : i32 to index
              %get3A_185 = arith.index_cast %get3A_183 : i32 to index
              %get3A_186 = arith.index_cast %mul3A_182 : i32 to index
              %get3A_187 = tpu.vector_load %arg6[%get3A_184, %get3A_185, %get3A_186] {strides = array<i32>} : memref<3x2x800xi32, #tpu.memory_space<vmem>>, vector<1x1x16xi32>,
              %get3A_188 = vector.shape_cast %get3A_187 : vector<1x1x16xi32> to vector<16xi32>
              %add3A_189 = arith.constant 1 : i32
              %add3A_190 = vector.broadcast %add3A_189 : i32 to vector<16xi32>
              %add3A_191 = arith.addi %get3A_188, %add3A_190 : vector<16xi32>
              %mul3A_192 = arith.constant 16 : i32
              %mul3A_193 = arith.muli %scan3A_180, %mul3A_192 : i32
              %swap3A = arith.constant 1 : i32
              %swap3A_194 = arith.constant 0 : i32
              %swap3A_195 = arith.index_cast %swap3A : i32 to index
              %swap3A_196 = arith.index_cast %swap3A_194 : i32 to index
              %swap3A_197 = arith.index_cast %mul3A_193 : i32 to index
              %swap3A_198 = tpu.vector_load %arg6[%swap3A_195, %swap3A_196, %swap3A_197] {strides = array<i32>} : memref<3x2x800xi32, #tpu.memory_space<vmem>>, vector<1x1x16xi32>,
              %swap3A_199 = vector.shape_cast %swap3A_198 : vector<1x1x16xi32> to vector<16xi32>
              %swap3A_200 = vector.shape_cast %add3A_191 : vector<16xi32> to vector<1x1x16xi32>
              tpu.vector_store %arg6[%swap3A_195, %swap3A_196, %swap3A_197], %swap3A_200 {strides = array<i32>} : memref<3x2x800xi32, #tpu.memory_space<vmem>>, vector<1x1x16xi32>,
            }
            %scan3A_179 = arith.constant 50 : i32
          } else {
          }
          %dma_start3A_161 = arith.constant 1 : i32
          %dma_start3A_162 = arith.constant 0 : i32
          %dma_start3A_163 = arith.constant 1 : i32
          %dma_start3A_164 = arith.constant 0 : i32
          %dma_start3A_165 = arith.constant 0 : i32
          %dma_start3A_166 = tpu.memref_slice %arg7[%dma_start3A_163, %dma_start3A_164, %dma_start3A_165] : memref<2x800x32xf32, #tpu.memory_space<vmem>> -> memref<1x800x32xf32, #tpu.memory_space<vmem>>
          %dma_start3A_167 = tpu.memref_squeeze %dma_start3A_166 : memref<1x800x32xf32, #tpu.memory_space<vmem>> -> memref<800x32xf32, #tpu.memory_space<vmem>>
          %dma_start3A_168 = arith.constant 0 : i32
          %dma_start3A_169 = tpu.memref_slice %arg6[%dma_start3A_161, %dma_start3A_162, %dma_start3A_168] : memref<3x2x800xi32, #tpu.memory_space<vmem>> -> memref<1x1x800xi32, #tpu.memory_space<vmem>>
          %dma_start3A_170 = tpu.memref_squeeze %dma_start3A_169 : memref<1x1x800xi32, #tpu.memory_space<vmem>> -> memref<800xi32, #tpu.memory_space<vmem>>
          %dma_start3A_171 = arith.constant 0 : i32
          %dma_start3A_172 = arith.constant 0 : i32
          %dma_start3A_173 = tpu.memref_slice %arg2[%dma_start3A_171, %dma_start3A_172] : memref<20000x32xf32, #tpu.memory_space<hbm>> -> memref<20000x32xf32, #tpu.memory_space<hbm>>
          tpu.enqueue_indirect_dma source(%dma_start3A_173 : memref<20000x32xf32, #tpu.memory_space<hbm>>) target(%dma_start3A_167 : memref<800x32xf32, #tpu.memory_space<vmem>>) offsets(%dma_start3A_170 : memref<800xi32, #tpu.memory_space<vmem>>) semaphore(%arg9 : memref<!tpu.dma_semaphore, #tpu.memory_space<semaphore_mem>>)
        } else {
        }
        %dma_wait3A_112 = arith.constant 0 : i32
        %dma_wait3A_113 = arith.constant 0 : i32
        %dma_wait3A_114 = arith.constant 0 : i32
        %dma_wait3A_115 = arith.constant 0 : i32
        %dma_wait3A_116 = arith.constant 0 : i32
        %dma_wait3A_117 = tpu.memref_slice %arg7[%dma_wait3A_114, %dma_wait3A_115, %dma_wait3A_116] : memref<2x800x32xf32, #tpu.memory_space<vmem>> -> memref<1x800x32xf32, #tpu.memory_space<vmem>>
        %dma_wait3A_118 = tpu.memref_squeeze %dma_wait3A_117 : memref<1x800x32xf32, #tpu.memory_space<vmem>> -> memref<800x32xf32, #tpu.memory_space<vmem>>
        %dma_wait3A_119 = arith.constant 0 : i32
        %dma_wait3A_120 = tpu.memref_slice %arg6[%dma_wait3A_112, %dma_wait3A_113, %dma_wait3A_119] : memref<3x2x800xi32, #tpu.memory_space<vmem>> -> memref<1x1x800xi32, #tpu.memory_space<vmem>>
        %dma_wait3A_121 = tpu.memref_squeeze %dma_wait3A_120 : memref<1x1x800xi32, #tpu.memory_space<vmem>> -> memref<800xi32, #tpu.memory_space<vmem>>
        %dma_wait3A_122 = arith.constant 0 : i32
        %dma_wait3A_123 = arith.constant 0 : i32
        %dma_wait3A_124 = tpu.memref_slice %arg2[%dma_wait3A_122, %dma_wait3A_123] : memref<20000x32xf32, #tpu.memory_space<hbm>> -> memref<20000x32xf32, #tpu.memory_space<hbm>>
        tpu.wait_indirect_dma semaphore(%arg9 : memref<!tpu.dma_semaphore, #tpu.memory_space<semaphore_mem>>) src(%dma_wait3A_124 : memref<20000x32xf32, #tpu.memory_space<hbm>>) dst(%dma_wait3A_118 : memref<800x32xf32, #tpu.memory_space<vmem>>)
        %dma_start3A_125 = arith.constant 0 : i32
        %dma_start3A_126 = arith.constant 0 : i32
        %dma_start3A_127 = arith.constant 1 : i32
        %dma_start3A_128 = arith.constant 0 : i32
        %dma_start3A_129 = arith.constant 0 : i32
        %dma_start3A_130 = tpu.memref_slice %arg7[%dma_start3A_125, %dma_start3A_128, %dma_start3A_129] : memref<2x800x32xf32, #tpu.memory_space<vmem>> -> memref<1x800x32xf32, #tpu.memory_space<vmem>>
        %dma_start3A_131 = tpu.memref_squeeze %dma_start3A_130 : memref<1x800x32xf32, #tpu.memory_space<vmem>> -> memref<800x32xf32, #tpu.memory_space<vmem>>
        %dma_start3A_132 = arith.constant 0 : i32
        %dma_start3A_133 = tpu.memref_slice %arg6[%dma_start3A_126, %dma_start3A_127, %dma_start3A_132] : memref<3x2x800xi32, #tpu.memory_space<vmem>> -> memref<1x1x800xi32, #tpu.memory_space<vmem>>
        %dma_start3A_134 = tpu.memref_squeeze %dma_start3A_133 : memref<1x1x800xi32, #tpu.memory_space<vmem>> -> memref<800xi32, #tpu.memory_space<vmem>>
        %dma_start3A_135 = arith.constant 0 : i32
        %dma_start3A_136 = arith.constant 0 : i32
        %dma_start3A_137 = tpu.memref_slice %arg8[%dma_start3A_135, %dma_start3A_136] : memref<10240x32xf32, #tpu.memory_space<vmem_shared>> -> memref<10240x32xf32, #tpu.memory_space<vmem_shared>>
        tpu.enqueue_indirect_dma source(%dma_start3A_131 : memref<800x32xf32, #tpu.memory_space<vmem>>) target(%dma_start3A_137 : memref<10240x32xf32, #tpu.memory_space<vmem_shared>>) offsets(%dma_start3A_134 : memref<800xi32, #tpu.memory_space<vmem>>) semaphore(%arg10 : memref<!tpu.dma_semaphore, #tpu.memory_space<semaphore_mem>>) {add = true}
      } else {
      }
      %rem3A_61 = arith.constant 6 : i32
      %rem3A_62 = arith.remsi %scan3A_54, %rem3A_61 : i32
      %eq3A_63 = arith.constant 1 : i32
      %eq3A_64 = arith.cmpi eq, %rem3A_62, %eq3A_63 : i32
      %convert_element_type3A_65 = arith.extui %eq3A_64 : i1 to i32
      %cond3A_66 = arith.constant 0 : i32
      %cond3A_67 = arith.cmpi ne, %convert_element_type3A_65, %cond3A_66 : i32
      scf.if %cond3A_67 {
        %ge3A = arith.constant 1 : i32
        %ge3A_96 = arith.cmpi sge, %scan3A_54, %ge3A : i32
        %convert_element_type3A_97 = arith.extui %ge3A_96 : i1 to i32
        %cond3A_98 = arith.constant 0 : i32
        %cond3A_99 = arith.cmpi ne, %convert_element_type3A_97, %cond3A_98 : i32
        scf.if %cond3A_99 {
          %dma_wait3A_138 = arith.constant 0 : i32
          %dma_wait3A_139 = arith.constant 0 : i32
          %dma_wait3A_140 = arith.constant 1 : i32
          %dma_wait3A_141 = arith.constant 0 : i32
          %dma_wait3A_142 = arith.constant 0 : i32
          %dma_wait3A_143 = tpu.memref_slice %arg7[%dma_wait3A_138, %dma_wait3A_141, %dma_wait3A_142] : memref<2x800x32xf32, #tpu.memory_space<vmem>> -> memref<1x800x32xf32, #tpu.memory_space<vmem>>
          %dma_wait3A_144 = tpu.memref_squeeze %dma_wait3A_143 : memref<1x800x32xf32, #tpu.memory_space<vmem>> -> memref<800x32xf32, #tpu.memory_space<vmem>>
          %dma_wait3A_145 = arith.constant 0 : i32
          %dma_wait3A_146 = tpu.memref_slice %arg6[%dma_wait3A_139, %dma_wait3A_140, %dma_wait3A_145] : memref<3x2x800xi32, #tpu.memory_space<vmem>> -> memref<1x1x800xi32, #tpu.memory_space<vmem>>
          %dma_wait3A_147 = tpu.memref_squeeze %dma_wait3A_146 : memref<1x1x800xi32, #tpu.memory_space<vmem>> -> memref<800xi32, #tpu.memory_space<vmem>>
          %dma_wait3A_148 = arith.constant 0 : i32
          %dma_wait3A_149 = arith.constant 0 : i32
          %dma_wait3A_150 = tpu.memref_slice %arg8[%dma_wait3A_148, %dma_wait3A_149] : memref<10240x32xf32, #tpu.memory_space<vmem_shared>> -> memref<10240x32xf32, #tpu.memory_space<vmem_shared>>
          tpu.wait_indirect_dma semaphore(%arg10 : memref<!tpu.dma_semaphore, #tpu.memory_space<semaphore_mem>>) src(%dma_wait3A_144 : memref<800x32xf32, #tpu.memory_space<vmem>>) dst(%dma_wait3A_150 : memref<10240x32xf32, #tpu.memory_space<vmem_shared>>)
        } else {
        }
        %add3A = arith.constant 2 : i32
        %add3A_100 = arith.addi %scan3A_54, %add3A : i32
        %lt3A = arith.constant 25 : i32
        %lt3A_101 = arith.cmpi slt, %add3A_100, %lt3A : i32
        %convert_element_type3A_102 = arith.extui %lt3A_101 : i1 to i32
        %cond3A_103 = arith.constant 0 : i32
        %cond3A_104 = arith.cmpi ne, %convert_element_type3A_102, %cond3A_103 : i32
        scf.if %cond3A_104 {
          %add3A_138 = arith.constant 2 : i32
          %add3A_139 = arith.addi %scan3A_54, %add3A_138 : i32
          %dma_start3A_140 = arith.constant 0 : i32
          %dma_start3A_141 = arith.constant 0 : i32
          %dma_start3A_142 = arith.constant 0 : i32
          %dma_start3A_143 = tpu.memref_slice %arg6[%dma_start3A_140, %dma_start3A_141, %dma_start3A_142] : memref<3x2x800xi32, #tpu.memory_space<vmem>> -> memref<1x2x800xi32, #tpu.memory_space<vmem>>
          %dma_start3A_144 = tpu.memref_squeeze %dma_start3A_143 : memref<1x2x800xi32, #tpu.memory_space<vmem>> -> memref<2x800xi32, #tpu.memory_space<vmem>>
          %dma_start3A_145 = arith.constant 0 : i32
          %dma_start3A_146 = arith.constant 0 : i32
          %dma_start3A_147 = tpu.memref_slice %arg3[%arg1, %add3A_139, %dma_start3A_145, %dma_start3A_146] : memref<16x25x2x800xi32, #tpu.memory_space<hbm>> -> memref<1x1x2x800xi32, #tpu.memory_space<hbm>>
          %dma_start3A_148 = tpu.memref_squeeze %dma_start3A_147 : memref<1x1x2x800xi32, #tpu.memory_space<hbm>> -> memref<2x800xi32, #tpu.memory_space<hbm>>
          %dma_start3A_149 = arith.constant 0 : i32
          %dma_start3A_150 = arith.constant 0 : i32
          %dma_start3A_151 = tpu.memref_slice %arg6[%dma_start3A_140, %dma_start3A_149, %dma_start3A_150] : memref<3x2x800xi32, #tpu.memory_space<vmem>> -> memref<1x2x800xi32, #tpu.memory_space<vmem>>
          %dma_start3A_152 = tpu.memref_squeeze %dma_start3A_151 : memref<1x2x800xi32, #tpu.memory_space<vmem>> -> memref<2x800xi32, #tpu.memory_space<vmem>>
          %dma_start3A_153 = arith.constant 0 : i32
          %dma_start3A_154 = arith.constant 0 : i32
          %dma_start3A_155 = tpu.memref_slice %arg3[%arg1, %add3A_139, %dma_start3A_153, %dma_start3A_154] : memref<16x25x2x800xi32, #tpu.memory_space<hbm>> -> memref<1x1x2x800xi32, #tpu.memory_space<hbm>>
          %dma_start3A_156 = tpu.memref_squeeze %dma_start3A_155 : memref<1x1x2x800xi32, #tpu.memory_space<hbm>> -> memref<2x800xi32, #tpu.memory_space<hbm>>
          tpu.enqueue_dma source(%dma_start3A_156 : memref<2x800xi32, #tpu.memory_space<hbm>>) target(%dma_start3A_152 : memref<2x800xi32, #tpu.memory_space<vmem>>) target_semaphore(%arg11 : memref<!tpu.dma_semaphore, #tpu.memory_space<semaphore_mem>>)
        } else {
        }
        %add3A_105 = arith.constant 1 : i32
        %add3A_106 = arith.addi %scan3A_54, %add3A_105 : i32
        %lt3A_107 = arith.constant 25 : i32
        %lt3A_108 = arith.cmpi slt, %add3A_106, %lt3A_107 : i32
        %convert_element_type3A_109 = arith.extui %lt3A_108 : i1 to i32
        %cond3A_110 = arith.constant 0 : i32
        %cond3A_111 = arith.cmpi ne, %convert_element_type3A_109, %cond3A_110 : i32
        scf.if %cond3A_111 {
          %dma_wait3A_138 = arith.constant 0 : i32
          %dma_wait3A_139 = arith.constant 0 : i32
          %dma_wait3A_140 = arith.constant 0 : i32
          %dma_wait3A_141 = arith.constant 0 : i32
          %dma_wait3A_142 = tpu.memref_slice %arg6[%dma_wait3A_139, %dma_wait3A_140, %dma_wait3A_141] : memref<3x2x800xi32, #tpu.memory_space<vmem>> -> memref<1x2x800xi32, #tpu.memory_space<vmem>>
          %dma_wait3A_143 = tpu.memref_squeeze %dma_wait3A_142 : memref<1x2x800xi32, #tpu.memory_space<vmem>> -> memref<2x800xi32, #tpu.memory_space<vmem>>
          %dma_wait3A_144 = arith.constant 0 : i32
          %dma_wait3A_145 = arith.constant 0 : i32
          %dma_wait3A_146 = tpu.memref_slice %arg3[%arg1, %dma_wait3A_138, %dma_wait3A_144, %dma_wait3A_145] : memref<16x25x2x800xi32, #tpu.memory_space<hbm>> -> memref<1x1x2x800xi32, #tpu.memory_space<hbm>>
          %dma_wait3A_147 = tpu.memref_squeeze %dma_wait3A_146 : memref<1x1x2x800xi32, #tpu.memory_space<hbm>> -> memref<2x800xi32, #tpu.memory_space<hbm>>
          %dma_wait3A_148 = arith.constant 0 : i32
          %dma_wait3A_149 = arith.constant 0 : i32
          %dma_wait3A_150 = tpu.memref_slice %arg6[%dma_wait3A_139, %dma_wait3A_148, %dma_wait3A_149] : memref<3x2x800xi32, #tpu.memory_space<vmem>> -> memref<1x2x800xi32, #tpu.memory_space<vmem>>
          %dma_wait3A_151 = tpu.memref_squeeze %dma_wait3A_150 : memref<1x2x800xi32, #tpu.memory_space<vmem>> -> memref<2x800xi32, #tpu.memory_space<vmem>>
          %dma_wait3A_152 = arith.constant 0 : i32
          %dma_wait3A_153 = arith.constant 0 : i32
          %dma_wait3A_154 = tpu.memref_slice %arg3[%arg1, %dma_wait3A_138, %dma_wait3A_152, %dma_wait3A_153] : memref<16x25x2x800xi32, #tpu.memory_space<hbm>> -> memref<1x1x2x800xi32, #tpu.memory_space<hbm>>
          %dma_wait3A_155 = tpu.memref_squeeze %dma_wait3A_154 : memref<1x1x2x800xi32, #tpu.memory_space<hbm>> -> memref<2x800xi32, #tpu.memory_space<hbm>>
          tpu.wait_dma2 semaphore(%arg11 : memref<!tpu.dma_semaphore, #tpu.memory_space<semaphore_mem>>) src(%dma_wait3A_155 : memref<2x800xi32, #tpu.memory_space<hbm>>) dst(%dma_wait3A_151 : memref<2x800xi32, #tpu.memory_space<vmem>>)
          %eq3A_156 = arith.constant 1 : i32
          %eq3A_157 = arith.cmpi eq, %arg0, %eq3A_156 : i32
          %convert_element_type3A_158 = arith.extui %eq3A_157 : i1 to i32
          %cond3A_159 = arith.constant 0 : i32
          %cond3A_160 = arith.cmpi ne, %convert_element_type3A_158, %cond3A_159 : i32
          scf.if %cond3A_160 {
            %scan3A_174 = arith.constant 0 : i32
            %scan3A_175 = arith.constant 0 : i32
            %scan3A_176 = arith.constant 50 : i32
            %scan3A_177 = arith.addi %scan3A_175, %scan3A_176 : i32
            %scan3A_178 = arith.constant 1 : i32
            scf.for %scan3A_180 = %scan3A_175 to %scan3A_177 step %scan3A_178  : i32 {
              %mul3A_181 = arith.constant 16 : i32
              %mul3A_182 = arith.muli %scan3A_180, %mul3A_181 : i32
              %get3A = arith.constant 2 : i32
              %get3A_183 = arith.constant 0 : i32
              %get3A_184 = arith.index_cast %get3A : i32 to index
              %get3A_185 = arith.index_cast %get3A_183 : i32 to index
              %get3A_186 = arith.index_cast %mul3A_182 : i32 to index
              %get3A_187 = tpu.vector_load %arg6[%get3A_184, %get3A_185, %get3A_186] {strides = array<i32>} : memref<3x2x800xi32, #tpu.memory_space<vmem>>, vector<1x1x16xi32>,
              %get3A_188 = vector.shape_cast %get3A_187 : vector<1x1x16xi32> to vector<16xi32>
              %add3A_189 = arith.constant 1 : i32
              %add3A_190 = vector.broadcast %add3A_189 : i32 to vector<16xi32>
              %add3A_191 = arith.addi %get3A_188, %add3A_190 : vector<16xi32>
              %mul3A_192 = arith.constant 16 : i32
              %mul3A_193 = arith.muli %scan3A_180, %mul3A_192 : i32
              %swap3A = arith.constant 2 : i32
              %swap3A_194 = arith.constant 0 : i32
              %swap3A_195 = arith.index_cast %swap3A : i32 to index
              %swap3A_196 = arith.index_cast %swap3A_194 : i32 to index
              %swap3A_197 = arith.index_cast %mul3A_193 : i32 to index
              %swap3A_198 = tpu.vector_load %arg6[%swap3A_195, %swap3A_196, %swap3A_197] {strides = array<i32>} : memref<3x2x800xi32, #tpu.memory_space<vmem>>, vector<1x1x16xi32>,
              %swap3A_199 = vector.shape_cast %swap3A_198 : vector<1x1x16xi32> to vector<16xi32>
              %swap3A_200 = vector.shape_cast %add3A_191 : vector<16xi32> to vector<1x1x16xi32>
              tpu.vector_store %arg6[%swap3A_195, %swap3A_196, %swap3A_197], %swap3A_200 {strides = array<i32>} : memref<3x2x800xi32, #tpu.memory_space<vmem>>, vector<1x1x16xi32>,
            }
            %scan3A_179 = arith.constant 50 : i32
          } else {
          }
          %dma_start3A_161 = arith.constant 2 : i32
          %dma_start3A_162 = arith.constant 0 : i32
          %dma_start3A_163 = arith.constant 0 : i32
          %dma_start3A_164 = arith.constant 0 : i32
          %dma_start3A_165 = arith.constant 0 : i32
          %dma_start3A_166 = tpu.memref_slice %arg7[%dma_start3A_163, %dma_start3A_164, %dma_start3A_165] : memref<2x800x32xf32, #tpu.memory_space<vmem>> -> memref<1x800x32xf32, #tpu.memory_space<vmem>>
          %dma_start3A_167 = tpu.memref_squeeze %dma_start3A_166 : memref<1x800x32xf32, #tpu.memory_space<vmem>> -> memref<800x32xf32, #tpu.memory_space<vmem>>
          %dma_start3A_168 = arith.constant 0 : i32
          %dma_start3A_169 = tpu.memref_slice %arg6[%dma_start3A_161, %dma_start3A_162, %dma_start3A_168] : memref<3x2x800xi32, #tpu.memory_space<vmem>> -> memref<1x1x800xi32, #tpu.memory_space<vmem>>
          %dma_start3A_170 = tpu.memref_squeeze %dma_start3A_169 : memref<1x1x800xi32, #tpu.memory_space<vmem>> -> memref<800xi32, #tpu.memory_space<vmem>>
          %dma_start3A_171 = arith.constant 0 : i32
          %dma_start3A_172 = arith.constant 0 : i32
          %dma_start3A_173 = tpu.memref_slice %arg2[%dma_start3A_171, %dma_start3A_172] : memref<20000x32xf32, #tpu.memory_space<hbm>> -> memref<20000x32xf32, #tpu.memory_space<hbm>>
          tpu.enqueue_indirect_dma source(%dma_start3A_173 : memref<20000x32xf32, #tpu.memory_space<hbm>>) target(%dma_start3A_167 : memref<800x32xf32, #tpu.memory_space<vmem>>) offsets(%dma_start3A_170 : memref<800xi32, #tpu.memory_space<vmem>>) semaphore(%arg9 : memref<!tpu.dma_semaphore, #tpu.memory_space<semaphore_mem>>)
        } else {
        }
        %dma_wait3A_112 = arith.constant 0 : i32
        %dma_wait3A_113 = arith.constant 0 : i32
        %dma_wait3A_114 = arith.constant 0 : i32
        %dma_wait3A_115 = arith.constant 0 : i32
        %dma_wait3A_116 = arith.constant 0 : i32
        %dma_wait3A_117 = tpu.memref_slice %arg7[%dma_wait3A_114, %dma_wait3A_115, %dma_wait3A_116] : memref<2x800x32xf32, #tpu.memory_space<vmem>> -> memref<1x800x32xf32, #tpu.memory_space<vmem>>
        %dma_wait3A_118 = tpu.memref_squeeze %dma_wait3A_117 : memref<1x800x32xf32, #tpu.memory_space<vmem>> -> memref<800x32xf32, #tpu.memory_space<vmem>>
        %dma_wait3A_119 = arith.constant 0 : i32
        %dma_wait3A_120 = tpu.memref_slice %arg6[%dma_wait3A_112, %dma_wait3A_113, %dma_wait3A_119] : memref<3x2x800xi32, #tpu.memory_space<vmem>> -> memref<1x1x800xi32, #tpu.memory_space<vmem>>
        %dma_wait3A_121 = tpu.memref_squeeze %dma_wait3A_120 : memref<1x1x800xi32, #tpu.memory_space<vmem>> -> memref<800xi32, #tpu.memory_space<vmem>>
        %dma_wait3A_122 = arith.constant 0 : i32
        %dma_wait3A_123 = arith.constant 0 : i32
        %dma_wait3A_124 = tpu.memref_slice %arg2[%dma_wait3A_122, %dma_wait3A_123] : memref<20000x32xf32, #tpu.memory_space<hbm>> -> memref<20000x32xf32, #tpu.memory_space<hbm>>
        tpu.wait_indirect_dma semaphore(%arg9 : memref<!tpu.dma_semaphore, #tpu.memory_space<semaphore_mem>>) src(%dma_wait3A_124 : memref<20000x32xf32, #tpu.memory_space<hbm>>) dst(%dma_wait3A_118 : memref<800x32xf32, #tpu.memory_space<vmem>>)
        %dma_start3A_125 = arith.constant 1 : i32
        %dma_start3A_126 = arith.constant 1 : i32
        %dma_start3A_127 = arith.constant 1 : i32
        %dma_start3A_128 = arith.constant 0 : i32
        %dma_start3A_129 = arith.constant 0 : i32
        %dma_start3A_130 = tpu.memref_slice %arg7[%dma_start3A_125, %dma_start3A_128, %dma_start3A_129] : memref<2x800x32xf32, #tpu.memory_space<vmem>> -> memref<1x800x32xf32, #tpu.memory_space<vmem>>
        %dma_start3A_131 = tpu.memref_squeeze %dma_start3A_130 : memref<1x800x32xf32, #tpu.memory_space<vmem>> -> memref<800x32xf32, #tpu.memory_space<vmem>>
        %dma_start3A_132 = arith.constant 0 : i32
        %dma_start3A_133 = tpu.memref_slice %arg6[%dma_start3A_126, %dma_start3A_127, %dma_start3A_132] : memref<3x2x800xi32, #tpu.memory_space<vmem>> -> memref<1x1x800xi32, #tpu.memory_space<vmem>>
        %dma_start3A_134 = tpu.memref_squeeze %dma_start3A_133 : memref<1x1x800xi32, #tpu.memory_space<vmem>> -> memref<800xi32, #tpu.memory_space<vmem>>
        %dma_start3A_135 = arith.constant 0 : i32
        %dma_start3A_136 = arith.constant 0 : i32
        %dma_start3A_137 = tpu.memref_slice %arg8[%dma_start3A_135, %dma_start3A_136] : memref<10240x32xf32, #tpu.memory_space<vmem_shared>> -> memref<10240x32xf32, #tpu.memory_space<vmem_shared>>
        tpu.enqueue_indirect_dma source(%dma_start3A_131 : memref<800x32xf32, #tpu.memory_space<vmem>>) target(%dma_start3A_137 : memref<10240x32xf32, #tpu.memory_space<vmem_shared>>) offsets(%dma_start3A_134 : memref<800xi32, #tpu.memory_space<vmem>>) semaphore(%arg10 : memref<!tpu.dma_semaphore, #tpu.memory_space<semaphore_mem>>) {add = true}
      } else {
      }
      %rem3A_68 = arith.constant 6 : i32
      %rem3A_69 = arith.remsi %scan3A_54, %rem3A_68 : i32
      %eq3A_70 = arith.constant 2 : i32
      %eq3A_71 = arith.cmpi eq, %rem3A_69, %eq3A_70 : i32
      %convert_element_type3A_72 = arith.extui %eq3A_71 : i1 to i32
      %cond3A_73 = arith.constant 0 : i32
      %cond3A_74 = arith.cmpi ne, %convert_element_type3A_72, %cond3A_73 : i32
      scf.if %cond3A_74 {
        %ge3A = arith.constant 1 : i32
        %ge3A_96 = arith.cmpi sge, %scan3A_54, %ge3A : i32
        %convert_element_type3A_97 = arith.extui %ge3A_96 : i1 to i32
        %cond3A_98 = arith.constant 0 : i32
        %cond3A_99 = arith.cmpi ne, %convert_element_type3A_97, %cond3A_98 : i32
        scf.if %cond3A_99 {
          %dma_wait3A_138 = arith.constant 0 : i32
          %dma_wait3A_139 = arith.constant 0 : i32
          %dma_wait3A_140 = arith.constant 1 : i32
          %dma_wait3A_141 = arith.constant 0 : i32
          %dma_wait3A_142 = arith.constant 0 : i32
          %dma_wait3A_143 = tpu.memref_slice %arg7[%dma_wait3A_138, %dma_wait3A_141, %dma_wait3A_142] : memref<2x800x32xf32, #tpu.memory_space<vmem>> -> memref<1x800x32xf32, #tpu.memory_space<vmem>>
          %dma_wait3A_144 = tpu.memref_squeeze %dma_wait3A_143 : memref<1x800x32xf32, #tpu.memory_space<vmem>> -> memref<800x32xf32, #tpu.memory_space<vmem>>
          %dma_wait3A_145 = arith.constant 0 : i32
          %dma_wait3A_146 = tpu.memref_slice %arg6[%dma_wait3A_139, %dma_wait3A_140, %dma_wait3A_145] : memref<3x2x800xi32, #tpu.memory_space<vmem>> -> memref<1x1x800xi32, #tpu.memory_space<vmem>>
          %dma_wait3A_147 = tpu.memref_squeeze %dma_wait3A_146 : memref<1x1x800xi32, #tpu.memory_space<vmem>> -> memref<800xi32, #tpu.memory_space<vmem>>
          %dma_wait3A_148 = arith.constant 0 : i32
          %dma_wait3A_149 = arith.constant 0 : i32
          %dma_wait3A_150 = tpu.memref_slice %arg8[%dma_wait3A_148, %dma_wait3A_149] : memref<10240x32xf32, #tpu.memory_space<vmem_shared>> -> memref<10240x32xf32, #tpu.memory_space<vmem_shared>>
          tpu.wait_indirect_dma semaphore(%arg10 : memref<!tpu.dma_semaphore, #tpu.memory_space<semaphore_mem>>) src(%dma_wait3A_144 : memref<800x32xf32, #tpu.memory_space<vmem>>) dst(%dma_wait3A_150 : memref<10240x32xf32, #tpu.memory_space<vmem_shared>>)
        } else {
        }
        %add3A = arith.constant 2 : i32
        %add3A_100 = arith.addi %scan3A_54, %add3A : i32
        %lt3A = arith.constant 25 : i32
        %lt3A_101 = arith.cmpi slt, %add3A_100, %lt3A : i32
        %convert_element_type3A_102 = arith.extui %lt3A_101 : i1 to i32
        %cond3A_103 = arith.constant 0 : i32
        %cond3A_104 = arith.cmpi ne, %convert_element_type3A_102, %cond3A_103 : i32
        scf.if %cond3A_104 {
          %add3A_138 = arith.constant 2 : i32
          %add3A_139 = arith.addi %scan3A_54, %add3A_138 : i32
          %dma_start3A_140 = arith.constant 1 : i32
          %dma_start3A_141 = arith.constant 0 : i32
          %dma_start3A_142 = arith.constant 0 : i32
          %dma_start3A_143 = tpu.memref_slice %arg6[%dma_start3A_140, %dma_start3A_141, %dma_start3A_142] : memref<3x2x800xi32, #tpu.memory_space<vmem>> -> memref<1x2x800xi32, #tpu.memory_space<vmem>>
          %dma_start3A_144 = tpu.memref_squeeze %dma_start3A_143 : memref<1x2x800xi32, #tpu.memory_space<vmem>> -> memref<2x800xi32, #tpu.memory_space<vmem>>
          %dma_start3A_145 = arith.constant 0 : i32
          %dma_start3A_146 = arith.constant 0 : i32
          %dma_start3A_147 = tpu.memref_slice %arg3[%arg1, %add3A_139, %dma_start3A_145, %dma_start3A_146] : memref<16x25x2x800xi32, #tpu.memory_space<hbm>> -> memref<1x1x2x800xi32, #tpu.memory_space<hbm>>
          %dma_start3A_148 = tpu.memref_squeeze %dma_start3A_147 : memref<1x1x2x800xi32, #tpu.memory_space<hbm>> -> memref<2x800xi32, #tpu.memory_space<hbm>>
          %dma_start3A_149 = arith.constant 0 : i32
          %dma_start3A_150 = arith.constant 0 : i32
          %dma_start3A_151 = tpu.memref_slice %arg6[%dma_start3A_140, %dma_start3A_149, %dma_start3A_150] : memref<3x2x800xi32, #tpu.memory_space<vmem>> -> memref<1x2x800xi32, #tpu.memory_space<vmem>>
          %dma_start3A_152 = tpu.memref_squeeze %dma_start3A_151 : memref<1x2x800xi32, #tpu.memory_space<vmem>> -> memref<2x800xi32, #tpu.memory_space<vmem>>
          %dma_start3A_153 = arith.constant 0 : i32
          %dma_start3A_154 = arith.constant 0 : i32
          %dma_start3A_155 = tpu.memref_slice %arg3[%arg1, %add3A_139, %dma_start3A_153, %dma_start3A_154] : memref<16x25x2x800xi32, #tpu.memory_space<hbm>> -> memref<1x1x2x800xi32, #tpu.memory_space<hbm>>
          %dma_start3A_156 = tpu.memref_squeeze %dma_start3A_155 : memref<1x1x2x800xi32, #tpu.memory_space<hbm>> -> memref<2x800xi32, #tpu.memory_space<hbm>>
          tpu.enqueue_dma source(%dma_start3A_156 : memref<2x800xi32, #tpu.memory_space<hbm>>) target(%dma_start3A_152 : memref<2x800xi32, #tpu.memory_space<vmem>>) target_semaphore(%arg11 : memref<!tpu.dma_semaphore, #tpu.memory_space<semaphore_mem>>)
        } else {
        }
        %add3A_105 = arith.constant 1 : i32
        %add3A_106 = arith.addi %scan3A_54, %add3A_105 : i32
        %lt3A_107 = arith.constant 25 : i32
        %lt3A_108 = arith.cmpi slt, %add3A_106, %lt3A_107 : i32
        %convert_element_type3A_109 = arith.extui %lt3A_108 : i1 to i32
        %cond3A_110 = arith.constant 0 : i32
        %cond3A_111 = arith.cmpi ne, %convert_element_type3A_109, %cond3A_110 : i32
        scf.if %cond3A_111 {
          %dma_wait3A_138 = arith.constant 0 : i32
          %dma_wait3A_139 = arith.constant 0 : i32
          %dma_wait3A_140 = arith.constant 0 : i32
          %dma_wait3A_141 = arith.constant 0 : i32
          %dma_wait3A_142 = tpu.memref_slice %arg6[%dma_wait3A_139, %dma_wait3A_140, %dma_wait3A_141] : memref<3x2x800xi32, #tpu.memory_space<vmem>> -> memref<1x2x800xi32, #tpu.memory_space<vmem>>
          %dma_wait3A_143 = tpu.memref_squeeze %dma_wait3A_142 : memref<1x2x800xi32, #tpu.memory_space<vmem>> -> memref<2x800xi32, #tpu.memory_space<vmem>>
          %dma_wait3A_144 = arith.constant 0 : i32
          %dma_wait3A_145 = arith.constant 0 : i32
          %dma_wait3A_146 = tpu.memref_slice %arg3[%arg1, %dma_wait3A_138, %dma_wait3A_144, %dma_wait3A_145] : memref<16x25x2x800xi32, #tpu.memory_space<hbm>> -> memref<1x1x2x800xi32, #tpu.memory_space<hbm>>
          %dma_wait3A_147 = tpu.memref_squeeze %dma_wait3A_146 : memref<1x1x2x800xi32, #tpu.memory_space<hbm>> -> memref<2x800xi32, #tpu.memory_space<hbm>>
          %dma_wait3A_148 = arith.constant 0 : i32
          %dma_wait3A_149 = arith.constant 0 : i32
          %dma_wait3A_150 = tpu.memref_slice %arg6[%dma_wait3A_139, %dma_wait3A_148, %dma_wait3A_149] : memref<3x2x800xi32, #tpu.memory_space<vmem>> -> memref<1x2x800xi32, #tpu.memory_space<vmem>>
          %dma_wait3A_151 = tpu.memref_squeeze %dma_wait3A_150 : memref<1x2x800xi32, #tpu.memory_space<vmem>> -> memref<2x800xi32, #tpu.memory_space<vmem>>
          %dma_wait3A_152 = arith.constant 0 : i32
          %dma_wait3A_153 = arith.constant 0 : i32
          %dma_wait3A_154 = tpu.memref_slice %arg3[%arg1, %dma_wait3A_138, %dma_wait3A_152, %dma_wait3A_153] : memref<16x25x2x800xi32, #tpu.memory_space<hbm>> -> memref<1x1x2x800xi32, #tpu.memory_space<hbm>>
          %dma_wait3A_155 = tpu.memref_squeeze %dma_wait3A_154 : memref<1x1x2x800xi32, #tpu.memory_space<hbm>> -> memref<2x800xi32, #tpu.memory_space<hbm>>
          tpu.wait_dma2 semaphore(%arg11 : memref<!tpu.dma_semaphore, #tpu.memory_space<semaphore_mem>>) src(%dma_wait3A_155 : memref<2x800xi32, #tpu.memory_space<hbm>>) dst(%dma_wait3A_151 : memref<2x800xi32, #tpu.memory_space<vmem>>)
          %eq3A_156 = arith.constant 1 : i32
          %eq3A_157 = arith.cmpi eq, %arg0, %eq3A_156 : i32
          %convert_element_type3A_158 = arith.extui %eq3A_157 : i1 to i32
          %cond3A_159 = arith.constant 0 : i32
          %cond3A_160 = arith.cmpi ne, %convert_element_type3A_158, %cond3A_159 : i32
          scf.if %cond3A_160 {
            %scan3A_174 = arith.constant 0 : i32
            %scan3A_175 = arith.constant 0 : i32
            %scan3A_176 = arith.constant 50 : i32
            %scan3A_177 = arith.addi %scan3A_175, %scan3A_176 : i32
            %scan3A_178 = arith.constant 1 : i32
            scf.for %scan3A_180 = %scan3A_175 to %scan3A_177 step %scan3A_178  : i32 {
              %mul3A_181 = arith.constant 16 : i32
              %mul3A_182 = arith.muli %scan3A_180, %mul3A_181 : i32
              %get3A = arith.constant 0 : i32
              %get3A_183 = arith.constant 0 : i32
              %get3A_184 = arith.index_cast %get3A : i32 to index
              %get3A_185 = arith.index_cast %get3A_183 : i32 to index
              %get3A_186 = arith.index_cast %mul3A_182 : i32 to index
              %get3A_187 = tpu.vector_load %arg6[%get3A_184, %get3A_185, %get3A_186] {strides = array<i32>} : memref<3x2x800xi32, #tpu.memory_space<vmem>>, vector<1x1x16xi32>,
              %get3A_188 = vector.shape_cast %get3A_187 : vector<1x1x16xi32> to vector<16xi32>
              %add3A_189 = arith.constant 1 : i32
              %add3A_190 = vector.broadcast %add3A_189 : i32 to vector<16xi32>
              %add3A_191 = arith.addi %get3A_188, %add3A_190 : vector<16xi32>
              %mul3A_192 = arith.constant 16 : i32
              %mul3A_193 = arith.muli %scan3A_180, %mul3A_192 : i32
              %swap3A = arith.constant 0 : i32
              %swap3A_194 = arith.constant 0 : i32
              %swap3A_195 = arith.index_cast %swap3A : i32 to index
              %swap3A_196 = arith.index_cast %swap3A_194 : i32 to index
              %swap3A_197 = arith.index_cast %mul3A_193 : i32 to index
              %swap3A_198 = tpu.vector_load %arg6[%swap3A_195, %swap3A_196, %swap3A_197] {strides = array<i32>} : memref<3x2x800xi32, #tpu.memory_space<vmem>>, vector<1x1x16xi32>,
              %swap3A_199 = vector.shape_cast %swap3A_198 : vector<1x1x16xi32> to vector<16xi32>
              %swap3A_200 = vector.shape_cast %add3A_191 : vector<16xi32> to vector<1x1x16xi32>
              tpu.vector_store %arg6[%swap3A_195, %swap3A_196, %swap3A_197], %swap3A_200 {strides = array<i32>} : memref<3x2x800xi32, #tpu.memory_space<vmem>>, vector<1x1x16xi32>,
            }
            %scan3A_179 = arith.constant 50 : i32
          } else {
          }
          %dma_start3A_161 = arith.constant 0 : i32
          %dma_start3A_162 = arith.constant 0 : i32
          %dma_start3A_163 = arith.constant 1 : i32
          %dma_start3A_164 = arith.constant 0 : i32
          %dma_start3A_165 = arith.constant 0 : i32
          %dma_start3A_166 = tpu.memref_slice %arg7[%dma_start3A_163, %dma_start3A_164, %dma_start3A_165] : memref<2x800x32xf32, #tpu.memory_space<vmem>> -> memref<1x800x32xf32, #tpu.memory_space<vmem>>
          %dma_start3A_167 = tpu.memref_squeeze %dma_start3A_166 : memref<1x800x32xf32, #tpu.memory_space<vmem>> -> memref<800x32xf32, #tpu.memory_space<vmem>>
          %dma_start3A_168 = arith.constant 0 : i32
          %dma_start3A_169 = tpu.memref_slice %arg6[%dma_start3A_161, %dma_start3A_162, %dma_start3A_168] : memref<3x2x800xi32, #tpu.memory_space<vmem>> -> memref<1x1x800xi32, #tpu.memory_space<vmem>>
          %dma_start3A_170 = tpu.memref_squeeze %dma_start3A_169 : memref<1x1x800xi32, #tpu.memory_space<vmem>> -> memref<800xi32, #tpu.memory_space<vmem>>
          %dma_start3A_171 = arith.constant 0 : i32
          %dma_start3A_172 = arith.constant 0 : i32
          %dma_start3A_173 = tpu.memref_slice %arg2[%dma_start3A_171, %dma_start3A_172] : memref<20000x32xf32, #tpu.memory_space<hbm>> -> memref<20000x32xf32, #tpu.memory_space<hbm>>
          tpu.enqueue_indirect_dma source(%dma_start3A_173 : memref<20000x32xf32, #tpu.memory_space<hbm>>) target(%dma_start3A_167 : memref<800x32xf32, #tpu.memory_space<vmem>>) offsets(%dma_start3A_170 : memref<800xi32, #tpu.memory_space<vmem>>) semaphore(%arg9 : memref<!tpu.dma_semaphore, #tpu.memory_space<semaphore_mem>>)
        } else {
        }
        %dma_wait3A_112 = arith.constant 0 : i32
        %dma_wait3A_113 = arith.constant 0 : i32
        %dma_wait3A_114 = arith.constant 0 : i32
        %dma_wait3A_115 = arith.constant 0 : i32
        %dma_wait3A_116 = arith.constant 0 : i32
        %dma_wait3A_117 = tpu.memref_slice %arg7[%dma_wait3A_114, %dma_wait3A_115, %dma_wait3A_116] : memref<2x800x32xf32, #tpu.memory_space<vmem>> -> memref<1x800x32xf32, #tpu.memory_space<vmem>>
        %dma_wait3A_118 = tpu.memref_squeeze %dma_wait3A_117 : memref<1x800x32xf32, #tpu.memory_space<vmem>> -> memref<800x32xf32, #tpu.memory_space<vmem>>
        %dma_wait3A_119 = arith.constant 0 : i32
        %dma_wait3A_120 = tpu.memref_slice %arg6[%dma_wait3A_112, %dma_wait3A_113, %dma_wait3A_119] : memref<3x2x800xi32, #tpu.memory_space<vmem>> -> memref<1x1x800xi32, #tpu.memory_space<vmem>>
        %dma_wait3A_121 = tpu.memref_squeeze %dma_wait3A_120 : memref<1x1x800xi32, #tpu.memory_space<vmem>> -> memref<800xi32, #tpu.memory_space<vmem>>
        %dma_wait3A_122 = arith.constant 0 : i32
        %dma_wait3A_123 = arith.constant 0 : i32
        %dma_wait3A_124 = tpu.memref_slice %arg2[%dma_wait3A_122, %dma_wait3A_123] : memref<20000x32xf32, #tpu.memory_space<hbm>> -> memref<20000x32xf32, #tpu.memory_space<hbm>>
        tpu.wait_indirect_dma semaphore(%arg9 : memref<!tpu.dma_semaphore, #tpu.memory_space<semaphore_mem>>) src(%dma_wait3A_124 : memref<20000x32xf32, #tpu.memory_space<hbm>>) dst(%dma_wait3A_118 : memref<800x32xf32, #tpu.memory_space<vmem>>)
        %dma_start3A_125 = arith.constant 0 : i32
        %dma_start3A_126 = arith.constant 2 : i32
        %dma_start3A_127 = arith.constant 1 : i32
        %dma_start3A_128 = arith.constant 0 : i32
        %dma_start3A_129 = arith.constant 0 : i32
        %dma_start3A_130 = tpu.memref_slice %arg7[%dma_start3A_125, %dma_start3A_128, %dma_start3A_129] : memref<2x800x32xf32, #tpu.memory_space<vmem>> -> memref<1x800x32xf32, #tpu.memory_space<vmem>>
        %dma_start3A_131 = tpu.memref_squeeze %dma_start3A_130 : memref<1x800x32xf32, #tpu.memory_space<vmem>> -> memref<800x32xf32, #tpu.memory_space<vmem>>
        %dma_start3A_132 = arith.constant 0 : i32
        %dma_start3A_133 = tpu.memref_slice %arg6[%dma_start3A_126, %dma_start3A_127, %dma_start3A_132] : memref<3x2x800xi32, #tpu.memory_space<vmem>> -> memref<1x1x800xi32, #tpu.memory_space<vmem>>
        %dma_start3A_134 = tpu.memref_squeeze %dma_start3A_133 : memref<1x1x800xi32, #tpu.memory_space<vmem>> -> memref<800xi32, #tpu.memory_space<vmem>>
        %dma_start3A_135 = arith.constant 0 : i32
        %dma_start3A_136 = arith.constant 0 : i32
        %dma_start3A_137 = tpu.memref_slice %arg8[%dma_start3A_135, %dma_start3A_136] : memref<10240x32xf32, #tpu.memory_space<vmem_shared>> -> memref<10240x32xf32, #tpu.memory_space<vmem_shared>>
        tpu.enqueue_indirect_dma source(%dma_start3A_131 : memref<800x32xf32, #tpu.memory_space<vmem>>) target(%dma_start3A_137 : memref<10240x32xf32, #tpu.memory_space<vmem_shared>>) offsets(%dma_start3A_134 : memref<800xi32, #tpu.memory_space<vmem>>) semaphore(%arg10 : memref<!tpu.dma_semaphore, #tpu.memory_space<semaphore_mem>>) {add = true}
      } else {
      }
      %rem3A_75 = arith.constant 6 : i32
      %rem3A_76 = arith.remsi %scan3A_54, %rem3A_75 : i32
      %eq3A_77 = arith.constant 3 : i32
      %eq3A_78 = arith.cmpi eq, %rem3A_76, %eq3A_77 : i32
      %convert_element_type3A_79 = arith.extui %eq3A_78 : i1 to i32
      %cond3A_80 = arith.constant 0 : i32
      %cond3A_81 = arith.cmpi ne, %convert_element_type3A_79, %cond3A_80 : i32
      scf.if %cond3A_81 {
        %ge3A = arith.constant 1 : i32
        %ge3A_96 = arith.cmpi sge, %scan3A_54, %ge3A : i32
        %convert_element_type3A_97 = arith.extui %ge3A_96 : i1 to i32
        %cond3A_98 = arith.constant 0 : i32
        %cond3A_99 = arith.cmpi ne, %convert_element_type3A_97, %cond3A_98 : i32
        scf.if %cond3A_99 {
          %dma_wait3A_138 = arith.constant 0 : i32
          %dma_wait3A_139 = arith.constant 0 : i32
          %dma_wait3A_140 = arith.constant 1 : i32
          %dma_wait3A_141 = arith.constant 0 : i32
          %dma_wait3A_142 = arith.constant 0 : i32
          %dma_wait3A_143 = tpu.memref_slice %arg7[%dma_wait3A_138, %dma_wait3A_141, %dma_wait3A_142] : memref<2x800x32xf32, #tpu.memory_space<vmem>> -> memref<1x800x32xf32, #tpu.memory_space<vmem>>
          %dma_wait3A_144 = tpu.memref_squeeze %dma_wait3A_143 : memref<1x800x32xf32, #tpu.memory_space<vmem>> -> memref<800x32xf32, #tpu.memory_space<vmem>>
          %dma_wait3A_145 = arith.constant 0 : i32
          %dma_wait3A_146 = tpu.memref_slice %arg6[%dma_wait3A_139, %dma_wait3A_140, %dma_wait3A_145] : memref<3x2x800xi32, #tpu.memory_space<vmem>> -> memref<1x1x800xi32, #tpu.memory_space<vmem>>
          %dma_wait3A_147 = tpu.memref_squeeze %dma_wait3A_146 : memref<1x1x800xi32, #tpu.memory_space<vmem>> -> memref<800xi32, #tpu.memory_space<vmem>>
          %dma_wait3A_148 = arith.constant 0 : i32
          %dma_wait3A_149 = arith.constant 0 : i32
          %dma_wait3A_150 = tpu.memref_slice %arg8[%dma_wait3A_148, %dma_wait3A_149] : memref<10240x32xf32, #tpu.memory_space<vmem_shared>> -> memref<10240x32xf32, #tpu.memory_space<vmem_shared>>
          tpu.wait_indirect_dma semaphore(%arg10 : memref<!tpu.dma_semaphore, #tpu.memory_space<semaphore_mem>>) src(%dma_wait3A_144 : memref<800x32xf32, #tpu.memory_space<vmem>>) dst(%dma_wait3A_150 : memref<10240x32xf32, #tpu.memory_space<vmem_shared>>)
        } else {
        }
        %add3A = arith.constant 2 : i32
        %add3A_100 = arith.addi %scan3A_54, %add3A : i32
        %lt3A = arith.constant 25 : i32
        %lt3A_101 = arith.cmpi slt, %add3A_100, %lt3A : i32
        %convert_element_type3A_102 = arith.extui %lt3A_101 : i1 to i32
        %cond3A_103 = arith.constant 0 : i32
        %cond3A_104 = arith.cmpi ne, %convert_element_type3A_102, %cond3A_103 : i32
        scf.if %cond3A_104 {
          %add3A_138 = arith.constant 2 : i32
          %add3A_139 = arith.addi %scan3A_54, %add3A_138 : i32
          %dma_start3A_140 = arith.constant 2 : i32
          %dma_start3A_141 = arith.constant 0 : i32
          %dma_start3A_142 = arith.constant 0 : i32
          %dma_start3A_143 = tpu.memref_slice %arg6[%dma_start3A_140, %dma_start3A_141, %dma_start3A_142] : memref<3x2x800xi32, #tpu.memory_space<vmem>> -> memref<1x2x800xi32, #tpu.memory_space<vmem>>
          %dma_start3A_144 = tpu.memref_squeeze %dma_start3A_143 : memref<1x2x800xi32, #tpu.memory_space<vmem>> -> memref<2x800xi32, #tpu.memory_space<vmem>>
          %dma_start3A_145 = arith.constant 0 : i32
          %dma_start3A_146 = arith.constant 0 : i32
          %dma_start3A_147 = tpu.memref_slice %arg3[%arg1, %add3A_139, %dma_start3A_145, %dma_start3A_146] : memref<16x25x2x800xi32, #tpu.memory_space<hbm>> -> memref<1x1x2x800xi32, #tpu.memory_space<hbm>>
          %dma_start3A_148 = tpu.memref_squeeze %dma_start3A_147 : memref<1x1x2x800xi32, #tpu.memory_space<hbm>> -> memref<2x800xi32, #tpu.memory_space<hbm>>
          %dma_start3A_149 = arith.constant 0 : i32
          %dma_start3A_150 = arith.constant 0 : i32
          %dma_start3A_151 = tpu.memref_slice %arg6[%dma_start3A_140, %dma_start3A_149, %dma_start3A_150] : memref<3x2x800xi32, #tpu.memory_space<vmem>> -> memref<1x2x800xi32, #tpu.memory_space<vmem>>
          %dma_start3A_152 = tpu.memref_squeeze %dma_start3A_151 : memref<1x2x800xi32, #tpu.memory_space<vmem>> -> memref<2x800xi32, #tpu.memory_space<vmem>>
          %dma_start3A_153 = arith.constant 0 : i32
          %dma_start3A_154 = arith.constant 0 : i32
          %dma_start3A_155 = tpu.memref_slice %arg3[%arg1, %add3A_139, %dma_start3A_153, %dma_start3A_154] : memref<16x25x2x800xi32, #tpu.memory_space<hbm>> -> memref<1x1x2x800xi32, #tpu.memory_space<hbm>>
          %dma_start3A_156 = tpu.memref_squeeze %dma_start3A_155 : memref<1x1x2x800xi32, #tpu.memory_space<hbm>> -> memref<2x800xi32, #tpu.memory_space<hbm>>
          tpu.enqueue_dma source(%dma_start3A_156 : memref<2x800xi32, #tpu.memory_space<hbm>>) target(%dma_start3A_152 : memref<2x800xi32, #tpu.memory_space<vmem>>) target_semaphore(%arg11 : memref<!tpu.dma_semaphore, #tpu.memory_space<semaphore_mem>>)
        } else {
        }
        %add3A_105 = arith.constant 1 : i32
        %add3A_106 = arith.addi %scan3A_54, %add3A_105 : i32
        %lt3A_107 = arith.constant 25 : i32
        %lt3A_108 = arith.cmpi slt, %add3A_106, %lt3A_107 : i32
        %convert_element_type3A_109 = arith.extui %lt3A_108 : i1 to i32
        %cond3A_110 = arith.constant 0 : i32
        %cond3A_111 = arith.cmpi ne, %convert_element_type3A_109, %cond3A_110 : i32
        scf.if %cond3A_111 {
          %dma_wait3A_138 = arith.constant 0 : i32
          %dma_wait3A_139 = arith.constant 0 : i32
          %dma_wait3A_140 = arith.constant 0 : i32
          %dma_wait3A_141 = arith.constant 0 : i32
          %dma_wait3A_142 = tpu.memref_slice %arg6[%dma_wait3A_139, %dma_wait3A_140, %dma_wait3A_141] : memref<3x2x800xi32, #tpu.memory_space<vmem>> -> memref<1x2x800xi32, #tpu.memory_space<vmem>>
          %dma_wait3A_143 = tpu.memref_squeeze %dma_wait3A_142 : memref<1x2x800xi32, #tpu.memory_space<vmem>> -> memref<2x800xi32, #tpu.memory_space<vmem>>
          %dma_wait3A_144 = arith.constant 0 : i32
          %dma_wait3A_145 = arith.constant 0 : i32
          %dma_wait3A_146 = tpu.memref_slice %arg3[%arg1, %dma_wait3A_138, %dma_wait3A_144, %dma_wait3A_145] : memref<16x25x2x800xi32, #tpu.memory_space<hbm>> -> memref<1x1x2x800xi32, #tpu.memory_space<hbm>>
          %dma_wait3A_147 = tpu.memref_squeeze %dma_wait3A_146 : memref<1x1x2x800xi32, #tpu.memory_space<hbm>> -> memref<2x800xi32, #tpu.memory_space<hbm>>
          %dma_wait3A_148 = arith.constant 0 : i32
          %dma_wait3A_149 = arith.constant 0 : i32
          %dma_wait3A_150 = tpu.memref_slice %arg6[%dma_wait3A_139, %dma_wait3A_148, %dma_wait3A_149] : memref<3x2x800xi32, #tpu.memory_space<vmem>> -> memref<1x2x800xi32, #tpu.memory_space<vmem>>
          %dma_wait3A_151 = tpu.memref_squeeze %dma_wait3A_150 : memref<1x2x800xi32, #tpu.memory_space<vmem>> -> memref<2x800xi32, #tpu.memory_space<vmem>>
          %dma_wait3A_152 = arith.constant 0 : i32
          %dma_wait3A_153 = arith.constant 0 : i32
          %dma_wait3A_154 = tpu.memref_slice %arg3[%arg1, %dma_wait3A_138, %dma_wait3A_152, %dma_wait3A_153] : memref<16x25x2x800xi32, #tpu.memory_space<hbm>> -> memref<1x1x2x800xi32, #tpu.memory_space<hbm>>
          %dma_wait3A_155 = tpu.memref_squeeze %dma_wait3A_154 : memref<1x1x2x800xi32, #tpu.memory_space<hbm>> -> memref<2x800xi32, #tpu.memory_space<hbm>>
          tpu.wait_dma2 semaphore(%arg11 : memref<!tpu.dma_semaphore, #tpu.memory_space<semaphore_mem>>) src(%dma_wait3A_155 : memref<2x800xi32, #tpu.memory_space<hbm>>) dst(%dma_wait3A_151 : memref<2x800xi32, #tpu.memory_space<vmem>>)
          %eq3A_156 = arith.constant 1 : i32
          %eq3A_157 = arith.cmpi eq, %arg0, %eq3A_156 : i32
          %convert_element_type3A_158 = arith.extui %eq3A_157 : i1 to i32
          %cond3A_159 = arith.constant 0 : i32
          %cond3A_160 = arith.cmpi ne, %convert_element_type3A_158, %cond3A_159 : i32
          scf.if %cond3A_160 {
            %scan3A_174 = arith.constant 0 : i32
            %scan3A_175 = arith.constant 0 : i32
            %scan3A_176 = arith.constant 50 : i32
            %scan3A_177 = arith.addi %scan3A_175, %scan3A_176 : i32
            %scan3A_178 = arith.constant 1 : i32
            scf.for %scan3A_180 = %scan3A_175 to %scan3A_177 step %scan3A_178  : i32 {
              %mul3A_181 = arith.constant 16 : i32
              %mul3A_182 = arith.muli %scan3A_180, %mul3A_181 : i32
              %get3A = arith.constant 1 : i32
              %get3A_183 = arith.constant 0 : i32
              %get3A_184 = arith.index_cast %get3A : i32 to index
              %get3A_185 = arith.index_cast %get3A_183 : i32 to index
              %get3A_186 = arith.index_cast %mul3A_182 : i32 to index
              %get3A_187 = tpu.vector_load %arg6[%get3A_184, %get3A_185, %get3A_186] {strides = array<i32>} : memref<3x2x800xi32, #tpu.memory_space<vmem>>, vector<1x1x16xi32>,
              %get3A_188 = vector.shape_cast %get3A_187 : vector<1x1x16xi32> to vector<16xi32>
              %add3A_189 = arith.constant 1 : i32
              %add3A_190 = vector.broadcast %add3A_189 : i32 to vector<16xi32>
              %add3A_191 = arith.addi %get3A_188, %add3A_190 : vector<16xi32>
              %mul3A_192 = arith.constant 16 : i32
              %mul3A_193 = arith.muli %scan3A_180, %mul3A_192 : i32
              %swap3A = arith.constant 1 : i32
              %swap3A_194 = arith.constant 0 : i32
              %swap3A_195 = arith.index_cast %swap3A : i32 to index
              %swap3A_196 = arith.index_cast %swap3A_194 : i32 to index
              %swap3A_197 = arith.index_cast %mul3A_193 : i32 to index
              %swap3A_198 = tpu.vector_load %arg6[%swap3A_195, %swap3A_196, %swap3A_197] {strides = array<i32>} : memref<3x2x800xi32, #tpu.memory_space<vmem>>, vector<1x1x16xi32>,
              %swap3A_199 = vector.shape_cast %swap3A_198 : vector<1x1x16xi32> to vector<16xi32>
              %swap3A_200 = vector.shape_cast %add3A_191 : vector<16xi32> to vector<1x1x16xi32>
              tpu.vector_store %arg6[%swap3A_195, %swap3A_196, %swap3A_197], %swap3A_200 {strides = array<i32>} : memref<3x2x800xi32, #tpu.memory_space<vmem>>, vector<1x1x16xi32>,
            }
            %scan3A_179 = arith.constant 50 : i32
          } else {
          }
          %dma_start3A_161 = arith.constant 1 : i32
          %dma_start3A_162 = arith.constant 0 : i32
          %dma_start3A_163 = arith.constant 0 : i32
          %dma_start3A_164 = arith.constant 0 : i32
          %dma_start3A_165 = arith.constant 0 : i32
          %dma_start3A_166 = tpu.memref_slice %arg7[%dma_start3A_163, %dma_start3A_164, %dma_start3A_165] : memref<2x800x32xf32, #tpu.memory_space<vmem>> -> memref<1x800x32xf32, #tpu.memory_space<vmem>>
          %dma_start3A_167 = tpu.memref_squeeze %dma_start3A_166 : memref<1x800x32xf32, #tpu.memory_space<vmem>> -> memref<800x32xf32, #tpu.memory_space<vmem>>
          %dma_start3A_168 = arith.constant 0 : i32
          %dma_start3A_169 = tpu.memref_slice %arg6[%dma_start3A_161, %dma_start3A_162, %dma_start3A_168] : memref<3x2x800xi32, #tpu.memory_space<vmem>> -> memref<1x1x800xi32, #tpu.memory_space<vmem>>
          %dma_start3A_170 = tpu.memref_squeeze %dma_start3A_169 : memref<1x1x800xi32, #tpu.memory_space<vmem>> -> memref<800xi32, #tpu.memory_space<vmem>>
          %dma_start3A_171 = arith.constant 0 : i32
          %dma_start3A_172 = arith.constant 0 : i32
          %dma_start3A_173 = tpu.memref_slice %arg2[%dma_start3A_171, %dma_start3A_172] : memref<20000x32xf32, #tpu.memory_space<hbm>> -> memref<20000x32xf32, #tpu.memory_space<hbm>>
          tpu.enqueue_indirect_dma source(%dma_start3A_173 : memref<20000x32xf32, #tpu.memory_space<hbm>>) target(%dma_start3A_167 : memref<800x32xf32, #tpu.memory_space<vmem>>) offsets(%dma_start3A_170 : memref<800xi32, #tpu.memory_space<vmem>>) semaphore(%arg9 : memref<!tpu.dma_semaphore, #tpu.memory_space<semaphore_mem>>)
        } else {
        }
        %dma_wait3A_112 = arith.constant 0 : i32
        %dma_wait3A_113 = arith.constant 0 : i32
        %dma_wait3A_114 = arith.constant 0 : i32
        %dma_wait3A_115 = arith.constant 0 : i32
        %dma_wait3A_116 = arith.constant 0 : i32
        %dma_wait3A_117 = tpu.memref_slice %arg7[%dma_wait3A_114, %dma_wait3A_115, %dma_wait3A_116] : memref<2x800x32xf32, #tpu.memory_space<vmem>> -> memref<1x800x32xf32, #tpu.memory_space<vmem>>
        %dma_wait3A_118 = tpu.memref_squeeze %dma_wait3A_117 : memref<1x800x32xf32, #tpu.memory_space<vmem>> -> memref<800x32xf32, #tpu.memory_space<vmem>>
        %dma_wait3A_119 = arith.constant 0 : i32
        %dma_wait3A_120 = tpu.memref_slice %arg6[%dma_wait3A_112, %dma_wait3A_113, %dma_wait3A_119] : memref<3x2x800xi32, #tpu.memory_space<vmem>> -> memref<1x1x800xi32, #tpu.memory_space<vmem>>
        %dma_wait3A_121 = tpu.memref_squeeze %dma_wait3A_120 : memref<1x1x800xi32, #tpu.memory_space<vmem>> -> memref<800xi32, #tpu.memory_space<vmem>>
        %dma_wait3A_122 = arith.constant 0 : i32
        %dma_wait3A_123 = arith.constant 0 : i32
        %dma_wait3A_124 = tpu.memref_slice %arg2[%dma_wait3A_122, %dma_wait3A_123] : memref<20000x32xf32, #tpu.memory_space<hbm>> -> memref<20000x32xf32, #tpu.memory_space<hbm>>
        tpu.wait_indirect_dma semaphore(%arg9 : memref<!tpu.dma_semaphore, #tpu.memory_space<semaphore_mem>>) src(%dma_wait3A_124 : memref<20000x32xf32, #tpu.memory_space<hbm>>) dst(%dma_wait3A_118 : memref<800x32xf32, #tpu.memory_space<vmem>>)
        %dma_start3A_125 = arith.constant 1 : i32
        %dma_start3A_126 = arith.constant 0 : i32
        %dma_start3A_127 = arith.constant 1 : i32
        %dma_start3A_128 = arith.constant 0 : i32
        %dma_start3A_129 = arith.constant 0 : i32
        %dma_start3A_130 = tpu.memref_slice %arg7[%dma_start3A_125, %dma_start3A_128, %dma_start3A_129] : memref<2x800x32xf32, #tpu.memory_space<vmem>> -> memref<1x800x32xf32, #tpu.memory_space<vmem>>
        %dma_start3A_131 = tpu.memref_squeeze %dma_start3A_130 : memref<1x800x32xf32, #tpu.memory_space<vmem>> -> memref<800x32xf32, #tpu.memory_space<vmem>>
        %dma_start3A_132 = arith.constant 0 : i32
        %dma_start3A_133 = tpu.memref_slice %arg6[%dma_start3A_126, %dma_start3A_127, %dma_start3A_132] : memref<3x2x800xi32, #tpu.memory_space<vmem>> -> memref<1x1x800xi32, #tpu.memory_space<vmem>>
        %dma_start3A_134 = tpu.memref_squeeze %dma_start3A_133 : memref<1x1x800xi32, #tpu.memory_space<vmem>> -> memref<800xi32, #tpu.memory_space<vmem>>
        %dma_start3A_135 = arith.constant 0 : i32
        %dma_start3A_136 = arith.constant 0 : i32
        %dma_start3A_137 = tpu.memref_slice %arg8[%dma_start3A_135, %dma_start3A_136] : memref<10240x32xf32, #tpu.memory_space<vmem_shared>> -> memref<10240x32xf32, #tpu.memory_space<vmem_shared>>
        tpu.enqueue_indirect_dma source(%dma_start3A_131 : memref<800x32xf32, #tpu.memory_space<vmem>>) target(%dma_start3A_137 : memref<10240x32xf32, #tpu.memory_space<vmem_shared>>) offsets(%dma_start3A_134 : memref<800xi32, #tpu.memory_space<vmem>>) semaphore(%arg10 : memref<!tpu.dma_semaphore, #tpu.memory_space<semaphore_mem>>) {add = true}
      } else {
      }
      %rem3A_82 = arith.constant 6 : i32
      %rem3A_83 = arith.remsi %scan3A_54, %rem3A_82 : i32
      %eq3A_84 = arith.constant 4 : i32
      %eq3A_85 = arith.cmpi eq, %rem3A_83, %eq3A_84 : i32
      %convert_element_type3A_86 = arith.extui %eq3A_85 : i1 to i32
      %cond3A_87 = arith.constant 0 : i32
      %cond3A_88 = arith.cmpi ne, %convert_element_type3A_86, %cond3A_87 : i32
      scf.if %cond3A_88 {
        %ge3A = arith.constant 1 : i32
        %ge3A_96 = arith.cmpi sge, %scan3A_54, %ge3A : i32
        %convert_element_type3A_97 = arith.extui %ge3A_96 : i1 to i32
        %cond3A_98 = arith.constant 0 : i32
        %cond3A_99 = arith.cmpi ne, %convert_element_type3A_97, %cond3A_98 : i32
        scf.if %cond3A_99 {
          %dma_wait3A_138 = arith.constant 0 : i32
          %dma_wait3A_139 = arith.constant 0 : i32
          %dma_wait3A_140 = arith.constant 1 : i32
          %dma_wait3A_141 = arith.constant 0 : i32
          %dma_wait3A_142 = arith.constant 0 : i32
          %dma_wait3A_143 = tpu.memref_slice %arg7[%dma_wait3A_138, %dma_wait3A_141, %dma_wait3A_142] : memref<2x800x32xf32, #tpu.memory_space<vmem>> -> memref<1x800x32xf32, #tpu.memory_space<vmem>>
          %dma_wait3A_144 = tpu.memref_squeeze %dma_wait3A_143 : memref<1x800x32xf32, #tpu.memory_space<vmem>> -> memref<800x32xf32, #tpu.memory_space<vmem>>
          %dma_wait3A_145 = arith.constant 0 : i32
          %dma_wait3A_146 = tpu.memref_slice %arg6[%dma_wait3A_139, %dma_wait3A_140, %dma_wait3A_145] : memref<3x2x800xi32, #tpu.memory_space<vmem>> -> memref<1x1x800xi32, #tpu.memory_space<vmem>>
          %dma_wait3A_147 = tpu.memref_squeeze %dma_wait3A_146 : memref<1x1x800xi32, #tpu.memory_space<vmem>> -> memref<800xi32, #tpu.memory_space<vmem>>
          %dma_wait3A_148 = arith.constant 0 : i32
          %dma_wait3A_149 = arith.constant 0 : i32
          %dma_wait3A_150 = tpu.memref_slice %arg8[%dma_wait3A_148, %dma_wait3A_149] : memref<10240x32xf32, #tpu.memory_space<vmem_shared>> -> memref<10240x32xf32, #tpu.memory_space<vmem_shared>>
          tpu.wait_indirect_dma semaphore(%arg10 : memref<!tpu.dma_semaphore, #tpu.memory_space<semaphore_mem>>) src(%dma_wait3A_144 : memref<800x32xf32, #tpu.memory_space<vmem>>) dst(%dma_wait3A_150 : memref<10240x32xf32, #tpu.memory_space<vmem_shared>>)
        } else {
        }
        %add3A = arith.constant 2 : i32
        %add3A_100 = arith.addi %scan3A_54, %add3A : i32
        %lt3A = arith.constant 25 : i32
        %lt3A_101 = arith.cmpi slt, %add3A_100, %lt3A : i32
        %convert_element_type3A_102 = arith.extui %lt3A_101 : i1 to i32
        %cond3A_103 = arith.constant 0 : i32
        %cond3A_104 = arith.cmpi ne, %convert_element_type3A_102, %cond3A_103 : i32
        scf.if %cond3A_104 {
          %add3A_138 = arith.constant 2 : i32
          %add3A_139 = arith.addi %scan3A_54, %add3A_138 : i32
          %dma_start3A_140 = arith.constant 0 : i32
          %dma_start3A_141 = arith.constant 0 : i32
          %dma_start3A_142 = arith.constant 0 : i32
          %dma_start3A_143 = tpu.memref_slice %arg6[%dma_start3A_140, %dma_start3A_141, %dma_start3A_142] : memref<3x2x800xi32, #tpu.memory_space<vmem>> -> memref<1x2x800xi32, #tpu.memory_space<vmem>>
          %dma_start3A_144 = tpu.memref_squeeze %dma_start3A_143 : memref<1x2x800xi32, #tpu.memory_space<vmem>> -> memref<2x800xi32, #tpu.memory_space<vmem>>
          %dma_start3A_145 = arith.constant 0 : i32
          %dma_start3A_146 = arith.constant 0 : i32
          %dma_start3A_147 = tpu.memref_slice %arg3[%arg1, %add3A_139, %dma_start3A_145, %dma_start3A_146] : memref<16x25x2x800xi32, #tpu.memory_space<hbm>> -> memref<1x1x2x800xi32, #tpu.memory_space<hbm>>
          %dma_start3A_148 = tpu.memref_squeeze %dma_start3A_147 : memref<1x1x2x800xi32, #tpu.memory_space<hbm>> -> memref<2x800xi32, #tpu.memory_space<hbm>>
          %dma_start3A_149 = arith.constant 0 : i32
          %dma_start3A_150 = arith.constant 0 : i32
          %dma_start3A_151 = tpu.memref_slice %arg6[%dma_start3A_140, %dma_start3A_149, %dma_start3A_150] : memref<3x2x800xi32, #tpu.memory_space<vmem>> -> memref<1x2x800xi32, #tpu.memory_space<vmem>>
          %dma_start3A_152 = tpu.memref_squeeze %dma_start3A_151 : memref<1x2x800xi32, #tpu.memory_space<vmem>> -> memref<2x800xi32, #tpu.memory_space<vmem>>
          %dma_start3A_153 = arith.constant 0 : i32
          %dma_start3A_154 = arith.constant 0 : i32
          %dma_start3A_155 = tpu.memref_slice %arg3[%arg1, %add3A_139, %dma_start3A_153, %dma_start3A_154] : memref<16x25x2x800xi32, #tpu.memory_space<hbm>> -> memref<1x1x2x800xi32, #tpu.memory_space<hbm>>
          %dma_start3A_156 = tpu.memref_squeeze %dma_start3A_155 : memref<1x1x2x800xi32, #tpu.memory_space<hbm>> -> memref<2x800xi32, #tpu.memory_space<hbm>>
          tpu.enqueue_dma source(%dma_start3A_156 : memref<2x800xi32, #tpu.memory_space<hbm>>) target(%dma_start3A_152 : memref<2x800xi32, #tpu.memory_space<vmem>>) target_semaphore(%arg11 : memref<!tpu.dma_semaphore, #tpu.memory_space<semaphore_mem>>)
        } else {
        }
        %add3A_105 = arith.constant 1 : i32
        %add3A_106 = arith.addi %scan3A_54, %add3A_105 : i32
        %lt3A_107 = arith.constant 25 : i32
        %lt3A_108 = arith.cmpi slt, %add3A_106, %lt3A_107 : i32
        %convert_element_type3A_109 = arith.extui %lt3A_108 : i1 to i32
        %cond3A_110 = arith.constant 0 : i32
        %cond3A_111 = arith.cmpi ne, %convert_element_type3A_109, %cond3A_110 : i32
        scf.if %cond3A_111 {
          %dma_wait3A_138 = arith.constant 0 : i32
          %dma_wait3A_139 = arith.constant 0 : i32
          %dma_wait3A_140 = arith.constant 0 : i32
          %dma_wait3A_141 = arith.constant 0 : i32
          %dma_wait3A_142 = tpu.memref_slice %arg6[%dma_wait3A_139, %dma_wait3A_140, %dma_wait3A_141] : memref<3x2x800xi32, #tpu.memory_space<vmem>> -> memref<1x2x800xi32, #tpu.memory_space<vmem>>
          %dma_wait3A_143 = tpu.memref_squeeze %dma_wait3A_142 : memref<1x2x800xi32, #tpu.memory_space<vmem>> -> memref<2x800xi32, #tpu.memory_space<vmem>>
          %dma_wait3A_144 = arith.constant 0 : i32
          %dma_wait3A_145 = arith.constant 0 : i32
          %dma_wait3A_146 = tpu.memref_slice %arg3[%arg1, %dma_wait3A_138, %dma_wait3A_144, %dma_wait3A_145] : memref<16x25x2x800xi32, #tpu.memory_space<hbm>> -> memref<1x1x2x800xi32, #tpu.memory_space<hbm>>
          %dma_wait3A_147 = tpu.memref_squeeze %dma_wait3A_146 : memref<1x1x2x800xi32, #tpu.memory_space<hbm>> -> memref<2x800xi32, #tpu.memory_space<hbm>>
          %dma_wait3A_148 = arith.constant 0 : i32
          %dma_wait3A_149 = arith.constant 0 : i32
          %dma_wait3A_150 = tpu.memref_slice %arg6[%dma_wait3A_139, %dma_wait3A_148, %dma_wait3A_149] : memref<3x2x800xi32, #tpu.memory_space<vmem>> -> memref<1x2x800xi32, #tpu.memory_space<vmem>>
          %dma_wait3A_151 = tpu.memref_squeeze %dma_wait3A_150 : memref<1x2x800xi32, #tpu.memory_space<vmem>> -> memref<2x800xi32, #tpu.memory_space<vmem>>
          %dma_wait3A_152 = arith.constant 0 : i32
          %dma_wait3A_153 = arith.constant 0 : i32
          %dma_wait3A_154 = tpu.memref_slice %arg3[%arg1, %dma_wait3A_138, %dma_wait3A_152, %dma_wait3A_153] : memref<16x25x2x800xi32, #tpu.memory_space<hbm>> -> memref<1x1x2x800xi32, #tpu.memory_space<hbm>>
          %dma_wait3A_155 = tpu.memref_squeeze %dma_wait3A_154 : memref<1x1x2x800xi32, #tpu.memory_space<hbm>> -> memref<2x800xi32, #tpu.memory_space<hbm>>
          tpu.wait_dma2 semaphore(%arg11 : memref<!tpu.dma_semaphore, #tpu.memory_space<semaphore_mem>>) src(%dma_wait3A_155 : memref<2x800xi32, #tpu.memory_space<hbm>>) dst(%dma_wait3A_151 : memref<2x800xi32, #tpu.memory_space<vmem>>)
          %eq3A_156 = arith.constant 1 : i32
          %eq3A_157 = arith.cmpi eq, %arg0, %eq3A_156 : i32
          %convert_element_type3A_158 = arith.extui %eq3A_157 : i1 to i32
          %cond3A_159 = arith.constant 0 : i32
          %cond3A_160 = arith.cmpi ne, %convert_element_type3A_158, %cond3A_159 : i32
          scf.if %cond3A_160 {
            %scan3A_174 = arith.constant 0 : i32
            %scan3A_175 = arith.constant 0 : i32
            %scan3A_176 = arith.constant 50 : i32
            %scan3A_177 = arith.addi %scan3A_175, %scan3A_176 : i32
            %scan3A_178 = arith.constant 1 : i32
            scf.for %scan3A_180 = %scan3A_175 to %scan3A_177 step %scan3A_178  : i32 {
              %mul3A_181 = arith.constant 16 : i32
              %mul3A_182 = arith.muli %scan3A_180, %mul3A_181 : i32
              %get3A = arith.constant 2 : i32
              %get3A_183 = arith.constant 0 : i32
              %get3A_184 = arith.index_cast %get3A : i32 to index
              %get3A_185 = arith.index_cast %get3A_183 : i32 to index
              %get3A_186 = arith.index_cast %mul3A_182 : i32 to index
              %get3A_187 = tpu.vector_load %arg6[%get3A_184, %get3A_185, %get3A_186] {strides = array<i32>} : memref<3x2x800xi32, #tpu.memory_space<vmem>>, vector<1x1x16xi32>,
              %get3A_188 = vector.shape_cast %get3A_187 : vector<1x1x16xi32> to vector<16xi32>
              %add3A_189 = arith.constant 1 : i32
              %add3A_190 = vector.broadcast %add3A_189 : i32 to vector<16xi32>
              %add3A_191 = arith.addi %get3A_188, %add3A_190 : vector<16xi32>
              %mul3A_192 = arith.constant 16 : i32
              %mul3A_193 = arith.muli %scan3A_180, %mul3A_192 : i32
              %swap3A = arith.constant 2 : i32
              %swap3A_194 = arith.constant 0 : i32
              %swap3A_195 = arith.index_cast %swap3A : i32 to index
              %swap3A_196 = arith.index_cast %swap3A_194 : i32 to index
              %swap3A_197 = arith.index_cast %mul3A_193 : i32 to index
              %swap3A_198 = tpu.vector_load %arg6[%swap3A_195, %swap3A_196, %swap3A_197] {strides = array<i32>} : memref<3x2x800xi32, #tpu.memory_space<vmem>>, vector<1x1x16xi32>,
              %swap3A_199 = vector.shape_cast %swap3A_198 : vector<1x1x16xi32> to vector<16xi32>
              %swap3A_200 = vector.shape_cast %add3A_191 : vector<16xi32> to vector<1x1x16xi32>
              tpu.vector_store %arg6[%swap3A_195, %swap3A_196, %swap3A_197], %swap3A_200 {strides = array<i32>} : memref<3x2x800xi32, #tpu.memory_space<vmem>>, vector<1x1x16xi32>,
            }
            %scan3A_179 = arith.constant 50 : i32
          } else {
          }
          %dma_start3A_161 = arith.constant 2 : i32
          %dma_start3A_162 = arith.constant 0 : i32
          %dma_start3A_163 = arith.constant 1 : i32
          %dma_start3A_164 = arith.constant 0 : i32
          %dma_start3A_165 = arith.constant 0 : i32
          %dma_start3A_166 = tpu.memref_slice %arg7[%dma_start3A_163, %dma_start3A_164, %dma_start3A_165] : memref<2x800x32xf32, #tpu.memory_space<vmem>> -> memref<1x800x32xf32, #tpu.memory_space<vmem>>
          %dma_start3A_167 = tpu.memref_squeeze %dma_start3A_166 : memref<1x800x32xf32, #tpu.memory_space<vmem>> -> memref<800x32xf32, #tpu.memory_space<vmem>>
          %dma_start3A_168 = arith.constant 0 : i32
          %dma_start3A_169 = tpu.memref_slice %arg6[%dma_start3A_161, %dma_start3A_162, %dma_start3A_168] : memref<3x2x800xi32, #tpu.memory_space<vmem>> -> memref<1x1x800xi32, #tpu.memory_space<vmem>>
          %dma_start3A_170 = tpu.memref_squeeze %dma_start3A_169 : memref<1x1x800xi32, #tpu.memory_space<vmem>> -> memref<800xi32, #tpu.memory_space<vmem>>
          %dma_start3A_171 = arith.constant 0 : i32
          %dma_start3A_172 = arith.constant 0 : i32
          %dma_start3A_173 = tpu.memref_slice %arg2[%dma_start3A_171, %dma_start3A_172] : memref<20000x32xf32, #tpu.memory_space<hbm>> -> memref<20000x32xf32, #tpu.memory_space<hbm>>
          tpu.enqueue_indirect_dma source(%dma_start3A_173 : memref<20000x32xf32, #tpu.memory_space<hbm>>) target(%dma_start3A_167 : memref<800x32xf32, #tpu.memory_space<vmem>>) offsets(%dma_start3A_170 : memref<800xi32, #tpu.memory_space<vmem>>) semaphore(%arg9 : memref<!tpu.dma_semaphore, #tpu.memory_space<semaphore_mem>>)
        } else {
        }
        %dma_wait3A_112 = arith.constant 0 : i32
        %dma_wait3A_113 = arith.constant 0 : i32
        %dma_wait3A_114 = arith.constant 0 : i32
        %dma_wait3A_115 = arith.constant 0 : i32
        %dma_wait3A_116 = arith.constant 0 : i32
        %dma_wait3A_117 = tpu.memref_slice %arg7[%dma_wait3A_114, %dma_wait3A_115, %dma_wait3A_116] : memref<2x800x32xf32, #tpu.memory_space<vmem>> -> memref<1x800x32xf32, #tpu.memory_space<vmem>>
        %dma_wait3A_118 = tpu.memref_squeeze %dma_wait3A_117 : memref<1x800x32xf32, #tpu.memory_space<vmem>> -> memref<800x32xf32, #tpu.memory_space<vmem>>
        %dma_wait3A_119 = arith.constant 0 : i32
        %dma_wait3A_120 = tpu.memref_slice %arg6[%dma_wait3A_112, %dma_wait3A_113, %dma_wait3A_119] : memref<3x2x800xi32, #tpu.memory_space<vmem>> -> memref<1x1x800xi32, #tpu.memory_space<vmem>>
        %dma_wait3A_121 = tpu.memref_squeeze %dma_wait3A_120 : memref<1x1x800xi32, #tpu.memory_space<vmem>> -> memref<800xi32, #tpu.memory_space<vmem>>
        %dma_wait3A_122 = arith.constant 0 : i32
        %dma_wait3A_123 = arith.constant 0 : i32
        %dma_wait3A_124 = tpu.memref_slice %arg2[%dma_wait3A_122, %dma_wait3A_123] : memref<20000x32xf32, #tpu.memory_space<hbm>> -> memref<20000x32xf32, #tpu.memory_space<hbm>>
        tpu.wait_indirect_dma semaphore(%arg9 : memref<!tpu.dma_semaphore, #tpu.memory_space<semaphore_mem>>) src(%dma_wait3A_124 : memref<20000x32xf32, #tpu.memory_space<hbm>>) dst(%dma_wait3A_118 : memref<800x32xf32, #tpu.memory_space<vmem>>)
        %dma_start3A_125 = arith.constant 0 : i32
        %dma_start3A_126 = arith.constant 1 : i32
        %dma_start3A_127 = arith.constant 1 : i32
        %dma_start3A_128 = arith.constant 0 : i32
        %dma_start3A_129 = arith.constant 0 : i32
        %dma_start3A_130 = tpu.memref_slice %arg7[%dma_start3A_125, %dma_start3A_128, %dma_start3A_129] : memref<2x800x32xf32, #tpu.memory_space<vmem>> -> memref<1x800x32xf32, #tpu.memory_space<vmem>>
        %dma_start3A_131 = tpu.memref_squeeze %dma_start3A_130 : memref<1x800x32xf32, #tpu.memory_space<vmem>> -> memref<800x32xf32, #tpu.memory_space<vmem>>
        %dma_start3A_132 = arith.constant 0 : i32
        %dma_start3A_133 = tpu.memref_slice %arg6[%dma_start3A_126, %dma_start3A_127, %dma_start3A_132] : memref<3x2x800xi32, #tpu.memory_space<vmem>> -> memref<1x1x800xi32, #tpu.memory_space<vmem>>
        %dma_start3A_134 = tpu.memref_squeeze %dma_start3A_133 : memref<1x1x800xi32, #tpu.memory_space<vmem>> -> memref<800xi32, #tpu.memory_space<vmem>>
        %dma_start3A_135 = arith.constant 0 : i32
        %dma_start3A_136 = arith.constant 0 : i32
        %dma_start3A_137 = tpu.memref_slice %arg8[%dma_start3A_135, %dma_start3A_136] : memref<10240x32xf32, #tpu.memory_space<vmem_shared>> -> memref<10240x32xf32, #tpu.memory_space<vmem_shared>>
        tpu.enqueue_indirect_dma source(%dma_start3A_131 : memref<800x32xf32, #tpu.memory_space<vmem>>) target(%dma_start3A_137 : memref<10240x32xf32, #tpu.memory_space<vmem_shared>>) offsets(%dma_start3A_134 : memref<800xi32, #tpu.memory_space<vmem>>) semaphore(%arg10 : memref<!tpu.dma_semaphore, #tpu.memory_space<semaphore_mem>>) {add = true}
      } else {
      }
      %rem3A_89 = arith.constant 6 : i32
      %rem3A_90 = arith.remsi %scan3A_54, %rem3A_89 : i32
      %eq3A_91 = arith.constant 5 : i32
      %eq3A_92 = arith.cmpi eq, %rem3A_90, %eq3A_91 : i32
      %convert_element_type3A_93 = arith.extui %eq3A_92 : i1 to i32
      %cond3A_94 = arith.constant 0 : i32
      %cond3A_95 = arith.cmpi ne, %convert_element_type3A_93, %cond3A_94 : i32
      scf.if %cond3A_95 {
        %ge3A = arith.constant 1 : i32
        %ge3A_96 = arith.cmpi sge, %scan3A_54, %ge3A : i32
        %convert_element_type3A_97 = arith.extui %ge3A_96 : i1 to i32
        %cond3A_98 = arith.constant 0 : i32
        %cond3A_99 = arith.cmpi ne, %convert_element_type3A_97, %cond3A_98 : i32
        scf.if %cond3A_99 {
          %dma_wait3A_138 = arith.constant 0 : i32
          %dma_wait3A_139 = arith.constant 0 : i32
          %dma_wait3A_140 = arith.constant 1 : i32
          %dma_wait3A_141 = arith.constant 0 : i32
          %dma_wait3A_142 = arith.constant 0 : i32
          %dma_wait3A_143 = tpu.memref_slice %arg7[%dma_wait3A_138, %dma_wait3A_141, %dma_wait3A_142] : memref<2x800x32xf32, #tpu.memory_space<vmem>> -> memref<1x800x32xf32, #tpu.memory_space<vmem>>
          %dma_wait3A_144 = tpu.memref_squeeze %dma_wait3A_143 : memref<1x800x32xf32, #tpu.memory_space<vmem>> -> memref<800x32xf32, #tpu.memory_space<vmem>>
          %dma_wait3A_145 = arith.constant 0 : i32
          %dma_wait3A_146 = tpu.memref_slice %arg6[%dma_wait3A_139, %dma_wait3A_140, %dma_wait3A_145] : memref<3x2x800xi32, #tpu.memory_space<vmem>> -> memref<1x1x800xi32, #tpu.memory_space<vmem>>
          %dma_wait3A_147 = tpu.memref_squeeze %dma_wait3A_146 : memref<1x1x800xi32, #tpu.memory_space<vmem>> -> memref<800xi32, #tpu.memory_space<vmem>>
          %dma_wait3A_148 = arith.constant 0 : i32
          %dma_wait3A_149 = arith.constant 0 : i32
          %dma_wait3A_150 = tpu.memref_slice %arg8[%dma_wait3A_148, %dma_wait3A_149] : memref<10240x32xf32, #tpu.memory_space<vmem_shared>> -> memref<10240x32xf32, #tpu.memory_space<vmem_shared>>
          tpu.wait_indirect_dma semaphore(%arg10 : memref<!tpu.dma_semaphore, #tpu.memory_space<semaphore_mem>>) src(%dma_wait3A_144 : memref<800x32xf32, #tpu.memory_space<vmem>>) dst(%dma_wait3A_150 : memref<10240x32xf32, #tpu.memory_space<vmem_shared>>)
        } else {
        }
        %add3A = arith.constant 2 : i32
        %add3A_100 = arith.addi %scan3A_54, %add3A : i32
        %lt3A = arith.constant 25 : i32
        %lt3A_101 = arith.cmpi slt, %add3A_100, %lt3A : i32
        %convert_element_type3A_102 = arith.extui %lt3A_101 : i1 to i32
        %cond3A_103 = arith.constant 0 : i32
        %cond3A_104 = arith.cmpi ne, %convert_element_type3A_102, %cond3A_103 : i32
        scf.if %cond3A_104 {
          %add3A_138 = arith.constant 2 : i32
          %add3A_139 = arith.addi %scan3A_54, %add3A_138 : i32
          %dma_start3A_140 = arith.constant 1 : i32
          %dma_start3A_141 = arith.constant 0 : i32
          %dma_start3A_142 = arith.constant 0 : i32
          %dma_start3A_143 = tpu.memref_slice %arg6[%dma_start3A_140, %dma_start3A_141, %dma_start3A_142] : memref<3x2x800xi32, #tpu.memory_space<vmem>> -> memref<1x2x800xi32, #tpu.memory_space<vmem>>
          %dma_start3A_144 = tpu.memref_squeeze %dma_start3A_143 : memref<1x2x800xi32, #tpu.memory_space<vmem>> -> memref<2x800xi32, #tpu.memory_space<vmem>>
          %dma_start3A_145 = arith.constant 0 : i32
          %dma_start3A_146 = arith.constant 0 : i32
          %dma_start3A_147 = tpu.memref_slice %arg3[%arg1, %add3A_139, %dma_start3A_145, %dma_start3A_146] : memref<16x25x2x800xi32, #tpu.memory_space<hbm>> -> memref<1x1x2x800xi32, #tpu.memory_space<hbm>>
          %dma_start3A_148 = tpu.memref_squeeze %dma_start3A_147 : memref<1x1x2x800xi32, #tpu.memory_space<hbm>> -> memref<2x800xi32, #tpu.memory_space<hbm>>
          %dma_start3A_149 = arith.constant 0 : i32
          %dma_start3A_150 = arith.constant 0 : i32
          %dma_start3A_151 = tpu.memref_slice %arg6[%dma_start3A_140, %dma_start3A_149, %dma_start3A_150] : memref<3x2x800xi32, #tpu.memory_space<vmem>> -> memref<1x2x800xi32, #tpu.memory_space<vmem>>
          %dma_start3A_152 = tpu.memref_squeeze %dma_start3A_151 : memref<1x2x800xi32, #tpu.memory_space<vmem>> -> memref<2x800xi32, #tpu.memory_space<vmem>>
          %dma_start3A_153 = arith.constant 0 : i32
          %dma_start3A_154 = arith.constant 0 : i32
          %dma_start3A_155 = tpu.memref_slice %arg3[%arg1, %add3A_139, %dma_start3A_153, %dma_start3A_154] : memref<16x25x2x800xi32, #tpu.memory_space<hbm>> -> memref<1x1x2x800xi32, #tpu.memory_space<hbm>>
          %dma_start3A_156 = tpu.memref_squeeze %dma_start3A_155 : memref<1x1x2x800xi32, #tpu.memory_space<hbm>> -> memref<2x800xi32, #tpu.memory_space<hbm>>
          tpu.enqueue_dma source(%dma_start3A_156 : memref<2x800xi32, #tpu.memory_space<hbm>>) target(%dma_start3A_152 : memref<2x800xi32, #tpu.memory_space<vmem>>) target_semaphore(%arg11 : memref<!tpu.dma_semaphore, #tpu.memory_space<semaphore_mem>>)
        } else {
        }
        %add3A_105 = arith.constant 1 : i32
        %add3A_106 = arith.addi %scan3A_54, %add3A_105 : i32
        %lt3A_107 = arith.constant 25 : i32
        %lt3A_108 = arith.cmpi slt, %add3A_106, %lt3A_107 : i32
        %convert_element_type3A_109 = arith.extui %lt3A_108 : i1 to i32
        %cond3A_110 = arith.constant 0 : i32
        %cond3A_111 = arith.cmpi ne, %convert_element_type3A_109, %cond3A_110 : i32
        scf.if %cond3A_111 {
          %dma_wait3A_138 = arith.constant 0 : i32
          %dma_wait3A_139 = arith.constant 0 : i32
          %dma_wait3A_140 = arith.constant 0 : i32
          %dma_wait3A_141 = arith.constant 0 : i32
          %dma_wait3A_142 = tpu.memref_slice %arg6[%dma_wait3A_139, %dma_wait3A_140, %dma_wait3A_141] : memref<3x2x800xi32, #tpu.memory_space<vmem>> -> memref<1x2x800xi32, #tpu.memory_space<vmem>>
          %dma_wait3A_143 = tpu.memref_squeeze %dma_wait3A_142 : memref<1x2x800xi32, #tpu.memory_space<vmem>> -> memref<2x800xi32, #tpu.memory_space<vmem>>
          %dma_wait3A_144 = arith.constant 0 : i32
          %dma_wait3A_145 = arith.constant 0 : i32
          %dma_wait3A_146 = tpu.memref_slice %arg3[%arg1, %dma_wait3A_138, %dma_wait3A_144, %dma_wait3A_145] : memref<16x25x2x800xi32, #tpu.memory_space<hbm>> -> memref<1x1x2x800xi32, #tpu.memory_space<hbm>>
          %dma_wait3A_147 = tpu.memref_squeeze %dma_wait3A_146 : memref<1x1x2x800xi32, #tpu.memory_space<hbm>> -> memref<2x800xi32, #tpu.memory_space<hbm>>
          %dma_wait3A_148 = arith.constant 0 : i32
          %dma_wait3A_149 = arith.constant 0 : i32
          %dma_wait3A_150 = tpu.memref_slice %arg6[%dma_wait3A_139, %dma_wait3A_148, %dma_wait3A_149] : memref<3x2x800xi32, #tpu.memory_space<vmem>> -> memref<1x2x800xi32, #tpu.memory_space<vmem>>
          %dma_wait3A_151 = tpu.memref_squeeze %dma_wait3A_150 : memref<1x2x800xi32, #tpu.memory_space<vmem>> -> memref<2x800xi32, #tpu.memory_space<vmem>>
          %dma_wait3A_152 = arith.constant 0 : i32
          %dma_wait3A_153 = arith.constant 0 : i32
          %dma_wait3A_154 = tpu.memref_slice %arg3[%arg1, %dma_wait3A_138, %dma_wait3A_152, %dma_wait3A_153] : memref<16x25x2x800xi32, #tpu.memory_space<hbm>> -> memref<1x1x2x800xi32, #tpu.memory_space<hbm>>
          %dma_wait3A_155 = tpu.memref_squeeze %dma_wait3A_154 : memref<1x1x2x800xi32, #tpu.memory_space<hbm>> -> memref<2x800xi32, #tpu.memory_space<hbm>>
          tpu.wait_dma2 semaphore(%arg11 : memref<!tpu.dma_semaphore, #tpu.memory_space<semaphore_mem>>) src(%dma_wait3A_155 : memref<2x800xi32, #tpu.memory_space<hbm>>) dst(%dma_wait3A_151 : memref<2x800xi32, #tpu.memory_space<vmem>>)
          %eq3A_156 = arith.constant 1 : i32
          %eq3A_157 = arith.cmpi eq, %arg0, %eq3A_156 : i32
          %convert_element_type3A_158 = arith.extui %eq3A_157 : i1 to i32
          %cond3A_159 = arith.constant 0 : i32
          %cond3A_160 = arith.cmpi ne, %convert_element_type3A_158, %cond3A_159 : i32
          scf.if %cond3A_160 {
            %scan3A_174 = arith.constant 0 : i32
            %scan3A_175 = arith.constant 0 : i32
            %scan3A_176 = arith.constant 50 : i32
            %scan3A_177 = arith.addi %scan3A_175, %scan3A_176 : i32
            %scan3A_178 = arith.constant 1 : i32
            scf.for %scan3A_180 = %scan3A_175 to %scan3A_177 step %scan3A_178  : i32 {
              %mul3A_181 = arith.constant 16 : i32
              %mul3A_182 = arith.muli %scan3A_180, %mul3A_181 : i32
              %get3A = arith.constant 0 : i32
              %get3A_183 = arith.constant 0 : i32
              %get3A_184 = arith.index_cast %get3A : i32 to index
              %get3A_185 = arith.index_cast %get3A_183 : i32 to index
              %get3A_186 = arith.index_cast %mul3A_182 : i32 to index
              %get3A_187 = tpu.vector_load %arg6[%get3A_184, %get3A_185, %get3A_186] {strides = array<i32>} : memref<3x2x800xi32, #tpu.memory_space<vmem>>, vector<1x1x16xi32>,
              %get3A_188 = vector.shape_cast %get3A_187 : vector<1x1x16xi32> to vector<16xi32>
              %add3A_189 = arith.constant 1 : i32
              %add3A_190 = vector.broadcast %add3A_189 : i32 to vector<16xi32>
              %add3A_191 = arith.addi %get3A_188, %add3A_190 : vector<16xi32>
              %mul3A_192 = arith.constant 16 : i32
              %mul3A_193 = arith.muli %scan3A_180, %mul3A_192 : i32
              %swap3A = arith.constant 0 : i32
              %swap3A_194 = arith.constant 0 : i32
              %swap3A_195 = arith.index_cast %swap3A : i32 to index
              %swap3A_196 = arith.index_cast %swap3A_194 : i32 to index
              %swap3A_197 = arith.index_cast %mul3A_193 : i32 to index
              %swap3A_198 = tpu.vector_load %arg6[%swap3A_195, %swap3A_196, %swap3A_197] {strides = array<i32>} : memref<3x2x800xi32, #tpu.memory_space<vmem>>, vector<1x1x16xi32>,
              %swap3A_199 = vector.shape_cast %swap3A_198 : vector<1x1x16xi32> to vector<16xi32>
              %swap3A_200 = vector.shape_cast %add3A_191 : vector<16xi32> to vector<1x1x16xi32>
              tpu.vector_store %arg6[%swap3A_195, %swap3A_196, %swap3A_197], %swap3A_200 {strides = array<i32>} : memref<3x2x800xi32, #tpu.memory_space<vmem>>, vector<1x1x16xi32>,
            }
            %scan3A_179 = arith.constant 50 : i32
          } else {
          }
          %dma_start3A_161 = arith.constant 0 : i32
          %dma_start3A_162 = arith.constant 0 : i32
          %dma_start3A_163 = arith.constant 0 : i32
          %dma_start3A_164 = arith.constant 0 : i32
          %dma_start3A_165 = arith.constant 0 : i32
          %dma_start3A_166 = tpu.memref_slice %arg7[%dma_start3A_163, %dma_start3A_164, %dma_start3A_165] : memref<2x800x32xf32, #tpu.memory_space<vmem>> -> memref<1x800x32xf32, #tpu.memory_space<vmem>>
          %dma_start3A_167 = tpu.memref_squeeze %dma_start3A_166 : memref<1x800x32xf32, #tpu.memory_space<vmem>> -> memref<800x32xf32, #tpu.memory_space<vmem>>
          %dma_start3A_168 = arith.constant 0 : i32
          %dma_start3A_169 = tpu.memref_slice %arg6[%dma_start3A_161, %dma_start3A_162, %dma_start3A_168] : memref<3x2x800xi32, #tpu.memory_space<vmem>> -> memref<1x1x800xi32, #tpu.memory_space<vmem>>
          %dma_start3A_170 = tpu.memref_squeeze %dma_start3A_169 : memref<1x1x800xi32, #tpu.memory_space<vmem>> -> memref<800xi32, #tpu.memory_space<vmem>>
          %dma_start3A_171 = arith.constant 0 : i32
          %dma_start3A_172 = arith.constant 0 : i32
          %dma_start3A_173 = tpu.memref_slice %arg2[%dma_start3A_171, %dma_start3A_172] : memref<20000x32xf32, #tpu.memory_space<hbm>> -> memref<20000x32xf32, #tpu.memory_space<hbm>>
          tpu.enqueue_indirect_dma source(%dma_start3A_173 : memref<20000x32xf32, #tpu.memory_space<hbm>>) target(%dma_start3A_167 : memref<800x32xf32, #tpu.memory_space<vmem>>) offsets(%dma_start3A_170 : memref<800xi32, #tpu.memory_space<vmem>>) semaphore(%arg9 : memref<!tpu.dma_semaphore, #tpu.memory_space<semaphore_mem>>)
        } else {
        }
        %dma_wait3A_112 = arith.constant 0 : i32
        %dma_wait3A_113 = arith.constant 0 : i32
        %dma_wait3A_114 = arith.constant 0 : i32
        %dma_wait3A_115 = arith.constant 0 : i32
        %dma_wait3A_116 = arith.constant 0 : i32
        %dma_wait3A_117 = tpu.memref_slice %arg7[%dma_wait3A_114, %dma_wait3A_115, %dma_wait3A_116] : memref<2x800x32xf32, #tpu.memory_space<vmem>> -> memref<1x800x32xf32, #tpu.memory_space<vmem>>
        %dma_wait3A_118 = tpu.memref_squeeze %dma_wait3A_117 : memref<1x800x32xf32, #tpu.memory_space<vmem>> -> memref<800x32xf32, #tpu.memory_space<vmem>>
        %dma_wait3A_119 = arith.constant 0 : i32
        %dma_wait3A_120 = tpu.memref_slice %arg6[%dma_wait3A_112, %dma_wait3A_113, %dma_wait3A_119] : memref<3x2x800xi32, #tpu.memory_space<vmem>> -> memref<1x1x800xi32, #tpu.memory_space<vmem>>
        %dma_wait3A_121 = tpu.memref_squeeze %dma_wait3A_120 : memref<1x1x800xi32, #tpu.memory_space<vmem>> -> memref<800xi32, #tpu.memory_space<vmem>>
        %dma_wait3A_122 = arith.constant 0 : i32
        %dma_wait3A_123 = arith.constant 0 : i32
        %dma_wait3A_124 = tpu.memref_slice %arg2[%dma_wait3A_122, %dma_wait3A_123] : memref<20000x32xf32, #tpu.memory_space<hbm>> -> memref<20000x32xf32, #tpu.memory_space<hbm>>
        tpu.wait_indirect_dma semaphore(%arg9 : memref<!tpu.dma_semaphore, #tpu.memory_space<semaphore_mem>>) src(%dma_wait3A_124 : memref<20000x32xf32, #tpu.memory_space<hbm>>) dst(%dma_wait3A_118 : memref<800x32xf32, #tpu.memory_space<vmem>>)
        %dma_start3A_125 = arith.constant 1 : i32
        %dma_start3A_126 = arith.constant 2 : i32
        %dma_start3A_127 = arith.constant 1 : i32
        %dma_start3A_128 = arith.constant 0 : i32
        %dma_start3A_129 = arith.constant 0 : i32
        %dma_start3A_130 = tpu.memref_slice %arg7[%dma_start3A_125, %dma_start3A_128, %dma_start3A_129] : memref<2x800x32xf32, #tpu.memory_space<vmem>> -> memref<1x800x32xf32, #tpu.memory_space<vmem>>
        %dma_start3A_131 = tpu.memref_squeeze %dma_start3A_130 : memref<1x800x32xf32, #tpu.memory_space<vmem>> -> memref<800x32xf32, #tpu.memory_space<vmem>>
        %dma_start3A_132 = arith.constant 0 : i32
        %dma_start3A_133 = tpu.memref_slice %arg6[%dma_start3A_126, %dma_start3A_127, %dma_start3A_132] : memref<3x2x800xi32, #tpu.memory_space<vmem>> -> memref<1x1x800xi32, #tpu.memory_space<vmem>>
        %dma_start3A_134 = tpu.memref_squeeze %dma_start3A_133 : memref<1x1x800xi32, #tpu.memory_space<vmem>> -> memref<800xi32, #tpu.memory_space<vmem>>
        %dma_start3A_135 = arith.constant 0 : i32
        %dma_start3A_136 = arith.constant 0 : i32
        %dma_start3A_137 = tpu.memref_slice %arg8[%dma_start3A_135, %dma_start3A_136] : memref<10240x32xf32, #tpu.memory_space<vmem_shared>> -> memref<10240x32xf32, #tpu.memory_space<vmem_shared>>
        tpu.enqueue_indirect_dma source(%dma_start3A_131 : memref<800x32xf32, #tpu.memory_space<vmem>>) target(%dma_start3A_137 : memref<10240x32xf32, #tpu.memory_space<vmem_shared>>) offsets(%dma_start3A_134 : memref<800xi32, #tpu.memory_space<vmem>>) semaphore(%arg10 : memref<!tpu.dma_semaphore, #tpu.memory_space<semaphore_mem>>) {add = true}
      } else {
      }
    }
    %scan3A_38 = arith.constant 25 : i32
    %dma_wait3A = arith.constant 0 : i32
    %dma_wait3A_39 = arith.constant 0 : i32
    %dma_wait3A_40 = arith.constant 1 : i32
    %dma_wait3A_41 = arith.constant 0 : i32
    %dma_wait3A_42 = arith.constant 0 : i32
    %dma_wait3A_43 = tpu.memref_slice %arg7[%dma_wait3A, %dma_wait3A_41, %dma_wait3A_42] : memref<2x800x32xf32, #tpu.memory_space<vmem>> -> memref<1x800x32xf32, #tpu.memory_space<vmem>>
    %dma_wait3A_44 = tpu.memref_squeeze %dma_wait3A_43 : memref<1x800x32xf32, #tpu.memory_space<vmem>> -> memref<800x32xf32, #tpu.memory_space<vmem>>
    %dma_wait3A_45 = arith.constant 0 : i32
    %dma_wait3A_46 = tpu.memref_slice %arg6[%dma_wait3A_39, %dma_wait3A_40, %dma_wait3A_45] : memref<3x2x800xi32, #tpu.memory_space<vmem>> -> memref<1x1x800xi32, #tpu.memory_space<vmem>>
    %dma_wait3A_47 = tpu.memref_squeeze %dma_wait3A_46 : memref<1x1x800xi32, #tpu.memory_space<vmem>> -> memref<800xi32, #tpu.memory_space<vmem>>
    %dma_wait3A_48 = arith.constant 0 : i32
    %dma_wait3A_49 = arith.constant 0 : i32
    %dma_wait3A_50 = tpu.memref_slice %arg8[%dma_wait3A_48, %dma_wait3A_49] : memref<10240x32xf32, #tpu.memory_space<vmem_shared>> -> memref<10240x32xf32, #tpu.memory_space<vmem_shared>>
    tpu.wait_indirect_dma semaphore(%arg10 : memref<!tpu.dma_semaphore, #tpu.memory_space<semaphore_mem>>) src(%dma_wait3A_44 : memref<800x32xf32, #tpu.memory_space<vmem>>) dst(%dma_wait3A_50 : memref<10240x32xf32, #tpu.memory_space<vmem_shared>>)
    %barrier3A_51 = arith.constant 0 : index
    tpu.barrier barrier_id(%barrier3A_51)
    %mul3A_52 = arith.constant 32 : i32
    %mul3A_53 = arith.muli %arg0, %mul3A_52 : i32
    "tpu.region"() ({
      %run_scoped3A_54 = tpu.sem_alloc : memref<!tpu.dma_semaphore, #tpu.memory_space<semaphore_mem>>
      %dma_start3A_55 = tpu.memref_slice %arg5[%mul3A_0, %mul3A_53] : memref<10240x64xf32, #tpu.memory_space<hbm>> -> memref<640x32xf32, #tpu.memory_space<hbm>>
      %dma_start3A_56 = arith.constant 0 : i32
      %dma_start3A_57 = tpu.memref_slice %arg8[%mul3A_0, %dma_start3A_56] : memref<10240x32xf32, #tpu.memory_space<vmem_shared>> -> memref<640x32xf32, #tpu.memory_space<vmem_shared>>
      tpu.enqueue_dma source(%dma_start3A_57 : memref<640x32xf32, #tpu.memory_space<vmem_shared>>) target(%dma_start3A_55 : memref<640x32xf32, #tpu.memory_space<hbm>>) target_semaphore(%run_scoped3A_54 : memref<!tpu.dma_semaphore, #tpu.memory_space<semaphore_mem>>)
      %dma_wait3A_58 = tpu.memref_slice %arg5[%mul3A_0, %mul3A_53] : memref<10240x64xf32, #tpu.memory_space<hbm>> -> memref<640x32xf32, #tpu.memory_space<hbm>>
      %dma_wait3A_59 = arith.constant 0 : i32
      %dma_wait3A_60 = tpu.memref_slice %arg8[%mul3A_0, %dma_wait3A_59] : memref<10240x32xf32, #tpu.memory_space<vmem_shared>> -> memref<640x32xf32, #tpu.memory_space<vmem_shared>>
      tpu.wait_dma2 semaphore(%run_scoped3A_54 : memref<!tpu.dma_semaphore, #tpu.memory_space<semaphore_mem>>) src(%dma_wait3A_60 : memref<640x32xf32, #tpu.memory_space<vmem_shared>>) dst(%dma_wait3A_58 : memref<640x32xf32, #tpu.memory_space<hbm>>)
      tpu.yield
    }) : () -> ()
    return
  }
}

module attributes {stable_mosaic.version = 14 : i64} {
  func.func @body(%arg0: memref<10000x128xf32, #tpu.memory_space<vmem>>, %arg1: memref<128x128xf32, #tpu.memory_space<vmem>>, %arg2: memref<10240x32xf32, #tpu.memory_space<vmem>>, %arg3: memref<10000x128xf32, #tpu.memory_space<vmem>>) attributes {dimension_semantics = [], scalar_prefetch = 0 : i64, scratch_operands = 0 : i64, tpu.core_type = #tpu.core_type<tc>} {
    %get3A = arith.constant 0 : index
    %get3A_0 = arith.constant 0 : index
    %get3A_1 = vector.load %arg2[%get3A, %get3A_0] : memref<10240x32xf32, #tpu.memory_space<vmem>>, vector<10000x16xf32>
    %get3A_2 = arith.constant 0 : index
    %get3A_3 = arith.constant 16 : index
    %get3A_4 = vector.load %arg2[%get3A_2, %get3A_3] : memref<10240x32xf32, #tpu.memory_space<vmem>>, vector<10000x16xf32>
    %add3A = arith.addf %get3A_1, %get3A_4 : vector<10000x16xf32>
    %reduce_sum3A = arith.constant dense<0.000000e+00> : vector<10000xf32>
    %reduce_sum3A_5 = vector.multi_reduction <add>, %add3A, %reduce_sum3A [1] : vector<10000x16xf32> to vector<10000xf32>
    %broadcast_in_dim3A = vector.shape_cast %reduce_sum3A_5 : vector<10000xf32> to vector<10000x1xf32>
    %mul3A = arith.constant 6.250000e-02 : f32
    %mul3A_6 = vector.broadcast %mul3A : f32 to vector<10000x1xf32>
    %mul3A_7 = arith.mulf %broadcast_in_dim3A, %mul3A_6 : vector<10000x1xf32>
    %add3A_8 = arith.constant 1.000000e+00 : f32
    %add3A_9 = vector.broadcast %add3A_8 : f32 to vector<10000x1xf32>
    %add3A_10 = arith.addf %mul3A_7, %add3A_9 : vector<10000x1xf32>
    %rsqrt3A = math.rsqrt %add3A_10 : vector<10000x1xf32>
    %get3A_11 = arith.constant 0 : index
    %get3A_12 = arith.constant 0 : index
    %get3A_13 = vector.load %arg0[%get3A_11, %get3A_12] : memref<10000x128xf32, #tpu.memory_space<vmem>>, vector<10000x128xf32>
    %get3A_14 = arith.constant 0 : index
    %get3A_15 = arith.constant 0 : index
    %get3A_16 = vector.load %arg1[%get3A_14, %get3A_15] : memref<128x128xf32, #tpu.memory_space<vmem>>, vector<128x128xf32>
    %dot_general3A = arith.constant dense<0.000000e+00> : vector<10000x128xf32>
    %dot_general3A_17 = tpu.matmul %get3A_13, %get3A_16, %dot_general3A {dimension_numbers = #tpu.dot_dimension_numbers<[1], [0], [0], [1], [0, 0, 1, 1], [], []>, transpose_lhs_hint = false} : vector<10000x128xf32>, vector<128x128xf32>, vector<10000x128xf32> -> vector<10000x128xf32>
    %mul3A_18 = vector.broadcast %rsqrt3A : vector<10000x1xf32> to vector<10000x128xf32>
    %mul3A_19 = arith.mulf %dot_general3A_17, %mul3A_18 : vector<10000x128xf32>
    %swap3A = arith.constant 0 : index
    %swap3A_20 = arith.constant 0 : index
    %swap3A_21 = vector.load %arg3[%swap3A, %swap3A_20] : memref<10000x128xf32, #tpu.memory_space<vmem>>, vector<10000x128xf32>
    tpu.vector_store %arg3[%swap3A, %swap3A_20], %mul3A_19 {strides = array<i32>} : memref<10000x128xf32, #tpu.memory_space<vmem>>, vector<10000x128xf32>,
    return
  }
}

module attributes {stable_mosaic.version = 14 : i64} {
  func.func @body(%arg0: memref<10240x128xf32, #tpu.memory_space<vmem>>, %arg1: memref<10000x128xf32, #tpu.memory_space<vmem>>, %arg2: memref<10240x32xf32, #tpu.memory_space<vmem>>, %arg3: memref<1x128xf32, #tpu.memory_space<vmem>>, %arg4: memref<1x128xf32, #tpu.memory_space<vmem>>, %arg5: memref<1x128xf32, #tpu.memory_space<vmem>>, %arg6: memref<128x128xf32, #tpu.memory_space<vmem>>, %arg7: memref<10000x128xf32, #tpu.memory_space<vmem>>) attributes {dimension_semantics = [], scalar_prefetch = 0 : i64, scratch_operands = 0 : i64, tpu.core_type = #tpu.core_type<tc>} {
    %get3A = arith.constant 0 : index
    %get3A_0 = arith.constant 0 : index
    %get3A_1 = vector.load %arg2[%get3A, %get3A_0] : memref<10240x32xf32, #tpu.memory_space<vmem>>, vector<10000x16xf32>
    %get3A_2 = arith.constant 0 : index
    %get3A_3 = arith.constant 16 : index
    %get3A_4 = vector.load %arg2[%get3A_2, %get3A_3] : memref<10240x32xf32, #tpu.memory_space<vmem>>, vector<10000x16xf32>
    %add3A = arith.addf %get3A_1, %get3A_4 : vector<10000x16xf32>
    %reduce_sum3A = arith.constant dense<0.000000e+00> : vector<10000xf32>
    %reduce_sum3A_5 = vector.multi_reduction <add>, %add3A, %reduce_sum3A [1] : vector<10000x16xf32> to vector<10000xf32>
    %broadcast_in_dim3A = vector.shape_cast %reduce_sum3A_5 : vector<10000xf32> to vector<10000x1xf32>
    %mul3A = arith.constant 6.250000e-02 : f32
    %mul3A_6 = vector.broadcast %mul3A : f32 to vector<10000x1xf32>
    %mul3A_7 = arith.mulf %broadcast_in_dim3A, %mul3A_6 : vector<10000x1xf32>
    %add3A_8 = arith.constant 1.000000e+00 : f32
    %add3A_9 = vector.broadcast %add3A_8 : f32 to vector<10000x1xf32>
    %add3A_10 = arith.addf %mul3A_7, %add3A_9 : vector<10000x1xf32>
    %rsqrt3A = math.rsqrt %add3A_10 : vector<10000x1xf32>
    %get3A_11 = arith.constant 0 : index
    %get3A_12 = arith.constant 0 : index
    %get3A_13 = vector.load %arg0[%get3A_11, %get3A_12] : memref<10240x128xf32, #tpu.memory_space<vmem>>, vector<10000x128xf32>
    %get3A_14 = arith.constant 0 : index
    %get3A_15 = arith.constant 0 : index
    %get3A_16 = vector.load %arg1[%get3A_14, %get3A_15] : memref<10000x128xf32, #tpu.memory_space<vmem>>, vector<10000x128xf32>
    %add3A_17 = arith.addf %get3A_13, %get3A_16 : vector<10000x128xf32>
    %mul3A_18 = vector.broadcast %rsqrt3A : vector<10000x1xf32> to vector<10000x128xf32>
    %mul3A_19 = arith.mulf %add3A_17, %mul3A_18 : vector<10000x128xf32>
    %get3A_20 = arith.constant 0 : index
    %get3A_21 = arith.constant 0 : index
    %get3A_22 = vector.load %arg3[%get3A_20, %get3A_21] : memref<1x128xf32, #tpu.memory_space<vmem>>, vector<1x128xf32>
    %add3A_23 = vector.broadcast %get3A_22 : vector<1x128xf32> to vector<10000x128xf32>
    %add3A_24 = arith.addf %mul3A_19, %add3A_23 : vector<10000x128xf32>
    %reduce_sum3A_25 = arith.constant dense<0.000000e+00> : vector<128xf32>
    %reduce_sum3A_26 = vector.multi_reduction <add>, %add3A_24, %reduce_sum3A_25 [0] : vector<10000x128xf32> to vector<128xf32>
    %broadcast_in_dim3A_27 = vector.shape_cast %reduce_sum3A_26 : vector<128xf32> to vector<1x128xf32>
    %div3A = arith.constant 1.000000e+04 : f32
    %div3A_28 = vector.broadcast %div3A : f32 to vector<1x128xf32>
    %div3A_29 = arith.divf %broadcast_in_dim3A_27, %div3A_28 : vector<1x128xf32>
    %sub3A = vector.broadcast %div3A_29 : vector<1x128xf32> to vector<10000x128xf32>
    %sub3A_30 = arith.subf %add3A_24, %sub3A : vector<10000x128xf32>
    %integer_pow3A = arith.mulf %sub3A_30, %sub3A_30 : vector<10000x128xf32>
    %reduce_sum3A_31 = arith.constant dense<0.000000e+00> : vector<128xf32>
    %reduce_sum3A_32 = vector.multi_reduction <add>, %integer_pow3A, %reduce_sum3A_31 [0] : vector<10000x128xf32> to vector<128xf32>
    %broadcast_in_dim3A_33 = vector.shape_cast %reduce_sum3A_32 : vector<128xf32> to vector<1x128xf32>
    %div3A_34 = arith.constant 1.000000e+04 : f32
    %div3A_35 = vector.broadcast %div3A_34 : f32 to vector<1x128xf32>
    %div3A_36 = arith.divf %broadcast_in_dim3A_33, %div3A_35 : vector<1x128xf32>
    %get3A_37 = arith.constant 0 : index
    %get3A_38 = arith.constant 0 : index
    %get3A_39 = vector.load %arg4[%get3A_37, %get3A_38] : memref<1x128xf32, #tpu.memory_space<vmem>>, vector<1x128xf32>
    %sub3A_40 = vector.broadcast %div3A_29 : vector<1x128xf32> to vector<10000x128xf32>
    %sub3A_41 = arith.subf %add3A_24, %sub3A_40 : vector<10000x128xf32>
    %mul3A_42 = vector.broadcast %get3A_39 : vector<1x128xf32> to vector<10000x128xf32>
    %mul3A_43 = arith.mulf %mul3A_42, %sub3A_41 : vector<10000x128xf32>
    %add3A_44 = arith.constant 9.99999974E-6 : f32
    %add3A_45 = vector.broadcast %add3A_44 : f32 to vector<1x128xf32>
    %add3A_46 = arith.addf %div3A_36, %add3A_45 : vector<1x128xf32>
    %rsqrt3A_47 = math.rsqrt %add3A_46 : vector<1x128xf32>
    %mul3A_48 = vector.broadcast %rsqrt3A_47 : vector<1x128xf32> to vector<10000x128xf32>
    %mul3A_49 = arith.mulf %mul3A_43, %mul3A_48 : vector<10000x128xf32>
    %get3A_50 = arith.constant 0 : index
    %get3A_51 = arith.constant 0 : index
    %get3A_52 = vector.load %arg5[%get3A_50, %get3A_51] : memref<1x128xf32, #tpu.memory_space<vmem>>, vector<1x128xf32>
    %add3A_53 = vector.broadcast %get3A_52 : vector<1x128xf32> to vector<10000x128xf32>
    %add3A_54 = arith.addf %mul3A_49, %add3A_53 : vector<10000x128xf32>
    %max3A = arith.constant 0.000000e+00 : f32
    %max3A_55 = vector.broadcast %max3A : f32 to vector<10000x128xf32>
    %max3A_56 = arith.maximumf %add3A_54, %max3A_55 : vector<10000x128xf32>
    %get3A_57 = arith.constant 0 : index
    %get3A_58 = arith.constant 0 : index
    %get3A_59 = vector.load %arg6[%get3A_57, %get3A_58] : memref<128x128xf32, #tpu.memory_space<vmem>>, vector<128x128xf32>
    %dot_general3A = arith.constant dense<0.000000e+00> : vector<10000x128xf32>
    %dot_general3A_60 = tpu.matmul %max3A_56, %get3A_59, %dot_general3A {dimension_numbers = #tpu.dot_dimension_numbers<[1], [0], [0], [1], [0, 0, 1, 1], [], []>, transpose_lhs_hint = false} : vector<10000x128xf32>, vector<128x128xf32>, vector<10000x128xf32> -> vector<10000x128xf32>
    %mul3A_61 = vector.broadcast %rsqrt3A : vector<10000x1xf32> to vector<10000x128xf32>
    %mul3A_62 = arith.mulf %dot_general3A_60, %mul3A_61 : vector<10000x128xf32>
    %swap3A = arith.constant 0 : index
    %swap3A_63 = arith.constant 0 : index
    %swap3A_64 = vector.load %arg7[%swap3A, %swap3A_63] : memref<10000x128xf32, #tpu.memory_space<vmem>>, vector<10000x128xf32>
    tpu.vector_store %arg7[%swap3A, %swap3A_63], %mul3A_62 {strides = array<i32>} : memref<10000x128xf32, #tpu.memory_space<vmem>>, vector<10000x128xf32>,
    return
  }
}

module attributes {stable_mosaic.version = 14 : i64} {
  func.func @body(%arg0: memref<10240x128xf32, #tpu.memory_space<vmem>>, %arg1: memref<10000x128xf32, #tpu.memory_space<vmem>>, %arg2: memref<10240x32xf32, #tpu.memory_space<vmem>>, %arg3: memref<1x128xf32, #tpu.memory_space<vmem>>, %arg4: memref<1x128xf32, #tpu.memory_space<vmem>>, %arg5: memref<1x128xf32, #tpu.memory_space<vmem>>, %arg6: memref<128x64xf32, #tpu.memory_space<vmem>>, %arg7: memref<10000x64xf32, #tpu.memory_space<vmem>>) attributes {dimension_semantics = [], scalar_prefetch = 0 : i64, scratch_operands = 0 : i64, tpu.core_type = #tpu.core_type<tc>} {
    %get3A = arith.constant 0 : index
    %get3A_0 = arith.constant 0 : index
    %get3A_1 = vector.load %arg2[%get3A, %get3A_0] : memref<10240x32xf32, #tpu.memory_space<vmem>>, vector<10000x16xf32>
    %get3A_2 = arith.constant 0 : index
    %get3A_3 = arith.constant 16 : index
    %get3A_4 = vector.load %arg2[%get3A_2, %get3A_3] : memref<10240x32xf32, #tpu.memory_space<vmem>>, vector<10000x16xf32>
    %add3A = arith.addf %get3A_1, %get3A_4 : vector<10000x16xf32>
    %reduce_sum3A = arith.constant dense<0.000000e+00> : vector<10000xf32>
    %reduce_sum3A_5 = vector.multi_reduction <add>, %add3A, %reduce_sum3A [1] : vector<10000x16xf32> to vector<10000xf32>
    %broadcast_in_dim3A = vector.shape_cast %reduce_sum3A_5 : vector<10000xf32> to vector<10000x1xf32>
    %mul3A = arith.constant 6.250000e-02 : f32
    %mul3A_6 = vector.broadcast %mul3A : f32 to vector<10000x1xf32>
    %mul3A_7 = arith.mulf %broadcast_in_dim3A, %mul3A_6 : vector<10000x1xf32>
    %add3A_8 = arith.constant 1.000000e+00 : f32
    %add3A_9 = vector.broadcast %add3A_8 : f32 to vector<10000x1xf32>
    %add3A_10 = arith.addf %mul3A_7, %add3A_9 : vector<10000x1xf32>
    %rsqrt3A = math.rsqrt %add3A_10 : vector<10000x1xf32>
    %get3A_11 = arith.constant 0 : index
    %get3A_12 = arith.constant 0 : index
    %get3A_13 = vector.load %arg0[%get3A_11, %get3A_12] : memref<10240x128xf32, #tpu.memory_space<vmem>>, vector<10000x128xf32>
    %get3A_14 = arith.constant 0 : index
    %get3A_15 = arith.constant 0 : index
    %get3A_16 = vector.load %arg1[%get3A_14, %get3A_15] : memref<10000x128xf32, #tpu.memory_space<vmem>>, vector<10000x128xf32>
    %add3A_17 = arith.addf %get3A_13, %get3A_16 : vector<10000x128xf32>
    %mul3A_18 = vector.broadcast %rsqrt3A : vector<10000x1xf32> to vector<10000x128xf32>
    %mul3A_19 = arith.mulf %add3A_17, %mul3A_18 : vector<10000x128xf32>
    %get3A_20 = arith.constant 0 : index
    %get3A_21 = arith.constant 0 : index
    %get3A_22 = vector.load %arg3[%get3A_20, %get3A_21] : memref<1x128xf32, #tpu.memory_space<vmem>>, vector<1x128xf32>
    %add3A_23 = vector.broadcast %get3A_22 : vector<1x128xf32> to vector<10000x128xf32>
    %add3A_24 = arith.addf %mul3A_19, %add3A_23 : vector<10000x128xf32>
    %reduce_sum3A_25 = arith.constant dense<0.000000e+00> : vector<128xf32>
    %reduce_sum3A_26 = vector.multi_reduction <add>, %add3A_24, %reduce_sum3A_25 [0] : vector<10000x128xf32> to vector<128xf32>
    %broadcast_in_dim3A_27 = vector.shape_cast %reduce_sum3A_26 : vector<128xf32> to vector<1x128xf32>
    %div3A = arith.constant 1.000000e+04 : f32
    %div3A_28 = vector.broadcast %div3A : f32 to vector<1x128xf32>
    %div3A_29 = arith.divf %broadcast_in_dim3A_27, %div3A_28 : vector<1x128xf32>
    %sub3A = vector.broadcast %div3A_29 : vector<1x128xf32> to vector<10000x128xf32>
    %sub3A_30 = arith.subf %add3A_24, %sub3A : vector<10000x128xf32>
    %integer_pow3A = arith.mulf %sub3A_30, %sub3A_30 : vector<10000x128xf32>
    %reduce_sum3A_31 = arith.constant dense<0.000000e+00> : vector<128xf32>
    %reduce_sum3A_32 = vector.multi_reduction <add>, %integer_pow3A, %reduce_sum3A_31 [0] : vector<10000x128xf32> to vector<128xf32>
    %broadcast_in_dim3A_33 = vector.shape_cast %reduce_sum3A_32 : vector<128xf32> to vector<1x128xf32>
    %div3A_34 = arith.constant 1.000000e+04 : f32
    %div3A_35 = vector.broadcast %div3A_34 : f32 to vector<1x128xf32>
    %div3A_36 = arith.divf %broadcast_in_dim3A_33, %div3A_35 : vector<1x128xf32>
    %get3A_37 = arith.constant 0 : index
    %get3A_38 = arith.constant 0 : index
    %get3A_39 = vector.load %arg4[%get3A_37, %get3A_38] : memref<1x128xf32, #tpu.memory_space<vmem>>, vector<1x128xf32>
    %sub3A_40 = vector.broadcast %div3A_29 : vector<1x128xf32> to vector<10000x128xf32>
    %sub3A_41 = arith.subf %add3A_24, %sub3A_40 : vector<10000x128xf32>
    %mul3A_42 = vector.broadcast %get3A_39 : vector<1x128xf32> to vector<10000x128xf32>
    %mul3A_43 = arith.mulf %mul3A_42, %sub3A_41 : vector<10000x128xf32>
    %add3A_44 = arith.constant 9.99999974E-6 : f32
    %add3A_45 = vector.broadcast %add3A_44 : f32 to vector<1x128xf32>
    %add3A_46 = arith.addf %div3A_36, %add3A_45 : vector<1x128xf32>
    %rsqrt3A_47 = math.rsqrt %add3A_46 : vector<1x128xf32>
    %mul3A_48 = vector.broadcast %rsqrt3A_47 : vector<1x128xf32> to vector<10000x128xf32>
    %mul3A_49 = arith.mulf %mul3A_43, %mul3A_48 : vector<10000x128xf32>
    %get3A_50 = arith.constant 0 : index
    %get3A_51 = arith.constant 0 : index
    %get3A_52 = vector.load %arg5[%get3A_50, %get3A_51] : memref<1x128xf32, #tpu.memory_space<vmem>>, vector<1x128xf32>
    %add3A_53 = vector.broadcast %get3A_52 : vector<1x128xf32> to vector<10000x128xf32>
    %add3A_54 = arith.addf %mul3A_49, %add3A_53 : vector<10000x128xf32>
    %max3A = arith.constant 0.000000e+00 : f32
    %max3A_55 = vector.broadcast %max3A : f32 to vector<10000x128xf32>
    %max3A_56 = arith.maximumf %add3A_54, %max3A_55 : vector<10000x128xf32>
    %get3A_57 = arith.constant 0 : index
    %get3A_58 = arith.constant 0 : index
    %get3A_59 = vector.load %arg6[%get3A_57, %get3A_58] : memref<128x64xf32, #tpu.memory_space<vmem>>, vector<128x64xf32>
    %dot_general3A = arith.constant dense<0.000000e+00> : vector<10000x64xf32>
    %dot_general3A_60 = tpu.matmul %max3A_56, %get3A_59, %dot_general3A {dimension_numbers = #tpu.dot_dimension_numbers<[1], [0], [0], [1], [0, 0, 1, 1], [], []>, transpose_lhs_hint = false} : vector<10000x128xf32>, vector<128x64xf32>, vector<10000x64xf32> -> vector<10000x64xf32>
    %mul3A_61 = vector.broadcast %rsqrt3A : vector<10000x1xf32> to vector<10000x64xf32>
    %mul3A_62 = arith.mulf %dot_general3A_60, %mul3A_61 : vector<10000x64xf32>
    %swap3A = arith.constant 0 : index
    %swap3A_63 = arith.constant 0 : index
    %swap3A_64 = vector.load %arg7[%swap3A, %swap3A_63] : memref<10000x64xf32, #tpu.memory_space<vmem>>, vector<10000x64xf32>
    tpu.vector_store %arg7[%swap3A, %swap3A_63], %mul3A_62 {strides = array<i32>} : memref<10000x64xf32, #tpu.memory_space<vmem>>, vector<10000x64xf32>,
    return
  }
}

module attributes {stable_mosaic.version = 14 : i64} {
  func.func @body(%arg0: memref<10240x64xf32, #tpu.memory_space<vmem>>, %arg1: memref<10000x64xf32, #tpu.memory_space<vmem>>, %arg2: memref<10240x32xf32, #tpu.memory_space<vmem>>, %arg3: memref<1x64xf32, #tpu.memory_space<vmem>>, %arg4: memref<10000x64xf32, #tpu.memory_space<vmem>>) attributes {dimension_semantics = [], scalar_prefetch = 0 : i64, scratch_operands = 0 : i64, tpu.core_type = #tpu.core_type<tc>} {
    %get3A = arith.constant 0 : index
    %get3A_0 = arith.constant 0 : index
    %get3A_1 = vector.load %arg2[%get3A, %get3A_0] : memref<10240x32xf32, #tpu.memory_space<vmem>>, vector<10000x16xf32>
    %get3A_2 = arith.constant 0 : index
    %get3A_3 = arith.constant 16 : index
    %get3A_4 = vector.load %arg2[%get3A_2, %get3A_3] : memref<10240x32xf32, #tpu.memory_space<vmem>>, vector<10000x16xf32>
    %add3A = arith.addf %get3A_1, %get3A_4 : vector<10000x16xf32>
    %reduce_sum3A = arith.constant dense<0.000000e+00> : vector<10000xf32>
    %reduce_sum3A_5 = vector.multi_reduction <add>, %add3A, %reduce_sum3A [1] : vector<10000x16xf32> to vector<10000xf32>
    %broadcast_in_dim3A = vector.shape_cast %reduce_sum3A_5 : vector<10000xf32> to vector<10000x1xf32>
    %mul3A = arith.constant 6.250000e-02 : f32
    %mul3A_6 = vector.broadcast %mul3A : f32 to vector<10000x1xf32>
    %mul3A_7 = arith.mulf %broadcast_in_dim3A, %mul3A_6 : vector<10000x1xf32>
    %add3A_8 = arith.constant 1.000000e+00 : f32
    %add3A_9 = vector.broadcast %add3A_8 : f32 to vector<10000x1xf32>
    %add3A_10 = arith.addf %mul3A_7, %add3A_9 : vector<10000x1xf32>
    %rsqrt3A = math.rsqrt %add3A_10 : vector<10000x1xf32>
    %get3A_11 = arith.constant 0 : index
    %get3A_12 = arith.constant 0 : index
    %get3A_13 = vector.load %arg0[%get3A_11, %get3A_12] : memref<10240x64xf32, #tpu.memory_space<vmem>>, vector<10000x64xf32>
    %get3A_14 = arith.constant 0 : index
    %get3A_15 = arith.constant 0 : index
    %get3A_16 = vector.load %arg1[%get3A_14, %get3A_15] : memref<10000x64xf32, #tpu.memory_space<vmem>>, vector<10000x64xf32>
    %add3A_17 = arith.addf %get3A_13, %get3A_16 : vector<10000x64xf32>
    %mul3A_18 = vector.broadcast %rsqrt3A : vector<10000x1xf32> to vector<10000x64xf32>
    %mul3A_19 = arith.mulf %add3A_17, %mul3A_18 : vector<10000x64xf32>
    %get3A_20 = arith.constant 0 : index
    %get3A_21 = arith.constant 0 : index
    %get3A_22 = vector.load %arg3[%get3A_20, %get3A_21] : memref<1x64xf32, #tpu.memory_space<vmem>>, vector<1x64xf32>
    %add3A_23 = vector.broadcast %get3A_22 : vector<1x64xf32> to vector<10000x64xf32>
    %add3A_24 = arith.addf %mul3A_19, %add3A_23 : vector<10000x64xf32>
    %swap3A = arith.constant 0 : index
    %swap3A_25 = arith.constant 0 : index
    %swap3A_26 = vector.load %arg4[%swap3A, %swap3A_25] : memref<10000x64xf32, #tpu.memory_space<vmem>>, vector<10000x64xf32>
    tpu.vector_store %arg4[%swap3A, %swap3A_25], %add3A_24 {strides = array<i32>} : memref<10000x64xf32, #tpu.memory_space<vmem>>, vector<10000x64xf32>,
    return
  }
}

</mosaic_0001>

<sc_bundles>
// kernel: kernel.10.cloned.1.call-start
scs
__scs_entry_jumppad:
0x0: {  	(pc) =	sbr.rel $0x88, $3  }
0x1: {  	(tag) =	ssettag $0x0;
	lr =	simm.s32 $0x1  }
0x2: {  	[smem:$0x3F95] =	sst lr;
	_ =	strace $0xD0000000  }
0x3: {  	_ = 	snop  }
0x4: {  	_ = 	snop  }
0x5: {  	_ = 	snop  }
0x6: {  	_ = 	snop  }
0x7: {  	_ = 	snop  }
__scs_overlays_trampoline_lowered:
0x8: {  	[smem:$0x3FA4] =	sst s0  }
0x9: {  	[smem:$0x3FA5] =	sst s1  }
0xa: {  	[smem:$0x3FA6] =	sst s2  }
0xb: {  	[smem:$0x3FA7] =	sst s3  }
0xc: {  	[smem:$0x3FA8] =	sst s4  }
0xd: {  	[smem:$0x3FA9] =	sst s5  }
0xe: {  	[smem:$0x3FAA] =	sst s6  }
0xf: {  	[smem:$0x3FAB] =	sst s7  }
0x10: {  	[smem:$0x3FAC] =	sst s8  }
0x11: {  	[smem:$0x3FAD] =	sst s9;
	s0 =	simm.s32 @!p0 $0x0  }
0x12: {  	s1 =	sld [smem:$0x3F93];
	s0 =	simm.s32 @p0 $0x1  }
0x13: {  	[smem:$0x3FAE] =	sst s0;
	s0 =	simm.s32 @!p1 $0x0  }
0x14: {  	s2 =	sld [smem:$0x3F92];
	s0 =	simm.s32 @p1 $0x1  }
0x15: {  	[smem:$0x3FAF] =	sst s0;
	s0 =	simm.s32 @!p2 $0x0  }
0x16: {  	s3 =	sld [smem:$0x3FDB];
	s0 =	simm.s32 @p2 $0x1  }
0x17: {  	s4 =	simm.s32 $0x1BF5;
	[smem:$0x3FB1] =	sst s0  }
0x18: {  	s0 =	sld [smem:$0x3F94];
	_ =	swait.ge [sflag:s4], $0x0  }
0x19: {  	s7 =	sld [smem:$0x3F95]  }
0x1a: {  	s8 =	sadd.s32 $0xFFFFE003, lr  }
0x1b: {  	s9 =	sadd.s32 $0xFFFFFEF7, lr;
	s5 =	simm.s32 $0xFFFFFFFF;
	p2 =	slt.u32 s8, $0xFFFFF086  }
0x1c: {  	p1 =	slt.u32 s9, $0xF7A;
	s5 =	simm.s32 @!p2 $0x0  }
0x1d: {  	s5 =	simm.s32 @p1 $0x1;
	p0 =	seq.s32 s7, s2  }
0x1e: {  	s7 =	smul.u32 @!p0 $0xF7A, s2;
	p2 =	seq.s32 @!p0 s5, $0x0  }
0x1f: {  	s9 =	smul.u32 $0xF7A, s1;
	s8 =	simm.s32 @!p0 $0x1BF5;
	p2 =	por !p2, p0  }
0x20: {  	[sflag:s8] =	ssyncset.s32 @!p0 $0xFFFFF086;
	s6 =	sadd.s32 @!p0 s3, s7;
	s7 =	simm.s32 @!p0 $0x108  }
0x21: {  	s3 =	sadd.s32 s3, s9;
	s6 =	sadd.s32 @!p0 $0x88, s6;
	s7 =	simm.s32 @p2 $0x1082  }
0x22: {  	[simem:s7], [sflag:s8] =	dma.local @!p0 [hbm:s6], $0xF7A  }
0x23: {  	s9 =	sor.u32 $0xD0000000, s2;
	s6 =	simm.s32 $0x108;
	_ =	swait.ge @!p0 [sflag:s8], $0x0  }
0x24: {  	s3 =	sadd.s32 $0x88, s3;
	s6 =	simm.s32 @!p1 $0x1082;
	[sflag:s4] =	ssyncset.s32 $0xFFFFF086  }
0x25: {  	[simem:s6], [sflag:s4] =	dma.local [hbm:s3], $0xF7A  }
0x26: {  	[smem:$0x3F95] =	sst s1;
	(tag) =	ssettag s2;
	_ =	strace s9  }
0x27: {  	s1 =	sld [smem:$0x3FA5]  }
0x28: {  	s2 =	sld [smem:$0x3FA6]  }
0x29: {  	s4 =	sld [smem:$0x3FA8]  }
0x2a: {  	p0 =	seq.s32 s5, $0x0;
	s5 =	sld [smem:$0x3FA9]  }
0x2b: {  	s6 =	sld [smem:$0x3FAA]  }
0x2c: {  	s7 =	sld [smem:$0x3FAB]  }
0x2d: {  	s3 =	simm.s32 $0x108;
	s8 =	sld [smem:$0x3FAC]  }
0x2e: {  	s3 =	simm.s32 @!p0 $0x1082;
	s9 =	sld [smem:$0x3FAD]  }
0x2f: {  	lr =	sadd.s32 s0, s3;
	s0 =	sld [smem:$0x3FA4]  }
0x30: {  	s3 =	sld [smem:$0x3FA7]  }
0x31: {  	[smem:$0x3FB0] =	sst s10  }
0x32: {  	s10 =	sld [smem:$0x3FAE];
	_ =	sdelay $0x3  }
0x33: {  	p0 =	seq.s32 s10, $0x1;
	s10 =	sld [smem:$0x3FB0];
	_ =	sdelay $0x3  }
0x34: {  	[smem:$0x3FB0] =	sst s10  }
0x35: {  	s10 =	sld [smem:$0x3FAF];
	_ =	sdelay $0x3  }
0x36: {  	p1 =	seq.s32 s10, $0x1;
	s10 =	sld [smem:$0x3FB0];
	_ =	sdelay $0x3  }
0x37: {  	[smem:$0x3FB0] =	sst s10  }
0x38: {  	s10 =	sld [smem:$0x3FB1]  }
0x39: {  	_ = 	snop;
	(pc) =	sbr.ind lr, $3  }
0x3a: {  	_ = 	snop  }
0x3b: {  	_ = 	snop  }
0x3c: {  	p2 =	seq.s32 s10, $0x1;
	s10 =	sld [smem:$0x3FB0]  }
0x3d: {  	_ =	shalt  }
0x3e: {  	_ =	shalt  }
0x3f: {  	_ =	shalt  }
0x40: {  	_ =	shalt  }
0x41: {  	_ =	shalt  }
0x42: {  	_ =	shalt  }
0x43: {  	_ =	shalt  }
0x44: {  	_ =	shalt  }
0x45: {  	_ =	shalt  }
0x46: {  	_ =	shalt  }
0x47: {  	_ =	shalt  }
0x48: {  	_ =	shalt  }
0x49: {  	_ =	shalt  }
0x4a: {  	_ =	shalt  }
0x4b: {  	_ =	shalt  }
0x4c: {  	_ =	shalt  }
0x4d: {  	_ =	shalt  }
0x4e: {  	_ =	shalt  }
0x4f: {  	_ =	shalt  }
0x50: {  	_ =	shalt  }
0x51: {  	_ =	shalt  }
0x52: {  	_ =	shalt  }
0x53: {  	_ =	shalt  }
0x54: {  	_ =	shalt  }
0x55: {  	_ =	shalt  }
0x56: {  	_ =	shalt  }
0x57: {  	_ =	shalt  }
0x58: {  	_ =	shalt  }
0x59: {  	_ =	shalt  }
0x5a: {  	_ =	shalt  }
0x5b: {  	_ =	shalt  }
0x5c: {  	_ =	shalt  }
0x5d: {  	_ =	shalt  }
0x5e: {  	_ =	shalt  }
0x5f: {  	_ =	shalt  }
0x60: {  	_ =	shalt  }
0x61: {  	_ =	shalt  }
0x62: {  	_ =	shalt  }
0x63: {  	_ =	shalt  }
0x64: {  	_ =	shalt  }
0x65: {  	_ =	shalt  }
0x66: {  	_ =	shalt  }
0x67: {  	_ =	shalt  }
0x68: {  	_ =	shalt  }
0x69: {  	_ =	shalt  }
0x6a: {  	_ =	shalt  }
0x6b: {  	_ =	shalt  }
0x6c: {  	_ =	shalt  }
0x6d: {  	_ =	shalt  }
0x6e: {  	_ =	shalt  }
0x6f: {  	_ =	shalt  }
0x70: {  	_ =	shalt  }
0x71: {  	_ =	shalt  }
0x72: {  	_ =	shalt  }
0x73: {  	_ =	shalt  }
0x74: {  	_ =	shalt  }
0x75: {  	_ =	shalt  }
0x76: {  	_ =	shalt  }
0x77: {  	_ =	shalt  }
0x78: {  	_ =	shalt  }
0x79: {  	_ =	shalt  }
0x7a: {  	_ =	shalt  }
0x7b: {  	_ =	shalt  }
0x7c: {  	_ =	shalt  }
0x7d: {  	_ =	shalt  }
0x7e: {  	_ =	shalt  }
0x7f: {  	_ =	shalt  }
0x80: {  	_ =	shalt  }
0x81: {  	_ =	shalt  }
0x82: {  	_ =	shalt  }
0x83: {  	_ =	shalt  }
0x84: {  	_ =	shalt  }
0x85: {  	_ =	shalt  }
0x86: {  	_ =	shalt  }
0x87: {  	_ =	shalt  }
.Lfunc_end0:
.L_simem_size_0:
called_computation_lowered:
.L_overlay_start_0:
0x88: {  	s2 =	sld [smem:$0x3FD9]  }
0x89: {  	s3 =	sld [smem:$0x3FFE];
	_ =	sdelay $0x1  }
0x8a: {  	s1 =	srdreg.scid  }
0x8b: {  	s0 =	sand.u32 $0x1, s1  }
0x8c: {  	s16 =	sshll.u32 s0, $0xA;
	s2 =	sadd.s32 s3, s2  }
0x8d: {  	s2 =	sadd.s32 s2, s16  }
0x8e: {  	[smem:$0x3FBC] =	sst s2  }
0x8f: {  	_ = 	snop  }
0x90: {  	(tm) =	ssettm $0x1  }
0x91: {  	s17 =	sld [smem:$0x3FFB];
	_ =	sdelay $0x3  }
0x92: {  	_ =	strace s17  }
0x93: {  	s2 =	sld [smem:$0x3FFC];
	_ =	sdelay $0x3  }
0x94: {  	_ =	strace s2  }
0x95: {  	s2 =	sld [smem:$0x3FFD];
	_ =	sdelay $0x3  }
0x96: {  	_ =	strace s2  }
0x97: {  	_ =	strace $0x8FFFFFFF  }
0x98: {  	s18 =	sld [smem:$0x3FDB];
	_ =	sdelay $0x1  }
0x99: {  	s19 =	simm.s32 $_scs_section_size  }
0x9a: {  	s4 =	simm.s32 $_size__tile_overlayer_lowered;
	s5 =	simm.s32 $_tile_overlayer_lowered  }
0x9b: {  	s22 =	simm.s32 $0x1BFF;
	s21 =	sshll.u32 s5, $0x1;
	s2 =	sadd.s32 s19, s18  }
0x9c: {  	s6 =	simm.s32 $0x0;
	s20 =	sshll.u32 s4, $0x1;
	s4 =	sadd.s32 s21, s2  }
0x9d: {  	[timem:s6], [sflag:s22] =	dma.local [hbm:s4], s20  }
0x9e: {  	_ =	swait.ge [sflag:s22], s20  }
0x9f: {  	s3 =	ssub.s32 $0x0, s20;
	[sflag:s22] =	ssyncset.done $0x0  }
0xa0: {  	[sflag:s22] =	ssyncadd.s32 s3;
	_ =	sdelay $0x1  }
0xa1: {  	s23 =	simm.s32 $0x1B8B  }
0xa2: {  	_ =	swait.ge [sflag:s23], $0x1  }
0xa3: {  	[sflag:s23] =	ssyncset.done $0x0  }
0xa4: {  	s25 =	simm.s32 $0x1B8E;
	s24 =	sld [smem:$0x3FFE];
	[sflag:s23] =	ssyncadd.s32 $0xFFFFFFFF  }
0xa5: {  	s26 =	simm.s32 $execute0_lowered;
	[smem:$0x3FD2] =	sst s25  }
0xa6: {  	s4 =	sshll.u32 s26, $0x1;
	_ =	strace $0x80000046;
	[dreg:$0x1] =	wrdreg $0xFFFFFFFF  }
0xa7: {  	s28 =	simm.s32 $_size_execute0_lowered;
	s2 =	sadd.s32 s2, s4;
	[dreg:$0x0] =	wrdreg $0x0  }
0xa8: {  	s4 =	sshll.u32 s28, $0x1;
	[dreg:$0x2] =	wrdreg s2  }
0xa9: {  	[dreg:$0x3] =	wrdreg s4  }
0xaa: {  	[dreg:$0x4] =	wrdreg $0xC0  }
0xab: {  	_ =	task [dreg:s6], $0x5FFFF  }
0xac: {  	[dreg:$0x1] =	wrdreg $0xFFFFFFFF  }
0xad: {  	[dreg:$0x0] =	wrdreg $0x60  }
0xae: {  	[dreg:$0x2] =	wrdreg s24  }
0xaf: {  	[dreg:$0x3] =	wrdreg $0x46500  }
0xb0: {  	[dreg:$0x4] =	wrdreg $0x9  }
0xb1: {  	_ =	task.clear_ibuf [dreg:s6], $0x5FFFF;
	_ =	strace $0x90000046  }
0xb2: {  	s29 =	simm.s32 $0x9;
	_ =	strace $0x80000048  }
0xb3: {  	_ =	swait.ge [sflag:s29], $0x1  }
0xb4: {  	[sflag:s29] =	ssyncadd.s32 $0xFFFFFFFF  }
0xb5: {  	_ =	strace $0x90000048  }
0xb6: {  	_ =	sfence  }
0xb7: {  	s30 =	sld [smem:$0x0];
	_ =	sdelay $0x2  }
0xb8: {  	s31 =	sshll.u32 s1, $0xD;
	s1 =	sshrl.u32 s1, $0x2  }
0xb9: {  	s3 =	sand.u32 $0x4000, s31;
	s1 =	sadd.s32 s1, s30  }
0xba: {  	s0 =	sor.u32 s3, s0;
	s1 =	sshll.u32 s1, $0x11  }
0xbb: {  	s0 =	sor.u32 s1, s0  }
0xbc: {  	s0 =	sadd.s32 $0x8F2B, s0  }
0xbd: {  	[sflag:s0] =	ssyncadd.remote.s32 $0x1  }
0xbe: {  	_ =	sfence.sel $0xFFFF  }
0xbf: {  	[dreg:$0x0] =	wrdreg $0xFFFFFFFF;
	(pc) =	sbr.abs _section_cstart, $3  }
0xc0: {  	[dreg:$0x1] =	wrdreg $0xFFFFFFFF  }
0xc1: {  	_ =	task.clear_ibuf [dreg:s6], $0x2FFFF;
	_ =	strace $0x9FFFFFFF  }
0xc2: {  	(tm) =	ssettm $0x7FFFFFFF  }
0xc3: {  	_ =	shalt  }
tec
execute0_lowered:
.L_overlay_start_1:
0x0: {  	(tag) =	ssettag $0x1  }
0x1: {  	s22 =	rddreg [dreg:$0x0]  }
0x2: {  	s2 =	rddreg [dreg:$0x1];
	s1 =	stileid.u32  }
0x3: {  	s0 =	rddreg [dreg:$0x2];
	s3 =	simm.s32 $0x0;
	s5 =	smul.u32 $0xA000, s1  }
0x4: {  	s6 =	srdreg.scid;
	[smem:$0x7FF] =	sst s3  }
0x5: {  	s4 =	sadd.s32 $0xE000, s22;
	s23 =	sand.u32 $0x1, s6;
	s5 =	sshrl.u32 s5, $0x2  }
0x6: {  	s29 =	sshll.u32 s1, $0x6;
	s6 =	simm.s32 $0x2;
	s28 =	sadd.s32 s5, s2  }
0x7: {  	_ =	strace $0x80000047;
	s5 =	sor.u32 $0x1C02, s29;
	s7 =	sshrl.u32 s28, $0x3  }
0x8: {  	[spmem:s7], [sflag:s5] =	dma.local [hbm:s4], $0x500  }
0x9: {  	s24 =	sshll.u32 s23, $0x4;
	_ =	swait.ge [sflag:s6], $0x500  }
0xa: {  	s8 =	sadd.s32 $0xD800, s22;
	s9 =	sor.u32 s1, s24;
	[sflag:s6] =	ssyncset.done $0x0  }
0xb: {  	s21 =	smul.u32 $0x2710, s9;
	s9 =	simm.s32 $0x7D0;
	[sflag:s6] =	ssyncadd.s32 $0xFFFFFB00  }
0xc: {  	[tilespmem:s9], [sflag:$0x2] =	stream.linear.gather [hbm4b:s8+s3], $0x3E80, $0x38;
	[tilespmem:$0x6E50] =	vst v63  }
0xd: {  	_ =	swait.ge [sflag:s6], $0x3E80  }
0xe: {  	s25 =	sadd.s32 $0x3A00, s22;
	s10 =	sshrl.u32 s21, $0x3;
	[sflag:s6] =	ssyncset.done $0x0  }
0xf: {  	s10 =	sadd.s32 s25, s10;
	[sflag:s6] =	ssyncadd.s32 $0xFFFFC180  }
0x10: {  	[tilespmem:s3], [sflag:$0x2] =	stream.linear.gather [hbm4b:s10+s3], $0x3E8, $0x38;
	[tilespmem:$0x6E50] =	vst v63  }
0x11: {  	_ =	swait.ge [sflag:s6], $0x3E8  }
0x12: {  	s11 =	sadd.s32 $0x3E8, s21;
	[sflag:s6] =	ssyncset.done $0x0  }
0x13: {  	s11 =	sshrl.u32 s11, $0x3;
	[sflag:s6] =	ssyncadd.s32 $0xFFFFFC18  }
0x14: {  	s12 =	simm.s32 $0x3E8;
	s11 =	sadd.s32 s25, s11;
	[bflag:$0x0] =	sbarrier.arrive $0xFFFF  }
0x15: {  	[tilespmem:s12], [sflag:$0x2] =	stream.linear.gather [hbm4b:s11+s3], $0x3E8, $0x38;
	[tilespmem:$0x6E50] =	vst v63  }
0x16: {  	_ =	swait.ge [sflag:s6], $0x3E8  }
0x17: {  	[sflag:s6] =	ssyncset.done $0x0  }
0x18: {  	s13 =	simm.s32 $0x1;
	[sflag:s6] =	ssyncadd.s32 $0xFFFFFC18  }
0x19: {  	[spmem:s2] =	stream.indirect.scatter.add.f32 [tilespmem:s9], [sflag:$0x1], $0x10, s3, s12, $0xb8;
	[tilespmem:$0x6E50] =	vst v63  }
0x1a: {  	_ =	swait.ge [sflag:s13], $0x3E80  }
0x1b: {  	[sflag:s13] =	ssyncset.done $0x0  }
0x1c: {  	s14 =	sadd.s32 $0xFA, s10;
	[sflag:s13] =	ssyncadd.s32 $0xFFFFC180  }
0x1d: {  	[tilespmem:s3], [sflag:$0x2] =	stream.linear.gather [hbm4b:s14+s3], $0x3E8, $0x38;
	[tilespmem:$0x6E50] =	vst v63  }
0x1e: {  	_ =	swait.ge [sflag:s6], $0x3E8  }
0x1f: {  	[sflag:s6] =	ssyncset.done $0x0  }
0x20: {  	[sflag:s6] =	ssyncadd.s32 $0xFFFFFC18  }
0x21: {  	[spmem:s2] =	stream.indirect.scatter.add.f32 [tilespmem:s9], [sflag:$0x1], $0x10, s12, s12, $0xb8;
	[tilespmem:$0x6E50] =	vst v63  }
0x22: {  	s15 =	sadd.s32 $0xBB8, s21;
	_ =	swait.ge [sflag:s13], $0x3E80  }
0x23: {  	s15 =	sshrl.u32 s15, $0x3;
	[sflag:s13] =	ssyncset.done $0x0  }
0x24: {  	s15 =	sadd.s32 s25, s15;
	[sflag:s13] =	ssyncadd.s32 $0xFFFFC180  }
0x25: {  	[tilespmem:s12], [sflag:$0x2] =	stream.linear.gather [hbm4b:s15+s3], $0x3E8, $0x38;
	[tilespmem:$0x6E50] =	vst v63  }
0x26: {  	_ =	swait.ge [sflag:s6], $0x3E8  }
0x27: {  	[sflag:s6] =	ssyncset.done $0x0  }
0x28: {  	[sflag:s6] =	ssyncadd.s32 $0xFFFFFC18  }
0x29: {  	[spmem:s2] =	stream.indirect.scatter.add.f32 [tilespmem:s9], [sflag:$0x1], $0x10, s3, s12, $0xb8;
	[tilespmem:$0x6E50] =	vst v63  }
0x2a: {  	_ =	swait.ge [sflag:s13], $0x3E80  }
0x2b: {  	[sflag:s13] =	ssyncset.done $0x0  }
0x2c: {  	s16 =	sadd.s32 $0x1F4, s10;
	[sflag:s13] =	ssyncadd.s32 $0xFFFFC180  }
0x2d: {  	[tilespmem:s3], [sflag:$0x2] =	stream.linear.gather [hbm4b:s16+s3], $0x3E8, $0x38;
	[tilespmem:$0x6E50] =	vst v63  }
0x2e: {  	_ =	swait.ge [sflag:s6], $0x3E8  }
0x2f: {  	[sflag:s6] =	ssyncset.done $0x0  }
0x30: {  	[sflag:s6] =	ssyncadd.s32 $0xFFFFFC18  }
0x31: {  	[spmem:s2] =	stream.indirect.scatter.add.f32 [tilespmem:s9], [sflag:$0x1], $0x10, s12, s12, $0xb8;
	[tilespmem:$0x6E50] =	vst v63  }
0x32: {  	s17 =	sadd.s32 $0x1388, s21;
	_ =	swait.ge [sflag:s13], $0x3E80  }
0x33: {  	s17 =	sshrl.u32 s17, $0x3;
	[sflag:s13] =	ssyncset.done $0x0  }
0x34: {  	s17 =	sadd.s32 s25, s17;
	[sflag:s13] =	ssyncadd.s32 $0xFFFFC180  }
0x35: {  	[tilespmem:s12], [sflag:$0x2] =	stream.linear.gather [hbm4b:s17+s3], $0x3E8, $0x38;
	[tilespmem:$0x6E50] =	vst v63  }
0x36: {  	_ =	swait.ge [sflag:s6], $0x3E8  }
0x37: {  	[sflag:s6] =	ssyncset.done $0x0  }
0x38: {  	[sflag:s6] =	ssyncadd.s32 $0xFFFFFC18  }
0x39: {  	[spmem:s2] =	stream.indirect.scatter.add.f32 [tilespmem:s9], [sflag:$0x1], $0x10, s3, s12, $0xb8;
	[tilespmem:$0x6E50] =	vst v63  }
0x3a: {  	_ =	swait.ge [sflag:s13], $0x3E80  }
0x3b: {  	[sflag:s13] =	ssyncset.done $0x0  }
0x3c: {  	s18 =	sadd.s32 $0x2EE, s10;
	[sflag:s13] =	ssyncadd.s32 $0xFFFFC180  }
0x3d: {  	[tilespmem:s3], [sflag:$0x2] =	stream.linear.gather [hbm4b:s18+s3], $0x3E8, $0x38;
	[tilespmem:$0x6E50] =	vst v63  }
0x3e: {  	_ =	swait.ge [sflag:s6], $0x3E8  }
0x3f: {  	[sflag:s6] =	ssyncset.done $0x0  }
0x40: {  	[sflag:s6] =	ssyncadd.s32 $0xFFFFFC18  }
0x41: {  	[spmem:s2] =	stream.indirect.scatter.add.f32 [tilespmem:s9], [sflag:$0x1], $0x10, s12, s12, $0xb8;
	[tilespmem:$0x6E50] =	vst v63  }
0x42: {  	s19 =	sadd.s32 $0x1B58, s21;
	_ =	swait.ge [sflag:s13], $0x3E80  }
0x43: {  	s19 =	sshrl.u32 s19, $0x3;
	[sflag:s13] =	ssyncset.done $0x0  }
0x44: {  	s19 =	sadd.s32 s25, s19;
	[sflag:s13] =	ssyncadd.s32 $0xFFFFC180  }
0x45: {  	[tilespmem:s12], [sflag:$0x2] =	stream.linear.gather [hbm4b:s19+s3], $0x3E8, $0x38;
	[tilespmem:$0x6E50] =	vst v63  }
0x46: {  	_ =	swait.ge [sflag:s6], $0x3E8  }
0x47: {  	[sflag:s6] =	ssyncset.done $0x0  }
0x48: {  	[sflag:s6] =	ssyncadd.s32 $0xFFFFFC18  }
0x49: {  	[spmem:s2] =	stream.indirect.scatter.add.f32 [tilespmem:s9], [sflag:$0x1], $0x10, s3, s12, $0xb8;
	[tilespmem:$0x6E50] =	vst v63  }
0x4a: {  	_ =	swait.ge [sflag:s13], $0x3E80  }
0x4b: {  	[sflag:s13] =	ssyncset.done $0x0  }
0x4c: {  	s20 =	sadd.s32 $0x3E8, s10;
	[sflag:s13] =	ssyncadd.s32 $0xFFFFC180  }
0x4d: {  	[tilespmem:s3], [sflag:$0x2] =	stream.linear.gather [hbm4b:s20+s3], $0x3E8, $0x38;
	[tilespmem:$0x6E50] =	vst v63  }
0x4e: {  	_ =	swait.ge [sflag:s6], $0x3E8  }
0x4f: {  	[sflag:s6] =	ssyncset.done $0x0  }
0x50: {  	[sflag:s6] =	ssyncadd.s32 $0xFFFFFC18  }
0x51: {  	[spmem:s2] =	stream.indirect.scatter.add.f32 [tilespmem:s9], [sflag:$0x1], $0x10, s12, s12, $0xb8;
	[tilespmem:$0x6E50] =	vst v63  }
0x52: {  	s21 =	sadd.s32 $0x2328, s21;
	_ =	swait.ge [sflag:s13], $0x3E80  }
0x53: {  	s21 =	sshrl.u32 s21, $0x3;
	[sflag:s13] =	ssyncset.done $0x0  }
0x54: {  	s21 =	sadd.s32 s25, s21;
	[sflag:s13] =	ssyncadd.s32 $0xFFFFC180  }
0x55: {  	[tilespmem:s12], [sflag:$0x2] =	stream.linear.gather [hbm4b:s21+s3], $0x3E8, $0x38;
	[tilespmem:$0x6E50] =	vst v63  }
0x56: {  	_ =	swait.ge [sflag:s6], $0x3E8  }
0x57: {  	[sflag:s6] =	ssyncset.done $0x0  }
0x58: {  	s30 =	smul.u32 $0x5000, s1;
	[sflag:s6] =	ssyncadd.s32 $0xFFFFFC18  }
0x59: {  	[spmem:s2] =	stream.indirect.scatter.add.f32 [tilespmem:s9], [sflag:$0x1], $0x10, s3, s12, $0xb8;
	[tilespmem:$0x6E50] =	vst v63  }
0x5a: {  	s23 =	ssub.s32 $0x2, s23;
	_ =	swait.ge [sflag:s13], $0x3E80  }
0x5b: {  	s24 =	sor.u32 s24, s30;
	s31 =	sshrl.u32 s23, $0x1;
	[sflag:s13] =	ssyncset.done $0x0  }
0x5c: {  	s24 =	sshrl.u32 s24, $0x3;
	s23 =	ssub.s32 s23, s31;
	[sflag:s13] =	ssyncadd.s32 $0xFFFFC180  }
0x5d: {  	[spmem:s2] =	stream.indirect.scatter.add.f32 [tilespmem:s9], [sflag:$0x1], $0x10, s12, s12, $0xb8;
	[tilespmem:$0x6E50] =	vst v63  }
0x5e: {  	s22 =	sadd.s32 s24, s22;
	s24 =	smax.u32 s23, $0x1;
	_ =	swait.ge [sflag:s13], $0x3E80  }
0x5f: {  	p0 =	sne.s32 s24, $0x1;
	[sflag:s13] =	ssyncset.done $0x0  }
.Ltmp0:
0x60: {  	[sflag:s13] =	ssyncadd.s32 $0xFFFFC180;
	(pc) =	sbr.rel @!p0 .LBB2_2-.Ltmp0, $4  }
0x61: {  	s23 =	simm.s32 $0x4;
	s22 =	sadd.s32 $0xE600, s22;
	[bflag:$0x0] =	sbarrier.arrive $0xFFFF  }
0x62: {  	[hbm:s22@s23], [sflag:s5] =	dma.strided [spmem:s7@s6], $0x500, s13, $0x2   }
0x63: {  	_ =	swait.ge [sflag:s6], $0x500  }
0x64: {  	s24 =	sadd.s32 $0xFFFFFFFF, s24;
	[sflag:s6] =	ssyncset.done $0x0  }
.LBB2_1:
0x65: {  	p0 =	sne.s32 s24, $0x1;
	s24 =	sadd.s32 $0xFFFFFFFF, s24;
	[sflag:s6] =	ssyncadd.s32 $0xFFFFFB00  }
0x66: {  	[spmem:s7], [sflag:s5] =	dma.local [hbm:s4], $0x500  }
0x67: {  	_ =	swait.ge [sflag:s6], $0x500  }
0x68: {  	[sflag:s6] =	ssyncset.done $0x0  }
0x69: {  	[sflag:s6] =	ssyncadd.s32 $0xFFFFFB00  }
0x6a: {  	[tilespmem:s9], [sflag:$0x2] =	stream.linear.gather [hbm4b:s8+s3], $0x3E80, $0x38;
	[tilespmem:$0x6E50] =	vst v63  }
0x6b: {  	_ =	swait.ge [sflag:s6], $0x3E80  }
0x6c: {  	[sflag:s6] =	ssyncset.done $0x0  }
0x6d: {  	[sflag:s6] =	ssyncadd.s32 $0xFFFFC180  }
0x6e: {  	[tilespmem:s3], [sflag:$0x2] =	stream.linear.gather [hbm4b:s10+s3], $0x3E8, $0x38;
	[tilespmem:$0x6E50] =	vst v63  }
0x6f: {  	_ =	swait.ge [sflag:s6], $0x3E8  }
0x70: {  	[sflag:s6] =	ssyncset.done $0x0  }
0x71: {  	[sflag:s6] =	ssyncadd.s32 $0xFFFFFC18  }
0x72: {  	[bflag:$0x0] =	sbarrier.arrive $0xFFFF  }
0x73: {  	[tilespmem:s12], [sflag:$0x2] =	stream.linear.gather [hbm4b:s11+s3], $0x3E8, $0x38;
	[tilespmem:$0x6E50] =	vst v63  }
0x74: {  	_ =	swait.ge [sflag:s6], $0x3E8  }
0x75: {  	[sflag:s6] =	ssyncset.done $0x0  }
0x76: {  	[sflag:s6] =	ssyncadd.s32 $0xFFFFFC18  }
0x77: {  	[spmem:s2] =	stream.indirect.scatter.add.f32 [tilespmem:s9], [sflag:$0x1], $0x10, s3, s12, $0xb8;
	[tilespmem:$0x6E50] =	vst v63  }
0x78: {  	_ =	swait.ge [sflag:s13], $0x3E80  }
0x79: {  	[sflag:s13] =	ssyncset.done $0x0  }
0x7a: {  	[sflag:s13] =	ssyncadd.s32 $0xFFFFC180  }
0x7b: {  	[tilespmem:s3], [sflag:$0x2] =	stream.linear.gather [hbm4b:s14+s3], $0x3E8, $0x38;
	[tilespmem:$0x6E50] =	vst v63  }
0x7c: {  	_ =	swait.ge [sflag:s6], $0x3E8  }
0x7d: {  	[sflag:s6] =	ssyncset.done $0x0  }
0x7e: {  	[sflag:s6] =	ssyncadd.s32 $0xFFFFFC18  }
0x7f: {  	[spmem:s2] =	stream.indirect.scatter.add.f32 [tilespmem:s9], [sflag:$0x1], $0x10, s12, s12, $0xb8;
	[tilespmem:$0x6E50] =	vst v63  }
0x80: {  	_ =	swait.ge [sflag:s13], $0x3E80  }
0x81: {  	[sflag:s13] =	ssyncset.done $0x0  }
0x82: {  	[sflag:s13] =	ssyncadd.s32 $0xFFFFC180  }
0x83: {  	[tilespmem:s12], [sflag:$0x2] =	stream.linear.gather [hbm4b:s15+s3], $0x3E8, $0x38;
	[tilespmem:$0x6E50] =	vst v63  }
0x84: {  	_ =	swait.ge [sflag:s6], $0x3E8  }
0x85: {  	[sflag:s6] =	ssyncset.done $0x0  }
0x86: {  	[sflag:s6] =	ssyncadd.s32 $0xFFFFFC18  }
0x87: {  	[spmem:s2] =	stream.indirect.scatter.add.f32 [tilespmem:s9], [sflag:$0x1], $0x10, s3, s12, $0xb8;
	[tilespmem:$0x6E50] =	vst v63  }
0x88: {  	_ =	swait.ge [sflag:s13], $0x3E80  }
0x89: {  	[sflag:s13] =	ssyncset.done $0x0  }
0x8a: {  	[sflag:s13] =	ssyncadd.s32 $0xFFFFC180  }
0x8b: {  	[tilespmem:s3], [sflag:$0x2] =	stream.linear.gather [hbm4b:s16+s3], $0x3E8, $0x38;
	[tilespmem:$0x6E50] =	vst v63  }
0x8c: {  	_ =	swait.ge [sflag:s6], $0x3E8  }
0x8d: {  	[sflag:s6] =	ssyncset.done $0x0  }
0x8e: {  	[sflag:s6] =	ssyncadd.s32 $0xFFFFFC18  }
0x8f: {  	[spmem:s2] =	stream.indirect.scatter.add.f32 [tilespmem:s9], [sflag:$0x1], $0x10, s12, s12, $0xb8;
	[tilespmem:$0x6E50] =	vst v63  }
0x90: {  	_ =	swait.ge [sflag:s13], $0x3E80  }
0x91: {  	[sflag:s13] =	ssyncset.done $0x0  }
0x92: {  	[sflag:s13] =	ssyncadd.s32 $0xFFFFC180  }
0x93: {  	[tilespmem:s12], [sflag:$0x2] =	stream.linear.gather [hbm4b:s17+s3], $0x3E8, $0x38;
	[tilespmem:$0x6E50] =	vst v63  }
0x94: {  	_ =	swait.ge [sflag:s6], $0x3E8  }
0x95: {  	[sflag:s6] =	ssyncset.done $0x0  }
0x96: {  	[sflag:s6] =	ssyncadd.s32 $0xFFFFFC18  }
0x97: {  	[spmem:s2] =	stream.indirect.scatter.add.f32 [tilespmem:s9], [sflag:$0x1], $0x10, s3, s12, $0xb8;
	[tilespmem:$0x6E50] =	vst v63  }
0x98: {  	_ =	swait.ge [sflag:s13], $0x3E80  }
0x99: {  	[sflag:s13] =	ssyncset.done $0x0  }
0x9a: {  	[sflag:s13] =	ssyncadd.s32 $0xFFFFC180  }
0x9b: {  	[tilespmem:s3], [sflag:$0x2] =	stream.linear.gather [hbm4b:s18+s3], $0x3E8, $0x38;
	[tilespmem:$0x6E50] =	vst v63  }
0x9c: {  	_ =	swait.ge [sflag:s6], $0x3E8  }
0x9d: {  	[sflag:s6] =	ssyncset.done $0x0  }
0x9e: {  	[sflag:s6] =	ssyncadd.s32 $0xFFFFFC18  }
0x9f: {  	[spmem:s2] =	stream.indirect.scatter.add.f32 [tilespmem:s9], [sflag:$0x1], $0x10, s12, s12, $0xb8;
	[tilespmem:$0x6E50] =	vst v63  }
0xa0: {  	_ =	swait.ge [sflag:s13], $0x3E80  }
0xa1: {  	[sflag:s13] =	ssyncset.done $0x0  }
0xa2: {  	[sflag:s13] =	ssyncadd.s32 $0xFFFFC180  }
0xa3: {  	[tilespmem:s12], [sflag:$0x2] =	stream.linear.gather [hbm4b:s19+s3], $0x3E8, $0x38;
	[tilespmem:$0x6E50] =	vst v63  }
0xa4: {  	_ =	swait.ge [sflag:s6], $0x3E8  }
0xa5: {  	[sflag:s6] =	ssyncset.done $0x0  }
0xa6: {  	[sflag:s6] =	ssyncadd.s32 $0xFFFFFC18  }
0xa7: {  	[spmem:s2] =	stream.indirect.scatter.add.f32 [tilespmem:s9], [sflag:$0x1], $0x10, s3, s12, $0xb8;
	[tilespmem:$0x6E50] =	vst v63  }
0xa8: {  	_ =	swait.ge [sflag:s13], $0x3E80  }
0xa9: {  	[sflag:s13] =	ssyncset.done $0x0  }
0xaa: {  	[sflag:s13] =	ssyncadd.s32 $0xFFFFC180  }
0xab: {  	[tilespmem:s3], [sflag:$0x2] =	stream.linear.gather [hbm4b:s20+s3], $0x3E8, $0x38;
	[tilespmem:$0x6E50] =	vst v63  }
0xac: {  	_ =	swait.ge [sflag:s6], $0x3E8  }
0xad: {  	[sflag:s6] =	ssyncset.done $0x0  }
0xae: {  	[sflag:s6] =	ssyncadd.s32 $0xFFFFFC18  }
0xaf: {  	[spmem:s2] =	stream.indirect.scatter.add.f32 [tilespmem:s9], [sflag:$0x1], $0x10, s12, s12, $0xb8;
	[tilespmem:$0x6E50] =	vst v63  }
0xb0: {  	_ =	swait.ge [sflag:s13], $0x3E80  }
0xb1: {  	[sflag:s13] =	ssyncset.done $0x0  }
0xb2: {  	[sflag:s13] =	ssyncadd.s32 $0xFFFFC180  }
0xb3: {  	[tilespmem:s12], [sflag:$0x2] =	stream.linear.gather [hbm4b:s21+s3], $0x3E8, $0x38;
	[tilespmem:$0x6E50] =	vst v63  }
0xb4: {  	_ =	swait.ge [sflag:s6], $0x3E8  }
0xb5: {  	[sflag:s6] =	ssyncset.done $0x0  }
0xb6: {  	[sflag:s6] =	ssyncadd.s32 $0xFFFFFC18  }
0xb7: {  	[spmem:s2] =	stream.indirect.scatter.add.f32 [tilespmem:s9], [sflag:$0x1], $0x10, s3, s12, $0xb8;
	[tilespmem:$0x6E50] =	vst v63  }
0xb8: {  	_ =	swait.ge [sflag:s13], $0x3E80  }
0xb9: {  	[sflag:s13] =	ssyncset.done $0x0  }
0xba: {  	[sflag:s13] =	ssyncadd.s32 $0xFFFFC180  }
0xbb: {  	[spmem:s2] =	stream.indirect.scatter.add.f32 [tilespmem:s9], [sflag:$0x1], $0x10, s12, s12, $0xb8;
	[tilespmem:$0x6E50] =	vst v63  }
0xbc: {  	_ =	swait.ge [sflag:s13], $0x3E80  }
0xbd: {  	[sflag:s13] =	ssyncset.done $0x0  }
.Ltmp1:
0xbe: {  	[sflag:s13] =	ssyncadd.s32 $0xFFFFC180;
	(pc) =	sbr.rel @p0 .LBB2_1-.Ltmp1, $4  }
0xbf: {  	[bflag:$0x0] =	sbarrier.arrive $0xFFFF  }
0xc0: {  	[hbm:s22@s23], [sflag:s5] =	dma.strided [spmem:s7@s6], $0x500, s13, $0x2   }
0xc1: {  	_ =	swait.ge [sflag:s6], $0x500  }
0xc2: {  	[sflag:s6] =	ssyncset.done $0x0  }
.LBB2_2:
0xc3: {  	[sflag:s6] =	ssyncadd.s32 $0xFFFFFB00  }
0xc4: {  	_ =	sfence.sel $0x180000  }
0xc5: {  	[bflag:$0x0] =	sbarrier.arrive $0xFFFF  }
0xc6: {  	p0 =	sne.s32 s1, $0x0;
	_ =	strace $0x90000047  }
0xc7: {  	s0 =	sadd.s32 @!p0 $0x100000, s0;
	[bflag:$0x2] =	sbarrier.arrive $0xFFFF  }
0xc8: {  	[sflag:s0] =	ssyncadd.tile.s32 @!p0 $0x1;
	_ =	shalt  }
.Lfunc_end2:
_tile_overlayer_lowered:
.L_overlay_start_2:
0xc9: {  	(tag) =	ssettag $0x2  }
0xca: {  	s0 =	rddreg [dreg:$0x0];
	s2 =	stileid.u32  }
0xcb: {  	s1 =	rddreg [dreg:$0x1];
	p0 =	sne.s32 s2, $0x0  }
0xcc: {  	s3 =	rddreg [dreg:$0x2];
	[bflag:$0x3] =	sbarrier.arrive $0xFFFF;
	s2 =	simm.s32 @!p0 $0x1C02  }
0xcd: {  	[timem:s3], [sflag:s2] =	dma.local @!p0 [hbm:s0], s1  }
0xce: {  	s0 =	simm.s32 @!p0 $0x2  }
0xcf: {  	_ =	swait.ge @!p0 [sflag:s0], s1  }
0xd0: {  	s1 =	ssub.s32 @!p0 $0x0, s1;
	[sflag:s0] =	ssyncset.done @!p0 $0x0  }
0xd1: {  	[sflag:s0] =	ssyncadd.s32 @!p0 s1  }
0xd2: {  	[bflag:$0x3] =	sbarrier.arrive $0xFFFF  }
0xd3: {  	_ =	shalt  }

// kernel: kernel.13.cloned.1.call-start
scs
__scs_entry_jumppad:
0x0: {  	(pc) =	sbr.rel $0x88, $3  }
0x1: {  	(tag) =	ssettag $0x0;
	lr =	simm.s32 $0x1  }
0x2: {  	[smem:$0x3F95] =	sst lr;
	_ =	strace $0xD0000000  }
0x3: {  	_ = 	snop  }
0x4: {  	_ = 	snop  }
0x5: {  	_ = 	snop  }
0x6: {  	_ = 	snop  }
0x7: {  	_ = 	snop  }
__scs_overlays_trampoline_lowered:
0x8: {  	[smem:$0x3FA4] =	sst s0  }
0x9: {  	[smem:$0x3FA5] =	sst s1  }
0xa: {  	[smem:$0x3FA6] =	sst s2  }
0xb: {  	[smem:$0x3FA7] =	sst s3  }
0xc: {  	[smem:$0x3FA8] =	sst s4  }
0xd: {  	[smem:$0x3FA9] =	sst s5  }
0xe: {  	[smem:$0x3FAA] =	sst s6  }
0xf: {  	[smem:$0x3FAB] =	sst s7  }
0x10: {  	[smem:$0x3FAC] =	sst s8  }
0x11: {  	[smem:$0x3FAD] =	sst s9;
	s0 =	simm.s32 @!p0 $0x0  }
0x12: {  	s1 =	sld [smem:$0x3F93];
	s0 =	simm.s32 @p0 $0x1  }
0x13: {  	[smem:$0x3FAE] =	sst s0;
	s0 =	simm.s32 @!p1 $0x0  }
0x14: {  	s2 =	sld [smem:$0x3F92];
	s0 =	simm.s32 @p1 $0x1  }
0x15: {  	[smem:$0x3FAF] =	sst s0;
	s0 =	simm.s32 @!p2 $0x0  }
0x16: {  	s3 =	sld [smem:$0x3FDB];
	s0 =	simm.s32 @p2 $0x1  }
0x17: {  	s4 =	simm.s32 $0x1BF5;
	[smem:$0x3FB1] =	sst s0  }
0x18: {  	s0 =	sld [smem:$0x3F94];
	_ =	swait.ge [sflag:s4], $0x0  }
0x19: {  	s7 =	sld [smem:$0x3F95]  }
0x1a: {  	s8 =	sadd.s32 $0xFFFFE003, lr  }
0x1b: {  	s9 =	sadd.s32 $0xFFFFFEF7, lr;
	s5 =	simm.s32 $0xFFFFFFFF;
	p2 =	slt.u32 s8, $0xFFFFF086  }
0x1c: {  	p1 =	slt.u32 s9, $0xF7A;
	s5 =	simm.s32 @!p2 $0x0  }
0x1d: {  	s5 =	simm.s32 @p1 $0x1;
	p0 =	seq.s32 s7, s2  }
0x1e: {  	s7 =	smul.u32 @!p0 $0xF7A, s2;
	p2 =	seq.s32 @!p0 s5, $0x0  }
0x1f: {  	s9 =	smul.u32 $0xF7A, s1;
	s8 =	simm.s32 @!p0 $0x1BF5;
	p2 =	por !p2, p0  }
0x20: {  	[sflag:s8] =	ssyncset.s32 @!p0 $0xFFFFF086;
	s6 =	sadd.s32 @!p0 s3, s7;
	s7 =	simm.s32 @!p0 $0x108  }
0x21: {  	s3 =	sadd.s32 s3, s9;
	s6 =	sadd.s32 @!p0 $0x88, s6;
	s7 =	simm.s32 @p2 $0x1082  }
0x22: {  	[simem:s7], [sflag:s8] =	dma.local @!p0 [hbm:s6], $0xF7A  }
0x23: {  	s9 =	sor.u32 $0xD0000000, s2;
	s6 =	simm.s32 $0x108;
	_ =	swait.ge @!p0 [sflag:s8], $0x0  }
0x24: {  	s3 =	sadd.s32 $0x88, s3;
	s6 =	simm.s32 @!p1 $0x1082;
	[sflag:s4] =	ssyncset.s32 $0xFFFFF086  }
0x25: {  	[simem:s6], [sflag:s4] =	dma.local [hbm:s3], $0xF7A  }
0x26: {  	[smem:$0x3F95] =	sst s1;
	(tag) =	ssettag s2;
	_ =	strace s9  }
0x27: {  	s1 =	sld [smem:$0x3FA5]  }
0x28: {  	s2 =	sld [smem:$0x3FA6]  }
0x29: {  	s4 =	sld [smem:$0x3FA8]  }
0x2a: {  	p0 =	seq.s32 s5, $0x0;
	s5 =	sld [smem:$0x3FA9]  }
0x2b: {  	s6 =	sld [smem:$0x3FAA]  }
0x2c: {  	s7 =	sld [smem:$0x3FAB]  }
0x2d: {  	s3 =	simm.s32 $0x108;
	s8 =	sld [smem:$0x3FAC]  }
0x2e: {  	s3 =	simm.s32 @!p0 $0x1082;
	s9 =	sld [smem:$0x3FAD]  }
0x2f: {  	lr =	sadd.s32 s0, s3;
	s0 =	sld [smem:$0x3FA4]  }
0x30: {  	s3 =	sld [smem:$0x3FA7]  }
0x31: {  	[smem:$0x3FB0] =	sst s10  }
0x32: {  	s10 =	sld [smem:$0x3FAE];
	_ =	sdelay $0x3  }
0x33: {  	p0 =	seq.s32 s10, $0x1;
	s10 =	sld [smem:$0x3FB0];
	_ =	sdelay $0x3  }
0x34: {  	[smem:$0x3FB0] =	sst s10  }
0x35: {  	s10 =	sld [smem:$0x3FAF];
	_ =	sdelay $0x3  }
0x36: {  	p1 =	seq.s32 s10, $0x1;
	s10 =	sld [smem:$0x3FB0];
	_ =	sdelay $0x3  }
0x37: {  	[smem:$0x3FB0] =	sst s10  }
0x38: {  	s10 =	sld [smem:$0x3FB1]  }
0x39: {  	_ = 	snop;
	(pc) =	sbr.ind lr, $3  }
0x3a: {  	_ = 	snop  }
0x3b: {  	_ = 	snop  }
0x3c: {  	p2 =	seq.s32 s10, $0x1;
	s10 =	sld [smem:$0x3FB0]  }
0x3d: {  	_ =	shalt  }
0x3e: {  	_ =	shalt  }
0x3f: {  	_ =	shalt  }
0x40: {  	_ =	shalt  }
0x41: {  	_ =	shalt  }
0x42: {  	_ =	shalt  }
0x43: {  	_ =	shalt  }
0x44: {  	_ =	shalt  }
0x45: {  	_ =	shalt  }
0x46: {  	_ =	shalt  }
0x47: {  	_ =	shalt  }
0x48: {  	_ =	shalt  }
0x49: {  	_ =	shalt  }
0x4a: {  	_ =	shalt  }
0x4b: {  	_ =	shalt  }
0x4c: {  	_ =	shalt  }
0x4d: {  	_ =	shalt  }
0x4e: {  	_ =	shalt  }
0x4f: {  	_ =	shalt  }
0x50: {  	_ =	shalt  }
0x51: {  	_ =	shalt  }
0x52: {  	_ =	shalt  }
0x53: {  	_ =	shalt  }
0x54: {  	_ =	shalt  }
0x55: {  	_ =	shalt  }
0x56: {  	_ =	shalt  }
0x57: {  	_ =	shalt  }
0x58: {  	_ =	shalt  }
0x59: {  	_ =	shalt  }
0x5a: {  	_ =	shalt  }
0x5b: {  	_ =	shalt  }
0x5c: {  	_ =	shalt  }
0x5d: {  	_ =	shalt  }
0x5e: {  	_ =	shalt  }
0x5f: {  	_ =	shalt  }
0x60: {  	_ =	shalt  }
0x61: {  	_ =	shalt  }
0x62: {  	_ =	shalt  }
0x63: {  	_ =	shalt  }
0x64: {  	_ =	shalt  }
0x65: {  	_ =	shalt  }
0x66: {  	_ =	shalt  }
0x67: {  	_ =	shalt  }
0x68: {  	_ =	shalt  }
0x69: {  	_ =	shalt  }
0x6a: {  	_ =	shalt  }
0x6b: {  	_ =	shalt  }
0x6c: {  	_ =	shalt  }
0x6d: {  	_ =	shalt  }
0x6e: {  	_ =	shalt  }
0x6f: {  	_ =	shalt  }
0x70: {  	_ =	shalt  }
0x71: {  	_ =	shalt  }
0x72: {  	_ =	shalt  }
0x73: {  	_ =	shalt  }
0x74: {  	_ =	shalt  }
0x75: {  	_ =	shalt  }
0x76: {  	_ =	shalt  }
0x77: {  	_ =	shalt  }
0x78: {  	_ =	shalt  }
0x79: {  	_ =	shalt  }
0x7a: {  	_ =	shalt  }
0x7b: {  	_ =	shalt  }
0x7c: {  	_ =	shalt  }
0x7d: {  	_ =	shalt  }
0x7e: {  	_ =	shalt  }
0x7f: {  	_ =	shalt  }
0x80: {  	_ =	shalt  }
0x81: {  	_ =	shalt  }
0x82: {  	_ =	shalt  }
0x83: {  	_ =	shalt  }
0x84: {  	_ =	shalt  }
0x85: {  	_ =	shalt  }
0x86: {  	_ =	shalt  }
0x87: {  	_ =	shalt  }
.Lfunc_end0:
.L_simem_size_0:
called_computation.1_lowered:
.L_overlay_start_0:
0x88: {  	s2 =	sld [smem:$0x3FD9]  }
0x89: {  	s3 =	sld [smem:$0x3FFE];
	_ =	sdelay $0x1  }
0x8a: {  	s1 =	srdreg.scid  }
0x8b: {  	s0 =	sand.u32 $0x1, s1  }
0x8c: {  	s17 =	sshll.u32 s0, $0xA;
	s2 =	sadd.s32 s3, s2  }
0x8d: {  	s2 =	sadd.s32 s2, s17  }
0x8e: {  	[smem:$0x3FBC] =	sst s2  }
0x8f: {  	_ = 	snop  }
0x90: {  	s2 =	sld [smem:$0x3FD0];
	(tm) =	ssettm $0x1  }
0x91: {  	s18 =	sld [smem:$0x3FFB];
	_ =	sdelay $0x3  }
0x92: {  	_ =	strace s18  }
0x93: {  	s3 =	sld [smem:$0x3FFC];
	_ =	sdelay $0x3  }
0x94: {  	_ =	strace s3  }
0x95: {  	s3 =	sld [smem:$0x3FFD];
	_ =	sdelay $0x3  }
0x96: {  	_ =	strace s3  }
0x97: {  	_ =	strace $0x8FFFFFFF  }
0x98: {  	s19 =	sld [smem:$0x3FDB];
	_ =	sdelay $0x1  }
0x99: {  	s4 =	simm.s32 $_scs_section_size  }
0x9a: {  	s5 =	simm.s32 $_size__tile_overlayer_lowered;
	s6 =	simm.s32 $_tile_overlayer_lowered  }
0x9b: {  	s22 =	simm.s32 $0x1BFF;
	s21 =	sshll.u32 s6, $0x1;
	s3 =	sadd.s32 s4, s19  }
0x9c: {  	s7 =	simm.s32 $0x0;
	s20 =	sshll.u32 s5, $0x1;
	s5 =	sadd.s32 s21, s3  }
0x9d: {  	[timem:s7], [sflag:s22] =	dma.local [hbm:s5], s20  }
0x9e: {  	_ =	swait.ge [sflag:s22], s20  }
0x9f: {  	s4 =	ssub.s32 $0x0, s20;
	[sflag:s22] =	ssyncset.done $0x0  }
0xa0: {  	[sflag:s22] =	ssyncadd.s32 s4;
	_ =	sdelay $0x1  }
0xa1: {  	s23 =	simm.s32 $0x1B8B  }
0xa2: {  	_ =	swait.ge [sflag:s23], $0x1  }
0xa3: {  	[sflag:s23] =	ssyncset.done $0x0  }
0xa4: {  	s25 =	simm.s32 $0x1B8E;
	s24 =	sld [smem:$0x3FFE];
	[sflag:s23] =	ssyncadd.s32 $0xFFFFFFFF  }
0xa5: {  	s26 =	simm.s32 $execute0_lowered;
	[smem:$0x3FD2] =	sst s25  }
0xa6: {  	s5 =	sshll.u32 s26, $0x1;
	_ =	strace $0x80000049;
	[dreg:$0x1] =	wrdreg $0xFFFFFFFF  }
0xa7: {  	s28 =	simm.s32 $_size_execute0_lowered;
	s3 =	sadd.s32 s3, s5;
	[dreg:$0x0] =	wrdreg $0x0  }
0xa8: {  	s5 =	sshll.u32 s28, $0x1;
	[dreg:$0x2] =	wrdreg s3  }
0xa9: {  	[dreg:$0x3] =	wrdreg s5  }
0xaa: {  	[dreg:$0x4] =	wrdreg $0xC0  }
0xab: {  	_ =	task [dreg:s7], $0x5FFFF  }
0xac: {  	[dreg:$0x1] =	wrdreg $0xFFFFFFFF  }
0xad: {  	[dreg:$0x0] =	wrdreg $0x60  }
0xae: {  	[dreg:$0x2] =	wrdreg s24  }
0xaf: {  	[dreg:$0x3] =	wrdreg s2  }
0xb0: {  	[dreg:$0x4] =	wrdreg $0xD1600  }
0xb1: {  	[dreg:$0x5] =	wrdreg $0x9  }
0xb2: {  	_ =	task.clear_ibuf [dreg:s7], $0x6FFFF;
	_ =	strace $0x90000049  }
0xb3: {  	s29 =	simm.s32 $0x9;
	_ =	strace $0x8000004B  }
0xb4: {  	_ =	swait.ge [sflag:s29], $0x1  }
0xb5: {  	[sflag:s29] =	ssyncadd.s32 $0xFFFFFFFF  }
0xb6: {  	_ =	strace $0x9000004B  }
0xb7: {  	_ =	sfence  }
0xb8: {  	s30 =	sld [smem:$0x0];
	_ =	sdelay $0x2  }
0xb9: {  	s31 =	sshll.u32 s1, $0xD;
	s1 =	sshrl.u32 s1, $0x2  }
0xba: {  	s3 =	sand.u32 $0x4000, s31;
	s1 =	sadd.s32 s1, s30  }
0xbb: {  	s0 =	sor.u32 s3, s0;
	s1 =	sshll.u32 s1, $0x11  }
0xbc: {  	s0 =	sor.u32 s1, s0  }
0xbd: {  	s0 =	sadd.s32 $0x8F2B, s0  }
0xbe: {  	[sflag:s0] =	ssyncadd.remote.s32 $0x1  }
0xbf: {  	_ =	sfence.sel $0xFFFF  }
0xc0: {  	[dreg:$0x0] =	wrdreg $0xFFFFFFFF;
	(pc) =	sbr.abs _section_cstart, $3  }
0xc1: {  	[dreg:$0x1] =	wrdreg $0xFFFFFFFF  }
0xc2: {  	_ =	task.clear_ibuf [dreg:s7], $0x2FFFF;
	_ =	strace $0x9FFFFFFF  }
0xc3: {  	(tm) =	ssettm $0x7FFFFFFF  }
tec
execute0_lowered:
.L_overlay_start_1:
0x0: {  	(tag) =	ssettag $0x1  }
0x1: {  	s6 =	rddreg [dreg:$0x0]  }
0x2: {  	s10 =	rddreg [dreg:$0x1]  }
0x3: {  	s1 =	rddreg [dreg:$0x2]  }
0x4: {  	s0 =	rddreg [dreg:$0x3];
	s3 =	simm.s32 $0x0;
	s4 =	srdreg.scid  }
0x5: {  	s2 =	stileid.u32;
	s16 =	simm.s32 $0x320;
	s17 =	simm.s32 $0x640  }
0x6: {  	s18 =	simm.s32 $0x3;
	s19 =	simm.s32 $0x6D60;
	s20 =	simm.s32 $0x1  }
0x7: {  	s21 =	simm.s32 $0x2;
	s22 =	simm.s32 $0x4B0;
	s23 =	simm.s32 $0x7D0  }
0x8: {  	s24 =	simm.s32 $0x10;
	s25 =	simm.s32 $0x8;
	s7 =	smul.u32 $0x14000, s2  }
0x9: {  	[smem:$0x7FF] =	sst s3;
	s12 =	sand.u32 $0x1, s4;
	s9 =	smul.u32 $0x28000, s2  }
0xa: {  	s4 =	sadd.s32 $0x40600, s6;
	s5 =	sadd.s32 $0x3A00, s6;
	s13 =	smul.u32 $0x9C40, s2  }
0xb: {  	s29 =	sshll.u32 s2, $0x6;
	s31 =	smul.u32 $0x1388, s2;
	_ =	strace $0x8000004A  }
0xc: {  	s8 =	sshll.u32 s12, $0x6;
	s26 =	ssub.s32 $0x2, s12;
	p0 =	seq.s32 s12, $0x0  }
0xd: {  	s7 =	sor.u32 s8, s7;
	s11 =	sshrl.u32 s26, $0x1;
	s28 =	sshrl.u32 s9, $0x2  }
0xe: {  	s30 =	sshrl.u32 s13, $0x3;
	s13 =	sadd.s32 s31, s10;
	s7 =	sshrl.u32 s7, $0x3  }
.Ltmp0:
0xf: {  	s11 =	ssub.s32 s26, s11;
	s15 =	sadd.s32 s28, s1;
	(pc) =	sbr.rel .LBB2_1-.Ltmp0, $4  }
0x10: {  	s26 =	simm.s32 $0x0;
	s14 =	sadd.s32 s7, s6;
	s6 =	sor.u32 $0x1C04, s29  }
0x11: {  	s7 =	sadd.s32 s10, s30;
	s10 =	smax.u32 s11, $0x1;
	s11 =	sadd.s32 $0xC8, s13  }
0x12: {  	s12 =	sshrl.u32 s15, $0x3;
	s13 =	simm.s32 $0x4;
	s15 =	simm.s32 $0x960  }
0x13: {  	s8 =	sadd.s32 $0x64, s7;
	s9 =	sadd.s32 $0x67800, s14;
	s14 =	simm.s32 $0x190  }
.LBB2_38:
0x14: {  	_ =	swait.ge [sflag:s20], $0x6400  }
0x15: {  	[sflag:s20] =	ssyncset.done $0x0  }
0x16: {  	[sflag:s20] =	ssyncadd.s32 $0xFFFF9C00  }
0x17: {  	[spmem:s1] =	stream.indirect.scatter.add.f32 [tilespmem:s19], [sflag:$0x2], $0x40, s14, s14, $0xb8;
	[tilespmem:$0x17160] =	vst v63  }
.LBB2_52:
0x18: {  	_ =	swait.ge [sflag:s21], $0x6400  }
0x19: {  	s26 =	sadd.s32 $0x1, s26;
	[sflag:s21] =	ssyncset.done $0x0  }
0x1a: {  	p1 =	sne.s32 s26, s10;
	[sflag:s21] =	ssyncadd.s32 $0xFFFF9C00  }
.Ltmp1:
0x1b: {  	[bflag:$0x0] =	sbarrier.arrive $0xFFFF;
	(pc) =	sbr.rel @!p1 .LBB2_53-.Ltmp1, $4  }
0x1c: {  	[hbm:s9@s24], [sflag:s6] =	dma.strided [spmem:s12@s25], $0x1400, s20, $0x8   }
0x1d: {  	_ =	swait.ge [sflag:s13], $0x1400  }
0x1e: {  	[sflag:s13] =	ssyncset.done $0x0  }
0x1f: {  	[sflag:s13] =	ssyncadd.s32 $0xFFFFEC00  }
.LBB2_1:
0x20: {  	[spmem:s12], [sflag:s6] =	dma.local [hbm:s5], $0x1400  }
0x21: {  	_ =	swait.ge [sflag:s13], $0x1400  }
0x22: {  	[sflag:s13] =	ssyncset.done $0x0  }
.Ltmp2:
0x23: {  	[sflag:s13] =	ssyncadd.s32 $0xFFFFEC00;
	(pc) =	sbr.rel @p0 .LBB2_3-.Ltmp2, $4  }
0x24: {  	[tilespmem:s3], [sflag:$0x4] =	stream.linear.gather [hbm4b:s7+s3], $0x320, $0x38;
	[tilespmem:$0x17160] =	vst v63  }
0x25: {  	_ =	swait.ge [sflag:s13], $0x320  }
0x26: {  	[sflag:s13] =	ssyncset.done $0x0  }
0x27: {  	[sflag:s13] =	ssyncadd.s32 $0xFFFFFCE0  }
0x28: {  	v0 =	vld [tilespmem:$0x0]  }
0x29: {  	v1 =	vld [tilespmem:$0x10]  }
0x2a: {  	v2 =	vld [tilespmem:$0x20]  }
0x2b: {  	v3 =	vld [tilespmem:$0x30]  }
0x2c: {  	v4 =	vld [tilespmem:$0x40]  }
0x2d: {  	v5 =	vld [tilespmem:$0x50];
	v0 =	vadd.s32 $0x1, v0  }
0x2e: {  	v22 =	vld [tilespmem:$0x60];
	v21 =	vadd.s32 $0x1, v1;
	[tilespmem:$0x0] =	vst v0  }
0x2f: {  	v24 =	vld [tilespmem:$0x70];
	v23 =	vadd.s32 $0x1, v2;
	[tilespmem:$0x10] =	vst v21  }
0x30: {  	v26 =	vld [tilespmem:$0x80];
	v25 =	vadd.s32 $0x1, v3;
	[tilespmem:$0x20] =	vst v23  }
0x31: {  	v28 =	vld [tilespmem:$0x90];
	v27 =	vadd.s32 $0x1, v4;
	[tilespmem:$0x30] =	vst v25  }
0x32: {  	v30 =	vld [tilespmem:$0xA0];
	v29 =	vadd.s32 $0x1, v5;
	[tilespmem:$0x40] =	vst v27  }
0x33: {  	v32 =	vld [tilespmem:$0xB0];
	v31 =	vadd.s32 $0x1, v22;
	[tilespmem:$0x50] =	vst v29  }
0x34: {  	v34 =	vld [tilespmem:$0xC0];
	v33 =	vadd.s32 $0x1, v24;
	[tilespmem:$0x60] =	vst v31  }
0x35: {  	v36 =	vld [tilespmem:$0xD0];
	v35 =	vadd.s32 $0x1, v26;
	[tilespmem:$0x70] =	vst v33  }
0x36: {  	v38 =	vld [tilespmem:$0xE0];
	v37 =	vadd.s32 $0x1, v28;
	[tilespmem:$0x80] =	vst v35  }
0x37: {  	v40 =	vld [tilespmem:$0xF0];
	v39 =	vadd.s32 $0x1, v30;
	[tilespmem:$0x90] =	vst v37  }
0x38: {  	v42 =	vld [tilespmem:$0x100];
	v41 =	vadd.s32 $0x1, v32;
	[tilespmem:$0xA0] =	vst v39  }
0x39: {  	v44 =	vld [tilespmem:$0x110];
	v43 =	vadd.s32 $0x1, v34;
	[tilespmem:$0xB0] =	vst v41  }
0x3a: {  	v46 =	vld [tilespmem:$0x120];
	v45 =	vadd.s32 $0x1, v36;
	[tilespmem:$0xC0] =	vst v43  }
0x3b: {  	v48 =	vld [tilespmem:$0x130];
	v47 =	vadd.s32 $0x1, v38;
	[tilespmem:$0xD0] =	vst v45  }
0x3c: {  	v50 =	vld [tilespmem:$0x140];
	v49 =	vadd.s32 $0x1, v40;
	[tilespmem:$0xE0] =	vst v47  }
0x3d: {  	v52 =	vld [tilespmem:$0x150];
	v51 =	vadd.s32 $0x1, v42;
	[tilespmem:$0xF0] =	vst v49  }
0x3e: {  	v54 =	vld [tilespmem:$0x160];
	v53 =	vadd.s32 $0x1, v44;
	[tilespmem:$0x100] =	vst v51  }
0x3f: {  	v56 =	vld [tilespmem:$0x170];
	v55 =	vadd.s32 $0x1, v46;
	[tilespmem:$0x110] =	vst v53  }
0x40: {  	v58 =	vld [tilespmem:$0x180];
	v57 =	vadd.s32 $0x1, v48;
	[tilespmem:$0x120] =	vst v55  }
0x41: {  	v59 =	vadd.s32 $0x1, v50;
	[tilespmem:$0x130] =	vst v57  }
0x42: {  	v60 =	vadd.s32 $0x1, v52;
	[tilespmem:$0x140] =	vst v59  }
0x43: {  	v61 =	vadd.s32 $0x1, v54;
	[tilespmem:$0x150] =	vst v60  }
0x44: {  	v62 =	vadd.s32 $0x1, v56;
	[tilespmem:$0x160] =	vst v61  }
0x45: {  	v63 =	vadd.s32 $0x1, v58;
	[tilespmem:$0x170] =	vst v62  }
0x46: {  	[tilespmem:$0x180] =	vst v63  }
.LBB2_3:
0x47: {  	s28 =	simm.s32 $0x0  }
0x48: {  	[tilespmem:s15], [sflag:$0x1] =	stream.indirect.gather [hbm4b:s4+s14], $0x40, s28, s14, $0xb8;
	[tilespmem:$0x17160] =	vst v63  }
.Ltmp3:
0x49: {  	_ = 	snop;
	(pc) =	sbr.rel .LBB2_4-.Ltmp3, $4  }
0x4a: {  	_ = 	snop  }
0x4b: {  	[tilespmem:s16], [sflag:$0x3] =	stream.linear.gather [hbm4b:s8+s28], $0x320, $0x38;
	[tilespmem:$0x17160] =	vst v63  }
0x4c: {  	[bflag:$0x0] =	sbarrier.arrive $0xFFFF  }
0x4d: {  	s29 =	smov.u32 s11  }
.LBB2_36:
0x4e: {  	[tilespmem:s15], [sflag:$0x1] =	stream.indirect.gather [hbm4b:s4+s14], $0x40, s16, s14, $0xb8;
	[tilespmem:$0x17160] =	vst v63  }
0x4f: {  	_ =	swait.ge [sflag:s20], $0x6400  }
0x50: {  	[sflag:s20] =	ssyncset.done $0x0  }
0x51: {  	[sflag:s20] =	ssyncadd.s32 $0xFFFF9C00  }
0x52: {  	[spmem:s1] =	stream.indirect.scatter.add.f32 [tilespmem:s19], [sflag:$0x2], $0x40, s14, s14, $0xb8;
	[tilespmem:$0x17160] =	vst v63  }
.LBB2_51:
0x53: {  	s28 =	sadd.s32 $0x1, s28  }
0x54: {  	p1 =	sne.s32 s28, $0x32  }
.Ltmp4:
0x55: {  	_ = 	snop;
	(pc) =	sbr.rel @!p1 .LBB2_52-.Ltmp4, $2  }
0x56: {  	_ =	sdelay $0x2  }
0x57: {  	s29 =	sadd.s32 $0x64, s29  }
.LBB2_4:
0x58: {  	s30 =	smul.u32 $0xAB, s28;
	_ =	sdelay $0x1  }
0x59: {  	s30 =	sshrl.u32 s30, $0xA  }
0x5a: {  	s30 =	sand.u32 $0x3F, s30  }
0x5b: {  	s30 =	smul.u32 $0x6, s30;
	_ =	sdelay $0x1  }
0x5c: {  	s30 =	ssub.s32 s28, s30  }
0x5d: {  	s30 =	sand.u32 $0xFF, s30  }
0x5e: {  	p1 =	sgt.s32 s30, $0x2  }
.Ltmp5:
0x5f: {  	_ = 	snop;
	(pc) =	sbr.rel @p1 .LBB2_12-.Ltmp5, $1  }
0x60: {  	_ =	sdelay $0x3  }
0x61: {  	p1 =	seq.s32 s30, $0x0  }
.Ltmp6:
0x62: {  	_ = 	snop;
	(pc) =	sbr.rel @p1 .LBB2_16-.Ltmp6, $1  }
0x63: {  	_ =	sdelay $0x3  }
0x64: {  	p1 =	seq.s32 s30, $0x1  }
.Ltmp7:
0x65: {  	_ = 	snop;
	(pc) =	sbr.rel @!p1 .LBB2_25-.Ltmp7, $1  }
0x66: {  	_ =	sdelay $0x3  }
0x67: {  	p1 =	sgt.u32 s28, $0x2F  }
.Ltmp8:
0x68: {  	_ = 	snop;
	(pc) =	sbr.rel @p1 .LBB2_23-.Ltmp8, $4  }
0x69: {  	_ = 	snop  }
0x6a: {  	_ =	swait.ge [sflag:s21], $0x6400  }
0x6b: {  	[sflag:s21] =	ssyncset.done $0x0  }
0x6c: {  	[sflag:s21] =	ssyncadd.s32 $0xFFFF9C00  }
.Ltmp9:
0x6d: {  	(pc) =	sbr.rel .LBB2_9-.Ltmp9, $2  }
0x6e: {  	_ =	sdelay $0x2  }
0x6f: {  	[tilespmem:s3], [sflag:$0x3] =	stream.linear.gather [hbm4b:s29+s3], $0x320, $0x38;
	[tilespmem:$0x17160] =	vst v63  }
.LBB2_12:
0x70: {  	p3 =	seq.s32 s30, $0x3  }
.Ltmp10:
0x71: {  	_ = 	snop;
	(pc) =	sbr.rel @p3 .LBB2_32-.Ltmp10, $3  }
0x72: {  	_ =	sdelay $0x1  }
0x73: {  	p1 =	seq.s32 s28, $0x0  }
0x74: {  	p2 =	sgt.u32 @!p1 s28, $0x2F  }
0x75: {  	p3 =	seq.s32 s30, $0x4  }
.Ltmp11:
0x76: {  	_ = 	snop;
	(pc) =	sbr.rel @!p3 .LBB2_44-.Ltmp11, $1  }
0x77: {  	_ =	sdelay $0x3  }
0x78: {  	p2 =	por p1, !p2  }
.Ltmp12:
0x79: {  	_ = 	snop;
	(pc) =	sbr.rel @!p2 .LBB2_39-.Ltmp12, $4  }
0x7a: {  	s30 =	simm.s32 @!p1 $0x2  }
0x7b: {  	_ =	swait.ge @!p1 [sflag:s30], $0x6400  }
0x7c: {  	[sflag:s30] =	ssyncset.done @!p1 $0x0  }
0x7d: {  	[sflag:s30] =	ssyncadd.s32 @!p1 $0xFFFF9C00  }
.Ltmp13:
0x7e: {  	(pc) =	sbr.rel .LBB2_40-.Ltmp13, $2  }
0x7f: {  	_ =	sdelay $0x2  }
0x80: {  	[tilespmem:s3], [sflag:$0x3] =	stream.linear.gather [hbm4b:s29+s3], $0x320, $0x38;
	[tilespmem:$0x17160] =	vst v63  }
.LBB2_16:
0x81: {  	p1 =	seq.s32 s28, $0x0  }
0x82: {  	p2 =	sgt.u32 @!p1 s28, $0x2F  }
0x83: {  	p2 =	por p1, !p2  }
.Ltmp14:
0x84: {  	_ = 	snop;
	(pc) =	sbr.rel @!p2 .LBB2_18-.Ltmp14, $4  }
0x85: {  	s30 =	simm.s32 @!p1 $0x2  }
0x86: {  	_ =	swait.ge @!p1 [sflag:s30], $0x6400  }
0x87: {  	[sflag:s30] =	ssyncset.done @!p1 $0x0  }
0x88: {  	[sflag:s30] =	ssyncadd.s32 @!p1 $0xFFFF9C00  }
.Ltmp15:
0x89: {  	(pc) =	sbr.rel .LBB2_19-.Ltmp15, $2  }
0x8a: {  	_ =	sdelay $0x2  }
0x8b: {  	[tilespmem:s17], [sflag:$0x3] =	stream.linear.gather [hbm4b:s29+s3], $0x320, $0x38;
	[tilespmem:$0x17160] =	vst v63  }
.LBB2_32:
0x8c: {  	p2 =	por p1, !p2  }
.Ltmp16:
0x8d: {  	_ = 	snop;
	(pc) =	sbr.rel @!p2 .LBB2_37-.Ltmp16, $4  }
0x8e: {  	s30 =	simm.s32 @!p1 $0x2  }
0x8f: {  	_ =	swait.ge @!p1 [sflag:s30], $0x6400  }
0x90: {  	[sflag:s30] =	ssyncset.done @!p1 $0x0  }
0x91: {  	[sflag:s30] =	ssyncadd.s32 @!p1 $0xFFFF9C00  }
.Ltmp17:
0x92: {  	(pc) =	sbr.rel .LBB2_34-.Ltmp17, $2  }
0x93: {  	_ =	sdelay $0x2  }
0x94: {  	[tilespmem:s17], [sflag:$0x3] =	stream.linear.gather [hbm4b:s29+s3], $0x320, $0x38;
	[tilespmem:$0x17160] =	vst v63  }
.LBB2_25:
0x95: {  	p1 =	seq.s32 s28, $0x0  }
0x96: {  	p2 =	sgt.u32 @!p1 s28, $0x2F  }
0x97: {  	p2 =	por p1, !p2  }
.Ltmp18:
0x98: {  	_ = 	snop;
	(pc) =	sbr.rel @!p2 .LBB2_30-.Ltmp18, $4  }
0x99: {  	s30 =	simm.s32 @!p1 $0x2  }
0x9a: {  	_ =	swait.ge @!p1 [sflag:s30], $0x6400  }
0x9b: {  	[sflag:s30] =	ssyncset.done @!p1 $0x0  }
0x9c: {  	[sflag:s30] =	ssyncadd.s32 @!p1 $0xFFFF9C00  }
.Ltmp19:
0x9d: {  	(pc) =	sbr.rel .LBB2_27-.Ltmp19, $2  }
0x9e: {  	_ =	sdelay $0x2  }
0x9f: {  	[tilespmem:s16], [sflag:$0x3] =	stream.linear.gather [hbm4b:s29+s3], $0x320, $0x38;
	[tilespmem:$0x17160] =	vst v63  }
.LBB2_44:
0xa0: {  	p2 =	por p1, !p2  }
.Ltmp20:
0xa1: {  	_ = 	snop;
	(pc) =	sbr.rel @!p2 .LBB2_46-.Ltmp20, $4  }
0xa2: {  	s30 =	simm.s32 @!p1 $0x2  }
0xa3: {  	_ =	swait.ge @!p1 [sflag:s30], $0x6400  }
0xa4: {  	[sflag:s30] =	ssyncset.done @!p1 $0x0  }
0xa5: {  	[sflag:s30] =	ssyncadd.s32 @!p1 $0xFFFF9C00  }
.Ltmp21:
0xa6: {  	(pc) =	sbr.rel .LBB2_47-.Ltmp21, $2  }
0xa7: {  	_ =	sdelay $0x2  }
0xa8: {  	[tilespmem:s16], [sflag:$0x3] =	stream.linear.gather [hbm4b:s29+s3], $0x320, $0x38;
	[tilespmem:$0x17160] =	vst v63  }
.LBB2_18:
0xa9: {  	p1 =	seq.s32 s28, $0x31  }
.Ltmp22:
0xaa: {  	_ = 	snop;
	(pc) =	sbr.rel @p1 .LBB2_22-.Ltmp22, $1  }
0xab: {  	_ =	sdelay $0x3  }
.LBB2_19:
.Ltmp23:
0xac: {  	(pc) =	sbr.rel @p0 .LBB2_21-.Ltmp23, $4  }
0xad: {  	_ = 	snop  }
0xae: {  	_ =	swait.ge [sflag:s18], $0x320  }
0xaf: {  	[sflag:s18] =	ssyncset.done $0x0  }
0xb0: {  	[sflag:s18] =	ssyncadd.s32 $0xFFFFFCE0  }
0xb1: {  	v0 =	vld [tilespmem:$0x320]  }
0xb2: {  	v1 =	vld [tilespmem:$0x330]  }
0xb3: {  	v2 =	vld [tilespmem:$0x340]  }
0xb4: {  	v3 =	vld [tilespmem:$0x350]  }
0xb5: {  	v4 =	vld [tilespmem:$0x360]  }
0xb6: {  	v5 =	vld [tilespmem:$0x370];
	v0 =	vadd.s32 $0x1, v0  }
0xb7: {  	v22 =	vld [tilespmem:$0x380];
	v21 =	vadd.s32 $0x1, v1;
	[tilespmem:$0x320] =	vst v0  }
0xb8: {  	v24 =	vld [tilespmem:$0x390];
	v23 =	vadd.s32 $0x1, v2;
	[tilespmem:$0x330] =	vst v21  }
0xb9: {  	v26 =	vld [tilespmem:$0x3A0];
	v25 =	vadd.s32 $0x1, v3;
	[tilespmem:$0x340] =	vst v23  }
0xba: {  	v28 =	vld [tilespmem:$0x3B0];
	v27 =	vadd.s32 $0x1, v4;
	[tilespmem:$0x350] =	vst v25  }
0xbb: {  	v30 =	vld [tilespmem:$0x3C0];
	v29 =	vadd.s32 $0x1, v5;
	[tilespmem:$0x360] =	vst v27  }
0xbc: {  	v32 =	vld [tilespmem:$0x3D0];
	v31 =	vadd.s32 $0x1, v22;
	[tilespmem:$0x370] =	vst v29  }
0xbd: {  	v34 =	vld [tilespmem:$0x3E0];
	v33 =	vadd.s32 $0x1, v24;
	[tilespmem:$0x380] =	vst v31  }
0xbe: {  	v36 =	vld [tilespmem:$0x3F0];
	v35 =	vadd.s32 $0x1, v26;
	[tilespmem:$0x390] =	vst v33  }
0xbf: {  	v38 =	vld [tilespmem:$0x400];
	v37 =	vadd.s32 $0x1, v28;
	[tilespmem:$0x3A0] =	vst v35  }
0xc0: {  	v40 =	vld [tilespmem:$0x410];
	v39 =	vadd.s32 $0x1, v30;
	[tilespmem:$0x3B0] =	vst v37  }
0xc1: {  	v42 =	vld [tilespmem:$0x420];
	v41 =	vadd.s32 $0x1, v32;
	[tilespmem:$0x3C0] =	vst v39  }
0xc2: {  	v44 =	vld [tilespmem:$0x430];
	v43 =	vadd.s32 $0x1, v34;
	[tilespmem:$0x3D0] =	vst v41  }
0xc3: {  	v46 =	vld [tilespmem:$0x440];
	v45 =	vadd.s32 $0x1, v36;
	[tilespmem:$0x3E0] =	vst v43  }
0xc4: {  	v48 =	vld [tilespmem:$0x450];
	v47 =	vadd.s32 $0x1, v38;
	[tilespmem:$0x3F0] =	vst v45  }
0xc5: {  	v50 =	vld [tilespmem:$0x460];
	v49 =	vadd.s32 $0x1, v40;
	[tilespmem:$0x400] =	vst v47  }
0xc6: {  	v52 =	vld [tilespmem:$0x470];
	v51 =	vadd.s32 $0x1, v42;
	[tilespmem:$0x410] =	vst v49  }
0xc7: {  	v54 =	vld [tilespmem:$0x480];
	v53 =	vadd.s32 $0x1, v44;
	[tilespmem:$0x420] =	vst v51  }
0xc8: {  	v56 =	vld [tilespmem:$0x490];
	v55 =	vadd.s32 $0x1, v46;
	[tilespmem:$0x430] =	vst v53  }
0xc9: {  	v58 =	vld [tilespmem:$0x4A0];
	v57 =	vadd.s32 $0x1, v48;
	[tilespmem:$0x440] =	vst v55  }
0xca: {  	v59 =	vadd.s32 $0x1, v50;
	[tilespmem:$0x450] =	vst v57  }
0xcb: {  	v60 =	vadd.s32 $0x1, v52;
	[tilespmem:$0x460] =	vst v59  }
0xcc: {  	v61 =	vadd.s32 $0x1, v54;
	[tilespmem:$0x470] =	vst v60  }
0xcd: {  	v62 =	vadd.s32 $0x1, v56;
	[tilespmem:$0x480] =	vst v61  }
0xce: {  	v63 =	vadd.s32 $0x1, v58;
	[tilespmem:$0x490] =	vst v62  }
0xcf: {  	[tilespmem:$0x4A0] =	vst v63  }
.LBB2_21:
0xd0: {  	[tilespmem:s19], [sflag:$0x1] =	stream.indirect.gather [hbm4b:s4+s14], $0x40, s16, s14, $0xb8;
	[tilespmem:$0x17160] =	vst v63  }
.LBB2_22:
.Ltmp24:
0xd1: {  	(pc) =	sbr.rel .LBB2_51-.Ltmp24, $4  }
0xd2: {  	_ =	swait.ge [sflag:s20], $0x6400  }
0xd3: {  	[sflag:s20] =	ssyncset.done $0x0  }
0xd4: {  	[sflag:s20] =	ssyncadd.s32 $0xFFFF9C00  }
0xd5: {  	[spmem:s1] =	stream.indirect.scatter.add.f32 [tilespmem:s15], [sflag:$0x2], $0x40, s14, s14, $0xb8;
	[tilespmem:$0x17160] =	vst v63  }
.LBB2_37:
0xd6: {  	p1 =	sne.s32 s28, $0x31  }
.Ltmp25:
0xd7: {  	_ = 	snop;
	(pc) =	sbr.rel @!p1 .LBB2_38-.Ltmp25, $1  }
0xd8: {  	_ =	sdelay $0x3  }
.LBB2_34:
.Ltmp26:
0xd9: {  	(pc) =	sbr.rel @p0 .LBB2_36-.Ltmp26, $4  }
0xda: {  	_ = 	snop  }
0xdb: {  	_ =	swait.ge [sflag:s18], $0x320  }
0xdc: {  	[sflag:s18] =	ssyncset.done $0x0  }
0xdd: {  	[sflag:s18] =	ssyncadd.s32 $0xFFFFFCE0  }
0xde: {  	v0 =	vld [tilespmem:$0x320]  }
0xdf: {  	v1 =	vld [tilespmem:$0x330]  }
0xe0: {  	v2 =	vld [tilespmem:$0x340]  }
0xe1: {  	v3 =	vld [tilespmem:$0x350]  }
0xe2: {  	v4 =	vld [tilespmem:$0x360]  }
0xe3: {  	v5 =	vld [tilespmem:$0x370];
	v0 =	vadd.s32 $0x1, v0  }
0xe4: {  	v22 =	vld [tilespmem:$0x380];
	v21 =	vadd.s32 $0x1, v1;
	[tilespmem:$0x320] =	vst v0  }
0xe5: {  	v24 =	vld [tilespmem:$0x390];
	v23 =	vadd.s32 $0x1, v2;
	[tilespmem:$0x330] =	vst v21  }
0xe6: {  	v26 =	vld [tilespmem:$0x3A0];
	v25 =	vadd.s32 $0x1, v3;
	[tilespmem:$0x340] =	vst v23  }
0xe7: {  	v28 =	vld [tilespmem:$0x3B0];
	v27 =	vadd.s32 $0x1, v4;
	[tilespmem:$0x350] =	vst v25  }
0xe8: {  	v30 =	vld [tilespmem:$0x3C0];
	v29 =	vadd.s32 $0x1, v5;
	[tilespmem:$0x360] =	vst v27  }
0xe9: {  	v32 =	vld [tilespmem:$0x3D0];
	v31 =	vadd.s32 $0x1, v22;
	[tilespmem:$0x370] =	vst v29  }
0xea: {  	v34 =	vld [tilespmem:$0x3E0];
	v33 =	vadd.s32 $0x1, v24;
	[tilespmem:$0x380] =	vst v31  }
0xeb: {  	v36 =	vld [tilespmem:$0x3F0];
	v35 =	vadd.s32 $0x1, v26;
	[tilespmem:$0x390] =	vst v33  }
0xec: {  	v38 =	vld [tilespmem:$0x400];
	v37 =	vadd.s32 $0x1, v28;
	[tilespmem:$0x3A0] =	vst v35  }
0xed: {  	v40 =	vld [tilespmem:$0x410];
	v39 =	vadd.s32 $0x1, v30;
	[tilespmem:$0x3B0] =	vst v37  }
0xee: {  	v42 =	vld [tilespmem:$0x420];
	v41 =	vadd.s32 $0x1, v32;
	[tilespmem:$0x3C0] =	vst v39  }
0xef: {  	v44 =	vld [tilespmem:$0x430];
	v43 =	vadd.s32 $0x1, v34;
	[tilespmem:$0x3D0] =	vst v41  }
0xf0: {  	v46 =	vld [tilespmem:$0x440];
	v45 =	vadd.s32 $0x1, v36;
	[tilespmem:$0x3E0] =	vst v43  }
0xf1: {  	v48 =	vld [tilespmem:$0x450];
	v47 =	vadd.s32 $0x1, v38;
	[tilespmem:$0x3F0] =	vst v45  }
0xf2: {  	v50 =	vld [tilespmem:$0x460];
	v49 =	vadd.s32 $0x1, v40;
	[tilespmem:$0x400] =	vst v47  }
0xf3: {  	v52 =	vld [tilespmem:$0x470];
	v51 =	vadd.s32 $0x1, v42;
	[tilespmem:$0x410] =	vst v49  }
0xf4: {  	v54 =	vld [tilespmem:$0x480];
	v53 =	vadd.s32 $0x1, v44;
	[tilespmem:$0x420] =	vst v51  }
0xf5: {  	v56 =	vld [tilespmem:$0x490];
	v55 =	vadd.s32 $0x1, v46;
	[tilespmem:$0x430] =	vst v53  }
0xf6: {  	v58 =	vld [tilespmem:$0x4A0];
	v57 =	vadd.s32 $0x1, v48;
	[tilespmem:$0x440] =	vst v55  }
0xf7: {  	v59 =	vadd.s32 $0x1, v50;
	[tilespmem:$0x450] =	vst v57  }
.Ltmp27:
0xf8: {  	v60 =	vadd.s32 $0x1, v52;
	[tilespmem:$0x460] =	vst v59;
	(pc) =	sbr.rel .LBB2_36-.Ltmp27, $4  }
0xf9: {  	v61 =	vadd.s32 $0x1, v54;
	[tilespmem:$0x470] =	vst v60  }
0xfa: {  	v62 =	vadd.s32 $0x1, v56;
	[tilespmem:$0x480] =	vst v61  }
0xfb: {  	v63 =	vadd.s32 $0x1, v58;
	[tilespmem:$0x490] =	vst v62  }
0xfc: {  	[tilespmem:$0x4A0] =	vst v63  }
.LBB2_23:
0xfd: {  	p1 =	sne.s32 s28, $0x31  }
.Ltmp28:
0xfe: {  	_ = 	snop;
	(pc) =	sbr.rel @!p1 .LBB2_24-.Ltmp28, $1  }
0xff: {  	_ =	sdelay $0x3  }
.LBB2_9:
.Ltmp29:
0x100: {  	(pc) =	sbr.rel @p0 .LBB2_11-.Ltmp29, $4  }
0x101: {  	_ = 	snop  }
0x102: {  	_ =	swait.ge [sflag:s18], $0x320  }
0x103: {  	[sflag:s18] =	ssyncset.done $0x0  }
0x104: {  	[sflag:s18] =	ssyncadd.s32 $0xFFFFFCE0  }
0x105: {  	v0 =	vld [tilespmem:$0x640]  }
0x106: {  	v1 =	vld [tilespmem:$0x650]  }
0x107: {  	v2 =	vld [tilespmem:$0x660]  }
0x108: {  	v3 =	vld [tilespmem:$0x670]  }
0x109: {  	v4 =	vld [tilespmem:$0x680]  }
0x10a: {  	v5 =	vld [tilespmem:$0x690];
	v0 =	vadd.s32 $0x1, v0  }
0x10b: {  	v22 =	vld [tilespmem:$0x6A0];
	v21 =	vadd.s32 $0x1, v1;
	[tilespmem:$0x640] =	vst v0  }
0x10c: {  	v24 =	vld [tilespmem:$0x6B0];
	v23 =	vadd.s32 $0x1, v2;
	[tilespmem:$0x650] =	vst v21  }
0x10d: {  	v26 =	vld [tilespmem:$0x6C0];
	v25 =	vadd.s32 $0x1, v3;
	[tilespmem:$0x660] =	vst v23  }
0x10e: {  	v28 =	vld [tilespmem:$0x6D0];
	v27 =	vadd.s32 $0x1, v4;
	[tilespmem:$0x670] =	vst v25  }
0x10f: {  	v30 =	vld [tilespmem:$0x6E0];
	v29 =	vadd.s32 $0x1, v5;
	[tilespmem:$0x680] =	vst v27  }
0x110: {  	v32 =	vld [tilespmem:$0x6F0];
	v31 =	vadd.s32 $0x1, v22;
	[tilespmem:$0x690] =	vst v29  }
0x111: {  	v34 =	vld [tilespmem:$0x700];
	v33 =	vadd.s32 $0x1, v24;
	[tilespmem:$0x6A0] =	vst v31  }
0x112: {  	v36 =	vld [tilespmem:$0x710];
	v35 =	vadd.s32 $0x1, v26;
	[tilespmem:$0x6B0] =	vst v33  }
0x113: {  	v38 =	vld [tilespmem:$0x720];
	v37 =	vadd.s32 $0x1, v28;
	[tilespmem:$0x6C0] =	vst v35  }
0x114: {  	v40 =	vld [tilespmem:$0x730];
	v39 =	vadd.s32 $0x1, v30;
	[tilespmem:$0x6D0] =	vst v37  }
0x115: {  	v42 =	vld [tilespmem:$0x740];
	v41 =	vadd.s32 $0x1, v32;
	[tilespmem:$0x6E0] =	vst v39  }
0x116: {  	v44 =	vld [tilespmem:$0x750];
	v43 =	vadd.s32 $0x1, v34;
	[tilespmem:$0x6F0] =	vst v41  }
0x117: {  	v46 =	vld [tilespmem:$0x760];
	v45 =	vadd.s32 $0x1, v36;
	[tilespmem:$0x700] =	vst v43  }
0x118: {  	v48 =	vld [tilespmem:$0x770];
	v47 =	vadd.s32 $0x1, v38;
	[tilespmem:$0x710] =	vst v45  }
0x119: {  	v50 =	vld [tilespmem:$0x780];
	v49 =	vadd.s32 $0x1, v40;
	[tilespmem:$0x720] =	vst v47  }
0x11a: {  	v52 =	vld [tilespmem:$0x790];
	v51 =	vadd.s32 $0x1, v42;
	[tilespmem:$0x730] =	vst v49  }
0x11b: {  	v54 =	vld [tilespmem:$0x7A0];
	v53 =	vadd.s32 $0x1, v44;
	[tilespmem:$0x740] =	vst v51  }
0x11c: {  	v56 =	vld [tilespmem:$0x7B0];
	v55 =	vadd.s32 $0x1, v46;
	[tilespmem:$0x750] =	vst v53  }
0x11d: {  	v58 =	vld [tilespmem:$0x7C0];
	v57 =	vadd.s32 $0x1, v48;
	[tilespmem:$0x760] =	vst v55  }
0x11e: {  	v59 =	vadd.s32 $0x1, v50;
	[tilespmem:$0x770] =	vst v57  }
0x11f: {  	v60 =	vadd.s32 $0x1, v52;
	[tilespmem:$0x780] =	vst v59  }
0x120: {  	v61 =	vadd.s32 $0x1, v54;
	[tilespmem:$0x790] =	vst v60  }
0x121: {  	v62 =	vadd.s32 $0x1, v56;
	[tilespmem:$0x7A0] =	vst v61  }
0x122: {  	v63 =	vadd.s32 $0x1, v58;
	[tilespmem:$0x7B0] =	vst v62  }
0x123: {  	[tilespmem:$0x7C0] =	vst v63  }
.LBB2_11:
0x124: {  	[tilespmem:s15], [sflag:$0x1] =	stream.indirect.gather [hbm4b:s4+s14], $0x40, s17, s14, $0xb8;
	[tilespmem:$0x17160] =	vst v63  }
.Ltmp30:
0x125: {  	_ = 	snop;
	(pc) =	sbr.rel .LBB2_51-.Ltmp30, $4  }
0x126: {  	_ =	swait.ge [sflag:s20], $0x6400  }
0x127: {  	[sflag:s20] =	ssyncset.done $0x0  }
0x128: {  	[sflag:s20] =	ssyncadd.s32 $0xFFFF9C00  }
0x129: {  	[spmem:s1] =	stream.indirect.scatter.add.f32 [tilespmem:s19], [sflag:$0x2], $0x40, s22, s14, $0xb8;
	[tilespmem:$0x17160] =	vst v63  }
.LBB2_39:
0x12a: {  	p1 =	seq.s32 s28, $0x31  }
.Ltmp31:
0x12b: {  	_ = 	snop;
	(pc) =	sbr.rel @p1 .LBB2_43-.Ltmp31, $1  }
0x12c: {  	_ =	sdelay $0x3  }
.LBB2_40:
.Ltmp32:
0x12d: {  	(pc) =	sbr.rel @p0 .LBB2_42-.Ltmp32, $4  }
0x12e: {  	_ = 	snop  }
0x12f: {  	_ =	swait.ge [sflag:s18], $0x320  }
0x130: {  	[sflag:s18] =	ssyncset.done $0x0  }
0x131: {  	[sflag:s18] =	ssyncadd.s32 $0xFFFFFCE0  }
0x132: {  	v0 =	vld [tilespmem:$0x640]  }
0x133: {  	v1 =	vld [tilespmem:$0x650]  }
0x134: {  	v2 =	vld [tilespmem:$0x660]  }
0x135: {  	v3 =	vld [tilespmem:$0x670]  }
0x136: {  	v4 =	vld [tilespmem:$0x680]  }
0x137: {  	v5 =	vld [tilespmem:$0x690];
	v0 =	vadd.s32 $0x1, v0  }
0x138: {  	v22 =	vld [tilespmem:$0x6A0];
	v21 =	vadd.s32 $0x1, v1;
	[tilespmem:$0x640] =	vst v0  }
0x139: {  	v24 =	vld [tilespmem:$0x6B0];
	v23 =	vadd.s32 $0x1, v2;
	[tilespmem:$0x650] =	vst v21  }
0x13a: {  	v26 =	vld [tilespmem:$0x6C0];
	v25 =	vadd.s32 $0x1, v3;
	[tilespmem:$0x660] =	vst v23  }
0x13b: {  	v28 =	vld [tilespmem:$0x6D0];
	v27 =	vadd.s32 $0x1, v4;
	[tilespmem:$0x670] =	vst v25  }
0x13c: {  	v30 =	vld [tilespmem:$0x6E0];
	v29 =	vadd.s32 $0x1, v5;
	[tilespmem:$0x680] =	vst v27  }
0x13d: {  	v32 =	vld [tilespmem:$0x6F0];
	v31 =	vadd.s32 $0x1, v22;
	[tilespmem:$0x690] =	vst v29  }
0x13e: {  	v34 =	vld [tilespmem:$0x700];
	v33 =	vadd.s32 $0x1, v24;
	[tilespmem:$0x6A0] =	vst v31  }
0x13f: {  	v36 =	vld [tilespmem:$0x710];
	v35 =	vadd.s32 $0x1, v26;
	[tilespmem:$0x6B0] =	vst v33  }
0x140: {  	v38 =	vld [tilespmem:$0x720];
	v37 =	vadd.s32 $0x1, v28;
	[tilespmem:$0x6C0] =	vst v35  }
0x141: {  	v40 =	vld [tilespmem:$0x730];
	v39 =	vadd.s32 $0x1, v30;
	[tilespmem:$0x6D0] =	vst v37  }
0x142: {  	v42 =	vld [tilespmem:$0x740];
	v41 =	vadd.s32 $0x1, v32;
	[tilespmem:$0x6E0] =	vst v39  }
0x143: {  	v44 =	vld [tilespmem:$0x750];
	v43 =	vadd.s32 $0x1, v34;
	[tilespmem:$0x6F0] =	vst v41  }
0x144: {  	v46 =	vld [tilespmem:$0x760];
	v45 =	vadd.s32 $0x1, v36;
	[tilespmem:$0x700] =	vst v43  }
0x145: {  	v48 =	vld [tilespmem:$0x770];
	v47 =	vadd.s32 $0x1, v38;
	[tilespmem:$0x710] =	vst v45  }
0x146: {  	v50 =	vld [tilespmem:$0x780];
	v49 =	vadd.s32 $0x1, v40;
	[tilespmem:$0x720] =	vst v47  }
0x147: {  	v52 =	vld [tilespmem:$0x790];
	v51 =	vadd.s32 $0x1, v42;
	[tilespmem:$0x730] =	vst v49  }
0x148: {  	v54 =	vld [tilespmem:$0x7A0];
	v53 =	vadd.s32 $0x1, v44;
	[tilespmem:$0x740] =	vst v51  }
0x149: {  	v56 =	vld [tilespmem:$0x7B0];
	v55 =	vadd.s32 $0x1, v46;
	[tilespmem:$0x750] =	vst v53  }
0x14a: {  	v58 =	vld [tilespmem:$0x7C0];
	v57 =	vadd.s32 $0x1, v48;
	[tilespmem:$0x760] =	vst v55  }
0x14b: {  	v59 =	vadd.s32 $0x1, v50;
	[tilespmem:$0x770] =	vst v57  }
0x14c: {  	v60 =	vadd.s32 $0x1, v52;
	[tilespmem:$0x780] =	vst v59  }
0x14d: {  	v61 =	vadd.s32 $0x1, v54;
	[tilespmem:$0x790] =	vst v60  }
0x14e: {  	v62 =	vadd.s32 $0x1, v56;
	[tilespmem:$0x7A0] =	vst v61  }
0x14f: {  	v63 =	vadd.s32 $0x1, v58;
	[tilespmem:$0x7B0] =	vst v62  }
0x150: {  	[tilespmem:$0x7C0] =	vst v63  }
.LBB2_42:
0x151: {  	[tilespmem:s19], [sflag:$0x1] =	stream.indirect.gather [hbm4b:s4+s14], $0x40, s17, s14, $0xb8;
	[tilespmem:$0x17160] =	vst v63  }
.LBB2_43:
.Ltmp33:
0x152: {  	(pc) =	sbr.rel .LBB2_51-.Ltmp33, $4  }
0x153: {  	_ =	swait.ge [sflag:s20], $0x6400  }
0x154: {  	[sflag:s20] =	ssyncset.done $0x0  }
0x155: {  	[sflag:s20] =	ssyncadd.s32 $0xFFFF9C00  }
0x156: {  	[spmem:s1] =	stream.indirect.scatter.add.f32 [tilespmem:s15], [sflag:$0x2], $0x40, s22, s14, $0xb8;
	[tilespmem:$0x17160] =	vst v63  }
.LBB2_30:
0x157: {  	p1 =	sne.s32 s28, $0x31  }
.Ltmp34:
0x158: {  	_ = 	snop;
	(pc) =	sbr.rel @!p1 .LBB2_31-.Ltmp34, $1  }
0x159: {  	_ =	sdelay $0x3  }
.LBB2_27:
.Ltmp35:
0x15a: {  	(pc) =	sbr.rel @p0 .LBB2_29-.Ltmp35, $4  }
0x15b: {  	_ = 	snop  }
0x15c: {  	_ =	swait.ge [sflag:s18], $0x320  }
0x15d: {  	[sflag:s18] =	ssyncset.done $0x0  }
0x15e: {  	[sflag:s18] =	ssyncadd.s32 $0xFFFFFCE0  }
0x15f: {  	v0 =	vld [tilespmem:$0x0]  }
0x160: {  	v1 =	vld [tilespmem:$0x10]  }
0x161: {  	v2 =	vld [tilespmem:$0x20]  }
0x162: {  	v3 =	vld [tilespmem:$0x30]  }
0x163: {  	v4 =	vld [tilespmem:$0x40]  }
0x164: {  	v5 =	vld [tilespmem:$0x50];
	v0 =	vadd.s32 $0x1, v0  }
0x165: {  	v22 =	vld [tilespmem:$0x60];
	v21 =	vadd.s32 $0x1, v1;
	[tilespmem:$0x0] =	vst v0  }
0x166: {  	v24 =	vld [tilespmem:$0x70];
	v23 =	vadd.s32 $0x1, v2;
	[tilespmem:$0x10] =	vst v21  }
0x167: {  	v26 =	vld [tilespmem:$0x80];
	v25 =	vadd.s32 $0x1, v3;
	[tilespmem:$0x20] =	vst v23  }
0x168: {  	v28 =	vld [tilespmem:$0x90];
	v27 =	vadd.s32 $0x1, v4;
	[tilespmem:$0x30] =	vst v25  }
0x169: {  	v30 =	vld [tilespmem:$0xA0];
	v29 =	vadd.s32 $0x1, v5;
	[tilespmem:$0x40] =	vst v27  }
0x16a: {  	v32 =	vld [tilespmem:$0xB0];
	v31 =	vadd.s32 $0x1, v22;
	[tilespmem:$0x50] =	vst v29  }
0x16b: {  	v34 =	vld [tilespmem:$0xC0];
	v33 =	vadd.s32 $0x1, v24;
	[tilespmem:$0x60] =	vst v31  }
0x16c: {  	v36 =	vld [tilespmem:$0xD0];
	v35 =	vadd.s32 $0x1, v26;
	[tilespmem:$0x70] =	vst v33  }
0x16d: {  	v38 =	vld [tilespmem:$0xE0];
	v37 =	vadd.s32 $0x1, v28;
	[tilespmem:$0x80] =	vst v35  }
0x16e: {  	v40 =	vld [tilespmem:$0xF0];
	v39 =	vadd.s32 $0x1, v30;
	[tilespmem:$0x90] =	vst v37  }
0x16f: {  	v42 =	vld [tilespmem:$0x100];
	v41 =	vadd.s32 $0x1, v32;
	[tilespmem:$0xA0] =	vst v39  }
0x170: {  	v44 =	vld [tilespmem:$0x110];
	v43 =	vadd.s32 $0x1, v34;
	[tilespmem:$0xB0] =	vst v41  }
0x171: {  	v46 =	vld [tilespmem:$0x120];
	v45 =	vadd.s32 $0x1, v36;
	[tilespmem:$0xC0] =	vst v43  }
0x172: {  	v48 =	vld [tilespmem:$0x130];
	v47 =	vadd.s32 $0x1, v38;
	[tilespmem:$0xD0] =	vst v45  }
0x173: {  	v50 =	vld [tilespmem:$0x140];
	v49 =	vadd.s32 $0x1, v40;
	[tilespmem:$0xE0] =	vst v47  }
0x174: {  	v52 =	vld [tilespmem:$0x150];
	v51 =	vadd.s32 $0x1, v42;
	[tilespmem:$0xF0] =	vst v49  }
0x175: {  	v54 =	vld [tilespmem:$0x160];
	v53 =	vadd.s32 $0x1, v44;
	[tilespmem:$0x100] =	vst v51  }
0x176: {  	v56 =	vld [tilespmem:$0x170];
	v55 =	vadd.s32 $0x1, v46;
	[tilespmem:$0x110] =	vst v53  }
0x177: {  	v58 =	vld [tilespmem:$0x180];
	v57 =	vadd.s32 $0x1, v48;
	[tilespmem:$0x120] =	vst v55  }
0x178: {  	v59 =	vadd.s32 $0x1, v50;
	[tilespmem:$0x130] =	vst v57  }
0x179: {  	v60 =	vadd.s32 $0x1, v52;
	[tilespmem:$0x140] =	vst v59  }
0x17a: {  	v61 =	vadd.s32 $0x1, v54;
	[tilespmem:$0x150] =	vst v60  }
0x17b: {  	v62 =	vadd.s32 $0x1, v56;
	[tilespmem:$0x160] =	vst v61  }
0x17c: {  	v63 =	vadd.s32 $0x1, v58;
	[tilespmem:$0x170] =	vst v62  }
0x17d: {  	[tilespmem:$0x180] =	vst v63  }
.LBB2_29:
0x17e: {  	[tilespmem:s19], [sflag:$0x1] =	stream.indirect.gather [hbm4b:s4+s14], $0x40, s3, s14, $0xb8;
	[tilespmem:$0x17160] =	vst v63  }
.Ltmp36:
0x17f: {  	_ = 	snop;
	(pc) =	sbr.rel .LBB2_51-.Ltmp36, $4  }
0x180: {  	_ =	swait.ge [sflag:s20], $0x6400  }
0x181: {  	[sflag:s20] =	ssyncset.done $0x0  }
0x182: {  	[sflag:s20] =	ssyncadd.s32 $0xFFFF9C00  }
0x183: {  	[spmem:s1] =	stream.indirect.scatter.add.f32 [tilespmem:s15], [sflag:$0x2], $0x40, s23, s14, $0xb8;
	[tilespmem:$0x17160] =	vst v63  }
.LBB2_46:
0x184: {  	p1 =	seq.s32 s28, $0x31  }
.Ltmp37:
0x185: {  	_ = 	snop;
	(pc) =	sbr.rel @p1 .LBB2_50-.Ltmp37, $1  }
0x186: {  	_ =	sdelay $0x3  }
.LBB2_47:
.Ltmp38:
0x187: {  	(pc) =	sbr.rel @p0 .LBB2_49-.Ltmp38, $4  }
0x188: {  	_ = 	snop  }
0x189: {  	_ =	swait.ge [sflag:s18], $0x320  }
0x18a: {  	[sflag:s18] =	ssyncset.done $0x0  }
0x18b: {  	[sflag:s18] =	ssyncadd.s32 $0xFFFFFCE0  }
0x18c: {  	v0 =	vld [tilespmem:$0x0]  }
0x18d: {  	v1 =	vld [tilespmem:$0x10]  }
0x18e: {  	v2 =	vld [tilespmem:$0x20]  }
0x18f: {  	v3 =	vld [tilespmem:$0x30]  }
0x190: {  	v4 =	vld [tilespmem:$0x40]  }
0x191: {  	v5 =	vld [tilespmem:$0x50];
	v0 =	vadd.s32 $0x1, v0  }
0x192: {  	v22 =	vld [tilespmem:$0x60];
	v21 =	vadd.s32 $0x1, v1;
	[tilespmem:$0x0] =	vst v0  }
0x193: {  	v24 =	vld [tilespmem:$0x70];
	v23 =	vadd.s32 $0x1, v2;
	[tilespmem:$0x10] =	vst v21  }
0x194: {  	v26 =	vld [tilespmem:$0x80];
	v25 =	vadd.s32 $0x1, v3;
	[tilespmem:$0x20] =	vst v23  }
0x195: {  	v28 =	vld [tilespmem:$0x90];
	v27 =	vadd.s32 $0x1, v4;
	[tilespmem:$0x30] =	vst v25  }
0x196: {  	v30 =	vld [tilespmem:$0xA0];
	v29 =	vadd.s32 $0x1, v5;
	[tilespmem:$0x40] =	vst v27  }
0x197: {  	v32 =	vld [tilespmem:$0xB0];
	v31 =	vadd.s32 $0x1, v22;
	[tilespmem:$0x50] =	vst v29  }
0x198: {  	v34 =	vld [tilespmem:$0xC0];
	v33 =	vadd.s32 $0x1, v24;
	[tilespmem:$0x60] =	vst v31  }
0x199: {  	v36 =	vld [tilespmem:$0xD0];
	v35 =	vadd.s32 $0x1, v26;
	[tilespmem:$0x70] =	vst v33  }
0x19a: {  	v38 =	vld [tilespmem:$0xE0];
	v37 =	vadd.s32 $0x1, v28;
	[tilespmem:$0x80] =	vst v35  }
0x19b: {  	v40 =	vld [tilespmem:$0xF0];
	v39 =	vadd.s32 $0x1, v30;
	[tilespmem:$0x90] =	vst v37  }
0x19c: {  	v42 =	vld [tilespmem:$0x100];
	v41 =	vadd.s32 $0x1, v32;
	[tilespmem:$0xA0] =	vst v39  }
0x19d: {  	v44 =	vld [tilespmem:$0x110];
	v43 =	vadd.s32 $0x1, v34;
	[tilespmem:$0xB0] =	vst v41  }
0x19e: {  	v46 =	vld [tilespmem:$0x120];
	v45 =	vadd.s32 $0x1, v36;
	[tilespmem:$0xC0] =	vst v43  }
0x19f: {  	v48 =	vld [tilespmem:$0x130];
	v47 =	vadd.s32 $0x1, v38;
	[tilespmem:$0xD0] =	vst v45  }
0x1a0: {  	v50 =	vld [tilespmem:$0x140];
	v49 =	vadd.s32 $0x1, v40;
	[tilespmem:$0xE0] =	vst v47  }
0x1a1: {  	v52 =	vld [tilespmem:$0x150];
	v51 =	vadd.s32 $0x1, v42;
	[tilespmem:$0xF0] =	vst v49  }
0x1a2: {  	v54 =	vld [tilespmem:$0x160];
	v53 =	vadd.s32 $0x1, v44;
	[tilespmem:$0x100] =	vst v51  }
0x1a3: {  	v56 =	vld [tilespmem:$0x170];
	v55 =	vadd.s32 $0x1, v46;
	[tilespmem:$0x110] =	vst v53  }
0x1a4: {  	v58 =	vld [tilespmem:$0x180];
	v57 =	vadd.s32 $0x1, v48;
	[tilespmem:$0x120] =	vst v55  }
0x1a5: {  	v59 =	vadd.s32 $0x1, v50;
	[tilespmem:$0x130] =	vst v57  }
0x1a6: {  	v60 =	vadd.s32 $0x1, v52;
	[tilespmem:$0x140] =	vst v59  }
0x1a7: {  	v61 =	vadd.s32 $0x1, v54;
	[tilespmem:$0x150] =	vst v60  }
0x1a8: {  	v62 =	vadd.s32 $0x1, v56;
	[tilespmem:$0x160] =	vst v61  }
0x1a9: {  	v63 =	vadd.s32 $0x1, v58;
	[tilespmem:$0x170] =	vst v62  }
0x1aa: {  	[tilespmem:$0x180] =	vst v63  }
.LBB2_49:
0x1ab: {  	[tilespmem:s15], [sflag:$0x1] =	stream.indirect.gather [hbm4b:s4+s14], $0x40, s3, s14, $0xb8;
	[tilespmem:$0x17160] =	vst v63  }
.LBB2_50:
.Ltmp39:
0x1ac: {  	(pc) =	sbr.rel .LBB2_51-.Ltmp39, $4  }
0x1ad: {  	_ =	swait.ge [sflag:s20], $0x6400  }
0x1ae: {  	[sflag:s20] =	ssyncset.done $0x0  }
0x1af: {  	[sflag:s20] =	ssyncadd.s32 $0xFFFF9C00  }
0x1b0: {  	[spmem:s1] =	stream.indirect.scatter.add.f32 [tilespmem:s19], [sflag:$0x2], $0x40, s23, s14, $0xb8;
	[tilespmem:$0x17160] =	vst v63  }
.LBB2_31:
.Ltmp40:
0x1b1: {  	(pc) =	sbr.rel .LBB2_52-.Ltmp40, $4  }
0x1b2: {  	_ =	swait.ge [sflag:s20], $0x6400  }
0x1b3: {  	[sflag:s20] =	ssyncset.done $0x0  }
0x1b4: {  	[sflag:s20] =	ssyncadd.s32 $0xFFFF9C00  }
0x1b5: {  	[spmem:s1] =	stream.indirect.scatter.add.f32 [tilespmem:s15], [sflag:$0x2], $0x40, s23, s14, $0xb8;
	[tilespmem:$0x17160] =	vst v63  }
.LBB2_24:
.Ltmp41:
0x1b6: {  	(pc) =	sbr.rel .LBB2_52-.Ltmp41, $4  }
0x1b7: {  	_ =	swait.ge [sflag:s20], $0x6400  }
0x1b8: {  	[sflag:s20] =	ssyncset.done $0x0  }
0x1b9: {  	[sflag:s20] =	ssyncadd.s32 $0xFFFF9C00  }
0x1ba: {  	[spmem:s1] =	stream.indirect.scatter.add.f32 [tilespmem:s19], [sflag:$0x2], $0x40, s22, s14, $0xb8;
	[tilespmem:$0x17160] =	vst v63  }
.LBB2_53:
0x1bb: {  	_ =	sfence.sel $0x180000  }
0x1bc: {  	[bflag:$0x0] =	sbarrier.arrive $0xFFFF  }
0x1bd: {  	p0 =	sne.s32 s2, $0x0;
	_ =	strace $0x9000004A  }
0x1be: {  	s0 =	sadd.s32 @!p0 $0x100000, s0;
	[bflag:$0x2] =	sbarrier.arrive $0xFFFF  }
0x1bf: {  	[sflag:s0] =	ssyncadd.tile.s32 @!p0 $0x1;
	_ =	shalt  }
.Lfunc_end2:
_tile_overlayer_lowered:
.L_overlay_start_2:
0x1c0: {  	(tag) =	ssettag $0x2  }
0x1c1: {  	s0 =	rddreg [dreg:$0x0];
	s2 =	stileid.u32  }
0x1c2: {  	s1 =	rddreg [dreg:$0x1];
	p0 =	sne.s32 s2, $0x0  }
0x1c3: {  	s3 =	rddreg [dreg:$0x2];
	[bflag:$0x3] =	sbarrier.arrive $0xFFFF;
	s2 =	simm.s32 @!p0 $0x1C04  }
0x1c4: {  	[timem:s3], [sflag:s2] =	dma.local @!p0 [hbm:s0], s1  }
0x1c5: {  	s0 =	simm.s32 @!p0 $0x4  }
0x1c6: {  	_ =	swait.ge @!p0 [sflag:s0], s1  }
0x1c7: {  	s1 =	ssub.s32 @!p0 $0x0, s1;
	[sflag:s0] =	ssyncset.done @!p0 $0x0  }
0x1c8: {  	[sflag:s0] =	ssyncadd.s32 @!p0 s1  }
0x1c9: {  	[bflag:$0x3] =	sbarrier.arrive $0xFFFF  }
0x1ca: {  	_ =	shalt  }

// kernel: kernel.16.cloned.1.call-start
scs
__scs_entry_jumppad:
0x0: {  	(pc) =	sbr.rel $0x88, $3  }
0x1: {  	(tag) =	ssettag $0x0;
	lr =	simm.s32 $0x1  }
0x2: {  	[smem:$0x3F95] =	sst lr;
	_ =	strace $0xD0000000  }
0x3: {  	_ = 	snop  }
0x4: {  	_ = 	snop  }
0x5: {  	_ = 	snop  }
0x6: {  	_ = 	snop  }
0x7: {  	_ = 	snop  }
__scs_overlays_trampoline_lowered:
0x8: {  	[smem:$0x3FA4] =	sst s0  }
0x9: {  	[smem:$0x3FA5] =	sst s1  }
0xa: {  	[smem:$0x3FA6] =	sst s2  }
0xb: {  	[smem:$0x3FA7] =	sst s3  }
0xc: {  	[smem:$0x3FA8] =	sst s4  }
0xd: {  	[smem:$0x3FA9] =	sst s5  }
0xe: {  	[smem:$0x3FAA] =	sst s6  }
0xf: {  	[smem:$0x3FAB] =	sst s7  }
0x10: {  	[smem:$0x3FAC] =	sst s8  }
0x11: {  	[smem:$0x3FAD] =	sst s9;
	s0 =	simm.s32 @!p0 $0x0  }
0x12: {  	s1 =	sld [smem:$0x3F93];
	s0 =	simm.s32 @p0 $0x1  }
0x13: {  	[smem:$0x3FAE] =	sst s0;
	s0 =	simm.s32 @!p1 $0x0  }
0x14: {  	s2 =	sld [smem:$0x3F92];
	s0 =	simm.s32 @p1 $0x1  }
0x15: {  	[smem:$0x3FAF] =	sst s0;
	s0 =	simm.s32 @!p2 $0x0  }
0x16: {  	s3 =	sld [smem:$0x3FDB];
	s0 =	simm.s32 @p2 $0x1  }
0x17: {  	s4 =	simm.s32 $0x1BF5;
	[smem:$0x3FB1] =	sst s0  }
0x18: {  	s0 =	sld [smem:$0x3F94];
	_ =	swait.ge [sflag:s4], $0x0  }
0x19: {  	s7 =	sld [smem:$0x3F95]  }
0x1a: {  	s8 =	sadd.s32 $0xFFFFE003, lr  }
0x1b: {  	s9 =	sadd.s32 $0xFFFFFEF7, lr;
	s5 =	simm.s32 $0xFFFFFFFF;
	p2 =	slt.u32 s8, $0xFFFFF086  }
0x1c: {  	p1 =	slt.u32 s9, $0xF7A;
	s5 =	simm.s32 @!p2 $0x0  }
0x1d: {  	s5 =	simm.s32 @p1 $0x1;
	p0 =	seq.s32 s7, s2  }
0x1e: {  	s7 =	smul.u32 @!p0 $0xF7A, s2;
	p2 =	seq.s32 @!p0 s5, $0x0  }
0x1f: {  	s9 =	smul.u32 $0xF7A, s1;
	s8 =	simm.s32 @!p0 $0x1BF5;
	p2 =	por !p2, p0  }
0x20: {  	[sflag:s8] =	ssyncset.s32 @!p0 $0xFFFFF086;
	s6 =	sadd.s32 @!p0 s3, s7;
	s7 =	simm.s32 @!p0 $0x108  }
0x21: {  	s3 =	sadd.s32 s3, s9;
	s6 =	sadd.s32 @!p0 $0x88, s6;
	s7 =	simm.s32 @p2 $0x1082  }
0x22: {  	[simem:s7], [sflag:s8] =	dma.local @!p0 [hbm:s6], $0xF7A  }
0x23: {  	s9 =	sor.u32 $0xD0000000, s2;
	s6 =	simm.s32 $0x108;
	_ =	swait.ge @!p0 [sflag:s8], $0x0  }
0x24: {  	s3 =	sadd.s32 $0x88, s3;
	s6 =	simm.s32 @!p1 $0x1082;
	[sflag:s4] =	ssyncset.s32 $0xFFFFF086  }
0x25: {  	[simem:s6], [sflag:s4] =	dma.local [hbm:s3], $0xF7A  }
0x26: {  	[smem:$0x3F95] =	sst s1;
	(tag) =	ssettag s2;
	_ =	strace s9  }
0x27: {  	s1 =	sld [smem:$0x3FA5]  }
0x28: {  	s2 =	sld [smem:$0x3FA6]  }
0x29: {  	s4 =	sld [smem:$0x3FA8]  }
0x2a: {  	p0 =	seq.s32 s5, $0x0;
	s5 =	sld [smem:$0x3FA9]  }
0x2b: {  	s6 =	sld [smem:$0x3FAA]  }
0x2c: {  	s7 =	sld [smem:$0x3FAB]  }
0x2d: {  	s3 =	simm.s32 $0x108;
	s8 =	sld [smem:$0x3FAC]  }
0x2e: {  	s3 =	simm.s32 @!p0 $0x1082;
	s9 =	sld [smem:$0x3FAD]  }
0x2f: {  	lr =	sadd.s32 s0, s3;
	s0 =	sld [smem:$0x3FA4]  }
0x30: {  	s3 =	sld [smem:$0x3FA7]  }
0x31: {  	[smem:$0x3FB0] =	sst s10  }
0x32: {  	s10 =	sld [smem:$0x3FAE];
	_ =	sdelay $0x3  }
0x33: {  	p0 =	seq.s32 s10, $0x1;
	s10 =	sld [smem:$0x3FB0];
	_ =	sdelay $0x3  }
0x34: {  	[smem:$0x3FB0] =	sst s10  }
0x35: {  	s10 =	sld [smem:$0x3FAF];
	_ =	sdelay $0x3  }
0x36: {  	p1 =	seq.s32 s10, $0x1;
	s10 =	sld [smem:$0x3FB0];
	_ =	sdelay $0x3  }
0x37: {  	[smem:$0x3FB0] =	sst s10  }
0x38: {  	s10 =	sld [smem:$0x3FB1]  }
0x39: {  	_ = 	snop;
	(pc) =	sbr.ind lr, $3  }
0x3a: {  	_ = 	snop  }
0x3b: {  	_ = 	snop  }
0x3c: {  	p2 =	seq.s32 s10, $0x1;
	s10 =	sld [smem:$0x3FB0]  }
0x3d: {  	_ =	shalt  }
0x3e: {  	_ =	shalt  }
0x3f: {  	_ =	shalt  }
0x40: {  	_ =	shalt  }
0x41: {  	_ =	shalt  }
0x42: {  	_ =	shalt  }
0x43: {  	_ =	shalt  }
0x44: {  	_ =	shalt  }
0x45: {  	_ =	shalt  }
0x46: {  	_ =	shalt  }
0x47: {  	_ =	shalt  }
0x48: {  	_ =	shalt  }
0x49: {  	_ =	shalt  }
0x4a: {  	_ =	shalt  }
0x4b: {  	_ =	shalt  }
0x4c: {  	_ =	shalt  }
0x4d: {  	_ =	shalt  }
0x4e: {  	_ =	shalt  }
0x4f: {  	_ =	shalt  }
0x50: {  	_ =	shalt  }
0x51: {  	_ =	shalt  }
0x52: {  	_ =	shalt  }
0x53: {  	_ =	shalt  }
0x54: {  	_ =	shalt  }
0x55: {  	_ =	shalt  }
0x56: {  	_ =	shalt  }
0x57: {  	_ =	shalt  }
0x58: {  	_ =	shalt  }
0x59: {  	_ =	shalt  }
0x5a: {  	_ =	shalt  }
0x5b: {  	_ =	shalt  }
0x5c: {  	_ =	shalt  }
0x5d: {  	_ =	shalt  }
0x5e: {  	_ =	shalt  }
0x5f: {  	_ =	shalt  }
0x60: {  	_ =	shalt  }
0x61: {  	_ =	shalt  }
0x62: {  	_ =	shalt  }
0x63: {  	_ =	shalt  }
0x64: {  	_ =	shalt  }
0x65: {  	_ =	shalt  }
0x66: {  	_ =	shalt  }
0x67: {  	_ =	shalt  }
0x68: {  	_ =	shalt  }
0x69: {  	_ =	shalt  }
0x6a: {  	_ =	shalt  }
0x6b: {  	_ =	shalt  }
0x6c: {  	_ =	shalt  }
0x6d: {  	_ =	shalt  }
0x6e: {  	_ =	shalt  }
0x6f: {  	_ =	shalt  }
0x70: {  	_ =	shalt  }
0x71: {  	_ =	shalt  }
0x72: {  	_ =	shalt  }
0x73: {  	_ =	shalt  }
0x74: {  	_ =	shalt  }
0x75: {  	_ =	shalt  }
0x76: {  	_ =	shalt  }
0x77: {  	_ =	shalt  }
0x78: {  	_ =	shalt  }
0x79: {  	_ =	shalt  }
0x7a: {  	_ =	shalt  }
0x7b: {  	_ =	shalt  }
0x7c: {  	_ =	shalt  }
0x7d: {  	_ =	shalt  }
0x7e: {  	_ =	shalt  }
0x7f: {  	_ =	shalt  }
0x80: {  	_ =	shalt  }
0x81: {  	_ =	shalt  }
0x82: {  	_ =	shalt  }
0x83: {  	_ =	shalt  }
0x84: {  	_ =	shalt  }
0x85: {  	_ =	shalt  }
0x86: {  	_ =	shalt  }
0x87: {  	_ =	shalt  }
.Lfunc_end0:
.L_simem_size_0:
called_computation.2_lowered:
.L_overlay_start_0:
0x88: {  	s2 =	sld [smem:$0x3FD9]  }
0x89: {  	s3 =	sld [smem:$0x3FFE];
	_ =	sdelay $0x1  }
0x8a: {  	s1 =	srdreg.scid  }
0x8b: {  	s0 =	sand.u32 $0x1, s1  }
0x8c: {  	s17 =	sshll.u32 s0, $0xA;
	s2 =	sadd.s32 s3, s2  }
0x8d: {  	s2 =	sadd.s32 s2, s17  }
0x8e: {  	[smem:$0x3FBC] =	sst s2  }
0x8f: {  	_ = 	snop  }
0x90: {  	s2 =	sld [smem:$0x3FD0];
	(tm) =	ssettm $0x1  }
0x91: {  	s18 =	sld [smem:$0x3FFB];
	_ =	sdelay $0x3  }
0x92: {  	_ =	strace s18  }
0x93: {  	s3 =	sld [smem:$0x3FFC];
	_ =	sdelay $0x3  }
0x94: {  	_ =	strace s3  }
0x95: {  	s3 =	sld [smem:$0x3FFD];
	_ =	sdelay $0x3  }
0x96: {  	_ =	strace s3  }
0x97: {  	_ =	strace $0x8FFFFFFF  }
0x98: {  	s19 =	sld [smem:$0x3FDB];
	_ =	sdelay $0x1  }
0x99: {  	s4 =	simm.s32 $_scs_section_size  }
0x9a: {  	s5 =	simm.s32 $_size__tile_overlayer_lowered;
	s6 =	simm.s32 $_tile_overlayer_lowered  }
0x9b: {  	s22 =	simm.s32 $0x1BFF;
	s21 =	sshll.u32 s6, $0x1;
	s3 =	sadd.s32 s4, s19  }
0x9c: {  	s7 =	simm.s32 $0x0;
	s20 =	sshll.u32 s5, $0x1;
	s5 =	sadd.s32 s21, s3  }
0x9d: {  	[timem:s7], [sflag:s22] =	dma.local [hbm:s5], s20  }
0x9e: {  	_ =	swait.ge [sflag:s22], s20  }
0x9f: {  	s4 =	ssub.s32 $0x0, s20;
	[sflag:s22] =	ssyncset.done $0x0  }
0xa0: {  	[sflag:s22] =	ssyncadd.s32 s4;
	_ =	sdelay $0x1  }
0xa1: {  	s23 =	simm.s32 $0x1B8B  }
0xa2: {  	_ =	swait.ge [sflag:s23], $0x1  }
0xa3: {  	[sflag:s23] =	ssyncset.done $0x0  }
0xa4: {  	s25 =	simm.s32 $0x1B8E;
	s24 =	sld [smem:$0x3FFE];
	[sflag:s23] =	ssyncadd.s32 $0xFFFFFFFF  }
0xa5: {  	s26 =	simm.s32 $execute0_lowered;
	[smem:$0x3FD2] =	sst s25  }
0xa6: {  	s5 =	sshll.u32 s26, $0x1;
	_ =	strace $0x8000004C;
	[dreg:$0x1] =	wrdreg $0xFFFFFFFF  }
0xa7: {  	s28 =	simm.s32 $_size_execute0_lowered;
	s3 =	sadd.s32 s3, s5;
	[dreg:$0x0] =	wrdreg $0x0  }
0xa8: {  	s5 =	sshll.u32 s28, $0x1;
	[dreg:$0x2] =	wrdreg s3  }
0xa9: {  	[dreg:$0x3] =	wrdreg s5  }
0xaa: {  	[dreg:$0x4] =	wrdreg $0xC0  }
0xab: {  	_ =	task [dreg:s7], $0x5FFFF  }
0xac: {  	[dreg:$0x1] =	wrdreg $0xFFFFFFFF  }
0xad: {  	[dreg:$0x0] =	wrdreg $0x60  }
0xae: {  	[dreg:$0x2] =	wrdreg s24  }
0xaf: {  	[dreg:$0x3] =	wrdreg s2  }
0xb0: {  	[dreg:$0x4] =	wrdreg $0xD1600  }
0xb1: {  	[dreg:$0x5] =	wrdreg $0x9  }
0xb2: {  	_ =	task.clear_ibuf [dreg:s7], $0x6FFFF;
	_ =	strace $0x9000004C  }
0xb3: {  	s29 =	simm.s32 $0x9;
	_ =	strace $0x8000004E  }
0xb4: {  	_ =	swait.ge [sflag:s29], $0x1  }
0xb5: {  	[sflag:s29] =	ssyncadd.s32 $0xFFFFFFFF  }
0xb6: {  	_ =	strace $0x9000004E  }
0xb7: {  	_ =	sfence  }
0xb8: {  	s30 =	sld [smem:$0x0];
	_ =	sdelay $0x2  }
0xb9: {  	s31 =	sshll.u32 s1, $0xD;
	s1 =	sshrl.u32 s1, $0x2  }
0xba: {  	s3 =	sand.u32 $0x4000, s31;
	s1 =	sadd.s32 s1, s30  }
0xbb: {  	s0 =	sor.u32 s3, s0;
	s1 =	sshll.u32 s1, $0x11  }
0xbc: {  	s0 =	sor.u32 s1, s0  }
0xbd: {  	s0 =	sadd.s32 $0x8F2B, s0  }
0xbe: {  	[sflag:s0] =	ssyncadd.remote.s32 $0x1  }
0xbf: {  	_ =	sfence.sel $0xFFFF  }
0xc0: {  	[dreg:$0x0] =	wrdreg $0xFFFFFFFF;
	(pc) =	sbr.abs _section_cstart, $3  }
0xc1: {  	[dreg:$0x1] =	wrdreg $0xFFFFFFFF  }
0xc2: {  	_ =	task.clear_ibuf [dreg:s7], $0x2FFFF;
	_ =	strace $0x9FFFFFFF  }
0xc3: {  	(tm) =	ssettm $0x7FFFFFFF  }
tec
execute0_lowered:
.L_overlay_start_1:
0x0: {  	(tag) =	ssettag $0x1  }
0x1: {  	s6 =	rddreg [dreg:$0x0]  }
0x2: {  	s10 =	rddreg [dreg:$0x1]  }
0x3: {  	s1 =	rddreg [dreg:$0x2]  }
0x4: {  	s0 =	rddreg [dreg:$0x3];
	s3 =	simm.s32 $0x0;
	s4 =	srdreg.scid  }
0x5: {  	s2 =	stileid.u32;
	s16 =	simm.s32 $0x320;
	s17 =	simm.s32 $0x640  }
0x6: {  	s18 =	simm.s32 $0x3;
	s19 =	simm.s32 $0x6D60;
	s20 =	simm.s32 $0x1  }
0x7: {  	s21 =	simm.s32 $0x2;
	s22 =	simm.s32 $0x4B0;
	s23 =	simm.s32 $0x7D0  }
0x8: {  	s24 =	simm.s32 $0x10;
	s25 =	simm.s32 $0x8;
	s7 =	smul.u32 $0x14000, s2  }
0x9: {  	[smem:$0x7FF] =	sst s3;
	s12 =	sand.u32 $0x1, s4;
	s9 =	smul.u32 $0x28000, s2  }
0xa: {  	s4 =	sadd.s32 $0x40600, s6;
	s5 =	sadd.s32 $0x3A00, s6;
	s13 =	smul.u32 $0x9C40, s2  }
0xb: {  	s29 =	sshll.u32 s2, $0x6;
	s31 =	smul.u32 $0x1388, s2;
	_ =	strace $0x8000004D  }
0xc: {  	s8 =	sshll.u32 s12, $0x6;
	s26 =	ssub.s32 $0x2, s12;
	p0 =	seq.s32 s12, $0x0  }
0xd: {  	s7 =	sor.u32 s8, s7;
	s11 =	sshrl.u32 s26, $0x1;
	s28 =	sshrl.u32 s9, $0x2  }
0xe: {  	s30 =	sshrl.u32 s13, $0x3;
	s13 =	sadd.s32 s31, s10;
	s7 =	sshrl.u32 s7, $0x3  }
.Ltmp0:
0xf: {  	s11 =	ssub.s32 s26, s11;
	s15 =	sadd.s32 s28, s1;
	(pc) =	sbr.rel .LBB2_1-.Ltmp0, $4  }
0x10: {  	s26 =	simm.s32 $0x0;
	s14 =	sadd.s32 s7, s6;
	s6 =	sor.u32 $0x1C04, s29  }
0x11: {  	s7 =	sadd.s32 s10, s30;
	s10 =	smax.u32 s11, $0x1;
	s11 =	sadd.s32 $0xC8, s13  }
0x12: {  	s12 =	sshrl.u32 s15, $0x3;
	s13 =	simm.s32 $0x4;
	s15 =	simm.s32 $0x960  }
0x13: {  	s8 =	sadd.s32 $0x64, s7;
	s9 =	sadd.s32 $0x67800, s14;
	s14 =	simm.s32 $0x190  }
.LBB2_38:
0x14: {  	_ =	swait.ge [sflag:s20], $0x6400  }
0x15: {  	[sflag:s20] =	ssyncset.done $0x0  }
0x16: {  	[sflag:s20] =	ssyncadd.s32 $0xFFFF9C00  }
0x17: {  	[spmem:s1] =	stream.indirect.scatter.add.f32 [tilespmem:s19], [sflag:$0x2], $0x40, s14, s14, $0xb8;
	[tilespmem:$0x17160] =	vst v63  }
.LBB2_52:
0x18: {  	_ =	swait.ge [sflag:s21], $0x6400  }
0x19: {  	s26 =	sadd.s32 $0x1, s26;
	[sflag:s21] =	ssyncset.done $0x0  }
0x1a: {  	p1 =	sne.s32 s26, s10;
	[sflag:s21] =	ssyncadd.s32 $0xFFFF9C00  }
.Ltmp1:
0x1b: {  	[bflag:$0x0] =	sbarrier.arrive $0xFFFF;
	(pc) =	sbr.rel @!p1 .LBB2_53-.Ltmp1, $4  }
0x1c: {  	[hbm:s9@s24], [sflag:s6] =	dma.strided [spmem:s12@s25], $0x1400, s20, $0x8   }
0x1d: {  	_ =	swait.ge [sflag:s13], $0x1400  }
0x1e: {  	[sflag:s13] =	ssyncset.done $0x0  }
0x1f: {  	[sflag:s13] =	ssyncadd.s32 $0xFFFFEC00  }
.LBB2_1:
0x20: {  	[spmem:s12], [sflag:s6] =	dma.local [hbm:s5], $0x1400  }
0x21: {  	_ =	swait.ge [sflag:s13], $0x1400  }
0x22: {  	[sflag:s13] =	ssyncset.done $0x0  }
.Ltmp2:
0x23: {  	[sflag:s13] =	ssyncadd.s32 $0xFFFFEC00;
	(pc) =	sbr.rel @p0 .LBB2_3-.Ltmp2, $4  }
0x24: {  	[tilespmem:s3], [sflag:$0x4] =	stream.linear.gather [hbm4b:s7+s3], $0x320, $0x38;
	[tilespmem:$0x17160] =	vst v63  }
0x25: {  	_ =	swait.ge [sflag:s13], $0x320  }
0x26: {  	[sflag:s13] =	ssyncset.done $0x0  }
0x27: {  	[sflag:s13] =	ssyncadd.s32 $0xFFFFFCE0  }
0x28: {  	v0 =	vld [tilespmem:$0x0]  }
0x29: {  	v1 =	vld [tilespmem:$0x10]  }
0x2a: {  	v2 =	vld [tilespmem:$0x20]  }
0x2b: {  	v3 =	vld [tilespmem:$0x30]  }
0x2c: {  	v4 =	vld [tilespmem:$0x40]  }
0x2d: {  	v5 =	vld [tilespmem:$0x50];
	v0 =	vadd.s32 $0x1, v0  }
0x2e: {  	v22 =	vld [tilespmem:$0x60];
	v21 =	vadd.s32 $0x1, v1;
	[tilespmem:$0x0] =	vst v0  }
0x2f: {  	v24 =	vld [tilespmem:$0x70];
	v23 =	vadd.s32 $0x1, v2;
	[tilespmem:$0x10] =	vst v21  }
0x30: {  	v26 =	vld [tilespmem:$0x80];
	v25 =	vadd.s32 $0x1, v3;
	[tilespmem:$0x20] =	vst v23  }
0x31: {  	v28 =	vld [tilespmem:$0x90];
	v27 =	vadd.s32 $0x1, v4;
	[tilespmem:$0x30] =	vst v25  }
0x32: {  	v30 =	vld [tilespmem:$0xA0];
	v29 =	vadd.s32 $0x1, v5;
	[tilespmem:$0x40] =	vst v27  }
0x33: {  	v32 =	vld [tilespmem:$0xB0];
	v31 =	vadd.s32 $0x1, v22;
	[tilespmem:$0x50] =	vst v29  }
0x34: {  	v34 =	vld [tilespmem:$0xC0];
	v33 =	vadd.s32 $0x1, v24;
	[tilespmem:$0x60] =	vst v31  }
0x35: {  	v36 =	vld [tilespmem:$0xD0];
	v35 =	vadd.s32 $0x1, v26;
	[tilespmem:$0x70] =	vst v33  }
0x36: {  	v38 =	vld [tilespmem:$0xE0];
	v37 =	vadd.s32 $0x1, v28;
	[tilespmem:$0x80] =	vst v35  }
0x37: {  	v40 =	vld [tilespmem:$0xF0];
	v39 =	vadd.s32 $0x1, v30;
	[tilespmem:$0x90] =	vst v37  }
0x38: {  	v42 =	vld [tilespmem:$0x100];
	v41 =	vadd.s32 $0x1, v32;
	[tilespmem:$0xA0] =	vst v39  }
0x39: {  	v44 =	vld [tilespmem:$0x110];
	v43 =	vadd.s32 $0x1, v34;
	[tilespmem:$0xB0] =	vst v41  }
0x3a: {  	v46 =	vld [tilespmem:$0x120];
	v45 =	vadd.s32 $0x1, v36;
	[tilespmem:$0xC0] =	vst v43  }
0x3b: {  	v48 =	vld [tilespmem:$0x130];
	v47 =	vadd.s32 $0x1, v38;
	[tilespmem:$0xD0] =	vst v45  }
0x3c: {  	v50 =	vld [tilespmem:$0x140];
	v49 =	vadd.s32 $0x1, v40;
	[tilespmem:$0xE0] =	vst v47  }
0x3d: {  	v52 =	vld [tilespmem:$0x150];
	v51 =	vadd.s32 $0x1, v42;
	[tilespmem:$0xF0] =	vst v49  }
0x3e: {  	v54 =	vld [tilespmem:$0x160];
	v53 =	vadd.s32 $0x1, v44;
	[tilespmem:$0x100] =	vst v51  }
0x3f: {  	v56 =	vld [tilespmem:$0x170];
	v55 =	vadd.s32 $0x1, v46;
	[tilespmem:$0x110] =	vst v53  }
0x40: {  	v58 =	vld [tilespmem:$0x180];
	v57 =	vadd.s32 $0x1, v48;
	[tilespmem:$0x120] =	vst v55  }
0x41: {  	v59 =	vadd.s32 $0x1, v50;
	[tilespmem:$0x130] =	vst v57  }
0x42: {  	v60 =	vadd.s32 $0x1, v52;
	[tilespmem:$0x140] =	vst v59  }
0x43: {  	v61 =	vadd.s32 $0x1, v54;
	[tilespmem:$0x150] =	vst v60  }
0x44: {  	v62 =	vadd.s32 $0x1, v56;
	[tilespmem:$0x160] =	vst v61  }
0x45: {  	v63 =	vadd.s32 $0x1, v58;
	[tilespmem:$0x170] =	vst v62  }
0x46: {  	[tilespmem:$0x180] =	vst v63  }
.LBB2_3:
0x47: {  	s28 =	simm.s32 $0x0  }
0x48: {  	[tilespmem:s15], [sflag:$0x1] =	stream.indirect.gather [hbm4b:s4+s14], $0x40, s28, s14, $0xb8;
	[tilespmem:$0x17160] =	vst v63  }
.Ltmp3:
0x49: {  	_ = 	snop;
	(pc) =	sbr.rel .LBB2_4-.Ltmp3, $4  }
0x4a: {  	_ = 	snop  }
0x4b: {  	[tilespmem:s16], [sflag:$0x3] =	stream.linear.gather [hbm4b:s8+s28], $0x320, $0x38;
	[tilespmem:$0x17160] =	vst v63  }
0x4c: {  	[bflag:$0x0] =	sbarrier.arrive $0xFFFF  }
0x4d: {  	s29 =	smov.u32 s11  }
.LBB2_36:
0x4e: {  	[tilespmem:s15], [sflag:$0x1] =	stream.indirect.gather [hbm4b:s4+s14], $0x40, s16, s14, $0xb8;
	[tilespmem:$0x17160] =	vst v63  }
0x4f: {  	_ =	swait.ge [sflag:s20], $0x6400  }
0x50: {  	[sflag:s20] =	ssyncset.done $0x0  }
0x51: {  	[sflag:s20] =	ssyncadd.s32 $0xFFFF9C00  }
0x52: {  	[spmem:s1] =	stream.indirect.scatter.add.f32 [tilespmem:s19], [sflag:$0x2], $0x40, s14, s14, $0xb8;
	[tilespmem:$0x17160] =	vst v63  }
.LBB2_51:
0x53: {  	s28 =	sadd.s32 $0x1, s28  }
0x54: {  	p1 =	sne.s32 s28, $0x32  }
.Ltmp4:
0x55: {  	_ = 	snop;
	(pc) =	sbr.rel @!p1 .LBB2_52-.Ltmp4, $2  }
0x56: {  	_ =	sdelay $0x2  }
0x57: {  	s29 =	sadd.s32 $0x64, s29  }
.LBB2_4:
0x58: {  	s30 =	smul.u32 $0xAB, s28;
	_ =	sdelay $0x1  }
0x59: {  	s30 =	sshrl.u32 s30, $0xA  }
0x5a: {  	s30 =	sand.u32 $0x3F, s30  }
0x5b: {  	s30 =	smul.u32 $0x6, s30;
	_ =	sdelay $0x1  }
0x5c: {  	s30 =	ssub.s32 s28, s30  }
0x5d: {  	s30 =	sand.u32 $0xFF, s30  }
0x5e: {  	p1 =	sgt.s32 s30, $0x2  }
.Ltmp5:
0x5f: {  	_ = 	snop;
	(pc) =	sbr.rel @p1 .LBB2_12-.Ltmp5, $1  }
0x60: {  	_ =	sdelay $0x3  }
0x61: {  	p1 =	seq.s32 s30, $0x0  }
.Ltmp6:
0x62: {  	_ = 	snop;
	(pc) =	sbr.rel @p1 .LBB2_16-.Ltmp6, $1  }
0x63: {  	_ =	sdelay $0x3  }
0x64: {  	p1 =	seq.s32 s30, $0x1  }
.Ltmp7:
0x65: {  	_ = 	snop;
	(pc) =	sbr.rel @!p1 .LBB2_25-.Ltmp7, $1  }
0x66: {  	_ =	sdelay $0x3  }
0x67: {  	p1 =	sgt.u32 s28, $0x2F  }
.Ltmp8:
0x68: {  	_ = 	snop;
	(pc) =	sbr.rel @p1 .LBB2_23-.Ltmp8, $4  }
0x69: {  	_ = 	snop  }
0x6a: {  	_ =	swait.ge [sflag:s21], $0x6400  }
0x6b: {  	[sflag:s21] =	ssyncset.done $0x0  }
0x6c: {  	[sflag:s21] =	ssyncadd.s32 $0xFFFF9C00  }
.Ltmp9:
0x6d: {  	(pc) =	sbr.rel .LBB2_9-.Ltmp9, $2  }
0x6e: {  	_ =	sdelay $0x2  }
0x6f: {  	[tilespmem:s3], [sflag:$0x3] =	stream.linear.gather [hbm4b:s29+s3], $0x320, $0x38;
	[tilespmem:$0x17160] =	vst v63  }
.LBB2_12:
0x70: {  	p3 =	seq.s32 s30, $0x3  }
.Ltmp10:
0x71: {  	_ = 	snop;
	(pc) =	sbr.rel @p3 .LBB2_32-.Ltmp10, $3  }
0x72: {  	_ =	sdelay $0x1  }
0x73: {  	p1 =	seq.s32 s28, $0x0  }
0x74: {  	p2 =	sgt.u32 @!p1 s28, $0x2F  }
0x75: {  	p3 =	seq.s32 s30, $0x4  }
.Ltmp11:
0x76: {  	_ = 	snop;
	(pc) =	sbr.rel @!p3 .LBB2_44-.Ltmp11, $1  }
0x77: {  	_ =	sdelay $0x3  }
0x78: {  	p2 =	por p1, !p2  }
.Ltmp12:
0x79: {  	_ = 	snop;
	(pc) =	sbr.rel @!p2 .LBB2_39-.Ltmp12, $4  }
0x7a: {  	s30 =	simm.s32 @!p1 $0x2  }
0x7b: {  	_ =	swait.ge @!p1 [sflag:s30], $0x6400  }
0x7c: {  	[sflag:s30] =	ssyncset.done @!p1 $0x0  }
0x7d: {  	[sflag:s30] =	ssyncadd.s32 @!p1 $0xFFFF9C00  }
.Ltmp13:
0x7e: {  	(pc) =	sbr.rel .LBB2_40-.Ltmp13, $2  }
0x7f: {  	_ =	sdelay $0x2  }
0x80: {  	[tilespmem:s3], [sflag:$0x3] =	stream.linear.gather [hbm4b:s29+s3], $0x320, $0x38;
	[tilespmem:$0x17160] =	vst v63  }
.LBB2_16:
0x81: {  	p1 =	seq.s32 s28, $0x0  }
0x82: {  	p2 =	sgt.u32 @!p1 s28, $0x2F  }
0x83: {  	p2 =	por p1, !p2  }
.Ltmp14:
0x84: {  	_ = 	snop;
	(pc) =	sbr.rel @!p2 .LBB2_18-.Ltmp14, $4  }
0x85: {  	s30 =	simm.s32 @!p1 $0x2  }
0x86: {  	_ =	swait.ge @!p1 [sflag:s30], $0x6400  }
0x87: {  	[sflag:s30] =	ssyncset.done @!p1 $0x0  }
0x88: {  	[sflag:s30] =	ssyncadd.s32 @!p1 $0xFFFF9C00  }
.Ltmp15:
0x89: {  	(pc) =	sbr.rel .LBB2_19-.Ltmp15, $2  }
0x8a: {  	_ =	sdelay $0x2  }
0x8b: {  	[tilespmem:s17], [sflag:$0x3] =	stream.linear.gather [hbm4b:s29+s3], $0x320, $0x38;
	[tilespmem:$0x17160] =	vst v63  }
.LBB2_32:
0x8c: {  	p2 =	por p1, !p2  }
.Ltmp16:
0x8d: {  	_ = 	snop;
	(pc) =	sbr.rel @!p2 .LBB2_37-.Ltmp16, $4  }
0x8e: {  	s30 =	simm.s32 @!p1 $0x2  }
0x8f: {  	_ =	swait.ge @!p1 [sflag:s30], $0x6400  }
0x90: {  	[sflag:s30] =	ssyncset.done @!p1 $0x0  }
0x91: {  	[sflag:s30] =	ssyncadd.s32 @!p1 $0xFFFF9C00  }
.Ltmp17:
0x92: {  	(pc) =	sbr.rel .LBB2_34-.Ltmp17, $2  }
0x93: {  	_ =	sdelay $0x2  }
0x94: {  	[tilespmem:s17], [sflag:$0x3] =	stream.linear.gather [hbm4b:s29+s3], $0x320, $0x38;
	[tilespmem:$0x17160] =	vst v63  }
.LBB2_25:
0x95: {  	p1 =	seq.s32 s28, $0x0  }
0x96: {  	p2 =	sgt.u32 @!p1 s28, $0x2F  }
0x97: {  	p2 =	por p1, !p2  }
.Ltmp18:
0x98: {  	_ = 	snop;
	(pc) =	sbr.rel @!p2 .LBB2_30-.Ltmp18, $4  }
0x99: {  	s30 =	simm.s32 @!p1 $0x2  }
0x9a: {  	_ =	swait.ge @!p1 [sflag:s30], $0x6400  }
0x9b: {  	[sflag:s30] =	ssyncset.done @!p1 $0x0  }
0x9c: {  	[sflag:s30] =	ssyncadd.s32 @!p1 $0xFFFF9C00  }
.Ltmp19:
0x9d: {  	(pc) =	sbr.rel .LBB2_27-.Ltmp19, $2  }
0x9e: {  	_ =	sdelay $0x2  }
0x9f: {  	[tilespmem:s16], [sflag:$0x3] =	stream.linear.gather [hbm4b:s29+s3], $0x320, $0x38;
	[tilespmem:$0x17160] =	vst v63  }
.LBB2_44:
0xa0: {  	p2 =	por p1, !p2  }
.Ltmp20:
0xa1: {  	_ = 	snop;
	(pc) =	sbr.rel @!p2 .LBB2_46-.Ltmp20, $4  }
0xa2: {  	s30 =	simm.s32 @!p1 $0x2  }
0xa3: {  	_ =	swait.ge @!p1 [sflag:s30], $0x6400  }
0xa4: {  	[sflag:s30] =	ssyncset.done @!p1 $0x0  }
0xa5: {  	[sflag:s30] =	ssyncadd.s32 @!p1 $0xFFFF9C00  }
.Ltmp21:
0xa6: {  	(pc) =	sbr.rel .LBB2_47-.Ltmp21, $2  }
0xa7: {  	_ =	sdelay $0x2  }
0xa8: {  	[tilespmem:s16], [sflag:$0x3] =	stream.linear.gather [hbm4b:s29+s3], $0x320, $0x38;
	[tilespmem:$0x17160] =	vst v63  }
.LBB2_18:
0xa9: {  	p1 =	seq.s32 s28, $0x31  }
.Ltmp22:
0xaa: {  	_ = 	snop;
	(pc) =	sbr.rel @p1 .LBB2_22-.Ltmp22, $1  }
0xab: {  	_ =	sdelay $0x3  }
.LBB2_19:
.Ltmp23:
0xac: {  	(pc) =	sbr.rel @p0 .LBB2_21-.Ltmp23, $4  }
0xad: {  	_ = 	snop  }
0xae: {  	_ =	swait.ge [sflag:s18], $0x320  }
0xaf: {  	[sflag:s18] =	ssyncset.done $0x0  }
0xb0: {  	[sflag:s18] =	ssyncadd.s32 $0xFFFFFCE0  }
0xb1: {  	v0 =	vld [tilespmem:$0x320]  }
0xb2: {  	v1 =	vld [tilespmem:$0x330]  }
0xb3: {  	v2 =	vld [tilespmem:$0x340]  }
0xb4: {  	v3 =	vld [tilespmem:$0x350]  }
0xb5: {  	v4 =	vld [tilespmem:$0x360]  }
0xb6: {  	v5 =	vld [tilespmem:$0x370];
	v0 =	vadd.s32 $0x1, v0  }
0xb7: {  	v22 =	vld [tilespmem:$0x380];
	v21 =	vadd.s32 $0x1, v1;
	[tilespmem:$0x320] =	vst v0  }
0xb8: {  	v24 =	vld [tilespmem:$0x390];
	v23 =	vadd.s32 $0x1, v2;
	[tilespmem:$0x330] =	vst v21  }
0xb9: {  	v26 =	vld [tilespmem:$0x3A0];
	v25 =	vadd.s32 $0x1, v3;
	[tilespmem:$0x340] =	vst v23  }
0xba: {  	v28 =	vld [tilespmem:$0x3B0];
	v27 =	vadd.s32 $0x1, v4;
	[tilespmem:$0x350] =	vst v25  }
0xbb: {  	v30 =	vld [tilespmem:$0x3C0];
	v29 =	vadd.s32 $0x1, v5;
	[tilespmem:$0x360] =	vst v27  }
0xbc: {  	v32 =	vld [tilespmem:$0x3D0];
	v31 =	vadd.s32 $0x1, v22;
	[tilespmem:$0x370] =	vst v29  }
0xbd: {  	v34 =	vld [tilespmem:$0x3E0];
	v33 =	vadd.s32 $0x1, v24;
	[tilespmem:$0x380] =	vst v31  }
0xbe: {  	v36 =	vld [tilespmem:$0x3F0];
	v35 =	vadd.s32 $0x1, v26;
	[tilespmem:$0x390] =	vst v33  }
0xbf: {  	v38 =	vld [tilespmem:$0x400];
	v37 =	vadd.s32 $0x1, v28;
	[tilespmem:$0x3A0] =	vst v35  }
0xc0: {  	v40 =	vld [tilespmem:$0x410];
	v39 =	vadd.s32 $0x1, v30;
	[tilespmem:$0x3B0] =	vst v37  }
0xc1: {  	v42 =	vld [tilespmem:$0x420];
	v41 =	vadd.s32 $0x1, v32;
	[tilespmem:$0x3C0] =	vst v39  }
0xc2: {  	v44 =	vld [tilespmem:$0x430];
	v43 =	vadd.s32 $0x1, v34;
	[tilespmem:$0x3D0] =	vst v41  }
0xc3: {  	v46 =	vld [tilespmem:$0x440];
	v45 =	vadd.s32 $0x1, v36;
	[tilespmem:$0x3E0] =	vst v43  }
0xc4: {  	v48 =	vld [tilespmem:$0x450];
	v47 =	vadd.s32 $0x1, v38;
	[tilespmem:$0x3F0] =	vst v45  }
0xc5: {  	v50 =	vld [tilespmem:$0x460];
	v49 =	vadd.s32 $0x1, v40;
	[tilespmem:$0x400] =	vst v47  }
0xc6: {  	v52 =	vld [tilespmem:$0x470];
	v51 =	vadd.s32 $0x1, v42;
	[tilespmem:$0x410] =	vst v49  }
0xc7: {  	v54 =	vld [tilespmem:$0x480];
	v53 =	vadd.s32 $0x1, v44;
	[tilespmem:$0x420] =	vst v51  }
0xc8: {  	v56 =	vld [tilespmem:$0x490];
	v55 =	vadd.s32 $0x1, v46;
	[tilespmem:$0x430] =	vst v53  }
0xc9: {  	v58 =	vld [tilespmem:$0x4A0];
	v57 =	vadd.s32 $0x1, v48;
	[tilespmem:$0x440] =	vst v55  }
0xca: {  	v59 =	vadd.s32 $0x1, v50;
	[tilespmem:$0x450] =	vst v57  }
0xcb: {  	v60 =	vadd.s32 $0x1, v52;
	[tilespmem:$0x460] =	vst v59  }
0xcc: {  	v61 =	vadd.s32 $0x1, v54;
	[tilespmem:$0x470] =	vst v60  }
0xcd: {  	v62 =	vadd.s32 $0x1, v56;
	[tilespmem:$0x480] =	vst v61  }
0xce: {  	v63 =	vadd.s32 $0x1, v58;
	[tilespmem:$0x490] =	vst v62  }
0xcf: {  	[tilespmem:$0x4A0] =	vst v63  }
.LBB2_21:
0xd0: {  	[tilespmem:s19], [sflag:$0x1] =	stream.indirect.gather [hbm4b:s4+s14], $0x40, s16, s14, $0xb8;
	[tilespmem:$0x17160] =	vst v63  }
.LBB2_22:
.Ltmp24:
0xd1: {  	(pc) =	sbr.rel .LBB2_51-.Ltmp24, $4  }
0xd2: {  	_ =	swait.ge [sflag:s20], $0x6400  }
0xd3: {  	[sflag:s20] =	ssyncset.done $0x0  }
0xd4: {  	[sflag:s20] =	ssyncadd.s32 $0xFFFF9C00  }
0xd5: {  	[spmem:s1] =	stream.indirect.scatter.add.f32 [tilespmem:s15], [sflag:$0x2], $0x40, s14, s14, $0xb8;
	[tilespmem:$0x17160] =	vst v63  }
.LBB2_37:
0xd6: {  	p1 =	sne.s32 s28, $0x31  }
.Ltmp25:
0xd7: {  	_ = 	snop;
	(pc) =	sbr.rel @!p1 .LBB2_38-.Ltmp25, $1  }
0xd8: {  	_ =	sdelay $0x3  }
.LBB2_34:
.Ltmp26:
0xd9: {  	(pc) =	sbr.rel @p0 .LBB2_36-.Ltmp26, $4  }
0xda: {  	_ = 	snop  }
0xdb: {  	_ =	swait.ge [sflag:s18], $0x320  }
0xdc: {  	[sflag:s18] =	ssyncset.done $0x0  }
0xdd: {  	[sflag:s18] =	ssyncadd.s32 $0xFFFFFCE0  }
0xde: {  	v0 =	vld [tilespmem:$0x320]  }
0xdf: {  	v1 =	vld [tilespmem:$0x330]  }
0xe0: {  	v2 =	vld [tilespmem:$0x340]  }
0xe1: {  	v3 =	vld [tilespmem:$0x350]  }
0xe2: {  	v4 =	vld [tilespmem:$0x360]  }
0xe3: {  	v5 =	vld [tilespmem:$0x370];
	v0 =	vadd.s32 $0x1, v0  }
0xe4: {  	v22 =	vld [tilespmem:$0x380];
	v21 =	vadd.s32 $0x1, v1;
	[tilespmem:$0x320] =	vst v0  }
0xe5: {  	v24 =	vld [tilespmem:$0x390];
	v23 =	vadd.s32 $0x1, v2;
	[tilespmem:$0x330] =	vst v21  }
0xe6: {  	v26 =	vld [tilespmem:$0x3A0];
	v25 =	vadd.s32 $0x1, v3;
	[tilespmem:$0x340] =	vst v23  }
0xe7: {  	v28 =	vld [tilespmem:$0x3B0];
	v27 =	vadd.s32 $0x1, v4;
	[tilespmem:$0x350] =	vst v25  }
0xe8: {  	v30 =	vld [tilespmem:$0x3C0];
	v29 =	vadd.s32 $0x1, v5;
	[tilespmem:$0x360] =	vst v27  }
0xe9: {  	v32 =	vld [tilespmem:$0x3D0];
	v31 =	vadd.s32 $0x1, v22;
	[tilespmem:$0x370] =	vst v29  }
0xea: {  	v34 =	vld [tilespmem:$0x3E0];
	v33 =	vadd.s32 $0x1, v24;
	[tilespmem:$0x380] =	vst v31  }
0xeb: {  	v36 =	vld [tilespmem:$0x3F0];
	v35 =	vadd.s32 $0x1, v26;
	[tilespmem:$0x390] =	vst v33  }
0xec: {  	v38 =	vld [tilespmem:$0x400];
	v37 =	vadd.s32 $0x1, v28;
	[tilespmem:$0x3A0] =	vst v35  }
0xed: {  	v40 =	vld [tilespmem:$0x410];
	v39 =	vadd.s32 $0x1, v30;
	[tilespmem:$0x3B0] =	vst v37  }
0xee: {  	v42 =	vld [tilespmem:$0x420];
	v41 =	vadd.s32 $0x1, v32;
	[tilespmem:$0x3C0] =	vst v39  }
0xef: {  	v44 =	vld [tilespmem:$0x430];
	v43 =	vadd.s32 $0x1, v34;
	[tilespmem:$0x3D0] =	vst v41  }
0xf0: {  	v46 =	vld [tilespmem:$0x440];
	v45 =	vadd.s32 $0x1, v36;
	[tilespmem:$0x3E0] =	vst v43  }
0xf1: {  	v48 =	vld [tilespmem:$0x450];
	v47 =	vadd.s32 $0x1, v38;
	[tilespmem:$0x3F0] =	vst v45  }
0xf2: {  	v50 =	vld [tilespmem:$0x460];
	v49 =	vadd.s32 $0x1, v40;
	[tilespmem:$0x400] =	vst v47  }
0xf3: {  	v52 =	vld [tilespmem:$0x470];
	v51 =	vadd.s32 $0x1, v42;
	[tilespmem:$0x410] =	vst v49  }
0xf4: {  	v54 =	vld [tilespmem:$0x480];
	v53 =	vadd.s32 $0x1, v44;
	[tilespmem:$0x420] =	vst v51  }
0xf5: {  	v56 =	vld [tilespmem:$0x490];
	v55 =	vadd.s32 $0x1, v46;
	[tilespmem:$0x430] =	vst v53  }
0xf6: {  	v58 =	vld [tilespmem:$0x4A0];
	v57 =	vadd.s32 $0x1, v48;
	[tilespmem:$0x440] =	vst v55  }
0xf7: {  	v59 =	vadd.s32 $0x1, v50;
	[tilespmem:$0x450] =	vst v57  }
.Ltmp27:
0xf8: {  	v60 =	vadd.s32 $0x1, v52;
	[tilespmem:$0x460] =	vst v59;
	(pc) =	sbr.rel .LBB2_36-.Ltmp27, $4  }
0xf9: {  	v61 =	vadd.s32 $0x1, v54;
	[tilespmem:$0x470] =	vst v60  }
0xfa: {  	v62 =	vadd.s32 $0x1, v56;
	[tilespmem:$0x480] =	vst v61  }
0xfb: {  	v63 =	vadd.s32 $0x1, v58;
	[tilespmem:$0x490] =	vst v62  }
0xfc: {  	[tilespmem:$0x4A0] =	vst v63  }
.LBB2_23:
0xfd: {  	p1 =	sne.s32 s28, $0x31  }
.Ltmp28:
0xfe: {  	_ = 	snop;
	(pc) =	sbr.rel @!p1 .LBB2_24-.Ltmp28, $1  }
0xff: {  	_ =	sdelay $0x3  }
.LBB2_9:
.Ltmp29:
0x100: {  	(pc) =	sbr.rel @p0 .LBB2_11-.Ltmp29, $4  }
0x101: {  	_ = 	snop  }
0x102: {  	_ =	swait.ge [sflag:s18], $0x320  }
0x103: {  	[sflag:s18] =	ssyncset.done $0x0  }
0x104: {  	[sflag:s18] =	ssyncadd.s32 $0xFFFFFCE0  }
0x105: {  	v0 =	vld [tilespmem:$0x640]  }
0x106: {  	v1 =	vld [tilespmem:$0x650]  }
0x107: {  	v2 =	vld [tilespmem:$0x660]  }
0x108: {  	v3 =	vld [tilespmem:$0x670]  }
0x109: {  	v4 =	vld [tilespmem:$0x680]  }
0x10a: {  	v5 =	vld [tilespmem:$0x690];
	v0 =	vadd.s32 $0x1, v0  }
0x10b: {  	v22 =	vld [tilespmem:$0x6A0];
	v21 =	vadd.s32 $0x1, v1;
	[tilespmem:$0x640] =	vst v0  }
0x10c: {  	v24 =	vld [tilespmem:$0x6B0];
	v23 =	vadd.s32 $0x1, v2;
	[tilespmem:$0x650] =	vst v21  }
0x10d: {  	v26 =	vld [tilespmem:$0x6C0];
	v25 =	vadd.s32 $0x1, v3;
	[tilespmem:$0x660] =	vst v23  }
0x10e: {  	v28 =	vld [tilespmem:$0x6D0];
	v27 =	vadd.s32 $0x1, v4;
	[tilespmem:$0x670] =	vst v25  }
0x10f: {  	v30 =	vld [tilespmem:$0x6E0];
	v29 =	vadd.s32 $0x1, v5;
	[tilespmem:$0x680] =	vst v27  }
0x110: {  	v32 =	vld [tilespmem:$0x6F0];
	v31 =	vadd.s32 $0x1, v22;
	[tilespmem:$0x690] =	vst v29  }
0x111: {  	v34 =	vld [tilespmem:$0x700];
	v33 =	vadd.s32 $0x1, v24;
	[tilespmem:$0x6A0] =	vst v31  }
0x112: {  	v36 =	vld [tilespmem:$0x710];
	v35 =	vadd.s32 $0x1, v26;
	[tilespmem:$0x6B0] =	vst v33  }
0x113: {  	v38 =	vld [tilespmem:$0x720];
	v37 =	vadd.s32 $0x1, v28;
	[tilespmem:$0x6C0] =	vst v35  }
0x114: {  	v40 =	vld [tilespmem:$0x730];
	v39 =	vadd.s32 $0x1, v30;
	[tilespmem:$0x6D0] =	vst v37  }
0x115: {  	v42 =	vld [tilespmem:$0x740];
	v41 =	vadd.s32 $0x1, v32;
	[tilespmem:$0x6E0] =	vst v39  }
0x116: {  	v44 =	vld [tilespmem:$0x750];
	v43 =	vadd.s32 $0x1, v34;
	[tilespmem:$0x6F0] =	vst v41  }
0x117: {  	v46 =	vld [tilespmem:$0x760];
	v45 =	vadd.s32 $0x1, v36;
	[tilespmem:$0x700] =	vst v43  }
0x118: {  	v48 =	vld [tilespmem:$0x770];
	v47 =	vadd.s32 $0x1, v38;
	[tilespmem:$0x710] =	vst v45  }
0x119: {  	v50 =	vld [tilespmem:$0x780];
	v49 =	vadd.s32 $0x1, v40;
	[tilespmem:$0x720] =	vst v47  }
0x11a: {  	v52 =	vld [tilespmem:$0x790];
	v51 =	vadd.s32 $0x1, v42;
	[tilespmem:$0x730] =	vst v49  }
0x11b: {  	v54 =	vld [tilespmem:$0x7A0];
	v53 =	vadd.s32 $0x1, v44;
	[tilespmem:$0x740] =	vst v51  }
0x11c: {  	v56 =	vld [tilespmem:$0x7B0];
	v55 =	vadd.s32 $0x1, v46;
	[tilespmem:$0x750] =	vst v53  }
0x11d: {  	v58 =	vld [tilespmem:$0x7C0];
	v57 =	vadd.s32 $0x1, v48;
	[tilespmem:$0x760] =	vst v55  }
0x11e: {  	v59 =	vadd.s32 $0x1, v50;
	[tilespmem:$0x770] =	vst v57  }
0x11f: {  	v60 =	vadd.s32 $0x1, v52;
	[tilespmem:$0x780] =	vst v59  }
0x120: {  	v61 =	vadd.s32 $0x1, v54;
	[tilespmem:$0x790] =	vst v60  }
0x121: {  	v62 =	vadd.s32 $0x1, v56;
	[tilespmem:$0x7A0] =	vst v61  }
0x122: {  	v63 =	vadd.s32 $0x1, v58;
	[tilespmem:$0x7B0] =	vst v62  }
0x123: {  	[tilespmem:$0x7C0] =	vst v63  }
.LBB2_11:
0x124: {  	[tilespmem:s15], [sflag:$0x1] =	stream.indirect.gather [hbm4b:s4+s14], $0x40, s17, s14, $0xb8;
	[tilespmem:$0x17160] =	vst v63  }
.Ltmp30:
0x125: {  	_ = 	snop;
	(pc) =	sbr.rel .LBB2_51-.Ltmp30, $4  }
0x126: {  	_ =	swait.ge [sflag:s20], $0x6400  }
0x127: {  	[sflag:s20] =	ssyncset.done $0x0  }
0x128: {  	[sflag:s20] =	ssyncadd.s32 $0xFFFF9C00  }
0x129: {  	[spmem:s1] =	stream.indirect.scatter.add.f32 [tilespmem:s19], [sflag:$0x2], $0x40, s22, s14, $0xb8;
	[tilespmem:$0x17160] =	vst v63  }
.LBB2_39:
0x12a: {  	p1 =	seq.s32 s28, $0x31  }
.Ltmp31:
0x12b: {  	_ = 	snop;
	(pc) =	sbr.rel @p1 .LBB2_43-.Ltmp31, $1  }
0x12c: {  	_ =	sdelay $0x3  }
.LBB2_40:
.Ltmp32:
0x12d: {  	(pc) =	sbr.rel @p0 .LBB2_42-.Ltmp32, $4  }
0x12e: {  	_ = 	snop  }
0x12f: {  	_ =	swait.ge [sflag:s18], $0x320  }
0x130: {  	[sflag:s18] =	ssyncset.done $0x0  }
0x131: {  	[sflag:s18] =	ssyncadd.s32 $0xFFFFFCE0  }
0x132: {  	v0 =	vld [tilespmem:$0x640]  }
0x133: {  	v1 =	vld [tilespmem:$0x650]  }
0x134: {  	v2 =	vld [tilespmem:$0x660]  }
0x135: {  	v3 =	vld [tilespmem:$0x670]  }
0x136: {  	v4 =	vld [tilespmem:$0x680]  }
0x137: {  	v5 =	vld [tilespmem:$0x690];
	v0 =	vadd.s32 $0x1, v0  }
0x138: {  	v22 =	vld [tilespmem:$0x6A0];
	v21 =	vadd.s32 $0x1, v1;
	[tilespmem:$0x640] =	vst v0  }
0x139: {  	v24 =	vld [tilespmem:$0x6B0];
	v23 =	vadd.s32 $0x1, v2;
	[tilespmem:$0x650] =	vst v21  }
0x13a: {  	v26 =	vld [tilespmem:$0x6C0];
	v25 =	vadd.s32 $0x1, v3;
	[tilespmem:$0x660] =	vst v23  }
0x13b: {  	v28 =	vld [tilespmem:$0x6D0];
	v27 =	vadd.s32 $0x1, v4;
	[tilespmem:$0x670] =	vst v25  }
0x13c: {  	v30 =	vld [tilespmem:$0x6E0];
	v29 =	vadd.s32 $0x1, v5;
	[tilespmem:$0x680] =	vst v27  }
0x13d: {  	v32 =	vld [tilespmem:$0x6F0];
	v31 =	vadd.s32 $0x1, v22;
	[tilespmem:$0x690] =	vst v29  }
0x13e: {  	v34 =	vld [tilespmem:$0x700];
	v33 =	vadd.s32 $0x1, v24;
	[tilespmem:$0x6A0] =	vst v31  }
0x13f: {  	v36 =	vld [tilespmem:$0x710];
	v35 =	vadd.s32 $0x1, v26;
	[tilespmem:$0x6B0] =	vst v33  }
0x140: {  	v38 =	vld [tilespmem:$0x720];
	v37 =	vadd.s32 $0x1, v28;
	[tilespmem:$0x6C0] =	vst v35  }
0x141: {  	v40 =	vld [tilespmem:$0x730];
	v39 =	vadd.s32 $0x1, v30;
	[tilespmem:$0x6D0] =	vst v37  }
0x142: {  	v42 =	vld [tilespmem:$0x740];
	v41 =	vadd.s32 $0x1, v32;
	[tilespmem:$0x6E0] =	vst v39  }
0x143: {  	v44 =	vld [tilespmem:$0x750];
	v43 =	vadd.s32 $0x1, v34;
	[tilespmem:$0x6F0] =	vst v41  }
0x144: {  	v46 =	vld [tilespmem:$0x760];
	v45 =	vadd.s32 $0x1, v36;
	[tilespmem:$0x700] =	vst v43  }
0x145: {  	v48 =	vld [tilespmem:$0x770];
	v47 =	vadd.s32 $0x1, v38;
	[tilespmem:$0x710] =	vst v45  }
0x146: {  	v50 =	vld [tilespmem:$0x780];
	v49 =	vadd.s32 $0x1, v40;
	[tilespmem:$0x720] =	vst v47  }
0x147: {  	v52 =	vld [tilespmem:$0x790];
	v51 =	vadd.s32 $0x1, v42;
	[tilespmem:$0x730] =	vst v49  }
0x148: {  	v54 =	vld [tilespmem:$0x7A0];
	v53 =	vadd.s32 $0x1, v44;
	[tilespmem:$0x740] =	vst v51  }
0x149: {  	v56 =	vld [tilespmem:$0x7B0];
	v55 =	vadd.s32 $0x1, v46;
	[tilespmem:$0x750] =	vst v53  }
0x14a: {  	v58 =	vld [tilespmem:$0x7C0];
	v57 =	vadd.s32 $0x1, v48;
	[tilespmem:$0x760] =	vst v55  }
0x14b: {  	v59 =	vadd.s32 $0x1, v50;
	[tilespmem:$0x770] =	vst v57  }
0x14c: {  	v60 =	vadd.s32 $0x1, v52;
	[tilespmem:$0x780] =	vst v59  }
0x14d: {  	v61 =	vadd.s32 $0x1, v54;
	[tilespmem:$0x790] =	vst v60  }
0x14e: {  	v62 =	vadd.s32 $0x1, v56;
	[tilespmem:$0x7A0] =	vst v61  }
0x14f: {  	v63 =	vadd.s32 $0x1, v58;
	[tilespmem:$0x7B0] =	vst v62  }
0x150: {  	[tilespmem:$0x7C0] =	vst v63  }
.LBB2_42:
0x151: {  	[tilespmem:s19], [sflag:$0x1] =	stream.indirect.gather [hbm4b:s4+s14], $0x40, s17, s14, $0xb8;
	[tilespmem:$0x17160] =	vst v63  }
.LBB2_43:
.Ltmp33:
0x152: {  	(pc) =	sbr.rel .LBB2_51-.Ltmp33, $4  }
0x153: {  	_ =	swait.ge [sflag:s20], $0x6400  }
0x154: {  	[sflag:s20] =	ssyncset.done $0x0  }
0x155: {  	[sflag:s20] =	ssyncadd.s32 $0xFFFF9C00  }
0x156: {  	[spmem:s1] =	stream.indirect.scatter.add.f32 [tilespmem:s15], [sflag:$0x2], $0x40, s22, s14, $0xb8;
	[tilespmem:$0x17160] =	vst v63  }
.LBB2_30:
0x157: {  	p1 =	sne.s32 s28, $0x31  }
.Ltmp34:
0x158: {  	_ = 	snop;
	(pc) =	sbr.rel @!p1 .LBB2_31-.Ltmp34, $1  }
0x159: {  	_ =	sdelay $0x3  }
.LBB2_27:
.Ltmp35:
0x15a: {  	(pc) =	sbr.rel @p0 .LBB2_29-.Ltmp35, $4  }
0x15b: {  	_ = 	snop  }
0x15c: {  	_ =	swait.ge [sflag:s18], $0x320  }
0x15d: {  	[sflag:s18] =	ssyncset.done $0x0  }
0x15e: {  	[sflag:s18] =	ssyncadd.s32 $0xFFFFFCE0  }
0x15f: {  	v0 =	vld [tilespmem:$0x0]  }
0x160: {  	v1 =	vld [tilespmem:$0x10]  }
0x161: {  	v2 =	vld [tilespmem:$0x20]  }
0x162: {  	v3 =	vld [tilespmem:$0x30]  }
0x163: {  	v4 =	vld [tilespmem:$0x40]  }
0x164: {  	v5 =	vld [tilespmem:$0x50];
	v0 =	vadd.s32 $0x1, v0  }
0x165: {  	v22 =	vld [tilespmem:$0x60];
	v21 =	vadd.s32 $0x1, v1;
	[tilespmem:$0x0] =	vst v0  }
0x166: {  	v24 =	vld [tilespmem:$0x70];
	v23 =	vadd.s32 $0x1, v2;
	[tilespmem:$0x10] =	vst v21  }
0x167: {  	v26 =	vld [tilespmem:$0x80];
	v25 =	vadd.s32 $0x1, v3;
	[tilespmem:$0x20] =	vst v23  }
0x168: {  	v28 =	vld [tilespmem:$0x90];
	v27 =	vadd.s32 $0x1, v4;
	[tilespmem:$0x30] =	vst v25  }
0x169: {  	v30 =	vld [tilespmem:$0xA0];
	v29 =	vadd.s32 $0x1, v5;
	[tilespmem:$0x40] =	vst v27  }
0x16a: {  	v32 =	vld [tilespmem:$0xB0];
	v31 =	vadd.s32 $0x1, v22;
	[tilespmem:$0x50] =	vst v29  }
0x16b: {  	v34 =	vld [tilespmem:$0xC0];
	v33 =	vadd.s32 $0x1, v24;
	[tilespmem:$0x60] =	vst v31  }
0x16c: {  	v36 =	vld [tilespmem:$0xD0];
	v35 =	vadd.s32 $0x1, v26;
	[tilespmem:$0x70] =	vst v33  }
0x16d: {  	v38 =	vld [tilespmem:$0xE0];
	v37 =	vadd.s32 $0x1, v28;
	[tilespmem:$0x80] =	vst v35  }
0x16e: {  	v40 =	vld [tilespmem:$0xF0];
	v39 =	vadd.s32 $0x1, v30;
	[tilespmem:$0x90] =	vst v37  }
0x16f: {  	v42 =	vld [tilespmem:$0x100];
	v41 =	vadd.s32 $0x1, v32;
	[tilespmem:$0xA0] =	vst v39  }
0x170: {  	v44 =	vld [tilespmem:$0x110];
	v43 =	vadd.s32 $0x1, v34;
	[tilespmem:$0xB0] =	vst v41  }
0x171: {  	v46 =	vld [tilespmem:$0x120];
	v45 =	vadd.s32 $0x1, v36;
	[tilespmem:$0xC0] =	vst v43  }
0x172: {  	v48 =	vld [tilespmem:$0x130];
	v47 =	vadd.s32 $0x1, v38;
	[tilespmem:$0xD0] =	vst v45  }
0x173: {  	v50 =	vld [tilespmem:$0x140];
	v49 =	vadd.s32 $0x1, v40;
	[tilespmem:$0xE0] =	vst v47  }
0x174: {  	v52 =	vld [tilespmem:$0x150];
	v51 =	vadd.s32 $0x1, v42;
	[tilespmem:$0xF0] =	vst v49  }
0x175: {  	v54 =	vld [tilespmem:$0x160];
	v53 =	vadd.s32 $0x1, v44;
	[tilespmem:$0x100] =	vst v51  }
0x176: {  	v56 =	vld [tilespmem:$0x170];
	v55 =	vadd.s32 $0x1, v46;
	[tilespmem:$0x110] =	vst v53  }
0x177: {  	v58 =	vld [tilespmem:$0x180];
	v57 =	vadd.s32 $0x1, v48;
	[tilespmem:$0x120] =	vst v55  }
0x178: {  	v59 =	vadd.s32 $0x1, v50;
	[tilespmem:$0x130] =	vst v57  }
0x179: {  	v60 =	vadd.s32 $0x1, v52;
	[tilespmem:$0x140] =	vst v59  }
0x17a: {  	v61 =	vadd.s32 $0x1, v54;
	[tilespmem:$0x150] =	vst v60  }
0x17b: {  	v62 =	vadd.s32 $0x1, v56;
	[tilespmem:$0x160] =	vst v61  }
0x17c: {  	v63 =	vadd.s32 $0x1, v58;
	[tilespmem:$0x170] =	vst v62  }
0x17d: {  	[tilespmem:$0x180] =	vst v63  }
.LBB2_29:
0x17e: {  	[tilespmem:s19], [sflag:$0x1] =	stream.indirect.gather [hbm4b:s4+s14], $0x40, s3, s14, $0xb8;
	[tilespmem:$0x17160] =	vst v63  }
.Ltmp36:
0x17f: {  	_ = 	snop;
	(pc) =	sbr.rel .LBB2_51-.Ltmp36, $4  }
0x180: {  	_ =	swait.ge [sflag:s20], $0x6400  }
0x181: {  	[sflag:s20] =	ssyncset.done $0x0  }
0x182: {  	[sflag:s20] =	ssyncadd.s32 $0xFFFF9C00  }
0x183: {  	[spmem:s1] =	stream.indirect.scatter.add.f32 [tilespmem:s15], [sflag:$0x2], $0x40, s23, s14, $0xb8;
	[tilespmem:$0x17160] =	vst v63  }
.LBB2_46:
0x184: {  	p1 =	seq.s32 s28, $0x31  }
.Ltmp37:
0x185: {  	_ = 	snop;
	(pc) =	sbr.rel @p1 .LBB2_50-.Ltmp37, $1  }
0x186: {  	_ =	sdelay $0x3  }
.LBB2_47:
.Ltmp38:
0x187: {  	(pc) =	sbr.rel @p0 .LBB2_49-.Ltmp38, $4  }
0x188: {  	_ = 	snop  }
0x189: {  	_ =	swait.ge [sflag:s18], $0x320  }
0x18a: {  	[sflag:s18] =	ssyncset.done $0x0  }
0x18b: {  	[sflag:s18] =	ssyncadd.s32 $0xFFFFFCE0  }
0x18c: {  	v0 =	vld [tilespmem:$0x0]  }
0x18d: {  	v1 =	vld [tilespmem:$0x10]  }
0x18e: {  	v2 =	vld [tilespmem:$0x20]  }
0x18f: {  	v3 =	vld [tilespmem:$0x30]  }
0x190: {  	v4 =	vld [tilespmem:$0x40]  }
0x191: {  	v5 =	vld [tilespmem:$0x50];
	v0 =	vadd.s32 $0x1, v0  }
0x192: {  	v22 =	vld [tilespmem:$0x60];
	v21 =	vadd.s32 $0x1, v1;
	[tilespmem:$0x0] =	vst v0  }
0x193: {  	v24 =	vld [tilespmem:$0x70];
	v23 =	vadd.s32 $0x1, v2;
	[tilespmem:$0x10] =	vst v21  }
0x194: {  	v26 =	vld [tilespmem:$0x80];
	v25 =	vadd.s32 $0x1, v3;
	[tilespmem:$0x20] =	vst v23  }
0x195: {  	v28 =	vld [tilespmem:$0x90];
	v27 =	vadd.s32 $0x1, v4;
	[tilespmem:$0x30] =	vst v25  }
0x196: {  	v30 =	vld [tilespmem:$0xA0];
	v29 =	vadd.s32 $0x1, v5;
	[tilespmem:$0x40] =	vst v27  }
0x197: {  	v32 =	vld [tilespmem:$0xB0];
	v31 =	vadd.s32 $0x1, v22;
	[tilespmem:$0x50] =	vst v29  }
0x198: {  	v34 =	vld [tilespmem:$0xC0];
	v33 =	vadd.s32 $0x1, v24;
	[tilespmem:$0x60] =	vst v31  }
0x199: {  	v36 =	vld [tilespmem:$0xD0];
	v35 =	vadd.s32 $0x1, v26;
	[tilespmem:$0x70] =	vst v33  }
0x19a: {  	v38 =	vld [tilespmem:$0xE0];
	v37 =	vadd.s32 $0x1, v28;
	[tilespmem:$0x80] =	vst v35  }
0x19b: {  	v40 =	vld [tilespmem:$0xF0];
	v39 =	vadd.s32 $0x1, v30;
	[tilespmem:$0x90] =	vst v37  }
0x19c: {  	v42 =	vld [tilespmem:$0x100];
	v41 =	vadd.s32 $0x1, v32;
	[tilespmem:$0xA0] =	vst v39  }
0x19d: {  	v44 =	vld [tilespmem:$0x110];
	v43 =	vadd.s32 $0x1, v34;
	[tilespmem:$0xB0] =	vst v41  }
0x19e: {  	v46 =	vld [tilespmem:$0x120];
	v45 =	vadd.s32 $0x1, v36;
	[tilespmem:$0xC0] =	vst v43  }
0x19f: {  	v48 =	vld [tilespmem:$0x130];
	v47 =	vadd.s32 $0x1, v38;
	[tilespmem:$0xD0] =	vst v45  }
0x1a0: {  	v50 =	vld [tilespmem:$0x140];
	v49 =	vadd.s32 $0x1, v40;
	[tilespmem:$0xE0] =	vst v47  }
0x1a1: {  	v52 =	vld [tilespmem:$0x150];
	v51 =	vadd.s32 $0x1, v42;
	[tilespmem:$0xF0] =	vst v49  }
0x1a2: {  	v54 =	vld [tilespmem:$0x160];
	v53 =	vadd.s32 $0x1, v44;
	[tilespmem:$0x100] =	vst v51  }
0x1a3: {  	v56 =	vld [tilespmem:$0x170];
	v55 =	vadd.s32 $0x1, v46;
	[tilespmem:$0x110] =	vst v53  }
0x1a4: {  	v58 =	vld [tilespmem:$0x180];
	v57 =	vadd.s32 $0x1, v48;
	[tilespmem:$0x120] =	vst v55  }
0x1a5: {  	v59 =	vadd.s32 $0x1, v50;
	[tilespmem:$0x130] =	vst v57  }
0x1a6: {  	v60 =	vadd.s32 $0x1, v52;
	[tilespmem:$0x140] =	vst v59  }
0x1a7: {  	v61 =	vadd.s32 $0x1, v54;
	[tilespmem:$0x150] =	vst v60  }
0x1a8: {  	v62 =	vadd.s32 $0x1, v56;
	[tilespmem:$0x160] =	vst v61  }
0x1a9: {  	v63 =	vadd.s32 $0x1, v58;
	[tilespmem:$0x170] =	vst v62  }
0x1aa: {  	[tilespmem:$0x180] =	vst v63  }
.LBB2_49:
0x1ab: {  	[tilespmem:s15], [sflag:$0x1] =	stream.indirect.gather [hbm4b:s4+s14], $0x40, s3, s14, $0xb8;
	[tilespmem:$0x17160] =	vst v63  }
.LBB2_50:
.Ltmp39:
0x1ac: {  	(pc) =	sbr.rel .LBB2_51-.Ltmp39, $4  }
0x1ad: {  	_ =	swait.ge [sflag:s20], $0x6400  }
0x1ae: {  	[sflag:s20] =	ssyncset.done $0x0  }
0x1af: {  	[sflag:s20] =	ssyncadd.s32 $0xFFFF9C00  }
0x1b0: {  	[spmem:s1] =	stream.indirect.scatter.add.f32 [tilespmem:s19], [sflag:$0x2], $0x40, s23, s14, $0xb8;
	[tilespmem:$0x17160] =	vst v63  }
.LBB2_31:
.Ltmp40:
0x1b1: {  	(pc) =	sbr.rel .LBB2_52-.Ltmp40, $4  }
0x1b2: {  	_ =	swait.ge [sflag:s20], $0x6400  }
0x1b3: {  	[sflag:s20] =	ssyncset.done $0x0  }
0x1b4: {  	[sflag:s20] =	ssyncadd.s32 $0xFFFF9C00  }
0x1b5: {  	[spmem:s1] =	stream.indirect.scatter.add.f32 [tilespmem:s15], [sflag:$0x2], $0x40, s23, s14, $0xb8;
	[tilespmem:$0x17160] =	vst v63  }
.LBB2_24:
.Ltmp41:
0x1b6: {  	(pc) =	sbr.rel .LBB2_52-.Ltmp41, $4  }
0x1b7: {  	_ =	swait.ge [sflag:s20], $0x6400  }
0x1b8: {  	[sflag:s20] =	ssyncset.done $0x0  }
0x1b9: {  	[sflag:s20] =	ssyncadd.s32 $0xFFFF9C00  }
0x1ba: {  	[spmem:s1] =	stream.indirect.scatter.add.f32 [tilespmem:s19], [sflag:$0x2], $0x40, s22, s14, $0xb8;
	[tilespmem:$0x17160] =	vst v63  }
.LBB2_53:
0x1bb: {  	_ =	sfence.sel $0x180000  }
0x1bc: {  	[bflag:$0x0] =	sbarrier.arrive $0xFFFF  }
0x1bd: {  	p0 =	sne.s32 s2, $0x0;
	_ =	strace $0x9000004D  }
0x1be: {  	s0 =	sadd.s32 @!p0 $0x100000, s0;
	[bflag:$0x2] =	sbarrier.arrive $0xFFFF  }
0x1bf: {  	[sflag:s0] =	ssyncadd.tile.s32 @!p0 $0x1;
	_ =	shalt  }
.Lfunc_end2:
_tile_overlayer_lowered:
.L_overlay_start_2:
0x1c0: {  	(tag) =	ssettag $0x2  }
0x1c1: {  	s0 =	rddreg [dreg:$0x0];
	s2 =	stileid.u32  }
0x1c2: {  	s1 =	rddreg [dreg:$0x1];
	p0 =	sne.s32 s2, $0x0  }
0x1c3: {  	s3 =	rddreg [dreg:$0x2];
	[bflag:$0x3] =	sbarrier.arrive $0xFFFF;
	s2 =	simm.s32 @!p0 $0x1C04  }
0x1c4: {  	[timem:s3], [sflag:s2] =	dma.local @!p0 [hbm:s0], s1  }
0x1c5: {  	s0 =	simm.s32 @!p0 $0x4  }
0x1c6: {  	_ =	swait.ge @!p0 [sflag:s0], s1  }
0x1c7: {  	s1 =	ssub.s32 @!p0 $0x0, s1;
	[sflag:s0] =	ssyncset.done @!p0 $0x0  }
0x1c8: {  	[sflag:s0] =	ssyncadd.s32 @!p0 s1  }
0x1c9: {  	[bflag:$0x3] =	sbarrier.arrive $0xFFFF  }
0x1ca: {  	_ =	shalt  }

// kernel: kernel.19.cloned.1.call-start
scs
__scs_entry_jumppad:
0x0: {  	(pc) =	sbr.rel $0x88, $3  }
0x1: {  	(tag) =	ssettag $0x0;
	lr =	simm.s32 $0x1  }
0x2: {  	[smem:$0x3F95] =	sst lr;
	_ =	strace $0xD0000000  }
0x3: {  	_ = 	snop  }
0x4: {  	_ = 	snop  }
0x5: {  	_ = 	snop  }
0x6: {  	_ = 	snop  }
0x7: {  	_ = 	snop  }
__scs_overlays_trampoline_lowered:
0x8: {  	[smem:$0x3FA4] =	sst s0  }
0x9: {  	[smem:$0x3FA5] =	sst s1  }
0xa: {  	[smem:$0x3FA6] =	sst s2  }
0xb: {  	[smem:$0x3FA7] =	sst s3  }
0xc: {  	[smem:$0x3FA8] =	sst s4  }
0xd: {  	[smem:$0x3FA9] =	sst s5  }
0xe: {  	[smem:$0x3FAA] =	sst s6  }
0xf: {  	[smem:$0x3FAB] =	sst s7  }
0x10: {  	[smem:$0x3FAC] =	sst s8  }
0x11: {  	[smem:$0x3FAD] =	sst s9;
	s0 =	simm.s32 @!p0 $0x0  }
0x12: {  	s1 =	sld [smem:$0x3F93];
	s0 =	simm.s32 @p0 $0x1  }
0x13: {  	[smem:$0x3FAE] =	sst s0;
	s0 =	simm.s32 @!p1 $0x0  }
0x14: {  	s2 =	sld [smem:$0x3F92];
	s0 =	simm.s32 @p1 $0x1  }
0x15: {  	[smem:$0x3FAF] =	sst s0;
	s0 =	simm.s32 @!p2 $0x0  }
0x16: {  	s3 =	sld [smem:$0x3FDB];
	s0 =	simm.s32 @p2 $0x1  }
0x17: {  	s4 =	simm.s32 $0x1BF5;
	[smem:$0x3FB1] =	sst s0  }
0x18: {  	s0 =	sld [smem:$0x3F94];
	_ =	swait.ge [sflag:s4], $0x0  }
0x19: {  	s7 =	sld [smem:$0x3F95]  }
0x1a: {  	s8 =	sadd.s32 $0xFFFFE003, lr  }
0x1b: {  	s9 =	sadd.s32 $0xFFFFFEF7, lr;
	s5 =	simm.s32 $0xFFFFFFFF;
	p2 =	slt.u32 s8, $0xFFFFF086  }
0x1c: {  	p1 =	slt.u32 s9, $0xF7A;
	s5 =	simm.s32 @!p2 $0x0  }
0x1d: {  	s5 =	simm.s32 @p1 $0x1;
	p0 =	seq.s32 s7, s2  }
0x1e: {  	s7 =	smul.u32 @!p0 $0xF7A, s2;
	p2 =	seq.s32 @!p0 s5, $0x0  }
0x1f: {  	s9 =	smul.u32 $0xF7A, s1;
	s8 =	simm.s32 @!p0 $0x1BF5;
	p2 =	por !p2, p0  }
0x20: {  	[sflag:s8] =	ssyncset.s32 @!p0 $0xFFFFF086;
	s6 =	sadd.s32 @!p0 s3, s7;
	s7 =	simm.s32 @!p0 $0x108  }
0x21: {  	s3 =	sadd.s32 s3, s9;
	s6 =	sadd.s32 @!p0 $0x88, s6;
	s7 =	simm.s32 @p2 $0x1082  }
0x22: {  	[simem:s7], [sflag:s8] =	dma.local @!p0 [hbm:s6], $0xF7A  }
0x23: {  	s9 =	sor.u32 $0xD0000000, s2;
	s6 =	simm.s32 $0x108;
	_ =	swait.ge @!p0 [sflag:s8], $0x0  }
0x24: {  	s3 =	sadd.s32 $0x88, s3;
	s6 =	simm.s32 @!p1 $0x1082;
	[sflag:s4] =	ssyncset.s32 $0xFFFFF086  }
0x25: {  	[simem:s6], [sflag:s4] =	dma.local [hbm:s3], $0xF7A  }
0x26: {  	[smem:$0x3F95] =	sst s1;
	(tag) =	ssettag s2;
	_ =	strace s9  }
0x27: {  	s1 =	sld [smem:$0x3FA5]  }
0x28: {  	s2 =	sld [smem:$0x3FA6]  }
0x29: {  	s4 =	sld [smem:$0x3FA8]  }
0x2a: {  	p0 =	seq.s32 s5, $0x0;
	s5 =	sld [smem:$0x3FA9]  }
0x2b: {  	s6 =	sld [smem:$0x3FAA]  }
0x2c: {  	s7 =	sld [smem:$0x3FAB]  }
0x2d: {  	s3 =	simm.s32 $0x108;
	s8 =	sld [smem:$0x3FAC]  }
0x2e: {  	s3 =	simm.s32 @!p0 $0x1082;
	s9 =	sld [smem:$0x3FAD]  }
0x2f: {  	lr =	sadd.s32 s0, s3;
	s0 =	sld [smem:$0x3FA4]  }
0x30: {  	s3 =	sld [smem:$0x3FA7]  }
0x31: {  	[smem:$0x3FB0] =	sst s10  }
0x32: {  	s10 =	sld [smem:$0x3FAE];
	_ =	sdelay $0x3  }
0x33: {  	p0 =	seq.s32 s10, $0x1;
	s10 =	sld [smem:$0x3FB0];
	_ =	sdelay $0x3  }
0x34: {  	[smem:$0x3FB0] =	sst s10  }
0x35: {  	s10 =	sld [smem:$0x3FAF];
	_ =	sdelay $0x3  }
0x36: {  	p1 =	seq.s32 s10, $0x1;
	s10 =	sld [smem:$0x3FB0];
	_ =	sdelay $0x3  }
0x37: {  	[smem:$0x3FB0] =	sst s10  }
0x38: {  	s10 =	sld [smem:$0x3FB1]  }
0x39: {  	_ = 	snop;
	(pc) =	sbr.ind lr, $3  }
0x3a: {  	_ = 	snop  }
0x3b: {  	_ = 	snop  }
0x3c: {  	p2 =	seq.s32 s10, $0x1;
	s10 =	sld [smem:$0x3FB0]  }
0x3d: {  	_ =	shalt  }
0x3e: {  	_ =	shalt  }
0x3f: {  	_ =	shalt  }
0x40: {  	_ =	shalt  }
0x41: {  	_ =	shalt  }
0x42: {  	_ =	shalt  }
0x43: {  	_ =	shalt  }
0x44: {  	_ =	shalt  }
0x45: {  	_ =	shalt  }
0x46: {  	_ =	shalt  }
0x47: {  	_ =	shalt  }
0x48: {  	_ =	shalt  }
0x49: {  	_ =	shalt  }
0x4a: {  	_ =	shalt  }
0x4b: {  	_ =	shalt  }
0x4c: {  	_ =	shalt  }
0x4d: {  	_ =	shalt  }
0x4e: {  	_ =	shalt  }
0x4f: {  	_ =	shalt  }
0x50: {  	_ =	shalt  }
0x51: {  	_ =	shalt  }
0x52: {  	_ =	shalt  }
0x53: {  	_ =	shalt  }
0x54: {  	_ =	shalt  }
0x55: {  	_ =	shalt  }
0x56: {  	_ =	shalt  }
0x57: {  	_ =	shalt  }
0x58: {  	_ =	shalt  }
0x59: {  	_ =	shalt  }
0x5a: {  	_ =	shalt  }
0x5b: {  	_ =	shalt  }
0x5c: {  	_ =	shalt  }
0x5d: {  	_ =	shalt  }
0x5e: {  	_ =	shalt  }
0x5f: {  	_ =	shalt  }
0x60: {  	_ =	shalt  }
0x61: {  	_ =	shalt  }
0x62: {  	_ =	shalt  }
0x63: {  	_ =	shalt  }
0x64: {  	_ =	shalt  }
0x65: {  	_ =	shalt  }
0x66: {  	_ =	shalt  }
0x67: {  	_ =	shalt  }
0x68: {  	_ =	shalt  }
0x69: {  	_ =	shalt  }
0x6a: {  	_ =	shalt  }
0x6b: {  	_ =	shalt  }
0x6c: {  	_ =	shalt  }
0x6d: {  	_ =	shalt  }
0x6e: {  	_ =	shalt  }
0x6f: {  	_ =	shalt  }
0x70: {  	_ =	shalt  }
0x71: {  	_ =	shalt  }
0x72: {  	_ =	shalt  }
0x73: {  	_ =	shalt  }
0x74: {  	_ =	shalt  }
0x75: {  	_ =	shalt  }
0x76: {  	_ =	shalt  }
0x77: {  	_ =	shalt  }
0x78: {  	_ =	shalt  }
0x79: {  	_ =	shalt  }
0x7a: {  	_ =	shalt  }
0x7b: {  	_ =	shalt  }
0x7c: {  	_ =	shalt  }
0x7d: {  	_ =	shalt  }
0x7e: {  	_ =	shalt  }
0x7f: {  	_ =	shalt  }
0x80: {  	_ =	shalt  }
0x81: {  	_ =	shalt  }
0x82: {  	_ =	shalt  }
0x83: {  	_ =	shalt  }
0x84: {  	_ =	shalt  }
0x85: {  	_ =	shalt  }
0x86: {  	_ =	shalt  }
0x87: {  	_ =	shalt  }
.Lfunc_end0:
.L_simem_size_0:
called_computation.3_lowered:
.L_overlay_start_0:
0x88: {  	s2 =	sld [smem:$0x3FD9]  }
0x89: {  	s3 =	sld [smem:$0x3FFE];
	_ =	sdelay $0x1  }
0x8a: {  	s1 =	srdreg.scid  }
0x8b: {  	s0 =	sand.u32 $0x1, s1  }
0x8c: {  	s17 =	sshll.u32 s0, $0xA;
	s2 =	sadd.s32 s3, s2  }
0x8d: {  	s2 =	sadd.s32 s2, s17  }
0x8e: {  	[smem:$0x3FBC] =	sst s2  }
0x8f: {  	_ = 	snop  }
0x90: {  	s2 =	sld [smem:$0x3FD0];
	(tm) =	ssettm $0x1  }
0x91: {  	s18 =	sld [smem:$0x3FFB];
	_ =	sdelay $0x3  }
0x92: {  	_ =	strace s18  }
0x93: {  	s3 =	sld [smem:$0x3FFC];
	_ =	sdelay $0x3  }
0x94: {  	_ =	strace s3  }
0x95: {  	s3 =	sld [smem:$0x3FFD];
	_ =	sdelay $0x3  }
0x96: {  	_ =	strace s3  }
0x97: {  	_ =	strace $0x8FFFFFFF  }
0x98: {  	s19 =	sld [smem:$0x3FDB];
	_ =	sdelay $0x1  }
0x99: {  	s4 =	simm.s32 $_scs_section_size  }
0x9a: {  	s5 =	simm.s32 $_size__tile_overlayer_lowered;
	s6 =	simm.s32 $_tile_overlayer_lowered  }
0x9b: {  	s22 =	simm.s32 $0x1BFF;
	s21 =	sshll.u32 s6, $0x1;
	s3 =	sadd.s32 s4, s19  }
0x9c: {  	s7 =	simm.s32 $0x0;
	s20 =	sshll.u32 s5, $0x1;
	s5 =	sadd.s32 s21, s3  }
0x9d: {  	[timem:s7], [sflag:s22] =	dma.local [hbm:s5], s20  }
0x9e: {  	_ =	swait.ge [sflag:s22], s20  }
0x9f: {  	s4 =	ssub.s32 $0x0, s20;
	[sflag:s22] =	ssyncset.done $0x0  }
0xa0: {  	[sflag:s22] =	ssyncadd.s32 s4;
	_ =	sdelay $0x1  }
0xa1: {  	s23 =	simm.s32 $0x1B8B  }
0xa2: {  	_ =	swait.ge [sflag:s23], $0x1  }
0xa3: {  	[sflag:s23] =	ssyncset.done $0x0  }
0xa4: {  	s25 =	simm.s32 $0x1B8E;
	s24 =	sld [smem:$0x3FFE];
	[sflag:s23] =	ssyncadd.s32 $0xFFFFFFFF  }
0xa5: {  	s26 =	simm.s32 $execute0_lowered;
	[smem:$0x3FD2] =	sst s25  }
0xa6: {  	s5 =	sshll.u32 s26, $0x1;
	_ =	strace $0x8000004F;
	[dreg:$0x1] =	wrdreg $0xFFFFFFFF  }
0xa7: {  	s28 =	simm.s32 $_size_execute0_lowered;
	s3 =	sadd.s32 s3, s5;
	[dreg:$0x0] =	wrdreg $0x0  }
0xa8: {  	s5 =	sshll.u32 s28, $0x1;
	[dreg:$0x2] =	wrdreg s3  }
0xa9: {  	[dreg:$0x3] =	wrdreg s5  }
0xaa: {  	[dreg:$0x4] =	wrdreg $0xC0  }
0xab: {  	_ =	task [dreg:s7], $0x5FFFF  }
0xac: {  	[dreg:$0x1] =	wrdreg $0xFFFFFFFF  }
0xad: {  	[dreg:$0x0] =	wrdreg $0x60  }
0xae: {  	[dreg:$0x2] =	wrdreg s2  }
0xaf: {  	[dreg:$0x3] =	wrdreg s24  }
0xb0: {  	[dreg:$0x4] =	wrdreg $0xDAC00  }
0xb1: {  	[dreg:$0x5] =	wrdreg $0x9  }
0xb2: {  	_ =	task.clear_ibuf [dreg:s7], $0x6FFFF;
	_ =	strace $0x9000004F  }
0xb3: {  	s29 =	simm.s32 $0x9;
	_ =	strace $0x80000051  }
0xb4: {  	_ =	swait.ge [sflag:s29], $0x1  }
0xb5: {  	[sflag:s29] =	ssyncadd.s32 $0xFFFFFFFF  }
0xb6: {  	_ =	strace $0x90000051  }
0xb7: {  	_ =	sfence  }
0xb8: {  	s30 =	sld [smem:$0x0];
	_ =	sdelay $0x2  }
0xb9: {  	s31 =	sshll.u32 s1, $0xD;
	s1 =	sshrl.u32 s1, $0x2  }
0xba: {  	s3 =	sand.u32 $0x4000, s31;
	s1 =	sadd.s32 s1, s30  }
0xbb: {  	s0 =	sor.u32 s3, s0;
	s1 =	sshll.u32 s1, $0x11  }
0xbc: {  	s0 =	sor.u32 s1, s0  }
0xbd: {  	s0 =	sadd.s32 $0x8F2B, s0  }
0xbe: {  	[sflag:s0] =	ssyncadd.remote.s32 $0x1  }
0xbf: {  	_ =	sfence.sel $0xFFFF  }
0xc0: {  	[dreg:$0x0] =	wrdreg $0xFFFFFFFF;
	(pc) =	sbr.abs _section_cstart, $3  }
0xc1: {  	[dreg:$0x1] =	wrdreg $0xFFFFFFFF  }
0xc2: {  	_ =	task.clear_ibuf [dreg:s7], $0x2FFFF;
	_ =	strace $0x9FFFFFFF  }
0xc3: {  	(tm) =	ssettm $0x7FFFFFFF  }
tec
execute0_lowered:
.L_overlay_start_1:
0x0: {  	(tag) =	ssettag $0x1  }
0x1: {  	s1 =	rddreg [dreg:$0x0]  }
0x2: {  	s7 =	rddreg [dreg:$0x1]  }
0x3: {  	s2 =	rddreg [dreg:$0x2]  }
0x4: {  	s0 =	rddreg [dreg:$0x3];
	s4 =	simm.s32 $0x0;
	s5 =	srdreg.scid  }
0x5: {  	s3 =	stileid.u32;
	s17 =	simm.s32 $0x640;
	s18 =	simm.s32 $0xC80  }
0x6: {  	s19 =	simm.s32 $0x3;
	s20 =	simm.s32 $0x76C0;
	s21 =	simm.s32 $0x1  }
0x7: {  	s22 =	simm.s32 $0x2;
	s23 =	simm.s32 $0x960;
	s24 =	simm.s32 $0xFA0  }
0x8: {  	s25 =	simm.s32 $0x8;
	s26 =	simm.s32 $0x0;
	s8 =	smul.u32 $0xA000, s3  }
0x9: {  	[smem:$0x7FF] =	sst s4;
	s13 =	sand.u32 $0x1, s5;
	s10 =	smul.u32 $0x9C40, s3  }
0xa: {  	s5 =	sadd.s32 $0x8F800, s7;
	s6 =	sadd.s32 $0x3A00, s7;
	s12 =	smul.u32 $0x14000, s3  }
0xb: {  	s31 =	sshll.u32 s3, $0x6;
	_ =	strace $0x80000050;
	s9 =	sshll.u32 s13, $0x5  }
0xc: {  	s28 =	ssub.s32 $0x2, s13;
	p0 =	seq.s32 s13, $0x0;
	s8 =	sor.u32 s9, s8  }
0xd: {  	s11 =	sshrl.u32 s28, $0x1;
	s29 =	sshrl.u32 s10, $0x3;
	s30 =	sshrl.u32 s12, $0x2  }
.Ltmp0:
0xe: {  	s10 =	sadd.s32 $0xC80, s10;
	s8 =	sshrl.u32 s8, $0x3;
	(pc) =	sbr.rel .LBB2_1-.Ltmp0, $4  }
0xf: {  	s15 =	ssub.s32 s28, s11;
	s16 =	sadd.s32 s30, s2;
	s14 =	sadd.s32 s8, s7  }
0x10: {  	s7 =	sadd.s32 s5, s29;
	s8 =	sor.u32 $0x1C04, s31;
	s12 =	smax.u32 s15, $0x1  }
0x11: {  	s13 =	sshrl.u32 s16, $0x3;
	s15 =	simm.s32 $0x320;
	s16 =	simm.s32 $0x12C0  }
0x12: {  	s9 =	sadd.s32 $0xC8, s7;
	s11 =	sadd.s32 $0x4400, s14;
	s14 =	simm.s32 $0x4  }
.LBB2_48:
0x13: {  	_ =	swait.ge [sflag:s21], $0x6400  }
0x14: {  	[sflag:s21] =	ssyncset.done $0x0  }
0x15: {  	[sflag:s21] =	ssyncadd.s32 $0xFFFF9C00  }
0x16: {  	[spmem:s2] =	stream.indirect.scatter.add.f32 [tilespmem:s20], [sflag:$0x2], $0x20, s15, s15, $0xb8;
	[tilespmem:$0x12AC0] =	vst v63  }
.LBB2_66:
0x17: {  	_ =	swait.ge [sflag:s22], $0x6400  }
0x18: {  	s26 =	sadd.s32 $0x1, s26;
	[sflag:s22] =	ssyncset.done $0x0  }
0x19: {  	p1 =	sne.s32 s26, s12;
	[sflag:s22] =	ssyncadd.s32 $0xFFFF9C00  }
.Ltmp1:
0x1a: {  	[bflag:$0x0] =	sbarrier.arrive $0xFFFF;
	(pc) =	sbr.rel @!p1 .LBB2_67-.Ltmp1, $4  }
0x1b: {  	[hbm:s11@s25], [sflag:s8] =	dma.strided [spmem:s13@s14], $0xA00, s21, $0x4   }
0x1c: {  	_ =	swait.ge [sflag:s14], $0xA00  }
0x1d: {  	[sflag:s14] =	ssyncset.done $0x0  }
0x1e: {  	[sflag:s14] =	ssyncadd.s32 $0xFFFFF600  }
.LBB2_1:
0x1f: {  	[spmem:s13], [sflag:s8] =	dma.local [hbm:s6], $0xA00  }
0x20: {  	_ =	swait.ge [sflag:s14], $0xA00  }
0x21: {  	[sflag:s14] =	ssyncset.done $0x0  }
.Ltmp2:
0x22: {  	[sflag:s14] =	ssyncadd.s32 $0xFFFFF600;
	(pc) =	sbr.rel @p0 .LBB2_5-.Ltmp2, $4  }
0x23: {  	[tilespmem:s4], [sflag:$0x4] =	stream.linear.gather [hbm4b:s7+s4], $0x640, $0x38;
	[tilespmem:$0x12AC0] =	vst v63  }
0x24: {  	_ =	swait.ge [sflag:s14], $0x640  }
0x25: {  	[sflag:s14] =	ssyncset.done $0x0  }
0x26: {  	[sflag:s14] =	ssyncadd.s32 $0xFFFFF9C0  }
0x27: {  	s28 =	sshra.s32 s4, $0x2;
	s29 =	sadd.s32 $0x40, s4  }
.LBB2_3:
0x28: {  	p1 =	sne.s32 s29, $0xC40;
	v0 =	vld [tilespmem:s28+$0x0];
	_ =	sdelay $0x1  }
.Ltmp3:
0x29: {  	(pc) =	sbr.rel @p1 .LBB2_3-.Ltmp3, $3  }
0x2a: {  	_ =	sdelay $0x1  }
0x2b: {  	v0 =	vadd.s32 $0x1, v0  }
0x2c: {  	[tilespmem:s28+$0x0] =	vst v0;
	s28 =	sshra.s32 s29, $0x2;
	s29 =	sadd.s32 $0x40, s29  }
0x2d: {  	v0 =	vld [tilespmem:s28+$0x0];
	_ =	sdelay $0x4  }
0x2e: {  	v0 =	vadd.s32 $0x1, v0  }
0x2f: {  	[tilespmem:s28+$0x0] =	vst v0  }
.LBB2_5:
0x30: {  	s28 =	simm.s32 $0x0  }
0x31: {  	[tilespmem:s16], [sflag:$0x1] =	stream.indirect.gather [hbm4b:s1+s15], $0x20, s28, s15, $0xb8;
	[tilespmem:$0x12AC0] =	vst v63  }
.Ltmp4:
0x32: {  	_ = 	snop;
	(pc) =	sbr.rel .LBB2_6-.Ltmp4, $3  }
0x33: {  	_ = 	snop  }
0x34: {  	[tilespmem:s17], [sflag:$0x3] =	stream.linear.gather [hbm4b:s9+s28], $0x640, $0x38;
	[tilespmem:$0x12AC0] =	vst v63  }
0x35: {  	[bflag:$0x0] =	sbarrier.arrive $0xFFFF;
	_ =	sdelay $0x1  }
.LBB2_46:
0x36: {  	[tilespmem:s16], [sflag:$0x1] =	stream.indirect.gather [hbm4b:s1+s15], $0x20, s17, s15, $0xb8;
	[tilespmem:$0x12AC0] =	vst v63  }
0x37: {  	_ =	swait.ge [sflag:s21], $0x6400  }
0x38: {  	[sflag:s21] =	ssyncset.done $0x0  }
0x39: {  	[sflag:s21] =	ssyncadd.s32 $0xFFFF9C00  }
0x3a: {  	[spmem:s2] =	stream.indirect.scatter.add.f32 [tilespmem:s20], [sflag:$0x2], $0x20, s15, s15, $0xb8;
	[tilespmem:$0x12AC0] =	vst v63  }
.LBB2_65:
0x3b: {  	s28 =	sadd.s32 $0x1, s28  }
0x3c: {  	p1 =	sne.s32 s28, $0x19  }
.Ltmp5:
0x3d: {  	_ = 	snop;
	(pc) =	sbr.rel @!p1 .LBB2_66-.Ltmp5, $1  }
0x3e: {  	_ =	sdelay $0x3  }
.LBB2_6:
0x3f: {  	s29 =	smul.u32 $0xAB, s28;
	_ =	sdelay $0x1  }
0x40: {  	s29 =	sshrl.u32 s29, $0xA  }
0x41: {  	s29 =	sand.u32 $0x3F, s29  }
0x42: {  	s29 =	smul.u32 $0x6, s29;
	_ =	sdelay $0x1  }
0x43: {  	s29 =	ssub.s32 s28, s29  }
0x44: {  	s29 =	sand.u32 $0xFF, s29  }
0x45: {  	p1 =	sgt.s32 s29, $0x2  }
.Ltmp6:
0x46: {  	_ = 	snop;
	(pc) =	sbr.rel @p1 .LBB2_16-.Ltmp6, $1  }
0x47: {  	_ =	sdelay $0x3  }
0x48: {  	p1 =	seq.s32 s29, $0x0  }
.Ltmp7:
0x49: {  	_ = 	snop;
	(pc) =	sbr.rel @p1 .LBB2_20-.Ltmp7, $1  }
0x4a: {  	_ =	sdelay $0x3  }
0x4b: {  	p1 =	seq.s32 s29, $0x1  }
.Ltmp8:
0x4c: {  	_ = 	snop;
	(pc) =	sbr.rel @!p1 .LBB2_31-.Ltmp8, $1  }
0x4d: {  	_ =	sdelay $0x3  }
0x4e: {  	p1 =	sgt.u32 s28, $0x16  }
.Ltmp9:
0x4f: {  	_ = 	snop;
	(pc) =	sbr.rel @p1 .LBB2_29-.Ltmp9, $4  }
0x50: {  	_ = 	snop  }
0x51: {  	_ =	swait.ge [sflag:s22], $0x6400  }
0x52: {  	[sflag:s22] =	ssyncset.done $0x0  }
0x53: {  	[sflag:s22] =	ssyncadd.s32 $0xFFFF9C00  }
0x54: {  	s29 =	smul.u32 $0x640, s28  }
.Ltmp10:
0x55: {  	_ = 	snop;
	(pc) =	sbr.rel .LBB2_11-.Ltmp10, $4  }
0x56: {  	s29 =	sadd.s32 s29, s10  }
0x57: {  	s29 =	sshrl.u32 s29, $0x3  }
0x58: {  	s29 =	sadd.s32 s5, s29  }
0x59: {  	[tilespmem:s4], [sflag:$0x3] =	stream.linear.gather [hbm4b:s29+s4], $0x640, $0x38;
	[tilespmem:$0x12AC0] =	vst v63  }
.LBB2_16:
0x5a: {  	p2 =	seq.s32 s29, $0x3  }
.Ltmp11:
0x5b: {  	_ = 	snop;
	(pc) =	sbr.rel @p2 .LBB2_40-.Ltmp11, $2  }
0x5c: {  	_ =	sdelay $0x2  }
0x5d: {  	p1 =	seq.s32 s28, $0x0  }
0x5e: {  	p2 =	seq.s32 s29, $0x4  }
.Ltmp12:
0x5f: {  	_ = 	snop;
	(pc) =	sbr.rel @!p2 .LBB2_56-.Ltmp12, $1  }
0x60: {  	_ =	sdelay $0x3  }
0x61: {  	p2 =	sgt.u32 @!p1 s28, $0x16  }
0x62: {  	p2 =	por p1, !p2  }
.Ltmp13:
0x63: {  	_ = 	snop;
	(pc) =	sbr.rel @!p2 .LBB2_49-.Ltmp13, $4  }
0x64: {  	s29 =	simm.s32 @!p1 $0x2  }
0x65: {  	_ =	swait.ge @!p1 [sflag:s29], $0x6400  }
0x66: {  	[sflag:s29] =	ssyncset.done @!p1 $0x0  }
0x67: {  	[sflag:s29] =	ssyncadd.s32 @!p1 $0xFFFF9C00  }
0x68: {  	s29 =	smul.u32 $0x640, s28  }
.Ltmp14:
0x69: {  	_ = 	snop;
	(pc) =	sbr.rel .LBB2_50-.Ltmp14, $4  }
0x6a: {  	s29 =	sadd.s32 s29, s10  }
0x6b: {  	s29 =	sshrl.u32 s29, $0x3  }
0x6c: {  	s29 =	sadd.s32 s5, s29  }
0x6d: {  	[tilespmem:s4], [sflag:$0x3] =	stream.linear.gather [hbm4b:s29+s4], $0x640, $0x38;
	[tilespmem:$0x12AC0] =	vst v63  }
.LBB2_20:
0x6e: {  	p1 =	seq.s32 s28, $0x0  }
0x6f: {  	p2 =	sgt.u32 @!p1 s28, $0x16  }
0x70: {  	p2 =	por p1, !p2  }
.Ltmp15:
0x71: {  	_ = 	snop;
	(pc) =	sbr.rel @!p2 .LBB2_22-.Ltmp15, $4  }
0x72: {  	s29 =	simm.s32 @!p1 $0x2  }
0x73: {  	_ =	swait.ge @!p1 [sflag:s29], $0x6400  }
0x74: {  	[sflag:s29] =	ssyncset.done @!p1 $0x0  }
0x75: {  	[sflag:s29] =	ssyncadd.s32 @!p1 $0xFFFF9C00  }
0x76: {  	s29 =	smul.u32 $0x640, s28  }
.Ltmp16:
0x77: {  	_ = 	snop;
	(pc) =	sbr.rel .LBB2_23-.Ltmp16, $4  }
0x78: {  	s29 =	sadd.s32 s29, s10  }
0x79: {  	s29 =	sshrl.u32 s29, $0x3  }
0x7a: {  	s29 =	sadd.s32 s5, s29  }
0x7b: {  	[tilespmem:s18], [sflag:$0x3] =	stream.linear.gather [hbm4b:s29+s4], $0x640, $0x38;
	[tilespmem:$0x12AC0] =	vst v63  }
.LBB2_40:
0x7c: {  	p2 =	sgt.u32 @!p1 s28, $0x16  }
0x7d: {  	p2 =	por p1, !p2  }
.Ltmp17:
0x7e: {  	_ = 	snop;
	(pc) =	sbr.rel @!p2 .LBB2_47-.Ltmp17, $4  }
0x7f: {  	s29 =	simm.s32 @!p1 $0x2  }
0x80: {  	_ =	swait.ge @!p1 [sflag:s29], $0x6400  }
0x81: {  	[sflag:s29] =	ssyncset.done @!p1 $0x0  }
0x82: {  	[sflag:s29] =	ssyncadd.s32 @!p1 $0xFFFF9C00  }
0x83: {  	s29 =	smul.u32 $0x640, s28  }
.Ltmp18:
0x84: {  	_ = 	snop;
	(pc) =	sbr.rel .LBB2_42-.Ltmp18, $4  }
0x85: {  	s29 =	sadd.s32 s29, s10  }
0x86: {  	s29 =	sshrl.u32 s29, $0x3  }
0x87: {  	s29 =	sadd.s32 s5, s29  }
0x88: {  	[tilespmem:s18], [sflag:$0x3] =	stream.linear.gather [hbm4b:s29+s4], $0x640, $0x38;
	[tilespmem:$0x12AC0] =	vst v63  }
.LBB2_31:
0x89: {  	p1 =	seq.s32 s28, $0x0  }
0x8a: {  	p2 =	sgt.u32 @!p1 s28, $0x16  }
0x8b: {  	p2 =	por p1, !p2  }
.Ltmp19:
0x8c: {  	_ = 	snop;
	(pc) =	sbr.rel @!p2 .LBB2_38-.Ltmp19, $4  }
0x8d: {  	s29 =	simm.s32 @!p1 $0x2  }
0x8e: {  	_ =	swait.ge @!p1 [sflag:s29], $0x6400  }
0x8f: {  	[sflag:s29] =	ssyncset.done @!p1 $0x0  }
0x90: {  	[sflag:s29] =	ssyncadd.s32 @!p1 $0xFFFF9C00  }
0x91: {  	s29 =	smul.u32 $0x640, s28  }
.Ltmp20:
0x92: {  	_ = 	snop;
	(pc) =	sbr.rel .LBB2_33-.Ltmp20, $4  }
0x93: {  	s29 =	sadd.s32 s29, s10  }
0x94: {  	s29 =	sshrl.u32 s29, $0x3  }
0x95: {  	s29 =	sadd.s32 s5, s29  }
0x96: {  	[tilespmem:s17], [sflag:$0x3] =	stream.linear.gather [hbm4b:s29+s4], $0x640, $0x38;
	[tilespmem:$0x12AC0] =	vst v63  }
.LBB2_56:
0x97: {  	p2 =	sgt.u32 @!p1 s28, $0x16  }
0x98: {  	p2 =	por p1, !p2  }
.Ltmp21:
0x99: {  	_ = 	snop;
	(pc) =	sbr.rel @!p2 .LBB2_58-.Ltmp21, $4  }
0x9a: {  	s29 =	simm.s32 @!p1 $0x2  }
0x9b: {  	_ =	swait.ge @!p1 [sflag:s29], $0x6400  }
0x9c: {  	[sflag:s29] =	ssyncset.done @!p1 $0x0  }
0x9d: {  	[sflag:s29] =	ssyncadd.s32 @!p1 $0xFFFF9C00  }
0x9e: {  	s29 =	smul.u32 $0x640, s28  }
.Ltmp22:
0x9f: {  	_ = 	snop;
	(pc) =	sbr.rel .LBB2_59-.Ltmp22, $4  }
0xa0: {  	s29 =	sadd.s32 s29, s10  }
0xa1: {  	s29 =	sshrl.u32 s29, $0x3  }
0xa2: {  	s29 =	sadd.s32 s5, s29  }
0xa3: {  	[tilespmem:s17], [sflag:$0x3] =	stream.linear.gather [hbm4b:s29+s4], $0x640, $0x38;
	[tilespmem:$0x12AC0] =	vst v63  }
.LBB2_22:
0xa4: {  	p1 =	seq.s32 s28, $0x18  }
.Ltmp23:
0xa5: {  	_ = 	snop;
	(pc) =	sbr.rel @p1 .LBB2_28-.Ltmp23, $1  }
0xa6: {  	_ =	sdelay $0x3  }
.LBB2_23:
.Ltmp24:
0xa7: {  	(pc) =	sbr.rel @p0 .LBB2_27-.Ltmp24, $4  }
0xa8: {  	_ = 	snop  }
0xa9: {  	_ =	swait.ge [sflag:s19], $0x640  }
0xaa: {  	[sflag:s19] =	ssyncset.done $0x0  }
0xab: {  	s30 =	simm.s32 $0x0;
	[sflag:s19] =	ssyncadd.s32 $0xFFFFF9C0  }
0xac: {  	s29 =	sshra.s32 s30, $0x2;
	s30 =	sadd.s32 $0x40, s30  }
.LBB2_25:
0xad: {  	p1 =	sne.s32 s30, $0xC40;
	v0 =	vld [tilespmem:s29+$0x640];
	_ =	sdelay $0x1  }
.Ltmp25:
0xae: {  	(pc) =	sbr.rel @p1 .LBB2_25-.Ltmp25, $3  }
0xaf: {  	_ =	sdelay $0x1  }
0xb0: {  	v0 =	vadd.s32 $0x1, v0  }
0xb1: {  	[tilespmem:s29+$0x640] =	vst v0;
	s29 =	sshra.s32 s30, $0x2;
	s30 =	sadd.s32 $0x40, s30  }
0xb2: {  	v0 =	vld [tilespmem:s29+$0x640];
	_ =	sdelay $0x4  }
0xb3: {  	v0 =	vadd.s32 $0x1, v0  }
0xb4: {  	[tilespmem:s29+$0x640] =	vst v0  }
.LBB2_27:
0xb5: {  	[tilespmem:s20], [sflag:$0x1] =	stream.indirect.gather [hbm4b:s1+s15], $0x20, s17, s15, $0xb8;
	[tilespmem:$0x12AC0] =	vst v63  }
.LBB2_28:
.Ltmp26:
0xb6: {  	(pc) =	sbr.rel .LBB2_65-.Ltmp26, $4  }
0xb7: {  	_ =	swait.ge [sflag:s21], $0x6400  }
0xb8: {  	[sflag:s21] =	ssyncset.done $0x0  }
0xb9: {  	[sflag:s21] =	ssyncadd.s32 $0xFFFF9C00  }
0xba: {  	[spmem:s2] =	stream.indirect.scatter.add.f32 [tilespmem:s16], [sflag:$0x2], $0x20, s15, s15, $0xb8;
	[tilespmem:$0x12AC0] =	vst v63  }
.LBB2_47:
0xbb: {  	p1 =	sne.s32 s28, $0x18  }
.Ltmp27:
0xbc: {  	_ = 	snop;
	(pc) =	sbr.rel @!p1 .LBB2_48-.Ltmp27, $1  }
0xbd: {  	_ =	sdelay $0x3  }
.LBB2_42:
.Ltmp28:
0xbe: {  	(pc) =	sbr.rel @p0 .LBB2_46-.Ltmp28, $4  }
0xbf: {  	_ = 	snop  }
0xc0: {  	_ =	swait.ge [sflag:s19], $0x640  }
0xc1: {  	[sflag:s19] =	ssyncset.done $0x0  }
0xc2: {  	s30 =	simm.s32 $0x0;
	[sflag:s19] =	ssyncadd.s32 $0xFFFFF9C0  }
0xc3: {  	s29 =	sshra.s32 s30, $0x2;
	s30 =	sadd.s32 $0x40, s30  }
.LBB2_44:
0xc4: {  	p1 =	sne.s32 s30, $0xC40;
	v0 =	vld [tilespmem:s29+$0x640];
	_ =	sdelay $0x1  }
.Ltmp29:
0xc5: {  	(pc) =	sbr.rel @p1 .LBB2_44-.Ltmp29, $3  }
0xc6: {  	_ =	sdelay $0x1  }
0xc7: {  	v0 =	vadd.s32 $0x1, v0  }
0xc8: {  	[tilespmem:s29+$0x640] =	vst v0;
	s29 =	sshra.s32 s30, $0x2;
	s30 =	sadd.s32 $0x40, s30  }
0xc9: {  	v0 =	vld [tilespmem:s29+$0x640];
	_ =	sdelay $0x1  }
.Ltmp30:
0xca: {  	_ = 	snop;
	(pc) =	sbr.rel .LBB2_46-.Ltmp30, $3  }
0xcb: {  	_ =	sdelay $0x1  }
0xcc: {  	v0 =	vadd.s32 $0x1, v0  }
0xcd: {  	[tilespmem:s29+$0x640] =	vst v0  }
.LBB2_29:
0xce: {  	p1 =	sne.s32 s28, $0x18  }
.Ltmp31:
0xcf: {  	_ = 	snop;
	(pc) =	sbr.rel @!p1 .LBB2_30-.Ltmp31, $1  }
0xd0: {  	_ =	sdelay $0x3  }
.LBB2_11:
.Ltmp32:
0xd1: {  	(pc) =	sbr.rel @p0 .LBB2_15-.Ltmp32, $4  }
0xd2: {  	_ = 	snop  }
0xd3: {  	_ =	swait.ge [sflag:s19], $0x640  }
0xd4: {  	[sflag:s19] =	ssyncset.done $0x0  }
0xd5: {  	s30 =	simm.s32 $0x0;
	[sflag:s19] =	ssyncadd.s32 $0xFFFFF9C0  }
0xd6: {  	s29 =	sshra.s32 s30, $0x2;
	s30 =	sadd.s32 $0x40, s30  }
.LBB2_13:
0xd7: {  	p1 =	sne.s32 s30, $0xC40;
	v0 =	vld [tilespmem:s29+$0xC80];
	_ =	sdelay $0x1  }
.Ltmp33:
0xd8: {  	(pc) =	sbr.rel @p1 .LBB2_13-.Ltmp33, $3  }
0xd9: {  	_ =	sdelay $0x1  }
0xda: {  	v0 =	vadd.s32 $0x1, v0  }
0xdb: {  	[tilespmem:s29+$0xC80] =	vst v0;
	s29 =	sshra.s32 s30, $0x2;
	s30 =	sadd.s32 $0x40, s30  }
0xdc: {  	v0 =	vld [tilespmem:s29+$0xC80];
	_ =	sdelay $0x4  }
0xdd: {  	v0 =	vadd.s32 $0x1, v0  }
0xde: {  	[tilespmem:s29+$0xC80] =	vst v0  }
.LBB2_15:
0xdf: {  	[tilespmem:s16], [sflag:$0x1] =	stream.indirect.gather [hbm4b:s1+s15], $0x20, s18, s15, $0xb8;
	[tilespmem:$0x12AC0] =	vst v63  }
.Ltmp34:
0xe0: {  	_ = 	snop;
	(pc) =	sbr.rel .LBB2_65-.Ltmp34, $4  }
0xe1: {  	_ =	swait.ge [sflag:s21], $0x6400  }
0xe2: {  	[sflag:s21] =	ssyncset.done $0x0  }
0xe3: {  	[sflag:s21] =	ssyncadd.s32 $0xFFFF9C00  }
0xe4: {  	[spmem:s2] =	stream.indirect.scatter.add.f32 [tilespmem:s20], [sflag:$0x2], $0x20, s23, s15, $0xb8;
	[tilespmem:$0x12AC0] =	vst v63  }
.LBB2_49:
0xe5: {  	p1 =	seq.s32 s28, $0x18  }
.Ltmp35:
0xe6: {  	_ = 	snop;
	(pc) =	sbr.rel @p1 .LBB2_55-.Ltmp35, $1  }
0xe7: {  	_ =	sdelay $0x3  }
.LBB2_50:
.Ltmp36:
0xe8: {  	(pc) =	sbr.rel @p0 .LBB2_54-.Ltmp36, $4  }
0xe9: {  	_ = 	snop  }
0xea: {  	_ =	swait.ge [sflag:s19], $0x640  }
0xeb: {  	[sflag:s19] =	ssyncset.done $0x0  }
0xec: {  	s30 =	simm.s32 $0x0;
	[sflag:s19] =	ssyncadd.s32 $0xFFFFF9C0  }
0xed: {  	s29 =	sshra.s32 s30, $0x2;
	s30 =	sadd.s32 $0x40, s30  }
.LBB2_52:
0xee: {  	p1 =	sne.s32 s30, $0xC40;
	v0 =	vld [tilespmem:s29+$0xC80];
	_ =	sdelay $0x1  }
.Ltmp37:
0xef: {  	(pc) =	sbr.rel @p1 .LBB2_52-.Ltmp37, $3  }
0xf0: {  	_ =	sdelay $0x1  }
0xf1: {  	v0 =	vadd.s32 $0x1, v0  }
0xf2: {  	[tilespmem:s29+$0xC80] =	vst v0;
	s29 =	sshra.s32 s30, $0x2;
	s30 =	sadd.s32 $0x40, s30  }
0xf3: {  	v0 =	vld [tilespmem:s29+$0xC80];
	_ =	sdelay $0x4  }
0xf4: {  	v0 =	vadd.s32 $0x1, v0  }
0xf5: {  	[tilespmem:s29+$0xC80] =	vst v0  }
.LBB2_54:
0xf6: {  	[tilespmem:s20], [sflag:$0x1] =	stream.indirect.gather [hbm4b:s1+s15], $0x20, s18, s15, $0xb8;
	[tilespmem:$0x12AC0] =	vst v63  }
.LBB2_55:
.Ltmp38:
0xf7: {  	(pc) =	sbr.rel .LBB2_65-.Ltmp38, $4  }
0xf8: {  	_ =	swait.ge [sflag:s21], $0x6400  }
0xf9: {  	[sflag:s21] =	ssyncset.done $0x0  }
0xfa: {  	[sflag:s21] =	ssyncadd.s32 $0xFFFF9C00  }
0xfb: {  	[spmem:s2] =	stream.indirect.scatter.add.f32 [tilespmem:s16], [sflag:$0x2], $0x20, s23, s15, $0xb8;
	[tilespmem:$0x12AC0] =	vst v63  }
.LBB2_38:
0xfc: {  	p1 =	sne.s32 s28, $0x18  }
.Ltmp39:
0xfd: {  	_ = 	snop;
	(pc) =	sbr.rel @!p1 .LBB2_39-.Ltmp39, $1  }
0xfe: {  	_ =	sdelay $0x3  }
.LBB2_33:
.Ltmp40:
0xff: {  	(pc) =	sbr.rel @p0 .LBB2_37-.Ltmp40, $4  }
0x100: {  	_ = 	snop  }
0x101: {  	_ =	swait.ge [sflag:s19], $0x640  }
0x102: {  	[sflag:s19] =	ssyncset.done $0x0  }
0x103: {  	s30 =	simm.s32 $0x0;
	[sflag:s19] =	ssyncadd.s32 $0xFFFFF9C0  }
0x104: {  	s29 =	sshra.s32 s30, $0x2;
	s30 =	sadd.s32 $0x40, s30  }
.LBB2_35:
0x105: {  	p1 =	sne.s32 s30, $0xC40;
	v0 =	vld [tilespmem:s29+$0x0];
	_ =	sdelay $0x1  }
.Ltmp41:
0x106: {  	(pc) =	sbr.rel @p1 .LBB2_35-.Ltmp41, $3  }
0x107: {  	_ =	sdelay $0x1  }
0x108: {  	v0 =	vadd.s32 $0x1, v0  }
0x109: {  	[tilespmem:s29+$0x0] =	vst v0;
	s29 =	sshra.s32 s30, $0x2;
	s30 =	sadd.s32 $0x40, s30  }
0x10a: {  	v0 =	vld [tilespmem:s29+$0x0];
	_ =	sdelay $0x4  }
0x10b: {  	v0 =	vadd.s32 $0x1, v0  }
0x10c: {  	[tilespmem:s29+$0x0] =	vst v0  }
.LBB2_37:
0x10d: {  	[tilespmem:s20], [sflag:$0x1] =	stream.indirect.gather [hbm4b:s1+s15], $0x20, s4, s15, $0xb8;
	[tilespmem:$0x12AC0] =	vst v63  }
.Ltmp42:
0x10e: {  	_ = 	snop;
	(pc) =	sbr.rel .LBB2_65-.Ltmp42, $4  }
0x10f: {  	_ =	swait.ge [sflag:s21], $0x6400  }
0x110: {  	[sflag:s21] =	ssyncset.done $0x0  }
0x111: {  	[sflag:s21] =	ssyncadd.s32 $0xFFFF9C00  }
0x112: {  	[spmem:s2] =	stream.indirect.scatter.add.f32 [tilespmem:s16], [sflag:$0x2], $0x20, s24, s15, $0xb8;
	[tilespmem:$0x12AC0] =	vst v63  }
.LBB2_58:
0x113: {  	p1 =	seq.s32 s28, $0x18  }
.Ltmp43:
0x114: {  	_ = 	snop;
	(pc) =	sbr.rel @p1 .LBB2_64-.Ltmp43, $1  }
0x115: {  	_ =	sdelay $0x3  }
.LBB2_59:
.Ltmp44:
0x116: {  	(pc) =	sbr.rel @p0 .LBB2_63-.Ltmp44, $4  }
0x117: {  	_ = 	snop  }
0x118: {  	_ =	swait.ge [sflag:s19], $0x640  }
0x119: {  	[sflag:s19] =	ssyncset.done $0x0  }
0x11a: {  	s30 =	simm.s32 $0x0;
	[sflag:s19] =	ssyncadd.s32 $0xFFFFF9C0  }
0x11b: {  	s29 =	sshra.s32 s30, $0x2;
	s30 =	sadd.s32 $0x40, s30  }
.LBB2_61:
0x11c: {  	p1 =	sne.s32 s30, $0xC40;
	v0 =	vld [tilespmem:s29+$0x0];
	_ =	sdelay $0x1  }
.Ltmp45:
0x11d: {  	(pc) =	sbr.rel @p1 .LBB2_61-.Ltmp45, $3  }
0x11e: {  	_ =	sdelay $0x1  }
0x11f: {  	v0 =	vadd.s32 $0x1, v0  }
0x120: {  	[tilespmem:s29+$0x0] =	vst v0;
	s29 =	sshra.s32 s30, $0x2;
	s30 =	sadd.s32 $0x40, s30  }
0x121: {  	v0 =	vld [tilespmem:s29+$0x0];
	_ =	sdelay $0x4  }
0x122: {  	v0 =	vadd.s32 $0x1, v0  }
0x123: {  	[tilespmem:s29+$0x0] =	vst v0  }
.LBB2_63:
0x124: {  	[tilespmem:s16], [sflag:$0x1] =	stream.indirect.gather [hbm4b:s1+s15], $0x20, s4, s15, $0xb8;
	[tilespmem:$0x12AC0] =	vst v63  }
.LBB2_64:
.Ltmp46:
0x125: {  	(pc) =	sbr.rel .LBB2_65-.Ltmp46, $4  }
0x126: {  	_ =	swait.ge [sflag:s21], $0x6400  }
0x127: {  	[sflag:s21] =	ssyncset.done $0x0  }
0x128: {  	[sflag:s21] =	ssyncadd.s32 $0xFFFF9C00  }
0x129: {  	[spmem:s2] =	stream.indirect.scatter.add.f32 [tilespmem:s20], [sflag:$0x2], $0x20, s24, s15, $0xb8;
	[tilespmem:$0x12AC0] =	vst v63  }
.LBB2_39:
.Ltmp47:
0x12a: {  	(pc) =	sbr.rel .LBB2_66-.Ltmp47, $4  }
0x12b: {  	_ =	swait.ge [sflag:s21], $0x6400  }
0x12c: {  	[sflag:s21] =	ssyncset.done $0x0  }
0x12d: {  	[sflag:s21] =	ssyncadd.s32 $0xFFFF9C00  }
0x12e: {  	[spmem:s2] =	stream.indirect.scatter.add.f32 [tilespmem:s16], [sflag:$0x2], $0x20, s24, s15, $0xb8;
	[tilespmem:$0x12AC0] =	vst v63  }
.LBB2_30:
.Ltmp48:
0x12f: {  	(pc) =	sbr.rel .LBB2_66-.Ltmp48, $4  }
0x130: {  	_ =	swait.ge [sflag:s21], $0x6400  }
0x131: {  	[sflag:s21] =	ssyncset.done $0x0  }
0x132: {  	[sflag:s21] =	ssyncadd.s32 $0xFFFF9C00  }
0x133: {  	[spmem:s2] =	stream.indirect.scatter.add.f32 [tilespmem:s20], [sflag:$0x2], $0x20, s23, s15, $0xb8;
	[tilespmem:$0x12AC0] =	vst v63  }
.LBB2_67:
0x134: {  	_ =	sfence.sel $0x180000  }
0x135: {  	[bflag:$0x0] =	sbarrier.arrive $0xFFFF  }
0x136: {  	p0 =	sne.s32 s3, $0x0;
	_ =	strace $0x90000050  }
0x137: {  	s0 =	sadd.s32 @!p0 $0x100000, s0;
	[bflag:$0x2] =	sbarrier.arrive $0xFFFF  }
0x138: {  	[sflag:s0] =	ssyncadd.tile.s32 @!p0 $0x1;
	_ =	shalt  }
.Lfunc_end2:
_tile_overlayer_lowered:
.L_overlay_start_2:
0x139: {  	(tag) =	ssettag $0x2  }
0x13a: {  	s0 =	rddreg [dreg:$0x0];
	s2 =	stileid.u32  }
0x13b: {  	s1 =	rddreg [dreg:$0x1];
	p0 =	sne.s32 s2, $0x0  }
0x13c: {  	s3 =	rddreg [dreg:$0x2];
	[bflag:$0x3] =	sbarrier.arrive $0xFFFF;
	s2 =	simm.s32 @!p0 $0x1C04  }
0x13d: {  	[timem:s3], [sflag:s2] =	dma.local @!p0 [hbm:s0], s1  }
0x13e: {  	s0 =	simm.s32 @!p0 $0x4  }
0x13f: {  	_ =	swait.ge @!p0 [sflag:s0], s1  }
0x140: {  	s1 =	ssub.s32 @!p0 $0x0, s1;
	[sflag:s0] =	ssyncset.done @!p0 $0x0  }
0x141: {  	[sflag:s0] =	ssyncadd.s32 @!p0 s1  }
0x142: {  	[bflag:$0x3] =	sbarrier.arrive $0xFFFF  }
0x143: {  	_ =	shalt  }

</sc_bundles>
